<compile_context>
chip_gen: v7x
topology: tpu7x:2x2x1
jax: 0.10.2.dev20260603
libtpu: 0.0.44.dev20260713+nightly
codegen_flags: <defaults>
</compile_context>

<pallas_src>
import functools

import jax
import jax.numpy as jnp
from jax import lax
from jax.experimental import pallas as pl
from jax.experimental.pallas import tpu as pltpu
from jax.experimental.pallas import tpu_sc as plsc

_B, _S = 1024, 200
_L = 4
_VL, _VT = 100000, 512
_D = 32
_NW = 32
_BT = _B // 128
_NCH = _S * _BT
_NCHW = _NCH // _NW
_P = 129


def _make_kernel():
    mesh = plsc.VectorSubcoreMesh(core_axis_name="c", subcore_axis_name="s")

    @functools.partial(
        pl.kernel,
        mesh=mesh,
        out_type=jax.ShapeDtypeStruct((_S, 8, _BT, 8, 128), jnp.float32),
        compiler_params=pltpu.CompilerParams(
            use_tc_tiling_on_sc=False, needs_layout_passes=False),
        scratch_types=[
            pltpu.VMEM((2, _L, 128), jnp.int32),
            pltpu.VMEM((2, _L, 128), jnp.int32),
            pltpu.VMEM((2, _L, 128, _D), jnp.float32),
            pltpu.VMEM((2, _L, 128, _D), jnp.float32),
            pltpu.VMEM((2, 8, 8, _P), jnp.float32),
            pltpu.VMEM((2 * _L, 16), jnp.float32),
            pltpu.SemaphoreType.DMA,
            pltpu.SemaphoreType.DMA,
            pltpu.SemaphoreType.DMA,
            pltpu.SemaphoreType.DMA,
            pltpu.SemaphoreType.DMA,
            pltpu.SemaphoreType.DMA,
        ],
    )
    def k(x_hbm, t_hbm, loc_hbm, time_hbm, w_hbm, out_hbm,
          idx_x, idx_t, rows_x, rows_t, out_v, w_v,
          sem_i0, sem_i1, sem_g0, sem_g1, sem_o0, sem_o1):
        wid = lax.axis_index("s") * 2 + lax.axis_index("c")
        g0 = wid * _NCHW
        sem_i = [sem_i0, sem_i1]
        sem_g = [sem_g0, sem_g1]
        sem_o = [sem_o0, sem_o1]

        pltpu.sync_copy(w_hbm, w_v)
        ws = [w_v[j] for j in range(2 * _L)]
        lane = lax.iota(jnp.int32, 16)
        dts = [(jnp.int32(q * 16) + lane) >> 3 for q in range(4)]
        drs = [(jnp.int32(q * 16) + lane) & 7 for q in range(4)]

        def chunk_slices(g):
            return g // _BT, g % _BT

        def stage_idx(par, g):
            s, bc = chunk_slices(g)
            pltpu.async_copy(x_hbm.at[s, bc], idx_x.at[par], sem_i[par])
            pltpu.async_copy(t_hbm.at[s, bc], idx_t.at[par], sem_i[par])

        def wait_idx(par):
            pltpu.make_async_copy(
                x_hbm.at[0, 0], idx_x.at[par], sem_i[par]).wait()
            pltpu.make_async_copy(
                t_hbm.at[0, 0], idx_t.at[par], sem_i[par]).wait()

        def add_offsets(par):
            for l in range(1, _L):
                off = jnp.int32(l * _VL)
                for kk in range(8):
                    sl = pl.ds(kk * 16, 16)
                    idx_x[par, l, sl] = idx_x[par, l, sl] + off

        def issue_gathers(par):
            for l in range(_L):
                pltpu.async_copy(
                    loc_hbm.at[idx_x.at[par, l]],
                    rows_x.at[par, l], sem_g[par])
                pltpu.async_copy(
                    time_hbm.at[l].at[idx_t.at[par, l]],
                    rows_t.at[par, l], sem_g[par])

        def wait_gathers(par):
            for l in range(_L):
                pltpu.make_async_copy(
                    loc_hbm.at[pl.ds(0, 128), :], rows_x.at[par, l],
                    sem_g[par]).wait()
                pltpu.make_async_copy(
                    loc_hbm.at[pl.ds(0, 128), :], rows_t.at[par, l],
                    sem_g[par]).wait()

        def compute(par):
            @plsc.parallel_loop(0, 128, unroll=4)
            def _(tok):
                tk = jnp.full((16,), tok, jnp.int32)
                vs = []
                for p in range(2):
                    sl = pl.ds(p * 16, 16)
                    a = ws[0] * rows_x[par, 0, tok, sl]
                    for l in range(1, _L):
                        a = a + ws[l] * rows_x[par, l, tok, sl]
                    vs.append(a)
                for p in range(2):
                    sl = pl.ds(p * 16, 16)
                    b = ws[_L] * rows_t[par, 0, tok, sl]
                    for l in range(1, _L):
                        b = b + ws[_L + l] * rows_t[par, l, tok, sl]
                    vs.append(b)
                for q in range(4):
                    plsc.store_scatter(out_v.at[par], [dts[q], drs[q], tk],
                                       vs[q])

        def issue_out(par, g):
            s, bc = chunk_slices(g)
            for dt in range(8):
                pltpu.async_copy(out_v.at[par, dt, :, pl.ds(0, 128)],
                                 out_hbm.at[s, dt, bc], sem_o[par])

        def drain_out(par, g):
            s, bc = chunk_slices(g)
            for dt in range(8):
                pltpu.make_async_copy(
                    out_v.at[par, dt, :, pl.ds(0, 128)],
                    out_hbm.at[s, dt, bc], sem_o[par]).wait()

        stage_idx(0, g0)
        stage_idx(1, g0 + 1)
        wait_idx(0)
        add_offsets(0)
        issue_gathers(0)

        def super_body(i, carry):
            for par in range(2):
                g = g0 + 2 * i + par
                nxt = 1 - par
                wait_gathers(par)

                @pl.when(i < _NCHW // 2 - 1)
                def _prefetch_idx():
                    stage_idx(par, g + 2)

                def _launch_next():
                    wait_idx(nxt)
                    add_offsets(nxt)
                    issue_gathers(nxt)

                if par == 0:
                    _launch_next()
                else:
                    pl.when(i < _NCHW // 2 - 1)(_launch_next)

                @pl.when(i > 0)
                def _drain_out():
                    drain_out(par, g - 2)

                compute(par)
                issue_out(par, g)
            return carry

        lax.fori_loop(0, _NCHW // 2, super_body, 0)

        last = g0 + _NCHW - 2
        drain_out(0, last)
        drain_out(1, last + 1)

    return k


_k = _make_kernel()


def kernel(x, t, loc_tables, time_tables, x_weights, t_weights):
    xp = x.astype(jnp.int32).transpose(1, 2, 0).reshape(_S, _L, _BT, 128)
    xp = xp.transpose(0, 2, 1, 3)
    tp = t.astype(jnp.int32).transpose(1, 2, 0).reshape(_S, _L, _BT, 128)
    tp = tp.transpose(0, 2, 1, 3)
    lt = lax.optimization_barrier(loc_tables.reshape(_VL, _L * _D))
    loc_flat = lt.reshape(_L * _VL, _D)
    w_all = jnp.broadcast_to(
        jnp.concatenate([x_weights, t_weights])[:, None], (2 * _L, 16))
    op = _k(xp, tp, loc_flat, time_tables, w_all)
    out = op.transpose(2, 4, 0, 1, 3).reshape(_B, _S, 2 * _D)
    return out

# --- scband reference (transcript-rebuilt; emitter-appended) ---
"""Pipeline reference for scband-lookup-weighted-sum-embedding-19997367730232 (READ-ONLY COPY).

The authoritative reference and input builder live on the scoring server;
editing this copy changes nothing except your own understanding.
"""

import jax, jax.numpy as jnp
import numpy as np

B, S = 1024, 200
L_LOC, L_TIME = 4, 4
V_LOC, V_TIME = 100000, 512
D_LOC, D_TIME = 32, 32


def setup_inputs(seed: int = 0) -> dict:
    key = jax.random.key(seed)
    k_x, k_t, k_lt, k_tt = jax.random.split(key, 4)
    x = jax.random.randint(k_x, (B, S, L_LOC), 0, V_LOC)
    t = jax.random.randint(k_t, (B, S, L_TIME), 0, V_TIME)
    loc_tables = jax.random.normal(k_lt, (L_LOC, V_LOC, D_LOC), dtype=jnp.float32)
    time_tables = jax.random.normal(k_tt, (L_TIME, V_TIME, D_TIME), dtype=jnp.float32)
    x_weights = jnp.ones((L_LOC,), dtype=jnp.float32)
    t_weights = jnp.ones((L_TIME,), dtype=jnp.float32)
    return {"x": x, "t": t, "loc_tables": loc_tables, "time_tables": time_tables, "x_weights": x_weights, "t_weights": t_weights}


def reference(x, t, loc_tables, time_tables, x_weights, t_weights):
    # per-level embedding lookup (gather) -> stack -> weighted sum over levels
    x_embedded = jnp.stack([jnp.take(loc_tables[l], x[..., l], axis=0) for l in range(L_LOC)])  # [l, b, s, j]
    x_embedded = jnp.einsum('lbsj,l->bsj', x_embedded, x_weights)
    t_embedded = jnp.stack([jnp.take(time_tables[l], t[..., l], axis=0) for l in range(L_TIME)])
    t_embedded = jnp.einsum('lbsj,l->bsj', t_embedded, t_weights)
    return jnp.concatenate([x_embedded, t_embedded], axis=-1)

if __name__ == "__main__":
    import jax
    _d = setup_inputs()
    print(jax.jit(kernel)(*tuple(_d.values())))

</pallas_src>

<mosaic_0001>
#map = affine_map<(d0, d1) -> (0, 0, 0, 0)>
#map1 = affine_map<(d0, d1) -> (0, 0)>
#map2 = affine_map<(d0, d1) -> (0, 0, 0)>
#map3 = affine_map<(d0, d1) -> (0, 0, 0, 0, 0)>
module attributes {stable_mosaic.version = 14 : i64} {
  func.func @k(%arg0: i32, %arg1: i32, %arg2: memref<200x8x4x128xi32, #tpu.memory_space<hbm>>, %arg3: memref<200x8x4x128xi32, #tpu.memory_space<hbm>>, %arg4: memref<400000x32xf32, #tpu.memory_space<hbm>>, %arg5: memref<4x512x32xf32, #tpu.memory_space<hbm>>, %arg6: memref<8x16xf32, #tpu.memory_space<hbm>>, %arg7: memref<200x8x8x8x128xf32, #tpu.memory_space<hbm>>, %arg8: memref<2x4x128xi32, #tpu.memory_space<vmem>>, %arg9: memref<2x4x128xi32, #tpu.memory_space<vmem>>, %arg10: memref<2x4x128x32xf32, #tpu.memory_space<vmem>>, %arg11: memref<2x4x128x32xf32, #tpu.memory_space<vmem>>, %arg12: memref<2x8x8x129xf32, #tpu.memory_space<vmem>>, %arg13: memref<8x16xf32, #tpu.memory_space<vmem>>, %arg14: memref<!tpu.dma_semaphore, #tpu.memory_space<semaphore_mem>>, %arg15: memref<!tpu.dma_semaphore, #tpu.memory_space<semaphore_mem>>, %arg16: memref<!tpu.dma_semaphore, #tpu.memory_space<semaphore_mem>>, %arg17: memref<!tpu.dma_semaphore, #tpu.memory_space<semaphore_mem>>, %arg18: memref<!tpu.dma_semaphore, #tpu.memory_space<semaphore_mem>>, %arg19: memref<!tpu.dma_semaphore, #tpu.memory_space<semaphore_mem>>) attributes {dimension_semantics = [#tpu.dimension_semantics<core_parallel>, #tpu.dimension_semantics<subcore_parallel>], iteration_bounds = array<i64: 2, 16>, scalar_prefetch = 0 : i64, scratch_operands = 12 : i64, tpu.core_type = #tpu.core_type<sc_vector_subcore>, window_params = [{transform_indices = #map}, {transform_indices = #map}, {transform_indices = #map1}, {transform_indices = #map2}, {transform_indices = #map1}, {transform_indices = #map3}]} {
    %mul3A = arith.constant 2 : i32
    %mul3A_0 = arith.muli %arg1, %mul3A : i32
    %add3A = arith.addi %mul3A_0, %arg0 : i32
    %mul3A_1 = arith.constant 50 : i32
    %mul3A_2 = arith.muli %add3A, %mul3A_1 : i32
    "tpu.region"() ({
      %run_scoped3A = tpu.sem_alloc : memref<!tpu.dma_semaphore, #tpu.memory_space<semaphore_mem>>
      tpu.enqueue_dma source(%arg6 : memref<8x16xf32, #tpu.memory_space<hbm>>) target(%arg13 : memref<8x16xf32, #tpu.memory_space<vmem>>) target_semaphore(%run_scoped3A : memref<!tpu.dma_semaphore, #tpu.memory_space<semaphore_mem>>)
      tpu.wait_dma2 semaphore(%run_scoped3A : memref<!tpu.dma_semaphore, #tpu.memory_space<semaphore_mem>>) src(%arg6 : memref<8x16xf32, #tpu.memory_space<hbm>>) dst(%arg13 : memref<8x16xf32, #tpu.memory_space<vmem>>)
      tpu.yield
    }) : () -> ()
    %get3A = arith.constant 0 : i32
    %get3A_3 = arith.index_cast %get3A : i32 to index
    %get3A_4 = arith.constant 0 : index
    %get3A_5 = tpu.vector_load %arg13[%get3A_3, %get3A_4] {strides = array<i32>} : memref<8x16xf32, #tpu.memory_space<vmem>>, vector<16xf32>,
    %get3A_6 = arith.constant 1 : i32
    %get3A_7 = arith.index_cast %get3A_6 : i32 to index
    %get3A_8 = arith.constant 0 : index
    %get3A_9 = tpu.vector_load %arg13[%get3A_7, %get3A_8] {strides = array<i32>} : memref<8x16xf32, #tpu.memory_space<vmem>>, vector<16xf32>,
    %get3A_10 = arith.constant 2 : i32
    %get3A_11 = arith.index_cast %get3A_10 : i32 to index
    %get3A_12 = arith.constant 0 : index
    %get3A_13 = tpu.vector_load %arg13[%get3A_11, %get3A_12] {strides = array<i32>} : memref<8x16xf32, #tpu.memory_space<vmem>>, vector<16xf32>,
    %get3A_14 = arith.constant 3 : i32
    %get3A_15 = arith.index_cast %get3A_14 : i32 to index
    %get3A_16 = arith.constant 0 : index
    %get3A_17 = tpu.vector_load %arg13[%get3A_15, %get3A_16] {strides = array<i32>} : memref<8x16xf32, #tpu.memory_space<vmem>>, vector<16xf32>,
    %get3A_18 = arith.constant 4 : i32
    %get3A_19 = arith.index_cast %get3A_18 : i32 to index
    %get3A_20 = arith.constant 0 : index
    %get3A_21 = tpu.vector_load %arg13[%get3A_19, %get3A_20] {strides = array<i32>} : memref<8x16xf32, #tpu.memory_space<vmem>>, vector<16xf32>,
    %get3A_22 = arith.constant 5 : i32
    %get3A_23 = arith.index_cast %get3A_22 : i32 to index
    %get3A_24 = arith.constant 0 : index
    %get3A_25 = tpu.vector_load %arg13[%get3A_23, %get3A_24] {strides = array<i32>} : memref<8x16xf32, #tpu.memory_space<vmem>>, vector<16xf32>,
    %get3A_26 = arith.constant 6 : i32
    %get3A_27 = arith.index_cast %get3A_26 : i32 to index
    %get3A_28 = arith.constant 0 : index
    %get3A_29 = tpu.vector_load %arg13[%get3A_27, %get3A_28] {strides = array<i32>} : memref<8x16xf32, #tpu.memory_space<vmem>>, vector<16xf32>,
    %get3A_30 = arith.constant 7 : i32
    %get3A_31 = arith.index_cast %get3A_30 : i32 to index
    %get3A_32 = arith.constant 0 : index
    %get3A_33 = tpu.vector_load %arg13[%get3A_31, %get3A_32] {strides = array<i32>} : memref<8x16xf32, #tpu.memory_space<vmem>>, vector<16xf32>,
    %iota3A = tpu.iota {dimensions = array<i32: 0>} : vector<16xi32>
    %add3A_34 = arith.constant 0 : i32
    %add3A_35 = vector.broadcast %add3A_34 : i32 to vector<16xi32>
    %add3A_36 = arith.addi %add3A_35, %iota3A : vector<16xi32>
    %shift_right_arithmetic3A = arith.constant 3 : i32
    %shift_right_arithmetic3A_37 = vector.broadcast %shift_right_arithmetic3A : i32 to vector<16xi32>
    %shift_right_arithmetic3A_38 = arith.shrsi %add3A_36, %shift_right_arithmetic3A_37 : vector<16xi32>
    %add3A_39 = arith.constant 16 : i32
    %add3A_40 = vector.broadcast %add3A_39 : i32 to vector<16xi32>
    %add3A_41 = arith.addi %add3A_40, %iota3A : vector<16xi32>
    %shift_right_arithmetic3A_42 = arith.constant 3 : i32
    %shift_right_arithmetic3A_43 = vector.broadcast %shift_right_arithmetic3A_42 : i32 to vector<16xi32>
    %shift_right_arithmetic3A_44 = arith.shrsi %add3A_41, %shift_right_arithmetic3A_43 : vector<16xi32>
    %add3A_45 = arith.constant 32 : i32
    %add3A_46 = vector.broadcast %add3A_45 : i32 to vector<16xi32>
    %add3A_47 = arith.addi %add3A_46, %iota3A : vector<16xi32>
    %shift_right_arithmetic3A_48 = arith.constant 3 : i32
    %shift_right_arithmetic3A_49 = vector.broadcast %shift_right_arithmetic3A_48 : i32 to vector<16xi32>
    %shift_right_arithmetic3A_50 = arith.shrsi %add3A_47, %shift_right_arithmetic3A_49 : vector<16xi32>
    %add3A_51 = arith.constant 48 : i32
    %add3A_52 = vector.broadcast %add3A_51 : i32 to vector<16xi32>
    %add3A_53 = arith.addi %add3A_52, %iota3A : vector<16xi32>
    %shift_right_arithmetic3A_54 = arith.constant 3 : i32
    %shift_right_arithmetic3A_55 = vector.broadcast %shift_right_arithmetic3A_54 : i32 to vector<16xi32>
    %shift_right_arithmetic3A_56 = arith.shrsi %add3A_53, %shift_right_arithmetic3A_55 : vector<16xi32>
    %add3A_57 = arith.constant 0 : i32
    %add3A_58 = vector.broadcast %add3A_57 : i32 to vector<16xi32>
    %add3A_59 = arith.addi %add3A_58, %iota3A : vector<16xi32>
    %and3A = arith.constant 7 : i32
    %and3A_60 = vector.broadcast %and3A : i32 to vector<16xi32>
    %and3A_61 = arith.andi %add3A_59, %and3A_60 : vector<16xi32>
    %add3A_62 = arith.constant 16 : i32
    %add3A_63 = vector.broadcast %add3A_62 : i32 to vector<16xi32>
    %add3A_64 = arith.addi %add3A_63, %iota3A : vector<16xi32>
    %and3A_65 = arith.constant 7 : i32
    %and3A_66 = vector.broadcast %and3A_65 : i32 to vector<16xi32>
    %and3A_67 = arith.andi %add3A_64, %and3A_66 : vector<16xi32>
    %add3A_68 = arith.constant 32 : i32
    %add3A_69 = vector.broadcast %add3A_68 : i32 to vector<16xi32>
    %add3A_70 = arith.addi %add3A_69, %iota3A : vector<16xi32>
    %and3A_71 = arith.constant 7 : i32
    %and3A_72 = vector.broadcast %and3A_71 : i32 to vector<16xi32>
    %and3A_73 = arith.andi %add3A_70, %and3A_72 : vector<16xi32>
    %add3A_74 = arith.constant 48 : i32
    %add3A_75 = vector.broadcast %add3A_74 : i32 to vector<16xi32>
    %add3A_76 = arith.addi %add3A_75, %iota3A : vector<16xi32>
    %and3A_77 = arith.constant 7 : i32
    %and3A_78 = vector.broadcast %and3A_77 : i32 to vector<16xi32>
    %and3A_79 = arith.andi %add3A_76, %and3A_78 : vector<16xi32>
    %jit3A = arith.constant 8 : i32
    %div3A = arith.divsi %mul3A_2, %jit3A : i32
    %sign3A = arith.constant 0 : i32
    %sign3A_80 = arith.cmpi sgt, %mul3A_2, %sign3A : i32
    %sign3A_81 = arith.extui %sign3A_80 : i1 to i32
    %sign3A_82 = arith.constant 0 : i32
    %sign3A_83 = arith.cmpi slt, %mul3A_2, %sign3A_82 : i32
    %sign3A_84 = arith.extui %sign3A_83 : i1 to i32
    %sign3A_85 = arith.subi %sign3A_81, %sign3A_84 : i32
    %sign3A_86 = arith.constant 0 : i32
    %sign3A_87 = arith.cmpi sgt, %jit3A, %sign3A_86 : i32
    %sign3A_88 = arith.extui %sign3A_87 : i1 to i32
    %sign3A_89 = arith.constant 0 : i32
    %sign3A_90 = arith.cmpi slt, %jit3A, %sign3A_89 : i32
    %sign3A_91 = arith.extui %sign3A_90 : i1 to i32
    %sign3A_92 = arith.subi %sign3A_88, %sign3A_91 : i32
    %ne3A = arith.cmpi ne, %sign3A_85, %sign3A_92 : i32
    %rem3A = arith.remsi %mul3A_2, %jit3A : i32
    %ne3A_93 = arith.constant 0 : i32
    %ne3A_94 = arith.cmpi ne, %rem3A, %ne3A_93 : i32
    %and3A_95 = arith.andi %ne3A, %ne3A_94 : i1
    %sub3A = arith.constant 1 : i32
    %sub3A_96 = arith.subi %div3A, %sub3A : i32
    %select_n3A = arith.select %and3A_95, %sub3A_96, %div3A : i32
    %jit3A_97 = arith.constant 8 : i32
    %eq3A = arith.constant 0 : i32
    %eq3A_98 = arith.cmpi eq, %jit3A_97, %eq3A : i32
    %jit3A_99 = arith.constant 1 : i32
    %select_n3A_100 = arith.select %eq3A_98, %jit3A_99, %jit3A_97 : i32
    %rem3A_101 = arith.remsi %mul3A_2, %select_n3A_100 : i32
    %ne3A_102 = arith.constant 0 : i32
    %ne3A_103 = arith.cmpi ne, %rem3A_101, %ne3A_102 : i32
    %lt3A = arith.constant 0 : i32
    %lt3A_104 = arith.cmpi slt, %rem3A_101, %lt3A : i32
    %lt3A_105 = arith.constant 0 : i32
    %lt3A_106 = arith.cmpi slt, %select_n3A_100, %lt3A_105 : i32
    %ne3A_107 = arith.xori %lt3A_104, %lt3A_106 : i1
    %and3A_108 = arith.andi %ne3A_107, %ne3A_103 : i1
    %add3A_109 = arith.addi %rem3A_101, %select_n3A_100 : i32
    %select_n3A_110 = arith.select %and3A_108, %add3A_109, %rem3A_101 : i32
    %dma_start3A = arith.constant 0 : i32
    %dma_start3A_111 = arith.constant 0 : i32
    %dma_start3A_112 = arith.constant 0 : i32
    %dma_start3A_113 = tpu.memref_slice %arg8[%dma_start3A, %dma_start3A_111, %dma_start3A_112] : memref<2x4x128xi32, #tpu.memory_space<vmem>> -> memref<1x4x128xi32, #tpu.memory_space<vmem>>
    %dma_start3A_114 = tpu.memref_squeeze %dma_start3A_113 : memref<1x4x128xi32, #tpu.memory_space<vmem>> -> memref<4x128xi32, #tpu.memory_space<vmem>>
    %dma_start3A_115 = arith.constant 0 : i32
    %dma_start3A_116 = arith.constant 0 : i32
    %dma_start3A_117 = tpu.memref_slice %arg2[%select_n3A, %select_n3A_110, %dma_start3A_115, %dma_start3A_116] : memref<200x8x4x128xi32, #tpu.memory_space<hbm>> -> memref<1x1x4x128xi32, #tpu.memory_space<hbm>>
    %dma_start3A_118 = tpu.memref_squeeze %dma_start3A_117 : memref<1x1x4x128xi32, #tpu.memory_space<hbm>> -> memref<4x128xi32, #tpu.memory_space<hbm>>
    %dma_start3A_119 = arith.constant 0 : i32
    %dma_start3A_120 = arith.constant 0 : i32
    %dma_start3A_121 = tpu.memref_slice %arg8[%dma_start3A, %dma_start3A_119, %dma_start3A_120] : memref<2x4x128xi32, #tpu.memory_space<vmem>> -> memref<1x4x128xi32, #tpu.memory_space<vmem>>
    %dma_start3A_122 = tpu.memref_squeeze %dma_start3A_121 : memref<1x4x128xi32, #tpu.memory_space<vmem>> -> memref<4x128xi32, #tpu.memory_space<vmem>>
    %dma_start3A_123 = arith.constant 0 : i32
    %dma_start3A_124 = arith.constant 0 : i32
    %dma_start3A_125 = tpu.memref_slice %arg2[%select_n3A, %select_n3A_110, %dma_start3A_123, %dma_start3A_124] : memref<200x8x4x128xi32, #tpu.memory_space<hbm>> -> memref<1x1x4x128xi32, #tpu.memory_space<hbm>>
    %dma_start3A_126 = tpu.memref_squeeze %dma_start3A_125 : memref<1x1x4x128xi32, #tpu.memory_space<hbm>> -> memref<4x128xi32, #tpu.memory_space<hbm>>
    tpu.enqueue_dma source(%dma_start3A_126 : memref<4x128xi32, #tpu.memory_space<hbm>>) target(%dma_start3A_122 : memref<4x128xi32, #tpu.memory_space<vmem>>) target_semaphore(%arg14 : memref<!tpu.dma_semaphore, #tpu.memory_space<semaphore_mem>>)
    %dma_start3A_127 = arith.constant 0 : i32
    %dma_start3A_128 = arith.constant 0 : i32
    %dma_start3A_129 = arith.constant 0 : i32
    %dma_start3A_130 = tpu.memref_slice %arg9[%dma_start3A_127, %dma_start3A_128, %dma_start3A_129] : memref<2x4x128xi32, #tpu.memory_space<vmem>> -> memref<1x4x128xi32, #tpu.memory_space<vmem>>
    %dma_start3A_131 = tpu.memref_squeeze %dma_start3A_130 : memref<1x4x128xi32, #tpu.memory_space<vmem>> -> memref<4x128xi32, #tpu.memory_space<vmem>>
    %dma_start3A_132 = arith.constant 0 : i32
    %dma_start3A_133 = arith.constant 0 : i32
    %dma_start3A_134 = tpu.memref_slice %arg3[%select_n3A, %select_n3A_110, %dma_start3A_132, %dma_start3A_133] : memref<200x8x4x128xi32, #tpu.memory_space<hbm>> -> memref<1x1x4x128xi32, #tpu.memory_space<hbm>>
    %dma_start3A_135 = tpu.memref_squeeze %dma_start3A_134 : memref<1x1x4x128xi32, #tpu.memory_space<hbm>> -> memref<4x128xi32, #tpu.memory_space<hbm>>
    %dma_start3A_136 = arith.constant 0 : i32
    %dma_start3A_137 = arith.constant 0 : i32
    %dma_start3A_138 = tpu.memref_slice %arg9[%dma_start3A_127, %dma_start3A_136, %dma_start3A_137] : memref<2x4x128xi32, #tpu.memory_space<vmem>> -> memref<1x4x128xi32, #tpu.memory_space<vmem>>
    %dma_start3A_139 = tpu.memref_squeeze %dma_start3A_138 : memref<1x4x128xi32, #tpu.memory_space<vmem>> -> memref<4x128xi32, #tpu.memory_space<vmem>>
    %dma_start3A_140 = arith.constant 0 : i32
    %dma_start3A_141 = arith.constant 0 : i32
    %dma_start3A_142 = tpu.memref_slice %arg3[%select_n3A, %select_n3A_110, %dma_start3A_140, %dma_start3A_141] : memref<200x8x4x128xi32, #tpu.memory_space<hbm>> -> memref<1x1x4x128xi32, #tpu.memory_space<hbm>>
    %dma_start3A_143 = tpu.memref_squeeze %dma_start3A_142 : memref<1x1x4x128xi32, #tpu.memory_space<hbm>> -> memref<4x128xi32, #tpu.memory_space<hbm>>
    tpu.enqueue_dma source(%dma_start3A_143 : memref<4x128xi32, #tpu.memory_space<hbm>>) target(%dma_start3A_139 : memref<4x128xi32, #tpu.memory_space<vmem>>) target_semaphore(%arg14 : memref<!tpu.dma_semaphore, #tpu.memory_space<semaphore_mem>>)
    %add3A_144 = arith.constant 1 : i32
    %add3A_145 = arith.addi %mul3A_2, %add3A_144 : i32
    %jit3A_146 = arith.constant 8 : i32
    %div3A_147 = arith.divsi %add3A_145, %jit3A_146 : i32
    %sign3A_148 = arith.constant 0 : i32
    %sign3A_149 = arith.cmpi sgt, %add3A_145, %sign3A_148 : i32
    %sign3A_150 = arith.extui %sign3A_149 : i1 to i32
    %sign3A_151 = arith.constant 0 : i32
    %sign3A_152 = arith.cmpi slt, %add3A_145, %sign3A_151 : i32
    %sign3A_153 = arith.extui %sign3A_152 : i1 to i32
    %sign3A_154 = arith.subi %sign3A_150, %sign3A_153 : i32
    %sign3A_155 = arith.constant 0 : i32
    %sign3A_156 = arith.cmpi sgt, %jit3A_146, %sign3A_155 : i32
    %sign3A_157 = arith.extui %sign3A_156 : i1 to i32
    %sign3A_158 = arith.constant 0 : i32
    %sign3A_159 = arith.cmpi slt, %jit3A_146, %sign3A_158 : i32
    %sign3A_160 = arith.extui %sign3A_159 : i1 to i32
    %sign3A_161 = arith.subi %sign3A_157, %sign3A_160 : i32
    %ne3A_162 = arith.cmpi ne, %sign3A_154, %sign3A_161 : i32
    %rem3A_163 = arith.remsi %add3A_145, %jit3A_146 : i32
    %ne3A_164 = arith.constant 0 : i32
    %ne3A_165 = arith.cmpi ne, %rem3A_163, %ne3A_164 : i32
    %and3A_166 = arith.andi %ne3A_162, %ne3A_165 : i1
    %sub3A_167 = arith.constant 1 : i32
    %sub3A_168 = arith.subi %div3A_147, %sub3A_167 : i32
    %select_n3A_169 = arith.select %and3A_166, %sub3A_168, %div3A_147 : i32
    %jit3A_170 = arith.constant 8 : i32
    %eq3A_171 = arith.constant 0 : i32
    %eq3A_172 = arith.cmpi eq, %jit3A_170, %eq3A_171 : i32
    %jit3A_173 = arith.constant 1 : i32
    %select_n3A_174 = arith.select %eq3A_172, %jit3A_173, %jit3A_170 : i32
    %rem3A_175 = arith.remsi %add3A_145, %select_n3A_174 : i32
    %ne3A_176 = arith.constant 0 : i32
    %ne3A_177 = arith.cmpi ne, %rem3A_175, %ne3A_176 : i32
    %lt3A_178 = arith.constant 0 : i32
    %lt3A_179 = arith.cmpi slt, %rem3A_175, %lt3A_178 : i32
    %lt3A_180 = arith.constant 0 : i32
    %lt3A_181 = arith.cmpi slt, %select_n3A_174, %lt3A_180 : i32
    %ne3A_182 = arith.xori %lt3A_179, %lt3A_181 : i1
    %and3A_183 = arith.andi %ne3A_182, %ne3A_177 : i1
    %add3A_184 = arith.addi %rem3A_175, %select_n3A_174 : i32
    %select_n3A_185 = arith.select %and3A_183, %add3A_184, %rem3A_175 : i32
    %dma_start3A_186 = arith.constant 1 : i32
    %dma_start3A_187 = arith.constant 0 : i32
    %dma_start3A_188 = arith.constant 0 : i32
    %dma_start3A_189 = tpu.memref_slice %arg8[%dma_start3A_186, %dma_start3A_187, %dma_start3A_188] : memref<2x4x128xi32, #tpu.memory_space<vmem>> -> memref<1x4x128xi32, #tpu.memory_space<vmem>>
    %dma_start3A_190 = tpu.memref_squeeze %dma_start3A_189 : memref<1x4x128xi32, #tpu.memory_space<vmem>> -> memref<4x128xi32, #tpu.memory_space<vmem>>
    %dma_start3A_191 = arith.constant 0 : i32
    %dma_start3A_192 = arith.constant 0 : i32
    %dma_start3A_193 = tpu.memref_slice %arg2[%select_n3A_169, %select_n3A_185, %dma_start3A_191, %dma_start3A_192] : memref<200x8x4x128xi32, #tpu.memory_space<hbm>> -> memref<1x1x4x128xi32, #tpu.memory_space<hbm>>
    %dma_start3A_194 = tpu.memref_squeeze %dma_start3A_193 : memref<1x1x4x128xi32, #tpu.memory_space<hbm>> -> memref<4x128xi32, #tpu.memory_space<hbm>>
    %dma_start3A_195 = arith.constant 0 : i32
    %dma_start3A_196 = arith.constant 0 : i32
    %dma_start3A_197 = tpu.memref_slice %arg8[%dma_start3A_186, %dma_start3A_195, %dma_start3A_196] : memref<2x4x128xi32, #tpu.memory_space<vmem>> -> memref<1x4x128xi32, #tpu.memory_space<vmem>>
    %dma_start3A_198 = tpu.memref_squeeze %dma_start3A_197 : memref<1x4x128xi32, #tpu.memory_space<vmem>> -> memref<4x128xi32, #tpu.memory_space<vmem>>
    %dma_start3A_199 = arith.constant 0 : i32
    %dma_start3A_200 = arith.constant 0 : i32
    %dma_start3A_201 = tpu.memref_slice %arg2[%select_n3A_169, %select_n3A_185, %dma_start3A_199, %dma_start3A_200] : memref<200x8x4x128xi32, #tpu.memory_space<hbm>> -> memref<1x1x4x128xi32, #tpu.memory_space<hbm>>
    %dma_start3A_202 = tpu.memref_squeeze %dma_start3A_201 : memref<1x1x4x128xi32, #tpu.memory_space<hbm>> -> memref<4x128xi32, #tpu.memory_space<hbm>>
    tpu.enqueue_dma source(%dma_start3A_202 : memref<4x128xi32, #tpu.memory_space<hbm>>) target(%dma_start3A_198 : memref<4x128xi32, #tpu.memory_space<vmem>>) target_semaphore(%arg15 : memref<!tpu.dma_semaphore, #tpu.memory_space<semaphore_mem>>)
    %dma_start3A_203 = arith.constant 1 : i32
    %dma_start3A_204 = arith.constant 0 : i32
    %dma_start3A_205 = arith.constant 0 : i32
    %dma_start3A_206 = tpu.memref_slice %arg9[%dma_start3A_203, %dma_start3A_204, %dma_start3A_205] : memref<2x4x128xi32, #tpu.memory_space<vmem>> -> memref<1x4x128xi32, #tpu.memory_space<vmem>>
    %dma_start3A_207 = tpu.memref_squeeze %dma_start3A_206 : memref<1x4x128xi32, #tpu.memory_space<vmem>> -> memref<4x128xi32, #tpu.memory_space<vmem>>
    %dma_start3A_208 = arith.constant 0 : i32
    %dma_start3A_209 = arith.constant 0 : i32
    %dma_start3A_210 = tpu.memref_slice %arg3[%select_n3A_169, %select_n3A_185, %dma_start3A_208, %dma_start3A_209] : memref<200x8x4x128xi32, #tpu.memory_space<hbm>> -> memref<1x1x4x128xi32, #tpu.memory_space<hbm>>
    %dma_start3A_211 = tpu.memref_squeeze %dma_start3A_210 : memref<1x1x4x128xi32, #tpu.memory_space<hbm>> -> memref<4x128xi32, #tpu.memory_space<hbm>>
    %dma_start3A_212 = arith.constant 0 : i32
    %dma_start3A_213 = arith.constant 0 : i32
    %dma_start3A_214 = tpu.memref_slice %arg9[%dma_start3A_203, %dma_start3A_212, %dma_start3A_213] : memref<2x4x128xi32, #tpu.memory_space<vmem>> -> memref<1x4x128xi32, #tpu.memory_space<vmem>>
    %dma_start3A_215 = tpu.memref_squeeze %dma_start3A_214 : memref<1x4x128xi32, #tpu.memory_space<vmem>> -> memref<4x128xi32, #tpu.memory_space<vmem>>
    %dma_start3A_216 = arith.constant 0 : i32
    %dma_start3A_217 = arith.constant 0 : i32
    %dma_start3A_218 = tpu.memref_slice %arg3[%select_n3A_169, %select_n3A_185, %dma_start3A_216, %dma_start3A_217] : memref<200x8x4x128xi32, #tpu.memory_space<hbm>> -> memref<1x1x4x128xi32, #tpu.memory_space<hbm>>
    %dma_start3A_219 = tpu.memref_squeeze %dma_start3A_218 : memref<1x1x4x128xi32, #tpu.memory_space<hbm>> -> memref<4x128xi32, #tpu.memory_space<hbm>>
    tpu.enqueue_dma source(%dma_start3A_219 : memref<4x128xi32, #tpu.memory_space<hbm>>) target(%dma_start3A_215 : memref<4x128xi32, #tpu.memory_space<vmem>>) target_semaphore(%arg15 : memref<!tpu.dma_semaphore, #tpu.memory_space<semaphore_mem>>)
    %dma_wait3A = arith.constant 0 : i32
    %dma_wait3A_220 = arith.constant 0 : i32
    %dma_wait3A_221 = arith.constant 0 : i32
    %dma_wait3A_222 = arith.constant 0 : i32
    %dma_wait3A_223 = arith.constant 0 : i32
    %dma_wait3A_224 = tpu.memref_slice %arg8[%dma_wait3A_221, %dma_wait3A_222, %dma_wait3A_223] : memref<2x4x128xi32, #tpu.memory_space<vmem>> -> memref<1x4x128xi32, #tpu.memory_space<vmem>>
    %dma_wait3A_225 = tpu.memref_squeeze %dma_wait3A_224 : memref<1x4x128xi32, #tpu.memory_space<vmem>> -> memref<4x128xi32, #tpu.memory_space<vmem>>
    %dma_wait3A_226 = arith.constant 0 : i32
    %dma_wait3A_227 = arith.constant 0 : i32
    %dma_wait3A_228 = tpu.memref_slice %arg2[%dma_wait3A, %dma_wait3A_220, %dma_wait3A_226, %dma_wait3A_227] : memref<200x8x4x128xi32, #tpu.memory_space<hbm>> -> memref<1x1x4x128xi32, #tpu.memory_space<hbm>>
    %dma_wait3A_229 = tpu.memref_squeeze %dma_wait3A_228 : memref<1x1x4x128xi32, #tpu.memory_space<hbm>> -> memref<4x128xi32, #tpu.memory_space<hbm>>
    %dma_wait3A_230 = arith.constant 0 : i32
    %dma_wait3A_231 = arith.constant 0 : i32
    %dma_wait3A_232 = tpu.memref_slice %arg8[%dma_wait3A_221, %dma_wait3A_230, %dma_wait3A_231] : memref<2x4x128xi32, #tpu.memory_space<vmem>> -> memref<1x4x128xi32, #tpu.memory_space<vmem>>
    %dma_wait3A_233 = tpu.memref_squeeze %dma_wait3A_232 : memref<1x4x128xi32, #tpu.memory_space<vmem>> -> memref<4x128xi32, #tpu.memory_space<vmem>>
    %dma_wait3A_234 = arith.constant 0 : i32
    %dma_wait3A_235 = arith.constant 0 : i32
    %dma_wait3A_236 = tpu.memref_slice %arg2[%dma_wait3A, %dma_wait3A_220, %dma_wait3A_234, %dma_wait3A_235] : memref<200x8x4x128xi32, #tpu.memory_space<hbm>> -> memref<1x1x4x128xi32, #tpu.memory_space<hbm>>
    %dma_wait3A_237 = tpu.memref_squeeze %dma_wait3A_236 : memref<1x1x4x128xi32, #tpu.memory_space<hbm>> -> memref<4x128xi32, #tpu.memory_space<hbm>>
    tpu.wait_dma2 semaphore(%arg14 : memref<!tpu.dma_semaphore, #tpu.memory_space<semaphore_mem>>) src(%dma_wait3A_237 : memref<4x128xi32, #tpu.memory_space<hbm>>) dst(%dma_wait3A_233 : memref<4x128xi32, #tpu.memory_space<vmem>>)
    %dma_wait3A_238 = arith.constant 0 : i32
    %dma_wait3A_239 = arith.constant 0 : i32
    %dma_wait3A_240 = arith.constant 0 : i32
    %dma_wait3A_241 = arith.constant 0 : i32
    %dma_wait3A_242 = arith.constant 0 : i32
    %dma_wait3A_243 = tpu.memref_slice %arg9[%dma_wait3A_240, %dma_wait3A_241, %dma_wait3A_242] : memref<2x4x128xi32, #tpu.memory_space<vmem>> -> memref<1x4x128xi32, #tpu.memory_space<vmem>>
    %dma_wait3A_244 = tpu.memref_squeeze %dma_wait3A_243 : memref<1x4x128xi32, #tpu.memory_space<vmem>> -> memref<4x128xi32, #tpu.memory_space<vmem>>
    %dma_wait3A_245 = arith.constant 0 : i32
    %dma_wait3A_246 = arith.constant 0 : i32
    %dma_wait3A_247 = tpu.memref_slice %arg3[%dma_wait3A_238, %dma_wait3A_239, %dma_wait3A_245, %dma_wait3A_246] : memref<200x8x4x128xi32, #tpu.memory_space<hbm>> -> memref<1x1x4x128xi32, #tpu.memory_space<hbm>>
    %dma_wait3A_248 = tpu.memref_squeeze %dma_wait3A_247 : memref<1x1x4x128xi32, #tpu.memory_space<hbm>> -> memref<4x128xi32, #tpu.memory_space<hbm>>
    %dma_wait3A_249 = arith.constant 0 : i32
    %dma_wait3A_250 = arith.constant 0 : i32
    %dma_wait3A_251 = tpu.memref_slice %arg9[%dma_wait3A_240, %dma_wait3A_249, %dma_wait3A_250] : memref<2x4x128xi32, #tpu.memory_space<vmem>> -> memref<1x4x128xi32, #tpu.memory_space<vmem>>
    %dma_wait3A_252 = tpu.memref_squeeze %dma_wait3A_251 : memref<1x4x128xi32, #tpu.memory_space<vmem>> -> memref<4x128xi32, #tpu.memory_space<vmem>>
    %dma_wait3A_253 = arith.constant 0 : i32
    %dma_wait3A_254 = arith.constant 0 : i32
    %dma_wait3A_255 = tpu.memref_slice %arg3[%dma_wait3A_238, %dma_wait3A_239, %dma_wait3A_253, %dma_wait3A_254] : memref<200x8x4x128xi32, #tpu.memory_space<hbm>> -> memref<1x1x4x128xi32, #tpu.memory_space<hbm>>
    %dma_wait3A_256 = tpu.memref_squeeze %dma_wait3A_255 : memref<1x1x4x128xi32, #tpu.memory_space<hbm>> -> memref<4x128xi32, #tpu.memory_space<hbm>>
    tpu.wait_dma2 semaphore(%arg14 : memref<!tpu.dma_semaphore, #tpu.memory_space<semaphore_mem>>) src(%dma_wait3A_256 : memref<4x128xi32, #tpu.memory_space<hbm>>) dst(%dma_wait3A_252 : memref<4x128xi32, #tpu.memory_space<vmem>>)
    %get3A_257 = arith.constant 0 : i32
    %get3A_258 = arith.constant 1 : i32
    %get3A_259 = arith.index_cast %get3A_257 : i32 to index
    %get3A_260 = arith.index_cast %get3A_258 : i32 to index
    %get3A_261 = arith.constant 0 : index
    %get3A_262 = tpu.vector_load %arg8[%get3A_259, %get3A_260, %get3A_261] {strides = array<i32>} : memref<2x4x128xi32, #tpu.memory_space<vmem>>, vector<16xi32>,
    %add3A_263 = arith.constant 100000 : i32
    %add3A_264 = vector.broadcast %add3A_263 : i32 to vector<16xi32>
    %add3A_265 = arith.addi %get3A_262, %add3A_264 : vector<16xi32>
    %swap3A = arith.constant 0 : i32
    %swap3A_266 = arith.constant 1 : i32
    %swap3A_267 = arith.index_cast %swap3A : i32 to index
    %swap3A_268 = arith.index_cast %swap3A_266 : i32 to index
    %swap3A_269 = arith.constant 0 : index
    %swap3A_270 = tpu.vector_load %arg8[%swap3A_267, %swap3A_268, %swap3A_269] {strides = array<i32>} : memref<2x4x128xi32, #tpu.memory_space<vmem>>, vector<16xi32>,
    tpu.vector_store %arg8[%swap3A_267, %swap3A_268, %swap3A_269], %add3A_265 {strides = array<i32>} : memref<2x4x128xi32, #tpu.memory_space<vmem>>, vector<16xi32>,
    %get3A_271 = arith.constant 0 : i32
    %get3A_272 = arith.constant 1 : i32
    %get3A_273 = arith.index_cast %get3A_271 : i32 to index
    %get3A_274 = arith.index_cast %get3A_272 : i32 to index
    %get3A_275 = arith.constant 16 : index
    %get3A_276 = tpu.vector_load %arg8[%get3A_273, %get3A_274, %get3A_275] {strides = array<i32>} : memref<2x4x128xi32, #tpu.memory_space<vmem>>, vector<16xi32>,
    %add3A_277 = arith.constant 100000 : i32
    %add3A_278 = vector.broadcast %add3A_277 : i32 to vector<16xi32>
    %add3A_279 = arith.addi %get3A_276, %add3A_278 : vector<16xi32>
    %swap3A_280 = arith.constant 0 : i32
    %swap3A_281 = arith.constant 1 : i32
    %swap3A_282 = arith.index_cast %swap3A_280 : i32 to index
    %swap3A_283 = arith.index_cast %swap3A_281 : i32 to index
    %swap3A_284 = arith.constant 16 : index
    %swap3A_285 = tpu.vector_load %arg8[%swap3A_282, %swap3A_283, %swap3A_284] {strides = array<i32>} : memref<2x4x128xi32, #tpu.memory_space<vmem>>, vector<16xi32>,
    tpu.vector_store %arg8[%swap3A_282, %swap3A_283, %swap3A_284], %add3A_279 {strides = array<i32>} : memref<2x4x128xi32, #tpu.memory_space<vmem>>, vector<16xi32>,
    %get3A_286 = arith.constant 0 : i32
    %get3A_287 = arith.constant 1 : i32
    %get3A_288 = arith.index_cast %get3A_286 : i32 to index
    %get3A_289 = arith.index_cast %get3A_287 : i32 to index
    %get3A_290 = arith.constant 32 : index
    %get3A_291 = tpu.vector_load %arg8[%get3A_288, %get3A_289, %get3A_290] {strides = array<i32>} : memref<2x4x128xi32, #tpu.memory_space<vmem>>, vector<16xi32>,
    %add3A_292 = arith.constant 100000 : i32
    %add3A_293 = vector.broadcast %add3A_292 : i32 to vector<16xi32>
    %add3A_294 = arith.addi %get3A_291, %add3A_293 : vector<16xi32>
    %swap3A_295 = arith.constant 0 : i32
    %swap3A_296 = arith.constant 1 : i32
    %swap3A_297 = arith.index_cast %swap3A_295 : i32 to index
    %swap3A_298 = arith.index_cast %swap3A_296 : i32 to index
    %swap3A_299 = arith.constant 32 : index
    %swap3A_300 = tpu.vector_load %arg8[%swap3A_297, %swap3A_298, %swap3A_299] {strides = array<i32>} : memref<2x4x128xi32, #tpu.memory_space<vmem>>, vector<16xi32>,
    tpu.vector_store %arg8[%swap3A_297, %swap3A_298, %swap3A_299], %add3A_294 {strides = array<i32>} : memref<2x4x128xi32, #tpu.memory_space<vmem>>, vector<16xi32>,
    %get3A_301 = arith.constant 0 : i32
    %get3A_302 = arith.constant 1 : i32
    %get3A_303 = arith.index_cast %get3A_301 : i32 to index
    %get3A_304 = arith.index_cast %get3A_302 : i32 to index
    %get3A_305 = arith.constant 48 : index
    %get3A_306 = tpu.vector_load %arg8[%get3A_303, %get3A_304, %get3A_305] {strides = array<i32>} : memref<2x4x128xi32, #tpu.memory_space<vmem>>, vector<16xi32>,
    %add3A_307 = arith.constant 100000 : i32
    %add3A_308 = vector.broadcast %add3A_307 : i32 to vector<16xi32>
    %add3A_309 = arith.addi %get3A_306, %add3A_308 : vector<16xi32>
    %swap3A_310 = arith.constant 0 : i32
    %swap3A_311 = arith.constant 1 : i32
    %swap3A_312 = arith.index_cast %swap3A_310 : i32 to index
    %swap3A_313 = arith.index_cast %swap3A_311 : i32 to index
    %swap3A_314 = arith.constant 48 : index
    %swap3A_315 = tpu.vector_load %arg8[%swap3A_312, %swap3A_313, %swap3A_314] {strides = array<i32>} : memref<2x4x128xi32, #tpu.memory_space<vmem>>, vector<16xi32>,
    tpu.vector_store %arg8[%swap3A_312, %swap3A_313, %swap3A_314], %add3A_309 {strides = array<i32>} : memref<2x4x128xi32, #tpu.memory_space<vmem>>, vector<16xi32>,
    %get3A_316 = arith.constant 0 : i32
    %get3A_317 = arith.constant 1 : i32
    %get3A_318 = arith.index_cast %get3A_316 : i32 to index
    %get3A_319 = arith.index_cast %get3A_317 : i32 to index
    %get3A_320 = arith.constant 64 : index
    %get3A_321 = tpu.vector_load %arg8[%get3A_318, %get3A_319, %get3A_320] {strides = array<i32>} : memref<2x4x128xi32, #tpu.memory_space<vmem>>, vector<16xi32>,
    %add3A_322 = arith.constant 100000 : i32
    %add3A_323 = vector.broadcast %add3A_322 : i32 to vector<16xi32>
    %add3A_324 = arith.addi %get3A_321, %add3A_323 : vector<16xi32>
    %swap3A_325 = arith.constant 0 : i32
    %swap3A_326 = arith.constant 1 : i32
    %swap3A_327 = arith.index_cast %swap3A_325 : i32 to index
    %swap3A_328 = arith.index_cast %swap3A_326 : i32 to index
    %swap3A_329 = arith.constant 64 : index
    %swap3A_330 = tpu.vector_load %arg8[%swap3A_327, %swap3A_328, %swap3A_329] {strides = array<i32>} : memref<2x4x128xi32, #tpu.memory_space<vmem>>, vector<16xi32>,
    tpu.vector_store %arg8[%swap3A_327, %swap3A_328, %swap3A_329], %add3A_324 {strides = array<i32>} : memref<2x4x128xi32, #tpu.memory_space<vmem>>, vector<16xi32>,
    %get3A_331 = arith.constant 0 : i32
    %get3A_332 = arith.constant 1 : i32
    %get3A_333 = arith.index_cast %get3A_331 : i32 to index
    %get3A_334 = arith.index_cast %get3A_332 : i32 to index
    %get3A_335 = arith.constant 80 : index
    %get3A_336 = tpu.vector_load %arg8[%get3A_333, %get3A_334, %get3A_335] {strides = array<i32>} : memref<2x4x128xi32, #tpu.memory_space<vmem>>, vector<16xi32>,
    %add3A_337 = arith.constant 100000 : i32
    %add3A_338 = vector.broadcast %add3A_337 : i32 to vector<16xi32>
    %add3A_339 = arith.addi %get3A_336, %add3A_338 : vector<16xi32>
    %swap3A_340 = arith.constant 0 : i32
    %swap3A_341 = arith.constant 1 : i32
    %swap3A_342 = arith.index_cast %swap3A_340 : i32 to index
    %swap3A_343 = arith.index_cast %swap3A_341 : i32 to index
    %swap3A_344 = arith.constant 80 : index
    %swap3A_345 = tpu.vector_load %arg8[%swap3A_342, %swap3A_343, %swap3A_344] {strides = array<i32>} : memref<2x4x128xi32, #tpu.memory_space<vmem>>, vector<16xi32>,
    tpu.vector_store %arg8[%swap3A_342, %swap3A_343, %swap3A_344], %add3A_339 {strides = array<i32>} : memref<2x4x128xi32, #tpu.memory_space<vmem>>, vector<16xi32>,
    %get3A_346 = arith.constant 0 : i32
    %get3A_347 = arith.constant 1 : i32
    %get3A_348 = arith.index_cast %get3A_346 : i32 to index
    %get3A_349 = arith.index_cast %get3A_347 : i32 to index
    %get3A_350 = arith.constant 96 : index
    %get3A_351 = tpu.vector_load %arg8[%get3A_348, %get3A_349, %get3A_350] {strides = array<i32>} : memref<2x4x128xi32, #tpu.memory_space<vmem>>, vector<16xi32>,
    %add3A_352 = arith.constant 100000 : i32
    %add3A_353 = vector.broadcast %add3A_352 : i32 to vector<16xi32>
    %add3A_354 = arith.addi %get3A_351, %add3A_353 : vector<16xi32>
    %swap3A_355 = arith.constant 0 : i32
    %swap3A_356 = arith.constant 1 : i32
    %swap3A_357 = arith.index_cast %swap3A_355 : i32 to index
    %swap3A_358 = arith.index_cast %swap3A_356 : i32 to index
    %swap3A_359 = arith.constant 96 : index
    %swap3A_360 = tpu.vector_load %arg8[%swap3A_357, %swap3A_358, %swap3A_359] {strides = array<i32>} : memref<2x4x128xi32, #tpu.memory_space<vmem>>, vector<16xi32>,
    tpu.vector_store %arg8[%swap3A_357, %swap3A_358, %swap3A_359], %add3A_354 {strides = array<i32>} : memref<2x4x128xi32, #tpu.memory_space<vmem>>, vector<16xi32>,
    %get3A_361 = arith.constant 0 : i32
    %get3A_362 = arith.constant 1 : i32
    %get3A_363 = arith.index_cast %get3A_361 : i32 to index
    %get3A_364 = arith.index_cast %get3A_362 : i32 to index
    %get3A_365 = arith.constant 112 : index
    %get3A_366 = tpu.vector_load %arg8[%get3A_363, %get3A_364, %get3A_365] {strides = array<i32>} : memref<2x4x128xi32, #tpu.memory_space<vmem>>, vector<16xi32>,
    %add3A_367 = arith.constant 100000 : i32
    %add3A_368 = vector.broadcast %add3A_367 : i32 to vector<16xi32>
    %add3A_369 = arith.addi %get3A_366, %add3A_368 : vector<16xi32>
    %swap3A_370 = arith.constant 0 : i32
    %swap3A_371 = arith.constant 1 : i32
    %swap3A_372 = arith.index_cast %swap3A_370 : i32 to index
    %swap3A_373 = arith.index_cast %swap3A_371 : i32 to index
    %swap3A_374 = arith.constant 112 : index
    %swap3A_375 = tpu.vector_load %arg8[%swap3A_372, %swap3A_373, %swap3A_374] {strides = array<i32>} : memref<2x4x128xi32, #tpu.memory_space<vmem>>, vector<16xi32>,
    tpu.vector_store %arg8[%swap3A_372, %swap3A_373, %swap3A_374], %add3A_369 {strides = array<i32>} : memref<2x4x128xi32, #tpu.memory_space<vmem>>, vector<16xi32>,
    %get3A_376 = arith.constant 0 : i32
    %get3A_377 = arith.constant 2 : i32
    %get3A_378 = arith.index_cast %get3A_376 : i32 to index
    %get3A_379 = arith.index_cast %get3A_377 : i32 to index
    %get3A_380 = arith.constant 0 : index
    %get3A_381 = tpu.vector_load %arg8[%get3A_378, %get3A_379, %get3A_380] {strides = array<i32>} : memref<2x4x128xi32, #tpu.memory_space<vmem>>, vector<16xi32>,
    %add3A_382 = arith.constant 200000 : i32
    %add3A_383 = vector.broadcast %add3A_382 : i32 to vector<16xi32>
    %add3A_384 = arith.addi %get3A_381, %add3A_383 : vector<16xi32>
    %swap3A_385 = arith.constant 0 : i32
    %swap3A_386 = arith.constant 2 : i32
    %swap3A_387 = arith.index_cast %swap3A_385 : i32 to index
    %swap3A_388 = arith.index_cast %swap3A_386 : i32 to index
    %swap3A_389 = arith.constant 0 : index
    %swap3A_390 = tpu.vector_load %arg8[%swap3A_387, %swap3A_388, %swap3A_389] {strides = array<i32>} : memref<2x4x128xi32, #tpu.memory_space<vmem>>, vector<16xi32>,
    tpu.vector_store %arg8[%swap3A_387, %swap3A_388, %swap3A_389], %add3A_384 {strides = array<i32>} : memref<2x4x128xi32, #tpu.memory_space<vmem>>, vector<16xi32>,
    %get3A_391 = arith.constant 0 : i32
    %get3A_392 = arith.constant 2 : i32
    %get3A_393 = arith.index_cast %get3A_391 : i32 to index
    %get3A_394 = arith.index_cast %get3A_392 : i32 to index
    %get3A_395 = arith.constant 16 : index
    %get3A_396 = tpu.vector_load %arg8[%get3A_393, %get3A_394, %get3A_395] {strides = array<i32>} : memref<2x4x128xi32, #tpu.memory_space<vmem>>, vector<16xi32>,
    %add3A_397 = arith.constant 200000 : i32
    %add3A_398 = vector.broadcast %add3A_397 : i32 to vector<16xi32>
    %add3A_399 = arith.addi %get3A_396, %add3A_398 : vector<16xi32>
    %swap3A_400 = arith.constant 0 : i32
    %swap3A_401 = arith.constant 2 : i32
    %swap3A_402 = arith.index_cast %swap3A_400 : i32 to index
    %swap3A_403 = arith.index_cast %swap3A_401 : i32 to index
    %swap3A_404 = arith.constant 16 : index
    %swap3A_405 = tpu.vector_load %arg8[%swap3A_402, %swap3A_403, %swap3A_404] {strides = array<i32>} : memref<2x4x128xi32, #tpu.memory_space<vmem>>, vector<16xi32>,
    tpu.vector_store %arg8[%swap3A_402, %swap3A_403, %swap3A_404], %add3A_399 {strides = array<i32>} : memref<2x4x128xi32, #tpu.memory_space<vmem>>, vector<16xi32>,
    %get3A_406 = arith.constant 0 : i32
    %get3A_407 = arith.constant 2 : i32
    %get3A_408 = arith.index_cast %get3A_406 : i32 to index
    %get3A_409 = arith.index_cast %get3A_407 : i32 to index
    %get3A_410 = arith.constant 32 : index
    %get3A_411 = tpu.vector_load %arg8[%get3A_408, %get3A_409, %get3A_410] {strides = array<i32>} : memref<2x4x128xi32, #tpu.memory_space<vmem>>, vector<16xi32>,
    %add3A_412 = arith.constant 200000 : i32
    %add3A_413 = vector.broadcast %add3A_412 : i32 to vector<16xi32>
    %add3A_414 = arith.addi %get3A_411, %add3A_413 : vector<16xi32>
    %swap3A_415 = arith.constant 0 : i32
    %swap3A_416 = arith.constant 2 : i32
    %swap3A_417 = arith.index_cast %swap3A_415 : i32 to index
    %swap3A_418 = arith.index_cast %swap3A_416 : i32 to index
    %swap3A_419 = arith.constant 32 : index
    %swap3A_420 = tpu.vector_load %arg8[%swap3A_417, %swap3A_418, %swap3A_419] {strides = array<i32>} : memref<2x4x128xi32, #tpu.memory_space<vmem>>, vector<16xi32>,
    tpu.vector_store %arg8[%swap3A_417, %swap3A_418, %swap3A_419], %add3A_414 {strides = array<i32>} : memref<2x4x128xi32, #tpu.memory_space<vmem>>, vector<16xi32>,
    %get3A_421 = arith.constant 0 : i32
    %get3A_422 = arith.constant 2 : i32
    %get3A_423 = arith.index_cast %get3A_421 : i32 to index
    %get3A_424 = arith.index_cast %get3A_422 : i32 to index
    %get3A_425 = arith.constant 48 : index
    %get3A_426 = tpu.vector_load %arg8[%get3A_423, %get3A_424, %get3A_425] {strides = array<i32>} : memref<2x4x128xi32, #tpu.memory_space<vmem>>, vector<16xi32>,
    %add3A_427 = arith.constant 200000 : i32
    %add3A_428 = vector.broadcast %add3A_427 : i32 to vector<16xi32>
    %add3A_429 = arith.addi %get3A_426, %add3A_428 : vector<16xi32>
    %swap3A_430 = arith.constant 0 : i32
    %swap3A_431 = arith.constant 2 : i32
    %swap3A_432 = arith.index_cast %swap3A_430 : i32 to index
    %swap3A_433 = arith.index_cast %swap3A_431 : i32 to index
    %swap3A_434 = arith.constant 48 : index
    %swap3A_435 = tpu.vector_load %arg8[%swap3A_432, %swap3A_433, %swap3A_434] {strides = array<i32>} : memref<2x4x128xi32, #tpu.memory_space<vmem>>, vector<16xi32>,
    tpu.vector_store %arg8[%swap3A_432, %swap3A_433, %swap3A_434], %add3A_429 {strides = array<i32>} : memref<2x4x128xi32, #tpu.memory_space<vmem>>, vector<16xi32>,
    %get3A_436 = arith.constant 0 : i32
    %get3A_437 = arith.constant 2 : i32
    %get3A_438 = arith.index_cast %get3A_436 : i32 to index
    %get3A_439 = arith.index_cast %get3A_437 : i32 to index
    %get3A_440 = arith.constant 64 : index
    %get3A_441 = tpu.vector_load %arg8[%get3A_438, %get3A_439, %get3A_440] {strides = array<i32>} : memref<2x4x128xi32, #tpu.memory_space<vmem>>, vector<16xi32>,
    %add3A_442 = arith.constant 200000 : i32
    %add3A_443 = vector.broadcast %add3A_442 : i32 to vector<16xi32>
    %add3A_444 = arith.addi %get3A_441, %add3A_443 : vector<16xi32>
    %swap3A_445 = arith.constant 0 : i32
    %swap3A_446 = arith.constant 2 : i32
    %swap3A_447 = arith.index_cast %swap3A_445 : i32 to index
    %swap3A_448 = arith.index_cast %swap3A_446 : i32 to index
    %swap3A_449 = arith.constant 64 : index
    %swap3A_450 = tpu.vector_load %arg8[%swap3A_447, %swap3A_448, %swap3A_449] {strides = array<i32>} : memref<2x4x128xi32, #tpu.memory_space<vmem>>, vector<16xi32>,
    tpu.vector_store %arg8[%swap3A_447, %swap3A_448, %swap3A_449], %add3A_444 {strides = array<i32>} : memref<2x4x128xi32, #tpu.memory_space<vmem>>, vector<16xi32>,
    %get3A_451 = arith.constant 0 : i32
    %get3A_452 = arith.constant 2 : i32
    %get3A_453 = arith.index_cast %get3A_451 : i32 to index
    %get3A_454 = arith.index_cast %get3A_452 : i32 to index
    %get3A_455 = arith.constant 80 : index
    %get3A_456 = tpu.vector_load %arg8[%get3A_453, %get3A_454, %get3A_455] {strides = array<i32>} : memref<2x4x128xi32, #tpu.memory_space<vmem>>, vector<16xi32>,
    %add3A_457 = arith.constant 200000 : i32
    %add3A_458 = vector.broadcast %add3A_457 : i32 to vector<16xi32>
    %add3A_459 = arith.addi %get3A_456, %add3A_458 : vector<16xi32>
    %swap3A_460 = arith.constant 0 : i32
    %swap3A_461 = arith.constant 2 : i32
    %swap3A_462 = arith.index_cast %swap3A_460 : i32 to index
    %swap3A_463 = arith.index_cast %swap3A_461 : i32 to index
    %swap3A_464 = arith.constant 80 : index
    %swap3A_465 = tpu.vector_load %arg8[%swap3A_462, %swap3A_463, %swap3A_464] {strides = array<i32>} : memref<2x4x128xi32, #tpu.memory_space<vmem>>, vector<16xi32>,
    tpu.vector_store %arg8[%swap3A_462, %swap3A_463, %swap3A_464], %add3A_459 {strides = array<i32>} : memref<2x4x128xi32, #tpu.memory_space<vmem>>, vector<16xi32>,
    %get3A_466 = arith.constant 0 : i32
    %get3A_467 = arith.constant 2 : i32
    %get3A_468 = arith.index_cast %get3A_466 : i32 to index
    %get3A_469 = arith.index_cast %get3A_467 : i32 to index
    %get3A_470 = arith.constant 96 : index
    %get3A_471 = tpu.vector_load %arg8[%get3A_468, %get3A_469, %get3A_470] {strides = array<i32>} : memref<2x4x128xi32, #tpu.memory_space<vmem>>, vector<16xi32>,
    %add3A_472 = arith.constant 200000 : i32
    %add3A_473 = vector.broadcast %add3A_472 : i32 to vector<16xi32>
    %add3A_474 = arith.addi %get3A_471, %add3A_473 : vector<16xi32>
    %swap3A_475 = arith.constant 0 : i32
    %swap3A_476 = arith.constant 2 : i32
    %swap3A_477 = arith.index_cast %swap3A_475 : i32 to index
    %swap3A_478 = arith.index_cast %swap3A_476 : i32 to index
    %swap3A_479 = arith.constant 96 : index
    %swap3A_480 = tpu.vector_load %arg8[%swap3A_477, %swap3A_478, %swap3A_479] {strides = array<i32>} : memref<2x4x128xi32, #tpu.memory_space<vmem>>, vector<16xi32>,
    tpu.vector_store %arg8[%swap3A_477, %swap3A_478, %swap3A_479], %add3A_474 {strides = array<i32>} : memref<2x4x128xi32, #tpu.memory_space<vmem>>, vector<16xi32>,
    %get3A_481 = arith.constant 0 : i32
    %get3A_482 = arith.constant 2 : i32
    %get3A_483 = arith.index_cast %get3A_481 : i32 to index
    %get3A_484 = arith.index_cast %get3A_482 : i32 to index
    %get3A_485 = arith.constant 112 : index
    %get3A_486 = tpu.vector_load %arg8[%get3A_483, %get3A_484, %get3A_485] {strides = array<i32>} : memref<2x4x128xi32, #tpu.memory_space<vmem>>, vector<16xi32>,
    %add3A_487 = arith.constant 200000 : i32
    %add3A_488 = vector.broadcast %add3A_487 : i32 to vector<16xi32>
    %add3A_489 = arith.addi %get3A_486, %add3A_488 : vector<16xi32>
    %swap3A_490 = arith.constant 0 : i32
    %swap3A_491 = arith.constant 2 : i32
    %swap3A_492 = arith.index_cast %swap3A_490 : i32 to index
    %swap3A_493 = arith.index_cast %swap3A_491 : i32 to index
    %swap3A_494 = arith.constant 112 : index
    %swap3A_495 = tpu.vector_load %arg8[%swap3A_492, %swap3A_493, %swap3A_494] {strides = array<i32>} : memref<2x4x128xi32, #tpu.memory_space<vmem>>, vector<16xi32>,
    tpu.vector_store %arg8[%swap3A_492, %swap3A_493, %swap3A_494], %add3A_489 {strides = array<i32>} : memref<2x4x128xi32, #tpu.memory_space<vmem>>, vector<16xi32>,
    %get3A_496 = arith.constant 0 : i32
    %get3A_497 = arith.constant 3 : i32
    %get3A_498 = arith.index_cast %get3A_496 : i32 to index
    %get3A_499 = arith.index_cast %get3A_497 : i32 to index
    %get3A_500 = arith.constant 0 : index
    %get3A_501 = tpu.vector_load %arg8[%get3A_498, %get3A_499, %get3A_500] {strides = array<i32>} : memref<2x4x128xi32, #tpu.memory_space<vmem>>, vector<16xi32>,
    %add3A_502 = arith.constant 300000 : i32
    %add3A_503 = vector.broadcast %add3A_502 : i32 to vector<16xi32>
    %add3A_504 = arith.addi %get3A_501, %add3A_503 : vector<16xi32>
    %swap3A_505 = arith.constant 0 : i32
    %swap3A_506 = arith.constant 3 : i32
    %swap3A_507 = arith.index_cast %swap3A_505 : i32 to index
    %swap3A_508 = arith.index_cast %swap3A_506 : i32 to index
    %swap3A_509 = arith.constant 0 : index
    %swap3A_510 = tpu.vector_load %arg8[%swap3A_507, %swap3A_508, %swap3A_509] {strides = array<i32>} : memref<2x4x128xi32, #tpu.memory_space<vmem>>, vector<16xi32>,
    tpu.vector_store %arg8[%swap3A_507, %swap3A_508, %swap3A_509], %add3A_504 {strides = array<i32>} : memref<2x4x128xi32, #tpu.memory_space<vmem>>, vector<16xi32>,
    %get3A_511 = arith.constant 0 : i32
    %get3A_512 = arith.constant 3 : i32
    %get3A_513 = arith.index_cast %get3A_511 : i32 to index
    %get3A_514 = arith.index_cast %get3A_512 : i32 to index
    %get3A_515 = arith.constant 16 : index
    %get3A_516 = tpu.vector_load %arg8[%get3A_513, %get3A_514, %get3A_515] {strides = array<i32>} : memref<2x4x128xi32, #tpu.memory_space<vmem>>, vector<16xi32>,
    %add3A_517 = arith.constant 300000 : i32
    %add3A_518 = vector.broadcast %add3A_517 : i32 to vector<16xi32>
    %add3A_519 = arith.addi %get3A_516, %add3A_518 : vector<16xi32>
    %swap3A_520 = arith.constant 0 : i32
    %swap3A_521 = arith.constant 3 : i32
    %swap3A_522 = arith.index_cast %swap3A_520 : i32 to index
    %swap3A_523 = arith.index_cast %swap3A_521 : i32 to index
    %swap3A_524 = arith.constant 16 : index
    %swap3A_525 = tpu.vector_load %arg8[%swap3A_522, %swap3A_523, %swap3A_524] {strides = array<i32>} : memref<2x4x128xi32, #tpu.memory_space<vmem>>, vector<16xi32>,
    tpu.vector_store %arg8[%swap3A_522, %swap3A_523, %swap3A_524], %add3A_519 {strides = array<i32>} : memref<2x4x128xi32, #tpu.memory_space<vmem>>, vector<16xi32>,
    %get3A_526 = arith.constant 0 : i32
    %get3A_527 = arith.constant 3 : i32
    %get3A_528 = arith.index_cast %get3A_526 : i32 to index
    %get3A_529 = arith.index_cast %get3A_527 : i32 to index
    %get3A_530 = arith.constant 32 : index
    %get3A_531 = tpu.vector_load %arg8[%get3A_528, %get3A_529, %get3A_530] {strides = array<i32>} : memref<2x4x128xi32, #tpu.memory_space<vmem>>, vector<16xi32>,
    %add3A_532 = arith.constant 300000 : i32
    %add3A_533 = vector.broadcast %add3A_532 : i32 to vector<16xi32>
    %add3A_534 = arith.addi %get3A_531, %add3A_533 : vector<16xi32>
    %swap3A_535 = arith.constant 0 : i32
    %swap3A_536 = arith.constant 3 : i32
    %swap3A_537 = arith.index_cast %swap3A_535 : i32 to index
    %swap3A_538 = arith.index_cast %swap3A_536 : i32 to index
    %swap3A_539 = arith.constant 32 : index
    %swap3A_540 = tpu.vector_load %arg8[%swap3A_537, %swap3A_538, %swap3A_539] {strides = array<i32>} : memref<2x4x128xi32, #tpu.memory_space<vmem>>, vector<16xi32>,
    tpu.vector_store %arg8[%swap3A_537, %swap3A_538, %swap3A_539], %add3A_534 {strides = array<i32>} : memref<2x4x128xi32, #tpu.memory_space<vmem>>, vector<16xi32>,
    %get3A_541 = arith.constant 0 : i32
    %get3A_542 = arith.constant 3 : i32
    %get3A_543 = arith.index_cast %get3A_541 : i32 to index
    %get3A_544 = arith.index_cast %get3A_542 : i32 to index
    %get3A_545 = arith.constant 48 : index
    %get3A_546 = tpu.vector_load %arg8[%get3A_543, %get3A_544, %get3A_545] {strides = array<i32>} : memref<2x4x128xi32, #tpu.memory_space<vmem>>, vector<16xi32>,
    %add3A_547 = arith.constant 300000 : i32
    %add3A_548 = vector.broadcast %add3A_547 : i32 to vector<16xi32>
    %add3A_549 = arith.addi %get3A_546, %add3A_548 : vector<16xi32>
    %swap3A_550 = arith.constant 0 : i32
    %swap3A_551 = arith.constant 3 : i32
    %swap3A_552 = arith.index_cast %swap3A_550 : i32 to index
    %swap3A_553 = arith.index_cast %swap3A_551 : i32 to index
    %swap3A_554 = arith.constant 48 : index
    %swap3A_555 = tpu.vector_load %arg8[%swap3A_552, %swap3A_553, %swap3A_554] {strides = array<i32>} : memref<2x4x128xi32, #tpu.memory_space<vmem>>, vector<16xi32>,
    tpu.vector_store %arg8[%swap3A_552, %swap3A_553, %swap3A_554], %add3A_549 {strides = array<i32>} : memref<2x4x128xi32, #tpu.memory_space<vmem>>, vector<16xi32>,
    %get3A_556 = arith.constant 0 : i32
    %get3A_557 = arith.constant 3 : i32
    %get3A_558 = arith.index_cast %get3A_556 : i32 to index
    %get3A_559 = arith.index_cast %get3A_557 : i32 to index
    %get3A_560 = arith.constant 64 : index
    %get3A_561 = tpu.vector_load %arg8[%get3A_558, %get3A_559, %get3A_560] {strides = array<i32>} : memref<2x4x128xi32, #tpu.memory_space<vmem>>, vector<16xi32>,
    %add3A_562 = arith.constant 300000 : i32
    %add3A_563 = vector.broadcast %add3A_562 : i32 to vector<16xi32>
    %add3A_564 = arith.addi %get3A_561, %add3A_563 : vector<16xi32>
    %swap3A_565 = arith.constant 0 : i32
    %swap3A_566 = arith.constant 3 : i32
    %swap3A_567 = arith.index_cast %swap3A_565 : i32 to index
    %swap3A_568 = arith.index_cast %swap3A_566 : i32 to index
    %swap3A_569 = arith.constant 64 : index
    %swap3A_570 = tpu.vector_load %arg8[%swap3A_567, %swap3A_568, %swap3A_569] {strides = array<i32>} : memref<2x4x128xi32, #tpu.memory_space<vmem>>, vector<16xi32>,
    tpu.vector_store %arg8[%swap3A_567, %swap3A_568, %swap3A_569], %add3A_564 {strides = array<i32>} : memref<2x4x128xi32, #tpu.memory_space<vmem>>, vector<16xi32>,
    %get3A_571 = arith.constant 0 : i32
    %get3A_572 = arith.constant 3 : i32
    %get3A_573 = arith.index_cast %get3A_571 : i32 to index
    %get3A_574 = arith.index_cast %get3A_572 : i32 to index
    %get3A_575 = arith.constant 80 : index
    %get3A_576 = tpu.vector_load %arg8[%get3A_573, %get3A_574, %get3A_575] {strides = array<i32>} : memref<2x4x128xi32, #tpu.memory_space<vmem>>, vector<16xi32>,
    %add3A_577 = arith.constant 300000 : i32
    %add3A_578 = vector.broadcast %add3A_577 : i32 to vector<16xi32>
    %add3A_579 = arith.addi %get3A_576, %add3A_578 : vector<16xi32>
    %swap3A_580 = arith.constant 0 : i32
    %swap3A_581 = arith.constant 3 : i32
    %swap3A_582 = arith.index_cast %swap3A_580 : i32 to index
    %swap3A_583 = arith.index_cast %swap3A_581 : i32 to index
    %swap3A_584 = arith.constant 80 : index
    %swap3A_585 = tpu.vector_load %arg8[%swap3A_582, %swap3A_583, %swap3A_584] {strides = array<i32>} : memref<2x4x128xi32, #tpu.memory_space<vmem>>, vector<16xi32>,
    tpu.vector_store %arg8[%swap3A_582, %swap3A_583, %swap3A_584], %add3A_579 {strides = array<i32>} : memref<2x4x128xi32, #tpu.memory_space<vmem>>, vector<16xi32>,
    %get3A_586 = arith.constant 0 : i32
    %get3A_587 = arith.constant 3 : i32
    %get3A_588 = arith.index_cast %get3A_586 : i32 to index
    %get3A_589 = arith.index_cast %get3A_587 : i32 to index
    %get3A_590 = arith.constant 96 : index
    %get3A_591 = tpu.vector_load %arg8[%get3A_588, %get3A_589, %get3A_590] {strides = array<i32>} : memref<2x4x128xi32, #tpu.memory_space<vmem>>, vector<16xi32>,
    %add3A_592 = arith.constant 300000 : i32
    %add3A_593 = vector.broadcast %add3A_592 : i32 to vector<16xi32>
    %add3A_594 = arith.addi %get3A_591, %add3A_593 : vector<16xi32>
    %swap3A_595 = arith.constant 0 : i32
    %swap3A_596 = arith.constant 3 : i32
    %swap3A_597 = arith.index_cast %swap3A_595 : i32 to index
    %swap3A_598 = arith.index_cast %swap3A_596 : i32 to index
    %swap3A_599 = arith.constant 96 : index
    %swap3A_600 = tpu.vector_load %arg8[%swap3A_597, %swap3A_598, %swap3A_599] {strides = array<i32>} : memref<2x4x128xi32, #tpu.memory_space<vmem>>, vector<16xi32>,
    tpu.vector_store %arg8[%swap3A_597, %swap3A_598, %swap3A_599], %add3A_594 {strides = array<i32>} : memref<2x4x128xi32, #tpu.memory_space<vmem>>, vector<16xi32>,
    %get3A_601 = arith.constant 0 : i32
    %get3A_602 = arith.constant 3 : i32
    %get3A_603 = arith.index_cast %get3A_601 : i32 to index
    %get3A_604 = arith.index_cast %get3A_602 : i32 to index
    %get3A_605 = arith.constant 112 : index
    %get3A_606 = tpu.vector_load %arg8[%get3A_603, %get3A_604, %get3A_605] {strides = array<i32>} : memref<2x4x128xi32, #tpu.memory_space<vmem>>, vector<16xi32>,
    %add3A_607 = arith.constant 300000 : i32
    %add3A_608 = vector.broadcast %add3A_607 : i32 to vector<16xi32>
    %add3A_609 = arith.addi %get3A_606, %add3A_608 : vector<16xi32>
    %swap3A_610 = arith.constant 0 : i32
    %swap3A_611 = arith.constant 3 : i32
    %swap3A_612 = arith.index_cast %swap3A_610 : i32 to index
    %swap3A_613 = arith.index_cast %swap3A_611 : i32 to index
    %swap3A_614 = arith.constant 112 : index
    %swap3A_615 = tpu.vector_load %arg8[%swap3A_612, %swap3A_613, %swap3A_614] {strides = array<i32>} : memref<2x4x128xi32, #tpu.memory_space<vmem>>, vector<16xi32>,
    tpu.vector_store %arg8[%swap3A_612, %swap3A_613, %swap3A_614], %add3A_609 {strides = array<i32>} : memref<2x4x128xi32, #tpu.memory_space<vmem>>, vector<16xi32>,
    %dma_start3A_616 = arith.constant 0 : i32
    %dma_start3A_617 = arith.constant 0 : i32
    %dma_start3A_618 = arith.constant 0 : i32
    %dma_start3A_619 = arith.constant 0 : i32
    %dma_start3A_620 = arith.constant 0 : i32
    %dma_start3A_621 = arith.constant 0 : i32
    %dma_start3A_622 = tpu.memref_slice %arg10[%dma_start3A_618, %dma_start3A_619, %dma_start3A_620, %dma_start3A_621] : memref<2x4x128x32xf32, #tpu.memory_space<vmem>> -> memref<1x1x128x32xf32, #tpu.memory_space<vmem>>
    %dma_start3A_623 = tpu.memref_squeeze %dma_start3A_622 : memref<1x1x128x32xf32, #tpu.memory_space<vmem>> -> memref<128x32xf32, #tpu.memory_space<vmem>>
    %dma_start3A_624 = arith.constant 0 : i32
    %dma_start3A_625 = tpu.memref_slice %arg8[%dma_start3A_616, %dma_start3A_617, %dma_start3A_624] : memref<2x4x128xi32, #tpu.memory_space<vmem>> -> memref<1x1x128xi32, #tpu.memory_space<vmem>>
    %dma_start3A_626 = tpu.memref_squeeze %dma_start3A_625 : memref<1x1x128xi32, #tpu.memory_space<vmem>> -> memref<128xi32, #tpu.memory_space<vmem>>
    %dma_start3A_627 = arith.constant 0 : i32
    %dma_start3A_628 = arith.constant 0 : i32
    %dma_start3A_629 = tpu.memref_slice %arg4[%dma_start3A_627, %dma_start3A_628] : memref<400000x32xf32, #tpu.memory_space<hbm>> -> memref<400000x32xf32, #tpu.memory_space<hbm>>
    tpu.enqueue_indirect_dma source(%dma_start3A_629 : memref<400000x32xf32, #tpu.memory_space<hbm>>) target(%dma_start3A_623 : memref<128x32xf32, #tpu.memory_space<vmem>>) offsets(%dma_start3A_626 : memref<128xi32, #tpu.memory_space<vmem>>) semaphore(%arg16 : memref<!tpu.dma_semaphore, #tpu.memory_space<semaphore_mem>>)
    %dma_start3A_630 = arith.constant 0 : i32
    %dma_start3A_631 = arith.constant 0 : i32
    %dma_start3A_632 = arith.constant 0 : i32
    %dma_start3A_633 = arith.constant 0 : i32
    %dma_start3A_634 = arith.constant 0 : i32
    %dma_start3A_635 = arith.constant 0 : i32
    %dma_start3A_636 = arith.constant 0 : i32
    %dma_start3A_637 = tpu.memref_slice %arg11[%dma_start3A_633, %dma_start3A_634, %dma_start3A_635, %dma_start3A_636] : memref<2x4x128x32xf32, #tpu.memory_space<vmem>> -> memref<1x1x128x32xf32, #tpu.memory_space<vmem>>
    %dma_start3A_638 = tpu.memref_squeeze %dma_start3A_637 : memref<1x1x128x32xf32, #tpu.memory_space<vmem>> -> memref<128x32xf32, #tpu.memory_space<vmem>>
    %dma_start3A_639 = arith.constant 0 : i32
    %dma_start3A_640 = tpu.memref_slice %arg9[%dma_start3A_631, %dma_start3A_632, %dma_start3A_639] : memref<2x4x128xi32, #tpu.memory_space<vmem>> -> memref<1x1x128xi32, #tpu.memory_space<vmem>>
    %dma_start3A_641 = tpu.memref_squeeze %dma_start3A_640 : memref<1x1x128xi32, #tpu.memory_space<vmem>> -> memref<128xi32, #tpu.memory_space<vmem>>
    %dma_start3A_642 = arith.constant 0 : i32
    %dma_start3A_643 = arith.constant 0 : i32
    %dma_start3A_644 = tpu.memref_slice %arg5[%dma_start3A_630, %dma_start3A_642, %dma_start3A_643] : memref<4x512x32xf32, #tpu.memory_space<hbm>> -> memref<1x512x32xf32, #tpu.memory_space<hbm>>
    %dma_start3A_645 = tpu.memref_squeeze %dma_start3A_644 : memref<1x512x32xf32, #tpu.memory_space<hbm>> -> memref<512x32xf32, #tpu.memory_space<hbm>>
    %dma_start3A_646 = arith.constant 0 : i32
    %dma_start3A_647 = arith.constant 0 : i32
    %dma_start3A_648 = tpu.memref_slice %dma_start3A_645[%dma_start3A_646, %dma_start3A_647] : memref<512x32xf32, #tpu.memory_space<hbm>> -> memref<512x32xf32, #tpu.memory_space<hbm>>
    tpu.enqueue_indirect_dma source(%dma_start3A_648 : memref<512x32xf32, #tpu.memory_space<hbm>>) target(%dma_start3A_638 : memref<128x32xf32, #tpu.memory_space<vmem>>) offsets(%dma_start3A_641 : memref<128xi32, #tpu.memory_space<vmem>>) semaphore(%arg16 : memref<!tpu.dma_semaphore, #tpu.memory_space<semaphore_mem>>)
    %dma_start3A_649 = arith.constant 0 : i32
    %dma_start3A_650 = arith.constant 1 : i32
    %dma_start3A_651 = arith.constant 0 : i32
    %dma_start3A_652 = arith.constant 1 : i32
    %dma_start3A_653 = arith.constant 0 : i32
    %dma_start3A_654 = arith.constant 0 : i32
    %dma_start3A_655 = tpu.memref_slice %arg10[%dma_start3A_651, %dma_start3A_652, %dma_start3A_653, %dma_start3A_654] : memref<2x4x128x32xf32, #tpu.memory_space<vmem>> -> memref<1x1x128x32xf32, #tpu.memory_space<vmem>>
    %dma_start3A_656 = tpu.memref_squeeze %dma_start3A_655 : memref<1x1x128x32xf32, #tpu.memory_space<vmem>> -> memref<128x32xf32, #tpu.memory_space<vmem>>
    %dma_start3A_657 = arith.constant 0 : i32
    %dma_start3A_658 = tpu.memref_slice %arg8[%dma_start3A_649, %dma_start3A_650, %dma_start3A_657] : memref<2x4x128xi32, #tpu.memory_space<vmem>> -> memref<1x1x128xi32, #tpu.memory_space<vmem>>
    %dma_start3A_659 = tpu.memref_squeeze %dma_start3A_658 : memref<1x1x128xi32, #tpu.memory_space<vmem>> -> memref<128xi32, #tpu.memory_space<vmem>>
    %dma_start3A_660 = arith.constant 0 : i32
    %dma_start3A_661 = arith.constant 0 : i32
    %dma_start3A_662 = tpu.memref_slice %arg4[%dma_start3A_660, %dma_start3A_661] : memref<400000x32xf32, #tpu.memory_space<hbm>> -> memref<400000x32xf32, #tpu.memory_space<hbm>>
    tpu.enqueue_indirect_dma source(%dma_start3A_662 : memref<400000x32xf32, #tpu.memory_space<hbm>>) target(%dma_start3A_656 : memref<128x32xf32, #tpu.memory_space<vmem>>) offsets(%dma_start3A_659 : memref<128xi32, #tpu.memory_space<vmem>>) semaphore(%arg16 : memref<!tpu.dma_semaphore, #tpu.memory_space<semaphore_mem>>)
    %dma_start3A_663 = arith.constant 1 : i32
    %dma_start3A_664 = arith.constant 0 : i32
    %dma_start3A_665 = arith.constant 1 : i32
    %dma_start3A_666 = arith.constant 0 : i32
    %dma_start3A_667 = arith.constant 1 : i32
    %dma_start3A_668 = arith.constant 0 : i32
    %dma_start3A_669 = arith.constant 0 : i32
    %dma_start3A_670 = tpu.memref_slice %arg11[%dma_start3A_666, %dma_start3A_667, %dma_start3A_668, %dma_start3A_669] : memref<2x4x128x32xf32, #tpu.memory_space<vmem>> -> memref<1x1x128x32xf32, #tpu.memory_space<vmem>>
    %dma_start3A_671 = tpu.memref_squeeze %dma_start3A_670 : memref<1x1x128x32xf32, #tpu.memory_space<vmem>> -> memref<128x32xf32, #tpu.memory_space<vmem>>
    %dma_start3A_672 = arith.constant 0 : i32
    %dma_start3A_673 = tpu.memref_slice %arg9[%dma_start3A_664, %dma_start3A_665, %dma_start3A_672] : memref<2x4x128xi32, #tpu.memory_space<vmem>> -> memref<1x1x128xi32, #tpu.memory_space<vmem>>
    %dma_start3A_674 = tpu.memref_squeeze %dma_start3A_673 : memref<1x1x128xi32, #tpu.memory_space<vmem>> -> memref<128xi32, #tpu.memory_space<vmem>>
    %dma_start3A_675 = arith.constant 0 : i32
    %dma_start3A_676 = arith.constant 0 : i32
    %dma_start3A_677 = tpu.memref_slice %arg5[%dma_start3A_663, %dma_start3A_675, %dma_start3A_676] : memref<4x512x32xf32, #tpu.memory_space<hbm>> -> memref<1x512x32xf32, #tpu.memory_space<hbm>>
    %dma_start3A_678 = tpu.memref_squeeze %dma_start3A_677 : memref<1x512x32xf32, #tpu.memory_space<hbm>> -> memref<512x32xf32, #tpu.memory_space<hbm>>
    %dma_start3A_679 = arith.constant 0 : i32
    %dma_start3A_680 = arith.constant 0 : i32
    %dma_start3A_681 = tpu.memref_slice %dma_start3A_678[%dma_start3A_679, %dma_start3A_680] : memref<512x32xf32, #tpu.memory_space<hbm>> -> memref<512x32xf32, #tpu.memory_space<hbm>>
    tpu.enqueue_indirect_dma source(%dma_start3A_681 : memref<512x32xf32, #tpu.memory_space<hbm>>) target(%dma_start3A_671 : memref<128x32xf32, #tpu.memory_space<vmem>>) offsets(%dma_start3A_674 : memref<128xi32, #tpu.memory_space<vmem>>) semaphore(%arg16 : memref<!tpu.dma_semaphore, #tpu.memory_space<semaphore_mem>>)
    %dma_start3A_682 = arith.constant 0 : i32
    %dma_start3A_683 = arith.constant 2 : i32
    %dma_start3A_684 = arith.constant 0 : i32
    %dma_start3A_685 = arith.constant 2 : i32
    %dma_start3A_686 = arith.constant 0 : i32
    %dma_start3A_687 = arith.constant 0 : i32
    %dma_start3A_688 = tpu.memref_slice %arg10[%dma_start3A_684, %dma_start3A_685, %dma_start3A_686, %dma_start3A_687] : memref<2x4x128x32xf32, #tpu.memory_space<vmem>> -> memref<1x1x128x32xf32, #tpu.memory_space<vmem>>
    %dma_start3A_689 = tpu.memref_squeeze %dma_start3A_688 : memref<1x1x128x32xf32, #tpu.memory_space<vmem>> -> memref<128x32xf32, #tpu.memory_space<vmem>>
    %dma_start3A_690 = arith.constant 0 : i32
    %dma_start3A_691 = tpu.memref_slice %arg8[%dma_start3A_682, %dma_start3A_683, %dma_start3A_690] : memref<2x4x128xi32, #tpu.memory_space<vmem>> -> memref<1x1x128xi32, #tpu.memory_space<vmem>>
    %dma_start3A_692 = tpu.memref_squeeze %dma_start3A_691 : memref<1x1x128xi32, #tpu.memory_space<vmem>> -> memref<128xi32, #tpu.memory_space<vmem>>
    %dma_start3A_693 = arith.constant 0 : i32
    %dma_start3A_694 = arith.constant 0 : i32
    %dma_start3A_695 = tpu.memref_slice %arg4[%dma_start3A_693, %dma_start3A_694] : memref<400000x32xf32, #tpu.memory_space<hbm>> -> memref<400000x32xf32, #tpu.memory_space<hbm>>
    tpu.enqueue_indirect_dma source(%dma_start3A_695 : memref<400000x32xf32, #tpu.memory_space<hbm>>) target(%dma_start3A_689 : memref<128x32xf32, #tpu.memory_space<vmem>>) offsets(%dma_start3A_692 : memref<128xi32, #tpu.memory_space<vmem>>) semaphore(%arg16 : memref<!tpu.dma_semaphore, #tpu.memory_space<semaphore_mem>>)
    %dma_start3A_696 = arith.constant 2 : i32
    %dma_start3A_697 = arith.constant 0 : i32
    %dma_start3A_698 = arith.constant 2 : i32
    %dma_start3A_699 = arith.constant 0 : i32
    %dma_start3A_700 = arith.constant 2 : i32
    %dma_start3A_701 = arith.constant 0 : i32
    %dma_start3A_702 = arith.constant 0 : i32
    %dma_start3A_703 = tpu.memref_slice %arg11[%dma_start3A_699, %dma_start3A_700, %dma_start3A_701, %dma_start3A_702] : memref<2x4x128x32xf32, #tpu.memory_space<vmem>> -> memref<1x1x128x32xf32, #tpu.memory_space<vmem>>
    %dma_start3A_704 = tpu.memref_squeeze %dma_start3A_703 : memref<1x1x128x32xf32, #tpu.memory_space<vmem>> -> memref<128x32xf32, #tpu.memory_space<vmem>>
    %dma_start3A_705 = arith.constant 0 : i32
    %dma_start3A_706 = tpu.memref_slice %arg9[%dma_start3A_697, %dma_start3A_698, %dma_start3A_705] : memref<2x4x128xi32, #tpu.memory_space<vmem>> -> memref<1x1x128xi32, #tpu.memory_space<vmem>>
    %dma_start3A_707 = tpu.memref_squeeze %dma_start3A_706 : memref<1x1x128xi32, #tpu.memory_space<vmem>> -> memref<128xi32, #tpu.memory_space<vmem>>
    %dma_start3A_708 = arith.constant 0 : i32
    %dma_start3A_709 = arith.constant 0 : i32
    %dma_start3A_710 = tpu.memref_slice %arg5[%dma_start3A_696, %dma_start3A_708, %dma_start3A_709] : memref<4x512x32xf32, #tpu.memory_space<hbm>> -> memref<1x512x32xf32, #tpu.memory_space<hbm>>
    %dma_start3A_711 = tpu.memref_squeeze %dma_start3A_710 : memref<1x512x32xf32, #tpu.memory_space<hbm>> -> memref<512x32xf32, #tpu.memory_space<hbm>>
    %dma_start3A_712 = arith.constant 0 : i32
    %dma_start3A_713 = arith.constant 0 : i32
    %dma_start3A_714 = tpu.memref_slice %dma_start3A_711[%dma_start3A_712, %dma_start3A_713] : memref<512x32xf32, #tpu.memory_space<hbm>> -> memref<512x32xf32, #tpu.memory_space<hbm>>
    tpu.enqueue_indirect_dma source(%dma_start3A_714 : memref<512x32xf32, #tpu.memory_space<hbm>>) target(%dma_start3A_704 : memref<128x32xf32, #tpu.memory_space<vmem>>) offsets(%dma_start3A_707 : memref<128xi32, #tpu.memory_space<vmem>>) semaphore(%arg16 : memref<!tpu.dma_semaphore, #tpu.memory_space<semaphore_mem>>)
    %dma_start3A_715 = arith.constant 0 : i32
    %dma_start3A_716 = arith.constant 3 : i32
    %dma_start3A_717 = arith.constant 0 : i32
    %dma_start3A_718 = arith.constant 3 : i32
    %dma_start3A_719 = arith.constant 0 : i32
    %dma_start3A_720 = arith.constant 0 : i32
    %dma_start3A_721 = tpu.memref_slice %arg10[%dma_start3A_717, %dma_start3A_718, %dma_start3A_719, %dma_start3A_720] : memref<2x4x128x32xf32, #tpu.memory_space<vmem>> -> memref<1x1x128x32xf32, #tpu.memory_space<vmem>>
    %dma_start3A_722 = tpu.memref_squeeze %dma_start3A_721 : memref<1x1x128x32xf32, #tpu.memory_space<vmem>> -> memref<128x32xf32, #tpu.memory_space<vmem>>
    %dma_start3A_723 = arith.constant 0 : i32
    %dma_start3A_724 = tpu.memref_slice %arg8[%dma_start3A_715, %dma_start3A_716, %dma_start3A_723] : memref<2x4x128xi32, #tpu.memory_space<vmem>> -> memref<1x1x128xi32, #tpu.memory_space<vmem>>
    %dma_start3A_725 = tpu.memref_squeeze %dma_start3A_724 : memref<1x1x128xi32, #tpu.memory_space<vmem>> -> memref<128xi32, #tpu.memory_space<vmem>>
    %dma_start3A_726 = arith.constant 0 : i32
    %dma_start3A_727 = arith.constant 0 : i32
    %dma_start3A_728 = tpu.memref_slice %arg4[%dma_start3A_726, %dma_start3A_727] : memref<400000x32xf32, #tpu.memory_space<hbm>> -> memref<400000x32xf32, #tpu.memory_space<hbm>>
    tpu.enqueue_indirect_dma source(%dma_start3A_728 : memref<400000x32xf32, #tpu.memory_space<hbm>>) target(%dma_start3A_722 : memref<128x32xf32, #tpu.memory_space<vmem>>) offsets(%dma_start3A_725 : memref<128xi32, #tpu.memory_space<vmem>>) semaphore(%arg16 : memref<!tpu.dma_semaphore, #tpu.memory_space<semaphore_mem>>)
    %dma_start3A_729 = arith.constant 3 : i32
    %dma_start3A_730 = arith.constant 0 : i32
    %dma_start3A_731 = arith.constant 3 : i32
    %dma_start3A_732 = arith.constant 0 : i32
    %dma_start3A_733 = arith.constant 3 : i32
    %dma_start3A_734 = arith.constant 0 : i32
    %dma_start3A_735 = arith.constant 0 : i32
    %dma_start3A_736 = tpu.memref_slice %arg11[%dma_start3A_732, %dma_start3A_733, %dma_start3A_734, %dma_start3A_735] : memref<2x4x128x32xf32, #tpu.memory_space<vmem>> -> memref<1x1x128x32xf32, #tpu.memory_space<vmem>>
    %dma_start3A_737 = tpu.memref_squeeze %dma_start3A_736 : memref<1x1x128x32xf32, #tpu.memory_space<vmem>> -> memref<128x32xf32, #tpu.memory_space<vmem>>
    %dma_start3A_738 = arith.constant 0 : i32
    %dma_start3A_739 = tpu.memref_slice %arg9[%dma_start3A_730, %dma_start3A_731, %dma_start3A_738] : memref<2x4x128xi32, #tpu.memory_space<vmem>> -> memref<1x1x128xi32, #tpu.memory_space<vmem>>
    %dma_start3A_740 = tpu.memref_squeeze %dma_start3A_739 : memref<1x1x128xi32, #tpu.memory_space<vmem>> -> memref<128xi32, #tpu.memory_space<vmem>>
    %dma_start3A_741 = arith.constant 0 : i32
    %dma_start3A_742 = arith.constant 0 : i32
    %dma_start3A_743 = tpu.memref_slice %arg5[%dma_start3A_729, %dma_start3A_741, %dma_start3A_742] : memref<4x512x32xf32, #tpu.memory_space<hbm>> -> memref<1x512x32xf32, #tpu.memory_space<hbm>>
    %dma_start3A_744 = tpu.memref_squeeze %dma_start3A_743 : memref<1x512x32xf32, #tpu.memory_space<hbm>> -> memref<512x32xf32, #tpu.memory_space<hbm>>
    %dma_start3A_745 = arith.constant 0 : i32
    %dma_start3A_746 = arith.constant 0 : i32
    %dma_start3A_747 = tpu.memref_slice %dma_start3A_744[%dma_start3A_745, %dma_start3A_746] : memref<512x32xf32, #tpu.memory_space<hbm>> -> memref<512x32xf32, #tpu.memory_space<hbm>>
    tpu.enqueue_indirect_dma source(%dma_start3A_747 : memref<512x32xf32, #tpu.memory_space<hbm>>) target(%dma_start3A_737 : memref<128x32xf32, #tpu.memory_space<vmem>>) offsets(%dma_start3A_740 : memref<128xi32, #tpu.memory_space<vmem>>) semaphore(%arg16 : memref<!tpu.dma_semaphore, #tpu.memory_space<semaphore_mem>>)
    %scan3A = arith.constant 0 : i32
    %scan3A_748 = arith.constant 0 : i32
    %scan3A_749 = arith.constant 25 : i32
    %scan3A_750 = arith.addi %scan3A_748, %scan3A_749 : i32
    %scan3A_751 = arith.constant 1 : i32
    scf.for %scan3A_1143 = %scan3A_748 to %scan3A_750 step %scan3A_751  : i32 {
      %mul3A_1144 = arith.constant 2 : i32
      %mul3A_1145 = arith.muli %mul3A_1144, %scan3A_1143 : i32
      %add3A_1146 = arith.addi %mul3A_2, %mul3A_1145 : i32
      %add3A_1147 = arith.constant 0 : i32
      %add3A_1148 = arith.addi %add3A_1146, %add3A_1147 : i32
      %dma_wait3A_1149 = arith.constant 0 : i32
      %dma_wait3A_1150 = arith.constant 0 : i32
      %dma_wait3A_1151 = arith.constant 0 : i32
      %dma_wait3A_1152 = arith.constant 0 : i32
      %dma_wait3A_1153 = tpu.memref_slice %arg10[%dma_wait3A_1149, %dma_wait3A_1150, %dma_wait3A_1151, %dma_wait3A_1152] : memref<2x4x128x32xf32, #tpu.memory_space<vmem>> -> memref<1x1x128x32xf32, #tpu.memory_space<vmem>>
      %dma_wait3A_1154 = tpu.memref_squeeze %dma_wait3A_1153 : memref<1x1x128x32xf32, #tpu.memory_space<vmem>> -> memref<128x32xf32, #tpu.memory_space<vmem>>
      %dma_wait3A_1155 = arith.constant 0 : i32
      %dma_wait3A_1156 = arith.constant 0 : i32
      %dma_wait3A_1157 = tpu.memref_slice %arg4[%dma_wait3A_1155, %dma_wait3A_1156] : memref<400000x32xf32, #tpu.memory_space<hbm>> -> memref<128x32xf32, #tpu.memory_space<hbm>>
      %dma_wait3A_1158 = arith.constant 0 : i32
      %dma_wait3A_1159 = arith.constant 0 : i32
      %dma_wait3A_1160 = tpu.memref_slice %arg10[%dma_wait3A_1149, %dma_wait3A_1150, %dma_wait3A_1158, %dma_wait3A_1159] : memref<2x4x128x32xf32, #tpu.memory_space<vmem>> -> memref<1x1x128x32xf32, #tpu.memory_space<vmem>>
      %dma_wait3A_1161 = tpu.memref_squeeze %dma_wait3A_1160 : memref<1x1x128x32xf32, #tpu.memory_space<vmem>> -> memref<128x32xf32, #tpu.memory_space<vmem>>
      %dma_wait3A_1162 = arith.constant 0 : i32
      %dma_wait3A_1163 = arith.constant 0 : i32
      %dma_wait3A_1164 = tpu.memref_slice %arg4[%dma_wait3A_1162, %dma_wait3A_1163] : memref<400000x32xf32, #tpu.memory_space<hbm>> -> memref<128x32xf32, #tpu.memory_space<hbm>>
      tpu.wait_dma2 semaphore(%arg16 : memref<!tpu.dma_semaphore, #tpu.memory_space<semaphore_mem>>) src(%dma_wait3A_1164 : memref<128x32xf32, #tpu.memory_space<hbm>>) dst(%dma_wait3A_1161 : memref<128x32xf32, #tpu.memory_space<vmem>>)
      %dma_wait3A_1165 = arith.constant 0 : i32
      %dma_wait3A_1166 = arith.constant 0 : i32
      %dma_wait3A_1167 = arith.constant 0 : i32
      %dma_wait3A_1168 = arith.constant 0 : i32
      %dma_wait3A_1169 = tpu.memref_slice %arg11[%dma_wait3A_1165, %dma_wait3A_1166, %dma_wait3A_1167, %dma_wait3A_1168] : memref<2x4x128x32xf32, #tpu.memory_space<vmem>> -> memref<1x1x128x32xf32, #tpu.memory_space<vmem>>
      %dma_wait3A_1170 = tpu.memref_squeeze %dma_wait3A_1169 : memref<1x1x128x32xf32, #tpu.memory_space<vmem>> -> memref<128x32xf32, #tpu.memory_space<vmem>>
      %dma_wait3A_1171 = arith.constant 0 : i32
      %dma_wait3A_1172 = arith.constant 0 : i32
      %dma_wait3A_1173 = tpu.memref_slice %arg4[%dma_wait3A_1171, %dma_wait3A_1172] : memref<400000x32xf32, #tpu.memory_space<hbm>> -> memref<128x32xf32, #tpu.memory_space<hbm>>
      %dma_wait3A_1174 = arith.constant 0 : i32
      %dma_wait3A_1175 = arith.constant 0 : i32
      %dma_wait3A_1176 = tpu.memref_slice %arg11[%dma_wait3A_1165, %dma_wait3A_1166, %dma_wait3A_1174, %dma_wait3A_1175] : memref<2x4x128x32xf32, #tpu.memory_space<vmem>> -> memref<1x1x128x32xf32, #tpu.memory_space<vmem>>
      %dma_wait3A_1177 = tpu.memref_squeeze %dma_wait3A_1176 : memref<1x1x128x32xf32, #tpu.memory_space<vmem>> -> memref<128x32xf32, #tpu.memory_space<vmem>>
      %dma_wait3A_1178 = arith.constant 0 : i32
      %dma_wait3A_1179 = arith.constant 0 : i32
      %dma_wait3A_1180 = tpu.memref_slice %arg4[%dma_wait3A_1178, %dma_wait3A_1179] : memref<400000x32xf32, #tpu.memory_space<hbm>> -> memref<128x32xf32, #tpu.memory_space<hbm>>
      tpu.wait_dma2 semaphore(%arg16 : memref<!tpu.dma_semaphore, #tpu.memory_space<semaphore_mem>>) src(%dma_wait3A_1180 : memref<128x32xf32, #tpu.memory_space<hbm>>) dst(%dma_wait3A_1177 : memref<128x32xf32, #tpu.memory_space<vmem>>)
      %dma_wait3A_1181 = arith.constant 0 : i32
      %dma_wait3A_1182 = arith.constant 1 : i32
      %dma_wait3A_1183 = arith.constant 0 : i32
      %dma_wait3A_1184 = arith.constant 0 : i32
      %dma_wait3A_1185 = tpu.memref_slice %arg10[%dma_wait3A_1181, %dma_wait3A_1182, %dma_wait3A_1183, %dma_wait3A_1184] : memref<2x4x128x32xf32, #tpu.memory_space<vmem>> -> memref<1x1x128x32xf32, #tpu.memory_space<vmem>>
      %dma_wait3A_1186 = tpu.memref_squeeze %dma_wait3A_1185 : memref<1x1x128x32xf32, #tpu.memory_space<vmem>> -> memref<128x32xf32, #tpu.memory_space<vmem>>
      %dma_wait3A_1187 = arith.constant 0 : i32
      %dma_wait3A_1188 = arith.constant 0 : i32
      %dma_wait3A_1189 = tpu.memref_slice %arg4[%dma_wait3A_1187, %dma_wait3A_1188] : memref<400000x32xf32, #tpu.memory_space<hbm>> -> memref<128x32xf32, #tpu.memory_space<hbm>>
      %dma_wait3A_1190 = arith.constant 0 : i32
      %dma_wait3A_1191 = arith.constant 0 : i32
      %dma_wait3A_1192 = tpu.memref_slice %arg10[%dma_wait3A_1181, %dma_wait3A_1182, %dma_wait3A_1190, %dma_wait3A_1191] : memref<2x4x128x32xf32, #tpu.memory_space<vmem>> -> memref<1x1x128x32xf32, #tpu.memory_space<vmem>>
      %dma_wait3A_1193 = tpu.memref_squeeze %dma_wait3A_1192 : memref<1x1x128x32xf32, #tpu.memory_space<vmem>> -> memref<128x32xf32, #tpu.memory_space<vmem>>
      %dma_wait3A_1194 = arith.constant 0 : i32
      %dma_wait3A_1195 = arith.constant 0 : i32
      %dma_wait3A_1196 = tpu.memref_slice %arg4[%dma_wait3A_1194, %dma_wait3A_1195] : memref<400000x32xf32, #tpu.memory_space<hbm>> -> memref<128x32xf32, #tpu.memory_space<hbm>>
      tpu.wait_dma2 semaphore(%arg16 : memref<!tpu.dma_semaphore, #tpu.memory_space<semaphore_mem>>) src(%dma_wait3A_1196 : memref<128x32xf32, #tpu.memory_space<hbm>>) dst(%dma_wait3A_1193 : memref<128x32xf32, #tpu.memory_space<vmem>>)
      %dma_wait3A_1197 = arith.constant 0 : i32
      %dma_wait3A_1198 = arith.constant 1 : i32
      %dma_wait3A_1199 = arith.constant 0 : i32
      %dma_wait3A_1200 = arith.constant 0 : i32
      %dma_wait3A_1201 = tpu.memref_slice %arg11[%dma_wait3A_1197, %dma_wait3A_1198, %dma_wait3A_1199, %dma_wait3A_1200] : memref<2x4x128x32xf32, #tpu.memory_space<vmem>> -> memref<1x1x128x32xf32, #tpu.memory_space<vmem>>
      %dma_wait3A_1202 = tpu.memref_squeeze %dma_wait3A_1201 : memref<1x1x128x32xf32, #tpu.memory_space<vmem>> -> memref<128x32xf32, #tpu.memory_space<vmem>>
      %dma_wait3A_1203 = arith.constant 0 : i32
      %dma_wait3A_1204 = arith.constant 0 : i32
      %dma_wait3A_1205 = tpu.memref_slice %arg4[%dma_wait3A_1203, %dma_wait3A_1204] : memref<400000x32xf32, #tpu.memory_space<hbm>> -> memref<128x32xf32, #tpu.memory_space<hbm>>
      %dma_wait3A_1206 = arith.constant 0 : i32
      %dma_wait3A_1207 = arith.constant 0 : i32
      %dma_wait3A_1208 = tpu.memref_slice %arg11[%dma_wait3A_1197, %dma_wait3A_1198, %dma_wait3A_1206, %dma_wait3A_1207] : memref<2x4x128x32xf32, #tpu.memory_space<vmem>> -> memref<1x1x128x32xf32, #tpu.memory_space<vmem>>
      %dma_wait3A_1209 = tpu.memref_squeeze %dma_wait3A_1208 : memref<1x1x128x32xf32, #tpu.memory_space<vmem>> -> memref<128x32xf32, #tpu.memory_space<vmem>>
      %dma_wait3A_1210 = arith.constant 0 : i32
      %dma_wait3A_1211 = arith.constant 0 : i32
      %dma_wait3A_1212 = tpu.memref_slice %arg4[%dma_wait3A_1210, %dma_wait3A_1211] : memref<400000x32xf32, #tpu.memory_space<hbm>> -> memref<128x32xf32, #tpu.memory_space<hbm>>
      tpu.wait_dma2 semaphore(%arg16 : memref<!tpu.dma_semaphore, #tpu.memory_space<semaphore_mem>>) src(%dma_wait3A_1212 : memref<128x32xf32, #tpu.memory_space<hbm>>) dst(%dma_wait3A_1209 : memref<128x32xf32, #tpu.memory_space<vmem>>)
      %dma_wait3A_1213 = arith.constant 0 : i32
      %dma_wait3A_1214 = arith.constant 2 : i32
      %dma_wait3A_1215 = arith.constant 0 : i32
      %dma_wait3A_1216 = arith.constant 0 : i32
      %dma_wait3A_1217 = tpu.memref_slice %arg10[%dma_wait3A_1213, %dma_wait3A_1214, %dma_wait3A_1215, %dma_wait3A_1216] : memref<2x4x128x32xf32, #tpu.memory_space<vmem>> -> memref<1x1x128x32xf32, #tpu.memory_space<vmem>>
      %dma_wait3A_1218 = tpu.memref_squeeze %dma_wait3A_1217 : memref<1x1x128x32xf32, #tpu.memory_space<vmem>> -> memref<128x32xf32, #tpu.memory_space<vmem>>
      %dma_wait3A_1219 = arith.constant 0 : i32
      %dma_wait3A_1220 = arith.constant 0 : i32
      %dma_wait3A_1221 = tpu.memref_slice %arg4[%dma_wait3A_1219, %dma_wait3A_1220] : memref<400000x32xf32, #tpu.memory_space<hbm>> -> memref<128x32xf32, #tpu.memory_space<hbm>>
      %dma_wait3A_1222 = arith.constant 0 : i32
      %dma_wait3A_1223 = arith.constant 0 : i32
      %dma_wait3A_1224 = tpu.memref_slice %arg10[%dma_wait3A_1213, %dma_wait3A_1214, %dma_wait3A_1222, %dma_wait3A_1223] : memref<2x4x128x32xf32, #tpu.memory_space<vmem>> -> memref<1x1x128x32xf32, #tpu.memory_space<vmem>>
      %dma_wait3A_1225 = tpu.memref_squeeze %dma_wait3A_1224 : memref<1x1x128x32xf32, #tpu.memory_space<vmem>> -> memref<128x32xf32, #tpu.memory_space<vmem>>
      %dma_wait3A_1226 = arith.constant 0 : i32
      %dma_wait3A_1227 = arith.constant 0 : i32
      %dma_wait3A_1228 = tpu.memref_slice %arg4[%dma_wait3A_1226, %dma_wait3A_1227] : memref<400000x32xf32, #tpu.memory_space<hbm>> -> memref<128x32xf32, #tpu.memory_space<hbm>>
      tpu.wait_dma2 semaphore(%arg16 : memref<!tpu.dma_semaphore, #tpu.memory_space<semaphore_mem>>) src(%dma_wait3A_1228 : memref<128x32xf32, #tpu.memory_space<hbm>>) dst(%dma_wait3A_1225 : memref<128x32xf32, #tpu.memory_space<vmem>>)
      %dma_wait3A_1229 = arith.constant 0 : i32
      %dma_wait3A_1230 = arith.constant 2 : i32
      %dma_wait3A_1231 = arith.constant 0 : i32
      %dma_wait3A_1232 = arith.constant 0 : i32
      %dma_wait3A_1233 = tpu.memref_slice %arg11[%dma_wait3A_1229, %dma_wait3A_1230, %dma_wait3A_1231, %dma_wait3A_1232] : memref<2x4x128x32xf32, #tpu.memory_space<vmem>> -> memref<1x1x128x32xf32, #tpu.memory_space<vmem>>
      %dma_wait3A_1234 = tpu.memref_squeeze %dma_wait3A_1233 : memref<1x1x128x32xf32, #tpu.memory_space<vmem>> -> memref<128x32xf32, #tpu.memory_space<vmem>>
      %dma_wait3A_1235 = arith.constant 0 : i32
      %dma_wait3A_1236 = arith.constant 0 : i32
      %dma_wait3A_1237 = tpu.memref_slice %arg4[%dma_wait3A_1235, %dma_wait3A_1236] : memref<400000x32xf32, #tpu.memory_space<hbm>> -> memref<128x32xf32, #tpu.memory_space<hbm>>
      %dma_wait3A_1238 = arith.constant 0 : i32
      %dma_wait3A_1239 = arith.constant 0 : i32
      %dma_wait3A_1240 = tpu.memref_slice %arg11[%dma_wait3A_1229, %dma_wait3A_1230, %dma_wait3A_1238, %dma_wait3A_1239] : memref<2x4x128x32xf32, #tpu.memory_space<vmem>> -> memref<1x1x128x32xf32, #tpu.memory_space<vmem>>
      %dma_wait3A_1241 = tpu.memref_squeeze %dma_wait3A_1240 : memref<1x1x128x32xf32, #tpu.memory_space<vmem>> -> memref<128x32xf32, #tpu.memory_space<vmem>>
      %dma_wait3A_1242 = arith.constant 0 : i32
      %dma_wait3A_1243 = arith.constant 0 : i32
      %dma_wait3A_1244 = tpu.memref_slice %arg4[%dma_wait3A_1242, %dma_wait3A_1243] : memref<400000x32xf32, #tpu.memory_space<hbm>> -> memref<128x32xf32, #tpu.memory_space<hbm>>
      tpu.wait_dma2 semaphore(%arg16 : memref<!tpu.dma_semaphore, #tpu.memory_space<semaphore_mem>>) src(%dma_wait3A_1244 : memref<128x32xf32, #tpu.memory_space<hbm>>) dst(%dma_wait3A_1241 : memref<128x32xf32, #tpu.memory_space<vmem>>)
      %dma_wait3A_1245 = arith.constant 0 : i32
      %dma_wait3A_1246 = arith.constant 3 : i32
      %dma_wait3A_1247 = arith.constant 0 : i32
      %dma_wait3A_1248 = arith.constant 0 : i32
      %dma_wait3A_1249 = tpu.memref_slice %arg10[%dma_wait3A_1245, %dma_wait3A_1246, %dma_wait3A_1247, %dma_wait3A_1248] : memref<2x4x128x32xf32, #tpu.memory_space<vmem>> -> memref<1x1x128x32xf32, #tpu.memory_space<vmem>>
      %dma_wait3A_1250 = tpu.memref_squeeze %dma_wait3A_1249 : memref<1x1x128x32xf32, #tpu.memory_space<vmem>> -> memref<128x32xf32, #tpu.memory_space<vmem>>
      %dma_wait3A_1251 = arith.constant 0 : i32
      %dma_wait3A_1252 = arith.constant 0 : i32
      %dma_wait3A_1253 = tpu.memref_slice %arg4[%dma_wait3A_1251, %dma_wait3A_1252] : memref<400000x32xf32, #tpu.memory_space<hbm>> -> memref<128x32xf32, #tpu.memory_space<hbm>>
      %dma_wait3A_1254 = arith.constant 0 : i32
      %dma_wait3A_1255 = arith.constant 0 : i32
      %dma_wait3A_1256 = tpu.memref_slice %arg10[%dma_wait3A_1245, %dma_wait3A_1246, %dma_wait3A_1254, %dma_wait3A_1255] : memref<2x4x128x32xf32, #tpu.memory_space<vmem>> -> memref<1x1x128x32xf32, #tpu.memory_space<vmem>>
      %dma_wait3A_1257 = tpu.memref_squeeze %dma_wait3A_1256 : memref<1x1x128x32xf32, #tpu.memory_space<vmem>> -> memref<128x32xf32, #tpu.memory_space<vmem>>
      %dma_wait3A_1258 = arith.constant 0 : i32
      %dma_wait3A_1259 = arith.constant 0 : i32
      %dma_wait3A_1260 = tpu.memref_slice %arg4[%dma_wait3A_1258, %dma_wait3A_1259] : memref<400000x32xf32, #tpu.memory_space<hbm>> -> memref<128x32xf32, #tpu.memory_space<hbm>>
      tpu.wait_dma2 semaphore(%arg16 : memref<!tpu.dma_semaphore, #tpu.memory_space<semaphore_mem>>) src(%dma_wait3A_1260 : memref<128x32xf32, #tpu.memory_space<hbm>>) dst(%dma_wait3A_1257 : memref<128x32xf32, #tpu.memory_space<vmem>>)
      %dma_wait3A_1261 = arith.constant 0 : i32
      %dma_wait3A_1262 = arith.constant 3 : i32
      %dma_wait3A_1263 = arith.constant 0 : i32
      %dma_wait3A_1264 = arith.constant 0 : i32
      %dma_wait3A_1265 = tpu.memref_slice %arg11[%dma_wait3A_1261, %dma_wait3A_1262, %dma_wait3A_1263, %dma_wait3A_1264] : memref<2x4x128x32xf32, #tpu.memory_space<vmem>> -> memref<1x1x128x32xf32, #tpu.memory_space<vmem>>
      %dma_wait3A_1266 = tpu.memref_squeeze %dma_wait3A_1265 : memref<1x1x128x32xf32, #tpu.memory_space<vmem>> -> memref<128x32xf32, #tpu.memory_space<vmem>>
      %dma_wait3A_1267 = arith.constant 0 : i32
      %dma_wait3A_1268 = arith.constant 0 : i32
      %dma_wait3A_1269 = tpu.memref_slice %arg4[%dma_wait3A_1267, %dma_wait3A_1268] : memref<400000x32xf32, #tpu.memory_space<hbm>> -> memref<128x32xf32, #tpu.memory_space<hbm>>
      %dma_wait3A_1270 = arith.constant 0 : i32
      %dma_wait3A_1271 = arith.constant 0 : i32
      %dma_wait3A_1272 = tpu.memref_slice %arg11[%dma_wait3A_1261, %dma_wait3A_1262, %dma_wait3A_1270, %dma_wait3A_1271] : memref<2x4x128x32xf32, #tpu.memory_space<vmem>> -> memref<1x1x128x32xf32, #tpu.memory_space<vmem>>
      %dma_wait3A_1273 = tpu.memref_squeeze %dma_wait3A_1272 : memref<1x1x128x32xf32, #tpu.memory_space<vmem>> -> memref<128x32xf32, #tpu.memory_space<vmem>>
      %dma_wait3A_1274 = arith.constant 0 : i32
      %dma_wait3A_1275 = arith.constant 0 : i32
      %dma_wait3A_1276 = tpu.memref_slice %arg4[%dma_wait3A_1274, %dma_wait3A_1275] : memref<400000x32xf32, #tpu.memory_space<hbm>> -> memref<128x32xf32, #tpu.memory_space<hbm>>
      tpu.wait_dma2 semaphore(%arg16 : memref<!tpu.dma_semaphore, #tpu.memory_space<semaphore_mem>>) src(%dma_wait3A_1276 : memref<128x32xf32, #tpu.memory_space<hbm>>) dst(%dma_wait3A_1273 : memref<128x32xf32, #tpu.memory_space<vmem>>)
      %lt3A_1277 = arith.constant 24 : i32
      %lt3A_1278 = arith.cmpi slt, %scan3A_1143, %lt3A_1277 : i32
      %convert_element_type3A = arith.extui %lt3A_1278 : i1 to i32
      %cond3A = arith.constant 0 : i32
      %cond3A_1279 = arith.cmpi ne, %convert_element_type3A, %cond3A : i32
      scf.if %cond3A_1279 {
        %add3A_2351 = arith.constant 2 : i32
        %add3A_2352 = arith.addi %add3A_1148, %add3A_2351 : i32
        %jit3A_2353 = arith.constant 8 : i32
        %div3A_2354 = arith.divsi %add3A_2352, %jit3A_2353 : i32
        %sign3A_2355 = arith.constant 0 : i32
        %sign3A_2356 = arith.cmpi sgt, %add3A_2352, %sign3A_2355 : i32
        %sign3A_2357 = arith.extui %sign3A_2356 : i1 to i32
        %sign3A_2358 = arith.constant 0 : i32
        %sign3A_2359 = arith.cmpi slt, %add3A_2352, %sign3A_2358 : i32
        %sign3A_2360 = arith.extui %sign3A_2359 : i1 to i32
        %sign3A_2361 = arith.subi %sign3A_2357, %sign3A_2360 : i32
        %sign3A_2362 = arith.constant 0 : i32
        %sign3A_2363 = arith.cmpi sgt, %jit3A_2353, %sign3A_2362 : i32
        %sign3A_2364 = arith.extui %sign3A_2363 : i1 to i32
        %sign3A_2365 = arith.constant 0 : i32
        %sign3A_2366 = arith.cmpi slt, %jit3A_2353, %sign3A_2365 : i32
        %sign3A_2367 = arith.extui %sign3A_2366 : i1 to i32
        %sign3A_2368 = arith.subi %sign3A_2364, %sign3A_2367 : i32
        %ne3A_2369 = arith.cmpi ne, %sign3A_2361, %sign3A_2368 : i32
        %rem3A_2370 = arith.remsi %add3A_2352, %jit3A_2353 : i32
        %ne3A_2371 = arith.constant 0 : i32
        %ne3A_2372 = arith.cmpi ne, %rem3A_2370, %ne3A_2371 : i32
        %and3A_2373 = arith.andi %ne3A_2369, %ne3A_2372 : i1
        %sub3A_2374 = arith.constant 1 : i32
        %sub3A_2375 = arith.subi %div3A_2354, %sub3A_2374 : i32
        %select_n3A_2376 = arith.select %and3A_2373, %sub3A_2375, %div3A_2354 : i32
        %jit3A_2377 = arith.constant 8 : i32
        %eq3A_2378 = arith.constant 0 : i32
        %eq3A_2379 = arith.cmpi eq, %jit3A_2377, %eq3A_2378 : i32
        %jit3A_2380 = arith.constant 1 : i32
        %select_n3A_2381 = arith.select %eq3A_2379, %jit3A_2380, %jit3A_2377 : i32
        %rem3A_2382 = arith.remsi %add3A_2352, %select_n3A_2381 : i32
        %ne3A_2383 = arith.constant 0 : i32
        %ne3A_2384 = arith.cmpi ne, %rem3A_2382, %ne3A_2383 : i32
        %lt3A_2385 = arith.constant 0 : i32
        %lt3A_2386 = arith.cmpi slt, %rem3A_2382, %lt3A_2385 : i32
        %lt3A_2387 = arith.constant 0 : i32
        %lt3A_2388 = arith.cmpi slt, %select_n3A_2381, %lt3A_2387 : i32
        %ne3A_2389 = arith.xori %lt3A_2386, %lt3A_2388 : i1
        %and3A_2390 = arith.andi %ne3A_2389, %ne3A_2384 : i1
        %add3A_2391 = arith.addi %rem3A_2382, %select_n3A_2381 : i32
        %select_n3A_2392 = arith.select %and3A_2390, %add3A_2391, %rem3A_2382 : i32
        %dma_start3A_2393 = arith.constant 0 : i32
        %dma_start3A_2394 = arith.constant 0 : i32
        %dma_start3A_2395 = arith.constant 0 : i32
        %dma_start3A_2396 = tpu.memref_slice %arg8[%dma_start3A_2393, %dma_start3A_2394, %dma_start3A_2395] : memref<2x4x128xi32, #tpu.memory_space<vmem>> -> memref<1x4x128xi32, #tpu.memory_space<vmem>>
        %dma_start3A_2397 = tpu.memref_squeeze %dma_start3A_2396 : memref<1x4x128xi32, #tpu.memory_space<vmem>> -> memref<4x128xi32, #tpu.memory_space<vmem>>
        %dma_start3A_2398 = arith.constant 0 : i32
        %dma_start3A_2399 = arith.constant 0 : i32
        %dma_start3A_2400 = tpu.memref_slice %arg2[%select_n3A_2376, %select_n3A_2392, %dma_start3A_2398, %dma_start3A_2399] : memref<200x8x4x128xi32, #tpu.memory_space<hbm>> -> memref<1x1x4x128xi32, #tpu.memory_space<hbm>>
        %dma_start3A_2401 = tpu.memref_squeeze %dma_start3A_2400 : memref<1x1x4x128xi32, #tpu.memory_space<hbm>> -> memref<4x128xi32, #tpu.memory_space<hbm>>
        %dma_start3A_2402 = arith.constant 0 : i32
        %dma_start3A_2403 = arith.constant 0 : i32
        %dma_start3A_2404 = tpu.memref_slice %arg8[%dma_start3A_2393, %dma_start3A_2402, %dma_start3A_2403] : memref<2x4x128xi32, #tpu.memory_space<vmem>> -> memref<1x4x128xi32, #tpu.memory_space<vmem>>
        %dma_start3A_2405 = tpu.memref_squeeze %dma_start3A_2404 : memref<1x4x128xi32, #tpu.memory_space<vmem>> -> memref<4x128xi32, #tpu.memory_space<vmem>>
        %dma_start3A_2406 = arith.constant 0 : i32
        %dma_start3A_2407 = arith.constant 0 : i32
        %dma_start3A_2408 = tpu.memref_slice %arg2[%select_n3A_2376, %select_n3A_2392, %dma_start3A_2406, %dma_start3A_2407] : memref<200x8x4x128xi32, #tpu.memory_space<hbm>> -> memref<1x1x4x128xi32, #tpu.memory_space<hbm>>
        %dma_start3A_2409 = tpu.memref_squeeze %dma_start3A_2408 : memref<1x1x4x128xi32, #tpu.memory_space<hbm>> -> memref<4x128xi32, #tpu.memory_space<hbm>>
        tpu.enqueue_dma source(%dma_start3A_2409 : memref<4x128xi32, #tpu.memory_space<hbm>>) target(%dma_start3A_2405 : memref<4x128xi32, #tpu.memory_space<vmem>>) target_semaphore(%arg14 : memref<!tpu.dma_semaphore, #tpu.memory_space<semaphore_mem>>)
        %dma_start3A_2410 = arith.constant 0 : i32
        %dma_start3A_2411 = arith.constant 0 : i32
        %dma_start3A_2412 = arith.constant 0 : i32
        %dma_start3A_2413 = tpu.memref_slice %arg9[%dma_start3A_2410, %dma_start3A_2411, %dma_start3A_2412] : memref<2x4x128xi32, #tpu.memory_space<vmem>> -> memref<1x4x128xi32, #tpu.memory_space<vmem>>
        %dma_start3A_2414 = tpu.memref_squeeze %dma_start3A_2413 : memref<1x4x128xi32, #tpu.memory_space<vmem>> -> memref<4x128xi32, #tpu.memory_space<vmem>>
        %dma_start3A_2415 = arith.constant 0 : i32
        %dma_start3A_2416 = arith.constant 0 : i32
        %dma_start3A_2417 = tpu.memref_slice %arg3[%select_n3A_2376, %select_n3A_2392, %dma_start3A_2415, %dma_start3A_2416] : memref<200x8x4x128xi32, #tpu.memory_space<hbm>> -> memref<1x1x4x128xi32, #tpu.memory_space<hbm>>
        %dma_start3A_2418 = tpu.memref_squeeze %dma_start3A_2417 : memref<1x1x4x128xi32, #tpu.memory_space<hbm>> -> memref<4x128xi32, #tpu.memory_space<hbm>>
        %dma_start3A_2419 = arith.constant 0 : i32
        %dma_start3A_2420 = arith.constant 0 : i32
        %dma_start3A_2421 = tpu.memref_slice %arg9[%dma_start3A_2410, %dma_start3A_2419, %dma_start3A_2420] : memref<2x4x128xi32, #tpu.memory_space<vmem>> -> memref<1x4x128xi32, #tpu.memory_space<vmem>>
        %dma_start3A_2422 = tpu.memref_squeeze %dma_start3A_2421 : memref<1x4x128xi32, #tpu.memory_space<vmem>> -> memref<4x128xi32, #tpu.memory_space<vmem>>
        %dma_start3A_2423 = arith.constant 0 : i32
        %dma_start3A_2424 = arith.constant 0 : i32
        %dma_start3A_2425 = tpu.memref_slice %arg3[%select_n3A_2376, %select_n3A_2392, %dma_start3A_2423, %dma_start3A_2424] : memref<200x8x4x128xi32, #tpu.memory_space<hbm>> -> memref<1x1x4x128xi32, #tpu.memory_space<hbm>>
        %dma_start3A_2426 = tpu.memref_squeeze %dma_start3A_2425 : memref<1x1x4x128xi32, #tpu.memory_space<hbm>> -> memref<4x128xi32, #tpu.memory_space<hbm>>
        tpu.enqueue_dma source(%dma_start3A_2426 : memref<4x128xi32, #tpu.memory_space<hbm>>) target(%dma_start3A_2422 : memref<4x128xi32, #tpu.memory_space<vmem>>) target_semaphore(%arg14 : memref<!tpu.dma_semaphore, #tpu.memory_space<semaphore_mem>>)
      } else {
      }
      %dma_wait3A_1280 = arith.constant 0 : i32
      %dma_wait3A_1281 = arith.constant 0 : i32
      %dma_wait3A_1282 = arith.constant 1 : i32
      %dma_wait3A_1283 = arith.constant 0 : i32
      %dma_wait3A_1284 = arith.constant 0 : i32
      %dma_wait3A_1285 = tpu.memref_slice %arg8[%dma_wait3A_1282, %dma_wait3A_1283, %dma_wait3A_1284] : memref<2x4x128xi32, #tpu.memory_space<vmem>> -> memref<1x4x128xi32, #tpu.memory_space<vmem>>
      %dma_wait3A_1286 = tpu.memref_squeeze %dma_wait3A_1285 : memref<1x4x128xi32, #tpu.memory_space<vmem>> -> memref<4x128xi32, #tpu.memory_space<vmem>>
      %dma_wait3A_1287 = arith.constant 0 : i32
      %dma_wait3A_1288 = arith.constant 0 : i32
      %dma_wait3A_1289 = tpu.memref_slice %arg2[%dma_wait3A_1280, %dma_wait3A_1281, %dma_wait3A_1287, %dma_wait3A_1288] : memref<200x8x4x128xi32, #tpu.memory_space<hbm>> -> memref<1x1x4x128xi32, #tpu.memory_space<hbm>>
      %dma_wait3A_1290 = tpu.memref_squeeze %dma_wait3A_1289 : memref<1x1x4x128xi32, #tpu.memory_space<hbm>> -> memref<4x128xi32, #tpu.memory_space<hbm>>
      %dma_wait3A_1291 = arith.constant 0 : i32
      %dma_wait3A_1292 = arith.constant 0 : i32
      %dma_wait3A_1293 = tpu.memref_slice %arg8[%dma_wait3A_1282, %dma_wait3A_1291, %dma_wait3A_1292] : memref<2x4x128xi32, #tpu.memory_space<vmem>> -> memref<1x4x128xi32, #tpu.memory_space<vmem>>
      %dma_wait3A_1294 = tpu.memref_squeeze %dma_wait3A_1293 : memref<1x4x128xi32, #tpu.memory_space<vmem>> -> memref<4x128xi32, #tpu.memory_space<vmem>>
      %dma_wait3A_1295 = arith.constant 0 : i32
      %dma_wait3A_1296 = arith.constant 0 : i32
      %dma_wait3A_1297 = tpu.memref_slice %arg2[%dma_wait3A_1280, %dma_wait3A_1281, %dma_wait3A_1295, %dma_wait3A_1296] : memref<200x8x4x128xi32, #tpu.memory_space<hbm>> -> memref<1x1x4x128xi32, #tpu.memory_space<hbm>>
      %dma_wait3A_1298 = tpu.memref_squeeze %dma_wait3A_1297 : memref<1x1x4x128xi32, #tpu.memory_space<hbm>> -> memref<4x128xi32, #tpu.memory_space<hbm>>
      tpu.wait_dma2 semaphore(%arg15 : memref<!tpu.dma_semaphore, #tpu.memory_space<semaphore_mem>>) src(%dma_wait3A_1298 : memref<4x128xi32, #tpu.memory_space<hbm>>) dst(%dma_wait3A_1294 : memref<4x128xi32, #tpu.memory_space<vmem>>)
      %dma_wait3A_1299 = arith.constant 0 : i32
      %dma_wait3A_1300 = arith.constant 0 : i32
      %dma_wait3A_1301 = arith.constant 1 : i32
      %dma_wait3A_1302 = arith.constant 0 : i32
      %dma_wait3A_1303 = arith.constant 0 : i32
      %dma_wait3A_1304 = tpu.memref_slice %arg9[%dma_wait3A_1301, %dma_wait3A_1302, %dma_wait3A_1303] : memref<2x4x128xi32, #tpu.memory_space<vmem>> -> memref<1x4x128xi32, #tpu.memory_space<vmem>>
      %dma_wait3A_1305 = tpu.memref_squeeze %dma_wait3A_1304 : memref<1x4x128xi32, #tpu.memory_space<vmem>> -> memref<4x128xi32, #tpu.memory_space<vmem>>
      %dma_wait3A_1306 = arith.constant 0 : i32
      %dma_wait3A_1307 = arith.constant 0 : i32
      %dma_wait3A_1308 = tpu.memref_slice %arg3[%dma_wait3A_1299, %dma_wait3A_1300, %dma_wait3A_1306, %dma_wait3A_1307] : memref<200x8x4x128xi32, #tpu.memory_space<hbm>> -> memref<1x1x4x128xi32, #tpu.memory_space<hbm>>
      %dma_wait3A_1309 = tpu.memref_squeeze %dma_wait3A_1308 : memref<1x1x4x128xi32, #tpu.memory_space<hbm>> -> memref<4x128xi32, #tpu.memory_space<hbm>>
      %dma_wait3A_1310 = arith.constant 0 : i32
      %dma_wait3A_1311 = arith.constant 0 : i32
      %dma_wait3A_1312 = tpu.memref_slice %arg9[%dma_wait3A_1301, %dma_wait3A_1310, %dma_wait3A_1311] : memref<2x4x128xi32, #tpu.memory_space<vmem>> -> memref<1x4x128xi32, #tpu.memory_space<vmem>>
      %dma_wait3A_1313 = tpu.memref_squeeze %dma_wait3A_1312 : memref<1x4x128xi32, #tpu.memory_space<vmem>> -> memref<4x128xi32, #tpu.memory_space<vmem>>
      %dma_wait3A_1314 = arith.constant 0 : i32
      %dma_wait3A_1315 = arith.constant 0 : i32
      %dma_wait3A_1316 = tpu.memref_slice %arg3[%dma_wait3A_1299, %dma_wait3A_1300, %dma_wait3A_1314, %dma_wait3A_1315] : memref<200x8x4x128xi32, #tpu.memory_space<hbm>> -> memref<1x1x4x128xi32, #tpu.memory_space<hbm>>
      %dma_wait3A_1317 = tpu.memref_squeeze %dma_wait3A_1316 : memref<1x1x4x128xi32, #tpu.memory_space<hbm>> -> memref<4x128xi32, #tpu.memory_space<hbm>>
      tpu.wait_dma2 semaphore(%arg15 : memref<!tpu.dma_semaphore, #tpu.memory_space<semaphore_mem>>) src(%dma_wait3A_1317 : memref<4x128xi32, #tpu.memory_space<hbm>>) dst(%dma_wait3A_1313 : memref<4x128xi32, #tpu.memory_space<vmem>>)
      %get3A_1318 = arith.constant 1 : i32
      %get3A_1319 = arith.constant 1 : i32
      %get3A_1320 = arith.index_cast %get3A_1318 : i32 to index
      %get3A_1321 = arith.index_cast %get3A_1319 : i32 to index
      %get3A_1322 = arith.constant 0 : index
      %get3A_1323 = tpu.vector_load %arg8[%get3A_1320, %get3A_1321, %get3A_1322] {strides = array<i32>} : memref<2x4x128xi32, #tpu.memory_space<vmem>>, vector<16xi32>,
      %add3A_1324 = arith.constant 100000 : i32
      %add3A_1325 = vector.broadcast %add3A_1324 : i32 to vector<16xi32>
      %add3A_1326 = arith.addi %get3A_1323, %add3A_1325 : vector<16xi32>
      %swap3A_1327 = arith.constant 1 : i32
      %swap3A_1328 = arith.constant 1 : i32
      %swap3A_1329 = arith.index_cast %swap3A_1327 : i32 to index
      %swap3A_1330 = arith.index_cast %swap3A_1328 : i32 to index
      %swap3A_1331 = arith.constant 0 : index
      %swap3A_1332 = tpu.vector_load %arg8[%swap3A_1329, %swap3A_1330, %swap3A_1331] {strides = array<i32>} : memref<2x4x128xi32, #tpu.memory_space<vmem>>, vector<16xi32>,
      tpu.vector_store %arg8[%swap3A_1329, %swap3A_1330, %swap3A_1331], %add3A_1326 {strides = array<i32>} : memref<2x4x128xi32, #tpu.memory_space<vmem>>, vector<16xi32>,
      %get3A_1333 = arith.constant 1 : i32
      %get3A_1334 = arith.constant 1 : i32
      %get3A_1335 = arith.index_cast %get3A_1333 : i32 to index
      %get3A_1336 = arith.index_cast %get3A_1334 : i32 to index
      %get3A_1337 = arith.constant 16 : index
      %get3A_1338 = tpu.vector_load %arg8[%get3A_1335, %get3A_1336, %get3A_1337] {strides = array<i32>} : memref<2x4x128xi32, #tpu.memory_space<vmem>>, vector<16xi32>,
      %add3A_1339 = arith.constant 100000 : i32
      %add3A_1340 = vector.broadcast %add3A_1339 : i32 to vector<16xi32>
      %add3A_1341 = arith.addi %get3A_1338, %add3A_1340 : vector<16xi32>
      %swap3A_1342 = arith.constant 1 : i32
      %swap3A_1343 = arith.constant 1 : i32
      %swap3A_1344 = arith.index_cast %swap3A_1342 : i32 to index
      %swap3A_1345 = arith.index_cast %swap3A_1343 : i32 to index
      %swap3A_1346 = arith.constant 16 : index
      %swap3A_1347 = tpu.vector_load %arg8[%swap3A_1344, %swap3A_1345, %swap3A_1346] {strides = array<i32>} : memref<2x4x128xi32, #tpu.memory_space<vmem>>, vector<16xi32>,
      tpu.vector_store %arg8[%swap3A_1344, %swap3A_1345, %swap3A_1346], %add3A_1341 {strides = array<i32>} : memref<2x4x128xi32, #tpu.memory_space<vmem>>, vector<16xi32>,
      %get3A_1348 = arith.constant 1 : i32
      %get3A_1349 = arith.constant 1 : i32
      %get3A_1350 = arith.index_cast %get3A_1348 : i32 to index
      %get3A_1351 = arith.index_cast %get3A_1349 : i32 to index
      %get3A_1352 = arith.constant 32 : index
      %get3A_1353 = tpu.vector_load %arg8[%get3A_1350, %get3A_1351, %get3A_1352] {strides = array<i32>} : memref<2x4x128xi32, #tpu.memory_space<vmem>>, vector<16xi32>,
      %add3A_1354 = arith.constant 100000 : i32
      %add3A_1355 = vector.broadcast %add3A_1354 : i32 to vector<16xi32>
      %add3A_1356 = arith.addi %get3A_1353, %add3A_1355 : vector<16xi32>
      %swap3A_1357 = arith.constant 1 : i32
      %swap3A_1358 = arith.constant 1 : i32
      %swap3A_1359 = arith.index_cast %swap3A_1357 : i32 to index
      %swap3A_1360 = arith.index_cast %swap3A_1358 : i32 to index
      %swap3A_1361 = arith.constant 32 : index
      %swap3A_1362 = tpu.vector_load %arg8[%swap3A_1359, %swap3A_1360, %swap3A_1361] {strides = array<i32>} : memref<2x4x128xi32, #tpu.memory_space<vmem>>, vector<16xi32>,
      tpu.vector_store %arg8[%swap3A_1359, %swap3A_1360, %swap3A_1361], %add3A_1356 {strides = array<i32>} : memref<2x4x128xi32, #tpu.memory_space<vmem>>, vector<16xi32>,
      %get3A_1363 = arith.constant 1 : i32
      %get3A_1364 = arith.constant 1 : i32
      %get3A_1365 = arith.index_cast %get3A_1363 : i32 to index
      %get3A_1366 = arith.index_cast %get3A_1364 : i32 to index
      %get3A_1367 = arith.constant 48 : index
      %get3A_1368 = tpu.vector_load %arg8[%get3A_1365, %get3A_1366, %get3A_1367] {strides = array<i32>} : memref<2x4x128xi32, #tpu.memory_space<vmem>>, vector<16xi32>,
      %add3A_1369 = arith.constant 100000 : i32
      %add3A_1370 = vector.broadcast %add3A_1369 : i32 to vector<16xi32>
      %add3A_1371 = arith.addi %get3A_1368, %add3A_1370 : vector<16xi32>
      %swap3A_1372 = arith.constant 1 : i32
      %swap3A_1373 = arith.constant 1 : i32
      %swap3A_1374 = arith.index_cast %swap3A_1372 : i32 to index
      %swap3A_1375 = arith.index_cast %swap3A_1373 : i32 to index
      %swap3A_1376 = arith.constant 48 : index
      %swap3A_1377 = tpu.vector_load %arg8[%swap3A_1374, %swap3A_1375, %swap3A_1376] {strides = array<i32>} : memref<2x4x128xi32, #tpu.memory_space<vmem>>, vector<16xi32>,
      tpu.vector_store %arg8[%swap3A_1374, %swap3A_1375, %swap3A_1376], %add3A_1371 {strides = array<i32>} : memref<2x4x128xi32, #tpu.memory_space<vmem>>, vector<16xi32>,
      %get3A_1378 = arith.constant 1 : i32
      %get3A_1379 = arith.constant 1 : i32
      %get3A_1380 = arith.index_cast %get3A_1378 : i32 to index
      %get3A_1381 = arith.index_cast %get3A_1379 : i32 to index
      %get3A_1382 = arith.constant 64 : index
      %get3A_1383 = tpu.vector_load %arg8[%get3A_1380, %get3A_1381, %get3A_1382] {strides = array<i32>} : memref<2x4x128xi32, #tpu.memory_space<vmem>>, vector<16xi32>,
      %add3A_1384 = arith.constant 100000 : i32
      %add3A_1385 = vector.broadcast %add3A_1384 : i32 to vector<16xi32>
      %add3A_1386 = arith.addi %get3A_1383, %add3A_1385 : vector<16xi32>
      %swap3A_1387 = arith.constant 1 : i32
      %swap3A_1388 = arith.constant 1 : i32
      %swap3A_1389 = arith.index_cast %swap3A_1387 : i32 to index
      %swap3A_1390 = arith.index_cast %swap3A_1388 : i32 to index
      %swap3A_1391 = arith.constant 64 : index
      %swap3A_1392 = tpu.vector_load %arg8[%swap3A_1389, %swap3A_1390, %swap3A_1391] {strides = array<i32>} : memref<2x4x128xi32, #tpu.memory_space<vmem>>, vector<16xi32>,
      tpu.vector_store %arg8[%swap3A_1389, %swap3A_1390, %swap3A_1391], %add3A_1386 {strides = array<i32>} : memref<2x4x128xi32, #tpu.memory_space<vmem>>, vector<16xi32>,
      %get3A_1393 = arith.constant 1 : i32
      %get3A_1394 = arith.constant 1 : i32
      %get3A_1395 = arith.index_cast %get3A_1393 : i32 to index
      %get3A_1396 = arith.index_cast %get3A_1394 : i32 to index
      %get3A_1397 = arith.constant 80 : index
      %get3A_1398 = tpu.vector_load %arg8[%get3A_1395, %get3A_1396, %get3A_1397] {strides = array<i32>} : memref<2x4x128xi32, #tpu.memory_space<vmem>>, vector<16xi32>,
      %add3A_1399 = arith.constant 100000 : i32
      %add3A_1400 = vector.broadcast %add3A_1399 : i32 to vector<16xi32>
      %add3A_1401 = arith.addi %get3A_1398, %add3A_1400 : vector<16xi32>
      %swap3A_1402 = arith.constant 1 : i32
      %swap3A_1403 = arith.constant 1 : i32
      %swap3A_1404 = arith.index_cast %swap3A_1402 : i32 to index
      %swap3A_1405 = arith.index_cast %swap3A_1403 : i32 to index
      %swap3A_1406 = arith.constant 80 : index
      %swap3A_1407 = tpu.vector_load %arg8[%swap3A_1404, %swap3A_1405, %swap3A_1406] {strides = array<i32>} : memref<2x4x128xi32, #tpu.memory_space<vmem>>, vector<16xi32>,
      tpu.vector_store %arg8[%swap3A_1404, %swap3A_1405, %swap3A_1406], %add3A_1401 {strides = array<i32>} : memref<2x4x128xi32, #tpu.memory_space<vmem>>, vector<16xi32>,
      %get3A_1408 = arith.constant 1 : i32
      %get3A_1409 = arith.constant 1 : i32
      %get3A_1410 = arith.index_cast %get3A_1408 : i32 to index
      %get3A_1411 = arith.index_cast %get3A_1409 : i32 to index
      %get3A_1412 = arith.constant 96 : index
      %get3A_1413 = tpu.vector_load %arg8[%get3A_1410, %get3A_1411, %get3A_1412] {strides = array<i32>} : memref<2x4x128xi32, #tpu.memory_space<vmem>>, vector<16xi32>,
      %add3A_1414 = arith.constant 100000 : i32
      %add3A_1415 = vector.broadcast %add3A_1414 : i32 to vector<16xi32>
      %add3A_1416 = arith.addi %get3A_1413, %add3A_1415 : vector<16xi32>
      %swap3A_1417 = arith.constant 1 : i32
      %swap3A_1418 = arith.constant 1 : i32
      %swap3A_1419 = arith.index_cast %swap3A_1417 : i32 to index
      %swap3A_1420 = arith.index_cast %swap3A_1418 : i32 to index
      %swap3A_1421 = arith.constant 96 : index
      %swap3A_1422 = tpu.vector_load %arg8[%swap3A_1419, %swap3A_1420, %swap3A_1421] {strides = array<i32>} : memref<2x4x128xi32, #tpu.memory_space<vmem>>, vector<16xi32>,
      tpu.vector_store %arg8[%swap3A_1419, %swap3A_1420, %swap3A_1421], %add3A_1416 {strides = array<i32>} : memref<2x4x128xi32, #tpu.memory_space<vmem>>, vector<16xi32>,
      %get3A_1423 = arith.constant 1 : i32
      %get3A_1424 = arith.constant 1 : i32
      %get3A_1425 = arith.index_cast %get3A_1423 : i32 to index
      %get3A_1426 = arith.index_cast %get3A_1424 : i32 to index
      %get3A_1427 = arith.constant 112 : index
      %get3A_1428 = tpu.vector_load %arg8[%get3A_1425, %get3A_1426, %get3A_1427] {strides = array<i32>} : memref<2x4x128xi32, #tpu.memory_space<vmem>>, vector<16xi32>,
      %add3A_1429 = arith.constant 100000 : i32
      %add3A_1430 = vector.broadcast %add3A_1429 : i32 to vector<16xi32>
      %add3A_1431 = arith.addi %get3A_1428, %add3A_1430 : vector<16xi32>
      %swap3A_1432 = arith.constant 1 : i32
      %swap3A_1433 = arith.constant 1 : i32
      %swap3A_1434 = arith.index_cast %swap3A_1432 : i32 to index
      %swap3A_1435 = arith.index_cast %swap3A_1433 : i32 to index
      %swap3A_1436 = arith.constant 112 : index
      %swap3A_1437 = tpu.vector_load %arg8[%swap3A_1434, %swap3A_1435, %swap3A_1436] {strides = array<i32>} : memref<2x4x128xi32, #tpu.memory_space<vmem>>, vector<16xi32>,
      tpu.vector_store %arg8[%swap3A_1434, %swap3A_1435, %swap3A_1436], %add3A_1431 {strides = array<i32>} : memref<2x4x128xi32, #tpu.memory_space<vmem>>, vector<16xi32>,
      %get3A_1438 = arith.constant 1 : i32
      %get3A_1439 = arith.constant 2 : i32
      %get3A_1440 = arith.index_cast %get3A_1438 : i32 to index
      %get3A_1441 = arith.index_cast %get3A_1439 : i32 to index
      %get3A_1442 = arith.constant 0 : index
      %get3A_1443 = tpu.vector_load %arg8[%get3A_1440, %get3A_1441, %get3A_1442] {strides = array<i32>} : memref<2x4x128xi32, #tpu.memory_space<vmem>>, vector<16xi32>,
      %add3A_1444 = arith.constant 200000 : i32
      %add3A_1445 = vector.broadcast %add3A_1444 : i32 to vector<16xi32>
      %add3A_1446 = arith.addi %get3A_1443, %add3A_1445 : vector<16xi32>
      %swap3A_1447 = arith.constant 1 : i32
      %swap3A_1448 = arith.constant 2 : i32
      %swap3A_1449 = arith.index_cast %swap3A_1447 : i32 to index
      %swap3A_1450 = arith.index_cast %swap3A_1448 : i32 to index
      %swap3A_1451 = arith.constant 0 : index
      %swap3A_1452 = tpu.vector_load %arg8[%swap3A_1449, %swap3A_1450, %swap3A_1451] {strides = array<i32>} : memref<2x4x128xi32, #tpu.memory_space<vmem>>, vector<16xi32>,
      tpu.vector_store %arg8[%swap3A_1449, %swap3A_1450, %swap3A_1451], %add3A_1446 {strides = array<i32>} : memref<2x4x128xi32, #tpu.memory_space<vmem>>, vector<16xi32>,
      %get3A_1453 = arith.constant 1 : i32
      %get3A_1454 = arith.constant 2 : i32
      %get3A_1455 = arith.index_cast %get3A_1453 : i32 to index
      %get3A_1456 = arith.index_cast %get3A_1454 : i32 to index
      %get3A_1457 = arith.constant 16 : index
      %get3A_1458 = tpu.vector_load %arg8[%get3A_1455, %get3A_1456, %get3A_1457] {strides = array<i32>} : memref<2x4x128xi32, #tpu.memory_space<vmem>>, vector<16xi32>,
      %add3A_1459 = arith.constant 200000 : i32
      %add3A_1460 = vector.broadcast %add3A_1459 : i32 to vector<16xi32>
      %add3A_1461 = arith.addi %get3A_1458, %add3A_1460 : vector<16xi32>
      %swap3A_1462 = arith.constant 1 : i32
      %swap3A_1463 = arith.constant 2 : i32
      %swap3A_1464 = arith.index_cast %swap3A_1462 : i32 to index
      %swap3A_1465 = arith.index_cast %swap3A_1463 : i32 to index
      %swap3A_1466 = arith.constant 16 : index
      %swap3A_1467 = tpu.vector_load %arg8[%swap3A_1464, %swap3A_1465, %swap3A_1466] {strides = array<i32>} : memref<2x4x128xi32, #tpu.memory_space<vmem>>, vector<16xi32>,
      tpu.vector_store %arg8[%swap3A_1464, %swap3A_1465, %swap3A_1466], %add3A_1461 {strides = array<i32>} : memref<2x4x128xi32, #tpu.memory_space<vmem>>, vector<16xi32>,
      %get3A_1468 = arith.constant 1 : i32
      %get3A_1469 = arith.constant 2 : i32
      %get3A_1470 = arith.index_cast %get3A_1468 : i32 to index
      %get3A_1471 = arith.index_cast %get3A_1469 : i32 to index
      %get3A_1472 = arith.constant 32 : index
      %get3A_1473 = tpu.vector_load %arg8[%get3A_1470, %get3A_1471, %get3A_1472] {strides = array<i32>} : memref<2x4x128xi32, #tpu.memory_space<vmem>>, vector<16xi32>,
      %add3A_1474 = arith.constant 200000 : i32
      %add3A_1475 = vector.broadcast %add3A_1474 : i32 to vector<16xi32>
      %add3A_1476 = arith.addi %get3A_1473, %add3A_1475 : vector<16xi32>
      %swap3A_1477 = arith.constant 1 : i32
      %swap3A_1478 = arith.constant 2 : i32
      %swap3A_1479 = arith.index_cast %swap3A_1477 : i32 to index
      %swap3A_1480 = arith.index_cast %swap3A_1478 : i32 to index
      %swap3A_1481 = arith.constant 32 : index
      %swap3A_1482 = tpu.vector_load %arg8[%swap3A_1479, %swap3A_1480, %swap3A_1481] {strides = array<i32>} : memref<2x4x128xi32, #tpu.memory_space<vmem>>, vector<16xi32>,
      tpu.vector_store %arg8[%swap3A_1479, %swap3A_1480, %swap3A_1481], %add3A_1476 {strides = array<i32>} : memref<2x4x128xi32, #tpu.memory_space<vmem>>, vector<16xi32>,
      %get3A_1483 = arith.constant 1 : i32
      %get3A_1484 = arith.constant 2 : i32
      %get3A_1485 = arith.index_cast %get3A_1483 : i32 to index
      %get3A_1486 = arith.index_cast %get3A_1484 : i32 to index
      %get3A_1487 = arith.constant 48 : index
      %get3A_1488 = tpu.vector_load %arg8[%get3A_1485, %get3A_1486, %get3A_1487] {strides = array<i32>} : memref<2x4x128xi32, #tpu.memory_space<vmem>>, vector<16xi32>,
      %add3A_1489 = arith.constant 200000 : i32
      %add3A_1490 = vector.broadcast %add3A_1489 : i32 to vector<16xi32>
      %add3A_1491 = arith.addi %get3A_1488, %add3A_1490 : vector<16xi32>
      %swap3A_1492 = arith.constant 1 : i32
      %swap3A_1493 = arith.constant 2 : i32
      %swap3A_1494 = arith.index_cast %swap3A_1492 : i32 to index
      %swap3A_1495 = arith.index_cast %swap3A_1493 : i32 to index
      %swap3A_1496 = arith.constant 48 : index
      %swap3A_1497 = tpu.vector_load %arg8[%swap3A_1494, %swap3A_1495, %swap3A_1496] {strides = array<i32>} : memref<2x4x128xi32, #tpu.memory_space<vmem>>, vector<16xi32>,
      tpu.vector_store %arg8[%swap3A_1494, %swap3A_1495, %swap3A_1496], %add3A_1491 {strides = array<i32>} : memref<2x4x128xi32, #tpu.memory_space<vmem>>, vector<16xi32>,
      %get3A_1498 = arith.constant 1 : i32
      %get3A_1499 = arith.constant 2 : i32
      %get3A_1500 = arith.index_cast %get3A_1498 : i32 to index
      %get3A_1501 = arith.index_cast %get3A_1499 : i32 to index
      %get3A_1502 = arith.constant 64 : index
      %get3A_1503 = tpu.vector_load %arg8[%get3A_1500, %get3A_1501, %get3A_1502] {strides = array<i32>} : memref<2x4x128xi32, #tpu.memory_space<vmem>>, vector<16xi32>,
      %add3A_1504 = arith.constant 200000 : i32
      %add3A_1505 = vector.broadcast %add3A_1504 : i32 to vector<16xi32>
      %add3A_1506 = arith.addi %get3A_1503, %add3A_1505 : vector<16xi32>
      %swap3A_1507 = arith.constant 1 : i32
      %swap3A_1508 = arith.constant 2 : i32
      %swap3A_1509 = arith.index_cast %swap3A_1507 : i32 to index
      %swap3A_1510 = arith.index_cast %swap3A_1508 : i32 to index
      %swap3A_1511 = arith.constant 64 : index
      %swap3A_1512 = tpu.vector_load %arg8[%swap3A_1509, %swap3A_1510, %swap3A_1511] {strides = array<i32>} : memref<2x4x128xi32, #tpu.memory_space<vmem>>, vector<16xi32>,
      tpu.vector_store %arg8[%swap3A_1509, %swap3A_1510, %swap3A_1511], %add3A_1506 {strides = array<i32>} : memref<2x4x128xi32, #tpu.memory_space<vmem>>, vector<16xi32>,
      %get3A_1513 = arith.constant 1 : i32
      %get3A_1514 = arith.constant 2 : i32
      %get3A_1515 = arith.index_cast %get3A_1513 : i32 to index
      %get3A_1516 = arith.index_cast %get3A_1514 : i32 to index
      %get3A_1517 = arith.constant 80 : index
      %get3A_1518 = tpu.vector_load %arg8[%get3A_1515, %get3A_1516, %get3A_1517] {strides = array<i32>} : memref<2x4x128xi32, #tpu.memory_space<vmem>>, vector<16xi32>,
      %add3A_1519 = arith.constant 200000 : i32
      %add3A_1520 = vector.broadcast %add3A_1519 : i32 to vector<16xi32>
      %add3A_1521 = arith.addi %get3A_1518, %add3A_1520 : vector<16xi32>
      %swap3A_1522 = arith.constant 1 : i32
      %swap3A_1523 = arith.constant 2 : i32
      %swap3A_1524 = arith.index_cast %swap3A_1522 : i32 to index
      %swap3A_1525 = arith.index_cast %swap3A_1523 : i32 to index
      %swap3A_1526 = arith.constant 80 : index
      %swap3A_1527 = tpu.vector_load %arg8[%swap3A_1524, %swap3A_1525, %swap3A_1526] {strides = array<i32>} : memref<2x4x128xi32, #tpu.memory_space<vmem>>, vector<16xi32>,
      tpu.vector_store %arg8[%swap3A_1524, %swap3A_1525, %swap3A_1526], %add3A_1521 {strides = array<i32>} : memref<2x4x128xi32, #tpu.memory_space<vmem>>, vector<16xi32>,
      %get3A_1528 = arith.constant 1 : i32
      %get3A_1529 = arith.constant 2 : i32
      %get3A_1530 = arith.index_cast %get3A_1528 : i32 to index
      %get3A_1531 = arith.index_cast %get3A_1529 : i32 to index
      %get3A_1532 = arith.constant 96 : index
      %get3A_1533 = tpu.vector_load %arg8[%get3A_1530, %get3A_1531, %get3A_1532] {strides = array<i32>} : memref<2x4x128xi32, #tpu.memory_space<vmem>>, vector<16xi32>,
      %add3A_1534 = arith.constant 200000 : i32
      %add3A_1535 = vector.broadcast %add3A_1534 : i32 to vector<16xi32>
      %add3A_1536 = arith.addi %get3A_1533, %add3A_1535 : vector<16xi32>
      %swap3A_1537 = arith.constant 1 : i32
      %swap3A_1538 = arith.constant 2 : i32
      %swap3A_1539 = arith.index_cast %swap3A_1537 : i32 to index
      %swap3A_1540 = arith.index_cast %swap3A_1538 : i32 to index
      %swap3A_1541 = arith.constant 96 : index
      %swap3A_1542 = tpu.vector_load %arg8[%swap3A_1539, %swap3A_1540, %swap3A_1541] {strides = array<i32>} : memref<2x4x128xi32, #tpu.memory_space<vmem>>, vector<16xi32>,
      tpu.vector_store %arg8[%swap3A_1539, %swap3A_1540, %swap3A_1541], %add3A_1536 {strides = array<i32>} : memref<2x4x128xi32, #tpu.memory_space<vmem>>, vector<16xi32>,
      %get3A_1543 = arith.constant 1 : i32
      %get3A_1544 = arith.constant 2 : i32
      %get3A_1545 = arith.index_cast %get3A_1543 : i32 to index
      %get3A_1546 = arith.index_cast %get3A_1544 : i32 to index
      %get3A_1547 = arith.constant 112 : index
      %get3A_1548 = tpu.vector_load %arg8[%get3A_1545, %get3A_1546, %get3A_1547] {strides = array<i32>} : memref<2x4x128xi32, #tpu.memory_space<vmem>>, vector<16xi32>,
      %add3A_1549 = arith.constant 200000 : i32
      %add3A_1550 = vector.broadcast %add3A_1549 : i32 to vector<16xi32>
      %add3A_1551 = arith.addi %get3A_1548, %add3A_1550 : vector<16xi32>
      %swap3A_1552 = arith.constant 1 : i32
      %swap3A_1553 = arith.constant 2 : i32
      %swap3A_1554 = arith.index_cast %swap3A_1552 : i32 to index
      %swap3A_1555 = arith.index_cast %swap3A_1553 : i32 to index
      %swap3A_1556 = arith.constant 112 : index
      %swap3A_1557 = tpu.vector_load %arg8[%swap3A_1554, %swap3A_1555, %swap3A_1556] {strides = array<i32>} : memref<2x4x128xi32, #tpu.memory_space<vmem>>, vector<16xi32>,
      tpu.vector_store %arg8[%swap3A_1554, %swap3A_1555, %swap3A_1556], %add3A_1551 {strides = array<i32>} : memref<2x4x128xi32, #tpu.memory_space<vmem>>, vector<16xi32>,
      %get3A_1558 = arith.constant 1 : i32
      %get3A_1559 = arith.constant 3 : i32
      %get3A_1560 = arith.index_cast %get3A_1558 : i32 to index
      %get3A_1561 = arith.index_cast %get3A_1559 : i32 to index
      %get3A_1562 = arith.constant 0 : index
      %get3A_1563 = tpu.vector_load %arg8[%get3A_1560, %get3A_1561, %get3A_1562] {strides = array<i32>} : memref<2x4x128xi32, #tpu.memory_space<vmem>>, vector<16xi32>,
      %add3A_1564 = arith.constant 300000 : i32
      %add3A_1565 = vector.broadcast %add3A_1564 : i32 to vector<16xi32>
      %add3A_1566 = arith.addi %get3A_1563, %add3A_1565 : vector<16xi32>
      %swap3A_1567 = arith.constant 1 : i32
      %swap3A_1568 = arith.constant 3 : i32
      %swap3A_1569 = arith.index_cast %swap3A_1567 : i32 to index
      %swap3A_1570 = arith.index_cast %swap3A_1568 : i32 to index
      %swap3A_1571 = arith.constant 0 : index
      %swap3A_1572 = tpu.vector_load %arg8[%swap3A_1569, %swap3A_1570, %swap3A_1571] {strides = array<i32>} : memref<2x4x128xi32, #tpu.memory_space<vmem>>, vector<16xi32>,
      tpu.vector_store %arg8[%swap3A_1569, %swap3A_1570, %swap3A_1571], %add3A_1566 {strides = array<i32>} : memref<2x4x128xi32, #tpu.memory_space<vmem>>, vector<16xi32>,
      %get3A_1573 = arith.constant 1 : i32
      %get3A_1574 = arith.constant 3 : i32
      %get3A_1575 = arith.index_cast %get3A_1573 : i32 to index
      %get3A_1576 = arith.index_cast %get3A_1574 : i32 to index
      %get3A_1577 = arith.constant 16 : index
      %get3A_1578 = tpu.vector_load %arg8[%get3A_1575, %get3A_1576, %get3A_1577] {strides = array<i32>} : memref<2x4x128xi32, #tpu.memory_space<vmem>>, vector<16xi32>,
      %add3A_1579 = arith.constant 300000 : i32
      %add3A_1580 = vector.broadcast %add3A_1579 : i32 to vector<16xi32>
      %add3A_1581 = arith.addi %get3A_1578, %add3A_1580 : vector<16xi32>
      %swap3A_1582 = arith.constant 1 : i32
      %swap3A_1583 = arith.constant 3 : i32
      %swap3A_1584 = arith.index_cast %swap3A_1582 : i32 to index
      %swap3A_1585 = arith.index_cast %swap3A_1583 : i32 to index
      %swap3A_1586 = arith.constant 16 : index
      %swap3A_1587 = tpu.vector_load %arg8[%swap3A_1584, %swap3A_1585, %swap3A_1586] {strides = array<i32>} : memref<2x4x128xi32, #tpu.memory_space<vmem>>, vector<16xi32>,
      tpu.vector_store %arg8[%swap3A_1584, %swap3A_1585, %swap3A_1586], %add3A_1581 {strides = array<i32>} : memref<2x4x128xi32, #tpu.memory_space<vmem>>, vector<16xi32>,
      %get3A_1588 = arith.constant 1 : i32
      %get3A_1589 = arith.constant 3 : i32
      %get3A_1590 = arith.index_cast %get3A_1588 : i32 to index
      %get3A_1591 = arith.index_cast %get3A_1589 : i32 to index
      %get3A_1592 = arith.constant 32 : index
      %get3A_1593 = tpu.vector_load %arg8[%get3A_1590, %get3A_1591, %get3A_1592] {strides = array<i32>} : memref<2x4x128xi32, #tpu.memory_space<vmem>>, vector<16xi32>,
      %add3A_1594 = arith.constant 300000 : i32
      %add3A_1595 = vector.broadcast %add3A_1594 : i32 to vector<16xi32>
      %add3A_1596 = arith.addi %get3A_1593, %add3A_1595 : vector<16xi32>
      %swap3A_1597 = arith.constant 1 : i32
      %swap3A_1598 = arith.constant 3 : i32
      %swap3A_1599 = arith.index_cast %swap3A_1597 : i32 to index
      %swap3A_1600 = arith.index_cast %swap3A_1598 : i32 to index
      %swap3A_1601 = arith.constant 32 : index
      %swap3A_1602 = tpu.vector_load %arg8[%swap3A_1599, %swap3A_1600, %swap3A_1601] {strides = array<i32>} : memref<2x4x128xi32, #tpu.memory_space<vmem>>, vector<16xi32>,
      tpu.vector_store %arg8[%swap3A_1599, %swap3A_1600, %swap3A_1601], %add3A_1596 {strides = array<i32>} : memref<2x4x128xi32, #tpu.memory_space<vmem>>, vector<16xi32>,
      %get3A_1603 = arith.constant 1 : i32
      %get3A_1604 = arith.constant 3 : i32
      %get3A_1605 = arith.index_cast %get3A_1603 : i32 to index
      %get3A_1606 = arith.index_cast %get3A_1604 : i32 to index
      %get3A_1607 = arith.constant 48 : index
      %get3A_1608 = tpu.vector_load %arg8[%get3A_1605, %get3A_1606, %get3A_1607] {strides = array<i32>} : memref<2x4x128xi32, #tpu.memory_space<vmem>>, vector<16xi32>,
      %add3A_1609 = arith.constant 300000 : i32
      %add3A_1610 = vector.broadcast %add3A_1609 : i32 to vector<16xi32>
      %add3A_1611 = arith.addi %get3A_1608, %add3A_1610 : vector<16xi32>
      %swap3A_1612 = arith.constant 1 : i32
      %swap3A_1613 = arith.constant 3 : i32
      %swap3A_1614 = arith.index_cast %swap3A_1612 : i32 to index
      %swap3A_1615 = arith.index_cast %swap3A_1613 : i32 to index
      %swap3A_1616 = arith.constant 48 : index
      %swap3A_1617 = tpu.vector_load %arg8[%swap3A_1614, %swap3A_1615, %swap3A_1616] {strides = array<i32>} : memref<2x4x128xi32, #tpu.memory_space<vmem>>, vector<16xi32>,
      tpu.vector_store %arg8[%swap3A_1614, %swap3A_1615, %swap3A_1616], %add3A_1611 {strides = array<i32>} : memref<2x4x128xi32, #tpu.memory_space<vmem>>, vector<16xi32>,
      %get3A_1618 = arith.constant 1 : i32
      %get3A_1619 = arith.constant 3 : i32
      %get3A_1620 = arith.index_cast %get3A_1618 : i32 to index
      %get3A_1621 = arith.index_cast %get3A_1619 : i32 to index
      %get3A_1622 = arith.constant 64 : index
      %get3A_1623 = tpu.vector_load %arg8[%get3A_1620, %get3A_1621, %get3A_1622] {strides = array<i32>} : memref<2x4x128xi32, #tpu.memory_space<vmem>>, vector<16xi32>,
      %add3A_1624 = arith.constant 300000 : i32
      %add3A_1625 = vector.broadcast %add3A_1624 : i32 to vector<16xi32>
      %add3A_1626 = arith.addi %get3A_1623, %add3A_1625 : vector<16xi32>
      %swap3A_1627 = arith.constant 1 : i32
      %swap3A_1628 = arith.constant 3 : i32
      %swap3A_1629 = arith.index_cast %swap3A_1627 : i32 to index
      %swap3A_1630 = arith.index_cast %swap3A_1628 : i32 to index
      %swap3A_1631 = arith.constant 64 : index
      %swap3A_1632 = tpu.vector_load %arg8[%swap3A_1629, %swap3A_1630, %swap3A_1631] {strides = array<i32>} : memref<2x4x128xi32, #tpu.memory_space<vmem>>, vector<16xi32>,
      tpu.vector_store %arg8[%swap3A_1629, %swap3A_1630, %swap3A_1631], %add3A_1626 {strides = array<i32>} : memref<2x4x128xi32, #tpu.memory_space<vmem>>, vector<16xi32>,
      %get3A_1633 = arith.constant 1 : i32
      %get3A_1634 = arith.constant 3 : i32
      %get3A_1635 = arith.index_cast %get3A_1633 : i32 to index
      %get3A_1636 = arith.index_cast %get3A_1634 : i32 to index
      %get3A_1637 = arith.constant 80 : index
      %get3A_1638 = tpu.vector_load %arg8[%get3A_1635, %get3A_1636, %get3A_1637] {strides = array<i32>} : memref<2x4x128xi32, #tpu.memory_space<vmem>>, vector<16xi32>,
      %add3A_1639 = arith.constant 300000 : i32
      %add3A_1640 = vector.broadcast %add3A_1639 : i32 to vector<16xi32>
      %add3A_1641 = arith.addi %get3A_1638, %add3A_1640 : vector<16xi32>
      %swap3A_1642 = arith.constant 1 : i32
      %swap3A_1643 = arith.constant 3 : i32
      %swap3A_1644 = arith.index_cast %swap3A_1642 : i32 to index
      %swap3A_1645 = arith.index_cast %swap3A_1643 : i32 to index
      %swap3A_1646 = arith.constant 80 : index
      %swap3A_1647 = tpu.vector_load %arg8[%swap3A_1644, %swap3A_1645, %swap3A_1646] {strides = array<i32>} : memref<2x4x128xi32, #tpu.memory_space<vmem>>, vector<16xi32>,
      tpu.vector_store %arg8[%swap3A_1644, %swap3A_1645, %swap3A_1646], %add3A_1641 {strides = array<i32>} : memref<2x4x128xi32, #tpu.memory_space<vmem>>, vector<16xi32>,
      %get3A_1648 = arith.constant 1 : i32
      %get3A_1649 = arith.constant 3 : i32
      %get3A_1650 = arith.index_cast %get3A_1648 : i32 to index
      %get3A_1651 = arith.index_cast %get3A_1649 : i32 to index
      %get3A_1652 = arith.constant 96 : index
      %get3A_1653 = tpu.vector_load %arg8[%get3A_1650, %get3A_1651, %get3A_1652] {strides = array<i32>} : memref<2x4x128xi32, #tpu.memory_space<vmem>>, vector<16xi32>,
      %add3A_1654 = arith.constant 300000 : i32
      %add3A_1655 = vector.broadcast %add3A_1654 : i32 to vector<16xi32>
      %add3A_1656 = arith.addi %get3A_1653, %add3A_1655 : vector<16xi32>
      %swap3A_1657 = arith.constant 1 : i32
      %swap3A_1658 = arith.constant 3 : i32
      %swap3A_1659 = arith.index_cast %swap3A_1657 : i32 to index
      %swap3A_1660 = arith.index_cast %swap3A_1658 : i32 to index
      %swap3A_1661 = arith.constant 96 : index
      %swap3A_1662 = tpu.vector_load %arg8[%swap3A_1659, %swap3A_1660, %swap3A_1661] {strides = array<i32>} : memref<2x4x128xi32, #tpu.memory_space<vmem>>, vector<16xi32>,
      tpu.vector_store %arg8[%swap3A_1659, %swap3A_1660, %swap3A_1661], %add3A_1656 {strides = array<i32>} : memref<2x4x128xi32, #tpu.memory_space<vmem>>, vector<16xi32>,
      %get3A_1663 = arith.constant 1 : i32
      %get3A_1664 = arith.constant 3 : i32
      %get3A_1665 = arith.index_cast %get3A_1663 : i32 to index
      %get3A_1666 = arith.index_cast %get3A_1664 : i32 to index
      %get3A_1667 = arith.constant 112 : index
      %get3A_1668 = tpu.vector_load %arg8[%get3A_1665, %get3A_1666, %get3A_1667] {strides = array<i32>} : memref<2x4x128xi32, #tpu.memory_space<vmem>>, vector<16xi32>,
      %add3A_1669 = arith.constant 300000 : i32
      %add3A_1670 = vector.broadcast %add3A_1669 : i32 to vector<16xi32>
      %add3A_1671 = arith.addi %get3A_1668, %add3A_1670 : vector<16xi32>
      %swap3A_1672 = arith.constant 1 : i32
      %swap3A_1673 = arith.constant 3 : i32
      %swap3A_1674 = arith.index_cast %swap3A_1672 : i32 to index
      %swap3A_1675 = arith.index_cast %swap3A_1673 : i32 to index
      %swap3A_1676 = arith.constant 112 : index
      %swap3A_1677 = tpu.vector_load %arg8[%swap3A_1674, %swap3A_1675, %swap3A_1676] {strides = array<i32>} : memref<2x4x128xi32, #tpu.memory_space<vmem>>, vector<16xi32>,
      tpu.vector_store %arg8[%swap3A_1674, %swap3A_1675, %swap3A_1676], %add3A_1671 {strides = array<i32>} : memref<2x4x128xi32, #tpu.memory_space<vmem>>, vector<16xi32>,
      %dma_start3A_1678 = arith.constant 1 : i32
      %dma_start3A_1679 = arith.constant 0 : i32
      %dma_start3A_1680 = arith.constant 1 : i32
      %dma_start3A_1681 = arith.constant 0 : i32
      %dma_start3A_1682 = arith.constant 0 : i32
      %dma_start3A_1683 = arith.constant 0 : i32
      %dma_start3A_1684 = tpu.memref_slice %arg10[%dma_start3A_1680, %dma_start3A_1681, %dma_start3A_1682, %dma_start3A_1683] : memref<2x4x128x32xf32, #tpu.memory_space<vmem>> -> memref<1x1x128x32xf32, #tpu.memory_space<vmem>>
      %dma_start3A_1685 = tpu.memref_squeeze %dma_start3A_1684 : memref<1x1x128x32xf32, #tpu.memory_space<vmem>> -> memref<128x32xf32, #tpu.memory_space<vmem>>
      %dma_start3A_1686 = arith.constant 0 : i32
      %dma_start3A_1687 = tpu.memref_slice %arg8[%dma_start3A_1678, %dma_start3A_1679, %dma_start3A_1686] : memref<2x4x128xi32, #tpu.memory_space<vmem>> -> memref<1x1x128xi32, #tpu.memory_space<vmem>>
      %dma_start3A_1688 = tpu.memref_squeeze %dma_start3A_1687 : memref<1x1x128xi32, #tpu.memory_space<vmem>> -> memref<128xi32, #tpu.memory_space<vmem>>
      %dma_start3A_1689 = arith.constant 0 : i32
      %dma_start3A_1690 = arith.constant 0 : i32
      %dma_start3A_1691 = tpu.memref_slice %arg4[%dma_start3A_1689, %dma_start3A_1690] : memref<400000x32xf32, #tpu.memory_space<hbm>> -> memref<400000x32xf32, #tpu.memory_space<hbm>>
      tpu.enqueue_indirect_dma source(%dma_start3A_1691 : memref<400000x32xf32, #tpu.memory_space<hbm>>) target(%dma_start3A_1685 : memref<128x32xf32, #tpu.memory_space<vmem>>) offsets(%dma_start3A_1688 : memref<128xi32, #tpu.memory_space<vmem>>) semaphore(%arg17 : memref<!tpu.dma_semaphore, #tpu.memory_space<semaphore_mem>>)
      %dma_start3A_1692 = arith.constant 0 : i32
      %dma_start3A_1693 = arith.constant 1 : i32
      %dma_start3A_1694 = arith.constant 0 : i32
      %dma_start3A_1695 = arith.constant 1 : i32
      %dma_start3A_1696 = arith.constant 0 : i32
      %dma_start3A_1697 = arith.constant 0 : i32
      %dma_start3A_1698 = arith.constant 0 : i32
      %dma_start3A_1699 = tpu.memref_slice %arg11[%dma_start3A_1695, %dma_start3A_1696, %dma_start3A_1697, %dma_start3A_1698] : memref<2x4x128x32xf32, #tpu.memory_space<vmem>> -> memref<1x1x128x32xf32, #tpu.memory_space<vmem>>
      %dma_start3A_1700 = tpu.memref_squeeze %dma_start3A_1699 : memref<1x1x128x32xf32, #tpu.memory_space<vmem>> -> memref<128x32xf32, #tpu.memory_space<vmem>>
      %dma_start3A_1701 = arith.constant 0 : i32
      %dma_start3A_1702 = tpu.memref_slice %arg9[%dma_start3A_1693, %dma_start3A_1694, %dma_start3A_1701] : memref<2x4x128xi32, #tpu.memory_space<vmem>> -> memref<1x1x128xi32, #tpu.memory_space<vmem>>
      %dma_start3A_1703 = tpu.memref_squeeze %dma_start3A_1702 : memref<1x1x128xi32, #tpu.memory_space<vmem>> -> memref<128xi32, #tpu.memory_space<vmem>>
      %dma_start3A_1704 = arith.constant 0 : i32
      %dma_start3A_1705 = arith.constant 0 : i32
      %dma_start3A_1706 = tpu.memref_slice %arg5[%dma_start3A_1692, %dma_start3A_1704, %dma_start3A_1705] : memref<4x512x32xf32, #tpu.memory_space<hbm>> -> memref<1x512x32xf32, #tpu.memory_space<hbm>>
      %dma_start3A_1707 = tpu.memref_squeeze %dma_start3A_1706 : memref<1x512x32xf32, #tpu.memory_space<hbm>> -> memref<512x32xf32, #tpu.memory_space<hbm>>
      %dma_start3A_1708 = arith.constant 0 : i32
      %dma_start3A_1709 = arith.constant 0 : i32
      %dma_start3A_1710 = tpu.memref_slice %dma_start3A_1707[%dma_start3A_1708, %dma_start3A_1709] : memref<512x32xf32, #tpu.memory_space<hbm>> -> memref<512x32xf32, #tpu.memory_space<hbm>>
      tpu.enqueue_indirect_dma source(%dma_start3A_1710 : memref<512x32xf32, #tpu.memory_space<hbm>>) target(%dma_start3A_1700 : memref<128x32xf32, #tpu.memory_space<vmem>>) offsets(%dma_start3A_1703 : memref<128xi32, #tpu.memory_space<vmem>>) semaphore(%arg17 : memref<!tpu.dma_semaphore, #tpu.memory_space<semaphore_mem>>)
      %dma_start3A_1711 = arith.constant 1 : i32
      %dma_start3A_1712 = arith.constant 1 : i32
      %dma_start3A_1713 = arith.constant 1 : i32
      %dma_start3A_1714 = arith.constant 1 : i32
      %dma_start3A_1715 = arith.constant 0 : i32
      %dma_start3A_1716 = arith.constant 0 : i32
      %dma_start3A_1717 = tpu.memref_slice %arg10[%dma_start3A_1713, %dma_start3A_1714, %dma_start3A_1715, %dma_start3A_1716] : memref<2x4x128x32xf32, #tpu.memory_space<vmem>> -> memref<1x1x128x32xf32, #tpu.memory_space<vmem>>
      %dma_start3A_1718 = tpu.memref_squeeze %dma_start3A_1717 : memref<1x1x128x32xf32, #tpu.memory_space<vmem>> -> memref<128x32xf32, #tpu.memory_space<vmem>>
      %dma_start3A_1719 = arith.constant 0 : i32
      %dma_start3A_1720 = tpu.memref_slice %arg8[%dma_start3A_1711, %dma_start3A_1712, %dma_start3A_1719] : memref<2x4x128xi32, #tpu.memory_space<vmem>> -> memref<1x1x128xi32, #tpu.memory_space<vmem>>
      %dma_start3A_1721 = tpu.memref_squeeze %dma_start3A_1720 : memref<1x1x128xi32, #tpu.memory_space<vmem>> -> memref<128xi32, #tpu.memory_space<vmem>>
      %dma_start3A_1722 = arith.constant 0 : i32
      %dma_start3A_1723 = arith.constant 0 : i32
      %dma_start3A_1724 = tpu.memref_slice %arg4[%dma_start3A_1722, %dma_start3A_1723] : memref<400000x32xf32, #tpu.memory_space<hbm>> -> memref<400000x32xf32, #tpu.memory_space<hbm>>
      tpu.enqueue_indirect_dma source(%dma_start3A_1724 : memref<400000x32xf32, #tpu.memory_space<hbm>>) target(%dma_start3A_1718 : memref<128x32xf32, #tpu.memory_space<vmem>>) offsets(%dma_start3A_1721 : memref<128xi32, #tpu.memory_space<vmem>>) semaphore(%arg17 : memref<!tpu.dma_semaphore, #tpu.memory_space<semaphore_mem>>)
      %dma_start3A_1725 = arith.constant 1 : i32
      %dma_start3A_1726 = arith.constant 1 : i32
      %dma_start3A_1727 = arith.constant 1 : i32
      %dma_start3A_1728 = arith.constant 1 : i32
      %dma_start3A_1729 = arith.constant 1 : i32
      %dma_start3A_1730 = arith.constant 0 : i32
      %dma_start3A_1731 = arith.constant 0 : i32
      %dma_start3A_1732 = tpu.memref_slice %arg11[%dma_start3A_1728, %dma_start3A_1729, %dma_start3A_1730, %dma_start3A_1731] : memref<2x4x128x32xf32, #tpu.memory_space<vmem>> -> memref<1x1x128x32xf32, #tpu.memory_space<vmem>>
      %dma_start3A_1733 = tpu.memref_squeeze %dma_start3A_1732 : memref<1x1x128x32xf32, #tpu.memory_space<vmem>> -> memref<128x32xf32, #tpu.memory_space<vmem>>
      %dma_start3A_1734 = arith.constant 0 : i32
      %dma_start3A_1735 = tpu.memref_slice %arg9[%dma_start3A_1726, %dma_start3A_1727, %dma_start3A_1734] : memref<2x4x128xi32, #tpu.memory_space<vmem>> -> memref<1x1x128xi32, #tpu.memory_space<vmem>>
      %dma_start3A_1736 = tpu.memref_squeeze %dma_start3A_1735 : memref<1x1x128xi32, #tpu.memory_space<vmem>> -> memref<128xi32, #tpu.memory_space<vmem>>
      %dma_start3A_1737 = arith.constant 0 : i32
      %dma_start3A_1738 = arith.constant 0 : i32
      %dma_start3A_1739 = tpu.memref_slice %arg5[%dma_start3A_1725, %dma_start3A_1737, %dma_start3A_1738] : memref<4x512x32xf32, #tpu.memory_space<hbm>> -> memref<1x512x32xf32, #tpu.memory_space<hbm>>
      %dma_start3A_1740 = tpu.memref_squeeze %dma_start3A_1739 : memref<1x512x32xf32, #tpu.memory_space<hbm>> -> memref<512x32xf32, #tpu.memory_space<hbm>>
      %dma_start3A_1741 = arith.constant 0 : i32
      %dma_start3A_1742 = arith.constant 0 : i32
      %dma_start3A_1743 = tpu.memref_slice %dma_start3A_1740[%dma_start3A_1741, %dma_start3A_1742] : memref<512x32xf32, #tpu.memory_space<hbm>> -> memref<512x32xf32, #tpu.memory_space<hbm>>
      tpu.enqueue_indirect_dma source(%dma_start3A_1743 : memref<512x32xf32, #tpu.memory_space<hbm>>) target(%dma_start3A_1733 : memref<128x32xf32, #tpu.memory_space<vmem>>) offsets(%dma_start3A_1736 : memref<128xi32, #tpu.memory_space<vmem>>) semaphore(%arg17 : memref<!tpu.dma_semaphore, #tpu.memory_space<semaphore_mem>>)
      %dma_start3A_1744 = arith.constant 1 : i32
      %dma_start3A_1745 = arith.constant 2 : i32
      %dma_start3A_1746 = arith.constant 1 : i32
      %dma_start3A_1747 = arith.constant 2 : i32
      %dma_start3A_1748 = arith.constant 0 : i32
      %dma_start3A_1749 = arith.constant 0 : i32
      %dma_start3A_1750 = tpu.memref_slice %arg10[%dma_start3A_1746, %dma_start3A_1747, %dma_start3A_1748, %dma_start3A_1749] : memref<2x4x128x32xf32, #tpu.memory_space<vmem>> -> memref<1x1x128x32xf32, #tpu.memory_space<vmem>>
      %dma_start3A_1751 = tpu.memref_squeeze %dma_start3A_1750 : memref<1x1x128x32xf32, #tpu.memory_space<vmem>> -> memref<128x32xf32, #tpu.memory_space<vmem>>
      %dma_start3A_1752 = arith.constant 0 : i32
      %dma_start3A_1753 = tpu.memref_slice %arg8[%dma_start3A_1744, %dma_start3A_1745, %dma_start3A_1752] : memref<2x4x128xi32, #tpu.memory_space<vmem>> -> memref<1x1x128xi32, #tpu.memory_space<vmem>>
      %dma_start3A_1754 = tpu.memref_squeeze %dma_start3A_1753 : memref<1x1x128xi32, #tpu.memory_space<vmem>> -> memref<128xi32, #tpu.memory_space<vmem>>
      %dma_start3A_1755 = arith.constant 0 : i32
      %dma_start3A_1756 = arith.constant 0 : i32
      %dma_start3A_1757 = tpu.memref_slice %arg4[%dma_start3A_1755, %dma_start3A_1756] : memref<400000x32xf32, #tpu.memory_space<hbm>> -> memref<400000x32xf32, #tpu.memory_space<hbm>>
      tpu.enqueue_indirect_dma source(%dma_start3A_1757 : memref<400000x32xf32, #tpu.memory_space<hbm>>) target(%dma_start3A_1751 : memref<128x32xf32, #tpu.memory_space<vmem>>) offsets(%dma_start3A_1754 : memref<128xi32, #tpu.memory_space<vmem>>) semaphore(%arg17 : memref<!tpu.dma_semaphore, #tpu.memory_space<semaphore_mem>>)
      %dma_start3A_1758 = arith.constant 2 : i32
      %dma_start3A_1759 = arith.constant 1 : i32
      %dma_start3A_1760 = arith.constant 2 : i32
      %dma_start3A_1761 = arith.constant 1 : i32
      %dma_start3A_1762 = arith.constant 2 : i32
      %dma_start3A_1763 = arith.constant 0 : i32
      %dma_start3A_1764 = arith.constant 0 : i32
      %dma_start3A_1765 = tpu.memref_slice %arg11[%dma_start3A_1761, %dma_start3A_1762, %dma_start3A_1763, %dma_start3A_1764] : memref<2x4x128x32xf32, #tpu.memory_space<vmem>> -> memref<1x1x128x32xf32, #tpu.memory_space<vmem>>
      %dma_start3A_1766 = tpu.memref_squeeze %dma_start3A_1765 : memref<1x1x128x32xf32, #tpu.memory_space<vmem>> -> memref<128x32xf32, #tpu.memory_space<vmem>>
      %dma_start3A_1767 = arith.constant 0 : i32
      %dma_start3A_1768 = tpu.memref_slice %arg9[%dma_start3A_1759, %dma_start3A_1760, %dma_start3A_1767] : memref<2x4x128xi32, #tpu.memory_space<vmem>> -> memref<1x1x128xi32, #tpu.memory_space<vmem>>
      %dma_start3A_1769 = tpu.memref_squeeze %dma_start3A_1768 : memref<1x1x128xi32, #tpu.memory_space<vmem>> -> memref<128xi32, #tpu.memory_space<vmem>>
      %dma_start3A_1770 = arith.constant 0 : i32
      %dma_start3A_1771 = arith.constant 0 : i32
      %dma_start3A_1772 = tpu.memref_slice %arg5[%dma_start3A_1758, %dma_start3A_1770, %dma_start3A_1771] : memref<4x512x32xf32, #tpu.memory_space<hbm>> -> memref<1x512x32xf32, #tpu.memory_space<hbm>>
      %dma_start3A_1773 = tpu.memref_squeeze %dma_start3A_1772 : memref<1x512x32xf32, #tpu.memory_space<hbm>> -> memref<512x32xf32, #tpu.memory_space<hbm>>
      %dma_start3A_1774 = arith.constant 0 : i32
      %dma_start3A_1775 = arith.constant 0 : i32
      %dma_start3A_1776 = tpu.memref_slice %dma_start3A_1773[%dma_start3A_1774, %dma_start3A_1775] : memref<512x32xf32, #tpu.memory_space<hbm>> -> memref<512x32xf32, #tpu.memory_space<hbm>>
      tpu.enqueue_indirect_dma source(%dma_start3A_1776 : memref<512x32xf32, #tpu.memory_space<hbm>>) target(%dma_start3A_1766 : memref<128x32xf32, #tpu.memory_space<vmem>>) offsets(%dma_start3A_1769 : memref<128xi32, #tpu.memory_space<vmem>>) semaphore(%arg17 : memref<!tpu.dma_semaphore, #tpu.memory_space<semaphore_mem>>)
      %dma_start3A_1777 = arith.constant 1 : i32
      %dma_start3A_1778 = arith.constant 3 : i32
      %dma_start3A_1779 = arith.constant 1 : i32
      %dma_start3A_1780 = arith.constant 3 : i32
      %dma_start3A_1781 = arith.constant 0 : i32
      %dma_start3A_1782 = arith.constant 0 : i32
      %dma_start3A_1783 = tpu.memref_slice %arg10[%dma_start3A_1779, %dma_start3A_1780, %dma_start3A_1781, %dma_start3A_1782] : memref<2x4x128x32xf32, #tpu.memory_space<vmem>> -> memref<1x1x128x32xf32, #tpu.memory_space<vmem>>
      %dma_start3A_1784 = tpu.memref_squeeze %dma_start3A_1783 : memref<1x1x128x32xf32, #tpu.memory_space<vmem>> -> memref<128x32xf32, #tpu.memory_space<vmem>>
      %dma_start3A_1785 = arith.constant 0 : i32
      %dma_start3A_1786 = tpu.memref_slice %arg8[%dma_start3A_1777, %dma_start3A_1778, %dma_start3A_1785] : memref<2x4x128xi32, #tpu.memory_space<vmem>> -> memref<1x1x128xi32, #tpu.memory_space<vmem>>
      %dma_start3A_1787 = tpu.memref_squeeze %dma_start3A_1786 : memref<1x1x128xi32, #tpu.memory_space<vmem>> -> memref<128xi32, #tpu.memory_space<vmem>>
      %dma_start3A_1788 = arith.constant 0 : i32
      %dma_start3A_1789 = arith.constant 0 : i32
      %dma_start3A_1790 = tpu.memref_slice %arg4[%dma_start3A_1788, %dma_start3A_1789] : memref<400000x32xf32, #tpu.memory_space<hbm>> -> memref<400000x32xf32, #tpu.memory_space<hbm>>
      tpu.enqueue_indirect_dma source(%dma_start3A_1790 : memref<400000x32xf32, #tpu.memory_space<hbm>>) target(%dma_start3A_1784 : memref<128x32xf32, #tpu.memory_space<vmem>>) offsets(%dma_start3A_1787 : memref<128xi32, #tpu.memory_space<vmem>>) semaphore(%arg17 : memref<!tpu.dma_semaphore, #tpu.memory_space<semaphore_mem>>)
      %dma_start3A_1791 = arith.constant 3 : i32
      %dma_start3A_1792 = arith.constant 1 : i32
      %dma_start3A_1793 = arith.constant 3 : i32
      %dma_start3A_1794 = arith.constant 1 : i32
      %dma_start3A_1795 = arith.constant 3 : i32
      %dma_start3A_1796 = arith.constant 0 : i32
      %dma_start3A_1797 = arith.constant 0 : i32
      %dma_start3A_1798 = tpu.memref_slice %arg11[%dma_start3A_1794, %dma_start3A_1795, %dma_start3A_1796, %dma_start3A_1797] : memref<2x4x128x32xf32, #tpu.memory_space<vmem>> -> memref<1x1x128x32xf32, #tpu.memory_space<vmem>>
      %dma_start3A_1799 = tpu.memref_squeeze %dma_start3A_1798 : memref<1x1x128x32xf32, #tpu.memory_space<vmem>> -> memref<128x32xf32, #tpu.memory_space<vmem>>
      %dma_start3A_1800 = arith.constant 0 : i32
      %dma_start3A_1801 = tpu.memref_slice %arg9[%dma_start3A_1792, %dma_start3A_1793, %dma_start3A_1800] : memref<2x4x128xi32, #tpu.memory_space<vmem>> -> memref<1x1x128xi32, #tpu.memory_space<vmem>>
      %dma_start3A_1802 = tpu.memref_squeeze %dma_start3A_1801 : memref<1x1x128xi32, #tpu.memory_space<vmem>> -> memref<128xi32, #tpu.memory_space<vmem>>
      %dma_start3A_1803 = arith.constant 0 : i32
      %dma_start3A_1804 = arith.constant 0 : i32
      %dma_start3A_1805 = tpu.memref_slice %arg5[%dma_start3A_1791, %dma_start3A_1803, %dma_start3A_1804] : memref<4x512x32xf32, #tpu.memory_space<hbm>> -> memref<1x512x32xf32, #tpu.memory_space<hbm>>
      %dma_start3A_1806 = tpu.memref_squeeze %dma_start3A_1805 : memref<1x512x32xf32, #tpu.memory_space<hbm>> -> memref<512x32xf32, #tpu.memory_space<hbm>>
      %dma_start3A_1807 = arith.constant 0 : i32
      %dma_start3A_1808 = arith.constant 0 : i32
      %dma_start3A_1809 = tpu.memref_slice %dma_start3A_1806[%dma_start3A_1807, %dma_start3A_1808] : memref<512x32xf32, #tpu.memory_space<hbm>> -> memref<512x32xf32, #tpu.memory_space<hbm>>
      tpu.enqueue_indirect_dma source(%dma_start3A_1809 : memref<512x32xf32, #tpu.memory_space<hbm>>) target(%dma_start3A_1799 : memref<128x32xf32, #tpu.memory_space<vmem>>) offsets(%dma_start3A_1802 : memref<128xi32, #tpu.memory_space<vmem>>) semaphore(%arg17 : memref<!tpu.dma_semaphore, #tpu.memory_space<semaphore_mem>>)
      %gt3A = arith.constant 0 : i32
      %gt3A_1810 = arith.cmpi sgt, %scan3A_1143, %gt3A : i32
      %convert_element_type3A_1811 = arith.extui %gt3A_1810 : i1 to i32
      %cond3A_1812 = arith.constant 0 : i32
      %cond3A_1813 = arith.cmpi ne, %convert_element_type3A_1811, %cond3A_1812 : i32
      scf.if %cond3A_1813 {
        %sub3A_2351 = arith.constant 2 : i32
        %sub3A_2352 = arith.subi %add3A_1148, %sub3A_2351 : i32
        %jit3A_2353 = arith.constant 8 : i32
        %div3A_2354 = arith.divsi %sub3A_2352, %jit3A_2353 : i32
        %sign3A_2355 = arith.constant 0 : i32
        %sign3A_2356 = arith.cmpi sgt, %sub3A_2352, %sign3A_2355 : i32
        %sign3A_2357 = arith.extui %sign3A_2356 : i1 to i32
        %sign3A_2358 = arith.constant 0 : i32
        %sign3A_2359 = arith.cmpi slt, %sub3A_2352, %sign3A_2358 : i32
        %sign3A_2360 = arith.extui %sign3A_2359 : i1 to i32
        %sign3A_2361 = arith.subi %sign3A_2357, %sign3A_2360 : i32
        %sign3A_2362 = arith.constant 0 : i32
        %sign3A_2363 = arith.cmpi sgt, %jit3A_2353, %sign3A_2362 : i32
        %sign3A_2364 = arith.extui %sign3A_2363 : i1 to i32
        %sign3A_2365 = arith.constant 0 : i32
        %sign3A_2366 = arith.cmpi slt, %jit3A_2353, %sign3A_2365 : i32
        %sign3A_2367 = arith.extui %sign3A_2366 : i1 to i32
        %sign3A_2368 = arith.subi %sign3A_2364, %sign3A_2367 : i32
        %ne3A_2369 = arith.cmpi ne, %sign3A_2361, %sign3A_2368 : i32
        %rem3A_2370 = arith.remsi %sub3A_2352, %jit3A_2353 : i32
        %ne3A_2371 = arith.constant 0 : i32
        %ne3A_2372 = arith.cmpi ne, %rem3A_2370, %ne3A_2371 : i32
        %and3A_2373 = arith.andi %ne3A_2369, %ne3A_2372 : i1
        %sub3A_2374 = arith.constant 1 : i32
        %sub3A_2375 = arith.subi %div3A_2354, %sub3A_2374 : i32
        %select_n3A_2376 = arith.select %and3A_2373, %sub3A_2375, %div3A_2354 : i32
        %jit3A_2377 = arith.constant 8 : i32
        %eq3A_2378 = arith.constant 0 : i32
        %eq3A_2379 = arith.cmpi eq, %jit3A_2377, %eq3A_2378 : i32
        %jit3A_2380 = arith.constant 1 : i32
        %select_n3A_2381 = arith.select %eq3A_2379, %jit3A_2380, %jit3A_2377 : i32
        %rem3A_2382 = arith.remsi %sub3A_2352, %select_n3A_2381 : i32
        %ne3A_2383 = arith.constant 0 : i32
        %ne3A_2384 = arith.cmpi ne, %rem3A_2382, %ne3A_2383 : i32
        %lt3A_2385 = arith.constant 0 : i32
        %lt3A_2386 = arith.cmpi slt, %rem3A_2382, %lt3A_2385 : i32
        %lt3A_2387 = arith.constant 0 : i32
        %lt3A_2388 = arith.cmpi slt, %select_n3A_2381, %lt3A_2387 : i32
        %ne3A_2389 = arith.xori %lt3A_2386, %lt3A_2388 : i1
        %and3A_2390 = arith.andi %ne3A_2389, %ne3A_2384 : i1
        %add3A_2391 = arith.addi %rem3A_2382, %select_n3A_2381 : i32
        %select_n3A_2392 = arith.select %and3A_2390, %add3A_2391, %rem3A_2382 : i32
        %dma_wait3A_2393 = arith.constant 0 : i32
        %dma_wait3A_2394 = arith.constant 0 : i32
        %dma_wait3A_2395 = arith.constant 0 : i32
        %dma_wait3A_2396 = arith.constant 0 : i32
        %dma_wait3A_2397 = arith.constant 0 : i32
        %dma_wait3A_2398 = tpu.memref_slice %arg12[%dma_wait3A_2393, %dma_wait3A_2394, %dma_wait3A_2396, %dma_wait3A_2397] : memref<2x8x8x129xf32, #tpu.memory_space<vmem>> -> memref<1x1x8x128xf32, #tpu.memory_space<vmem>>
        %dma_wait3A_2399 = tpu.memref_squeeze %dma_wait3A_2398 : memref<1x1x8x128xf32, #tpu.memory_space<vmem>> -> memref<8x128xf32, #tpu.memory_space<vmem>>
        %dma_wait3A_2400 = arith.constant 0 : i32
        %dma_wait3A_2401 = arith.constant 0 : i32
        %dma_wait3A_2402 = tpu.memref_slice %arg7[%select_n3A_2376, %dma_wait3A_2395, %select_n3A_2392, %dma_wait3A_2400, %dma_wait3A_2401] : memref<200x8x8x8x128xf32, #tpu.memory_space<hbm>> -> memref<1x1x1x8x128xf32, #tpu.memory_space<hbm>>
        %dma_wait3A_2403 = tpu.memref_squeeze %dma_wait3A_2402 : memref<1x1x1x8x128xf32, #tpu.memory_space<hbm>> -> memref<8x128xf32, #tpu.memory_space<hbm>>
        %dma_wait3A_2404 = arith.constant 0 : i32
        %dma_wait3A_2405 = arith.constant 0 : i32
        %dma_wait3A_2406 = tpu.memref_slice %arg7[%select_n3A_2376, %dma_wait3A_2395, %select_n3A_2392, %dma_wait3A_2404, %dma_wait3A_2405] : memref<200x8x8x8x128xf32, #tpu.memory_space<hbm>> -> memref<1x1x1x8x128xf32, #tpu.memory_space<hbm>>
        %dma_wait3A_2407 = tpu.memref_squeeze %dma_wait3A_2406 : memref<1x1x1x8x128xf32, #tpu.memory_space<hbm>> -> memref<8x128xf32, #tpu.memory_space<hbm>>
        %dma_wait3A_2408 = arith.constant 0 : i32
        %dma_wait3A_2409 = arith.constant 0 : i32
        %dma_wait3A_2410 = tpu.memref_slice %arg12[%dma_wait3A_2393, %dma_wait3A_2394, %dma_wait3A_2408, %dma_wait3A_2409] : memref<2x8x8x129xf32, #tpu.memory_space<vmem>> -> memref<1x1x8x128xf32, #tpu.memory_space<vmem>>
        %dma_wait3A_2411 = tpu.memref_squeeze %dma_wait3A_2410 : memref<1x1x8x128xf32, #tpu.memory_space<vmem>> -> memref<8x128xf32, #tpu.memory_space<vmem>>
        tpu.wait_dma2 semaphore(%arg18 : memref<!tpu.dma_semaphore, #tpu.memory_space<semaphore_mem>>) src(%dma_wait3A_2411 : memref<8x128xf32, #tpu.memory_space<vmem>>) dst(%dma_wait3A_2407 : memref<8x128xf32, #tpu.memory_space<hbm>>)
        %dma_wait3A_2412 = arith.constant 0 : i32
        %dma_wait3A_2413 = arith.constant 1 : i32
        %dma_wait3A_2414 = arith.constant 1 : i32
        %dma_wait3A_2415 = arith.constant 0 : i32
        %dma_wait3A_2416 = arith.constant 0 : i32
        %dma_wait3A_2417 = tpu.memref_slice %arg12[%dma_wait3A_2412, %dma_wait3A_2413, %dma_wait3A_2415, %dma_wait3A_2416] : memref<2x8x8x129xf32, #tpu.memory_space<vmem>> -> memref<1x1x8x128xf32, #tpu.memory_space<vmem>>
        %dma_wait3A_2418 = tpu.memref_squeeze %dma_wait3A_2417 : memref<1x1x8x128xf32, #tpu.memory_space<vmem>> -> memref<8x128xf32, #tpu.memory_space<vmem>>
        %dma_wait3A_2419 = arith.constant 0 : i32
        %dma_wait3A_2420 = arith.constant 0 : i32
        %dma_wait3A_2421 = tpu.memref_slice %arg7[%select_n3A_2376, %dma_wait3A_2414, %select_n3A_2392, %dma_wait3A_2419, %dma_wait3A_2420] : memref<200x8x8x8x128xf32, #tpu.memory_space<hbm>> -> memref<1x1x1x8x128xf32, #tpu.memory_space<hbm>>
        %dma_wait3A_2422 = tpu.memref_squeeze %dma_wait3A_2421 : memref<1x1x1x8x128xf32, #tpu.memory_space<hbm>> -> memref<8x128xf32, #tpu.memory_space<hbm>>
        %dma_wait3A_2423 = arith.constant 0 : i32
        %dma_wait3A_2424 = arith.constant 0 : i32
        %dma_wait3A_2425 = tpu.memref_slice %arg7[%select_n3A_2376, %dma_wait3A_2414, %select_n3A_2392, %dma_wait3A_2423, %dma_wait3A_2424] : memref<200x8x8x8x128xf32, #tpu.memory_space<hbm>> -> memref<1x1x1x8x128xf32, #tpu.memory_space<hbm>>
        %dma_wait3A_2426 = tpu.memref_squeeze %dma_wait3A_2425 : memref<1x1x1x8x128xf32, #tpu.memory_space<hbm>> -> memref<8x128xf32, #tpu.memory_space<hbm>>
        %dma_wait3A_2427 = arith.constant 0 : i32
        %dma_wait3A_2428 = arith.constant 0 : i32
        %dma_wait3A_2429 = tpu.memref_slice %arg12[%dma_wait3A_2412, %dma_wait3A_2413, %dma_wait3A_2427, %dma_wait3A_2428] : memref<2x8x8x129xf32, #tpu.memory_space<vmem>> -> memref<1x1x8x128xf32, #tpu.memory_space<vmem>>
        %dma_wait3A_2430 = tpu.memref_squeeze %dma_wait3A_2429 : memref<1x1x8x128xf32, #tpu.memory_space<vmem>> -> memref<8x128xf32, #tpu.memory_space<vmem>>
        tpu.wait_dma2 semaphore(%arg18 : memref<!tpu.dma_semaphore, #tpu.memory_space<semaphore_mem>>) src(%dma_wait3A_2430 : memref<8x128xf32, #tpu.memory_space<vmem>>) dst(%dma_wait3A_2426 : memref<8x128xf32, #tpu.memory_space<hbm>>)
        %dma_wait3A_2431 = arith.constant 0 : i32
        %dma_wait3A_2432 = arith.constant 2 : i32
        %dma_wait3A_2433 = arith.constant 2 : i32
        %dma_wait3A_2434 = arith.constant 0 : i32
        %dma_wait3A_2435 = arith.constant 0 : i32
        %dma_wait3A_2436 = tpu.memref_slice %arg12[%dma_wait3A_2431, %dma_wait3A_2432, %dma_wait3A_2434, %dma_wait3A_2435] : memref<2x8x8x129xf32, #tpu.memory_space<vmem>> -> memref<1x1x8x128xf32, #tpu.memory_space<vmem>>
        %dma_wait3A_2437 = tpu.memref_squeeze %dma_wait3A_2436 : memref<1x1x8x128xf32, #tpu.memory_space<vmem>> -> memref<8x128xf32, #tpu.memory_space<vmem>>
        %dma_wait3A_2438 = arith.constant 0 : i32
        %dma_wait3A_2439 = arith.constant 0 : i32
        %dma_wait3A_2440 = tpu.memref_slice %arg7[%select_n3A_2376, %dma_wait3A_2433, %select_n3A_2392, %dma_wait3A_2438, %dma_wait3A_2439] : memref<200x8x8x8x128xf32, #tpu.memory_space<hbm>> -> memref<1x1x1x8x128xf32, #tpu.memory_space<hbm>>
        %dma_wait3A_2441 = tpu.memref_squeeze %dma_wait3A_2440 : memref<1x1x1x8x128xf32, #tpu.memory_space<hbm>> -> memref<8x128xf32, #tpu.memory_space<hbm>>
        %dma_wait3A_2442 = arith.constant 0 : i32
        %dma_wait3A_2443 = arith.constant 0 : i32
        %dma_wait3A_2444 = tpu.memref_slice %arg7[%select_n3A_2376, %dma_wait3A_2433, %select_n3A_2392, %dma_wait3A_2442, %dma_wait3A_2443] : memref<200x8x8x8x128xf32, #tpu.memory_space<hbm>> -> memref<1x1x1x8x128xf32, #tpu.memory_space<hbm>>
        %dma_wait3A_2445 = tpu.memref_squeeze %dma_wait3A_2444 : memref<1x1x1x8x128xf32, #tpu.memory_space<hbm>> -> memref<8x128xf32, #tpu.memory_space<hbm>>
        %dma_wait3A_2446 = arith.constant 0 : i32
        %dma_wait3A_2447 = arith.constant 0 : i32
        %dma_wait3A_2448 = tpu.memref_slice %arg12[%dma_wait3A_2431, %dma_wait3A_2432, %dma_wait3A_2446, %dma_wait3A_2447] : memref<2x8x8x129xf32, #tpu.memory_space<vmem>> -> memref<1x1x8x128xf32, #tpu.memory_space<vmem>>
        %dma_wait3A_2449 = tpu.memref_squeeze %dma_wait3A_2448 : memref<1x1x8x128xf32, #tpu.memory_space<vmem>> -> memref<8x128xf32, #tpu.memory_space<vmem>>
        tpu.wait_dma2 semaphore(%arg18 : memref<!tpu.dma_semaphore, #tpu.memory_space<semaphore_mem>>) src(%dma_wait3A_2449 : memref<8x128xf32, #tpu.memory_space<vmem>>) dst(%dma_wait3A_2445 : memref<8x128xf32, #tpu.memory_space<hbm>>)
        %dma_wait3A_2450 = arith.constant 0 : i32
        %dma_wait3A_2451 = arith.constant 3 : i32
        %dma_wait3A_2452 = arith.constant 3 : i32
        %dma_wait3A_2453 = arith.constant 0 : i32
        %dma_wait3A_2454 = arith.constant 0 : i32
        %dma_wait3A_2455 = tpu.memref_slice %arg12[%dma_wait3A_2450, %dma_wait3A_2451, %dma_wait3A_2453, %dma_wait3A_2454] : memref<2x8x8x129xf32, #tpu.memory_space<vmem>> -> memref<1x1x8x128xf32, #tpu.memory_space<vmem>>
        %dma_wait3A_2456 = tpu.memref_squeeze %dma_wait3A_2455 : memref<1x1x8x128xf32, #tpu.memory_space<vmem>> -> memref<8x128xf32, #tpu.memory_space<vmem>>
        %dma_wait3A_2457 = arith.constant 0 : i32
        %dma_wait3A_2458 = arith.constant 0 : i32
        %dma_wait3A_2459 = tpu.memref_slice %arg7[%select_n3A_2376, %dma_wait3A_2452, %select_n3A_2392, %dma_wait3A_2457, %dma_wait3A_2458] : memref<200x8x8x8x128xf32, #tpu.memory_space<hbm>> -> memref<1x1x1x8x128xf32, #tpu.memory_space<hbm>>
        %dma_wait3A_2460 = tpu.memref_squeeze %dma_wait3A_2459 : memref<1x1x1x8x128xf32, #tpu.memory_space<hbm>> -> memref<8x128xf32, #tpu.memory_space<hbm>>
        %dma_wait3A_2461 = arith.constant 0 : i32
        %dma_wait3A_2462 = arith.constant 0 : i32
        %dma_wait3A_2463 = tpu.memref_slice %arg7[%select_n3A_2376, %dma_wait3A_2452, %select_n3A_2392, %dma_wait3A_2461, %dma_wait3A_2462] : memref<200x8x8x8x128xf32, #tpu.memory_space<hbm>> -> memref<1x1x1x8x128xf32, #tpu.memory_space<hbm>>
        %dma_wait3A_2464 = tpu.memref_squeeze %dma_wait3A_2463 : memref<1x1x1x8x128xf32, #tpu.memory_space<hbm>> -> memref<8x128xf32, #tpu.memory_space<hbm>>
        %dma_wait3A_2465 = arith.constant 0 : i32
        %dma_wait3A_2466 = arith.constant 0 : i32
        %dma_wait3A_2467 = tpu.memref_slice %arg12[%dma_wait3A_2450, %dma_wait3A_2451, %dma_wait3A_2465, %dma_wait3A_2466] : memref<2x8x8x129xf32, #tpu.memory_space<vmem>> -> memref<1x1x8x128xf32, #tpu.memory_space<vmem>>
        %dma_wait3A_2468 = tpu.memref_squeeze %dma_wait3A_2467 : memref<1x1x8x128xf32, #tpu.memory_space<vmem>> -> memref<8x128xf32, #tpu.memory_space<vmem>>
        tpu.wait_dma2 semaphore(%arg18 : memref<!tpu.dma_semaphore, #tpu.memory_space<semaphore_mem>>) src(%dma_wait3A_2468 : memref<8x128xf32, #tpu.memory_space<vmem>>) dst(%dma_wait3A_2464 : memref<8x128xf32, #tpu.memory_space<hbm>>)
        %dma_wait3A_2469 = arith.constant 0 : i32
        %dma_wait3A_2470 = arith.constant 4 : i32
        %dma_wait3A_2471 = arith.constant 4 : i32
        %dma_wait3A_2472 = arith.constant 0 : i32
        %dma_wait3A_2473 = arith.constant 0 : i32
        %dma_wait3A_2474 = tpu.memref_slice %arg12[%dma_wait3A_2469, %dma_wait3A_2470, %dma_wait3A_2472, %dma_wait3A_2473] : memref<2x8x8x129xf32, #tpu.memory_space<vmem>> -> memref<1x1x8x128xf32, #tpu.memory_space<vmem>>
        %dma_wait3A_2475 = tpu.memref_squeeze %dma_wait3A_2474 : memref<1x1x8x128xf32, #tpu.memory_space<vmem>> -> memref<8x128xf32, #tpu.memory_space<vmem>>
        %dma_wait3A_2476 = arith.constant 0 : i32
        %dma_wait3A_2477 = arith.constant 0 : i32
        %dma_wait3A_2478 = tpu.memref_slice %arg7[%select_n3A_2376, %dma_wait3A_2471, %select_n3A_2392, %dma_wait3A_2476, %dma_wait3A_2477] : memref<200x8x8x8x128xf32, #tpu.memory_space<hbm>> -> memref<1x1x1x8x128xf32, #tpu.memory_space<hbm>>
        %dma_wait3A_2479 = tpu.memref_squeeze %dma_wait3A_2478 : memref<1x1x1x8x128xf32, #tpu.memory_space<hbm>> -> memref<8x128xf32, #tpu.memory_space<hbm>>
        %dma_wait3A_2480 = arith.constant 0 : i32
        %dma_wait3A_2481 = arith.constant 0 : i32
        %dma_wait3A_2482 = tpu.memref_slice %arg7[%select_n3A_2376, %dma_wait3A_2471, %select_n3A_2392, %dma_wait3A_2480, %dma_wait3A_2481] : memref<200x8x8x8x128xf32, #tpu.memory_space<hbm>> -> memref<1x1x1x8x128xf32, #tpu.memory_space<hbm>>
        %dma_wait3A_2483 = tpu.memref_squeeze %dma_wait3A_2482 : memref<1x1x1x8x128xf32, #tpu.memory_space<hbm>> -> memref<8x128xf32, #tpu.memory_space<hbm>>
        %dma_wait3A_2484 = arith.constant 0 : i32
        %dma_wait3A_2485 = arith.constant 0 : i32
        %dma_wait3A_2486 = tpu.memref_slice %arg12[%dma_wait3A_2469, %dma_wait3A_2470, %dma_wait3A_2484, %dma_wait3A_2485] : memref<2x8x8x129xf32, #tpu.memory_space<vmem>> -> memref<1x1x8x128xf32, #tpu.memory_space<vmem>>
        %dma_wait3A_2487 = tpu.memref_squeeze %dma_wait3A_2486 : memref<1x1x8x128xf32, #tpu.memory_space<vmem>> -> memref<8x128xf32, #tpu.memory_space<vmem>>
        tpu.wait_dma2 semaphore(%arg18 : memref<!tpu.dma_semaphore, #tpu.memory_space<semaphore_mem>>) src(%dma_wait3A_2487 : memref<8x128xf32, #tpu.memory_space<vmem>>) dst(%dma_wait3A_2483 : memref<8x128xf32, #tpu.memory_space<hbm>>)
        %dma_wait3A_2488 = arith.constant 0 : i32
        %dma_wait3A_2489 = arith.constant 5 : i32
        %dma_wait3A_2490 = arith.constant 5 : i32
        %dma_wait3A_2491 = arith.constant 0 : i32
        %dma_wait3A_2492 = arith.constant 0 : i32
        %dma_wait3A_2493 = tpu.memref_slice %arg12[%dma_wait3A_2488, %dma_wait3A_2489, %dma_wait3A_2491, %dma_wait3A_2492] : memref<2x8x8x129xf32, #tpu.memory_space<vmem>> -> memref<1x1x8x128xf32, #tpu.memory_space<vmem>>
        %dma_wait3A_2494 = tpu.memref_squeeze %dma_wait3A_2493 : memref<1x1x8x128xf32, #tpu.memory_space<vmem>> -> memref<8x128xf32, #tpu.memory_space<vmem>>
        %dma_wait3A_2495 = arith.constant 0 : i32
        %dma_wait3A_2496 = arith.constant 0 : i32
        %dma_wait3A_2497 = tpu.memref_slice %arg7[%select_n3A_2376, %dma_wait3A_2490, %select_n3A_2392, %dma_wait3A_2495, %dma_wait3A_2496] : memref<200x8x8x8x128xf32, #tpu.memory_space<hbm>> -> memref<1x1x1x8x128xf32, #tpu.memory_space<hbm>>
        %dma_wait3A_2498 = tpu.memref_squeeze %dma_wait3A_2497 : memref<1x1x1x8x128xf32, #tpu.memory_space<hbm>> -> memref<8x128xf32, #tpu.memory_space<hbm>>
        %dma_wait3A_2499 = arith.constant 0 : i32
        %dma_wait3A_2500 = arith.constant 0 : i32
        %dma_wait3A_2501 = tpu.memref_slice %arg7[%select_n3A_2376, %dma_wait3A_2490, %select_n3A_2392, %dma_wait3A_2499, %dma_wait3A_2500] : memref<200x8x8x8x128xf32, #tpu.memory_space<hbm>> -> memref<1x1x1x8x128xf32, #tpu.memory_space<hbm>>
        %dma_wait3A_2502 = tpu.memref_squeeze %dma_wait3A_2501 : memref<1x1x1x8x128xf32, #tpu.memory_space<hbm>> -> memref<8x128xf32, #tpu.memory_space<hbm>>
        %dma_wait3A_2503 = arith.constant 0 : i32
        %dma_wait3A_2504 = arith.constant 0 : i32
        %dma_wait3A_2505 = tpu.memref_slice %arg12[%dma_wait3A_2488, %dma_wait3A_2489, %dma_wait3A_2503, %dma_wait3A_2504] : memref<2x8x8x129xf32, #tpu.memory_space<vmem>> -> memref<1x1x8x128xf32, #tpu.memory_space<vmem>>
        %dma_wait3A_2506 = tpu.memref_squeeze %dma_wait3A_2505 : memref<1x1x8x128xf32, #tpu.memory_space<vmem>> -> memref<8x128xf32, #tpu.memory_space<vmem>>
        tpu.wait_dma2 semaphore(%arg18 : memref<!tpu.dma_semaphore, #tpu.memory_space<semaphore_mem>>) src(%dma_wait3A_2506 : memref<8x128xf32, #tpu.memory_space<vmem>>) dst(%dma_wait3A_2502 : memref<8x128xf32, #tpu.memory_space<hbm>>)
        %dma_wait3A_2507 = arith.constant 0 : i32
        %dma_wait3A_2508 = arith.constant 6 : i32
        %dma_wait3A_2509 = arith.constant 6 : i32
        %dma_wait3A_2510 = arith.constant 0 : i32
        %dma_wait3A_2511 = arith.constant 0 : i32
        %dma_wait3A_2512 = tpu.memref_slice %arg12[%dma_wait3A_2507, %dma_wait3A_2508, %dma_wait3A_2510, %dma_wait3A_2511] : memref<2x8x8x129xf32, #tpu.memory_space<vmem>> -> memref<1x1x8x128xf32, #tpu.memory_space<vmem>>
        %dma_wait3A_2513 = tpu.memref_squeeze %dma_wait3A_2512 : memref<1x1x8x128xf32, #tpu.memory_space<vmem>> -> memref<8x128xf32, #tpu.memory_space<vmem>>
        %dma_wait3A_2514 = arith.constant 0 : i32
        %dma_wait3A_2515 = arith.constant 0 : i32
        %dma_wait3A_2516 = tpu.memref_slice %arg7[%select_n3A_2376, %dma_wait3A_2509, %select_n3A_2392, %dma_wait3A_2514, %dma_wait3A_2515] : memref<200x8x8x8x128xf32, #tpu.memory_space<hbm>> -> memref<1x1x1x8x128xf32, #tpu.memory_space<hbm>>
        %dma_wait3A_2517 = tpu.memref_squeeze %dma_wait3A_2516 : memref<1x1x1x8x128xf32, #tpu.memory_space<hbm>> -> memref<8x128xf32, #tpu.memory_space<hbm>>
        %dma_wait3A_2518 = arith.constant 0 : i32
        %dma_wait3A_2519 = arith.constant 0 : i32
        %dma_wait3A_2520 = tpu.memref_slice %arg7[%select_n3A_2376, %dma_wait3A_2509, %select_n3A_2392, %dma_wait3A_2518, %dma_wait3A_2519] : memref<200x8x8x8x128xf32, #tpu.memory_space<hbm>> -> memref<1x1x1x8x128xf32, #tpu.memory_space<hbm>>
        %dma_wait3A_2521 = tpu.memref_squeeze %dma_wait3A_2520 : memref<1x1x1x8x128xf32, #tpu.memory_space<hbm>> -> memref<8x128xf32, #tpu.memory_space<hbm>>
        %dma_wait3A_2522 = arith.constant 0 : i32
        %dma_wait3A_2523 = arith.constant 0 : i32
        %dma_wait3A_2524 = tpu.memref_slice %arg12[%dma_wait3A_2507, %dma_wait3A_2508, %dma_wait3A_2522, %dma_wait3A_2523] : memref<2x8x8x129xf32, #tpu.memory_space<vmem>> -> memref<1x1x8x128xf32, #tpu.memory_space<vmem>>
        %dma_wait3A_2525 = tpu.memref_squeeze %dma_wait3A_2524 : memref<1x1x8x128xf32, #tpu.memory_space<vmem>> -> memref<8x128xf32, #tpu.memory_space<vmem>>
        tpu.wait_dma2 semaphore(%arg18 : memref<!tpu.dma_semaphore, #tpu.memory_space<semaphore_mem>>) src(%dma_wait3A_2525 : memref<8x128xf32, #tpu.memory_space<vmem>>) dst(%dma_wait3A_2521 : memref<8x128xf32, #tpu.memory_space<hbm>>)
        %dma_wait3A_2526 = arith.constant 0 : i32
        %dma_wait3A_2527 = arith.constant 7 : i32
        %dma_wait3A_2528 = arith.constant 7 : i32
        %dma_wait3A_2529 = arith.constant 0 : i32
        %dma_wait3A_2530 = arith.constant 0 : i32
        %dma_wait3A_2531 = tpu.memref_slice %arg12[%dma_wait3A_2526, %dma_wait3A_2527, %dma_wait3A_2529, %dma_wait3A_2530] : memref<2x8x8x129xf32, #tpu.memory_space<vmem>> -> memref<1x1x8x128xf32, #tpu.memory_space<vmem>>
        %dma_wait3A_2532 = tpu.memref_squeeze %dma_wait3A_2531 : memref<1x1x8x128xf32, #tpu.memory_space<vmem>> -> memref<8x128xf32, #tpu.memory_space<vmem>>
        %dma_wait3A_2533 = arith.constant 0 : i32
        %dma_wait3A_2534 = arith.constant 0 : i32
        %dma_wait3A_2535 = tpu.memref_slice %arg7[%select_n3A_2376, %dma_wait3A_2528, %select_n3A_2392, %dma_wait3A_2533, %dma_wait3A_2534] : memref<200x8x8x8x128xf32, #tpu.memory_space<hbm>> -> memref<1x1x1x8x128xf32, #tpu.memory_space<hbm>>
        %dma_wait3A_2536 = tpu.memref_squeeze %dma_wait3A_2535 : memref<1x1x1x8x128xf32, #tpu.memory_space<hbm>> -> memref<8x128xf32, #tpu.memory_space<hbm>>
        %dma_wait3A_2537 = arith.constant 0 : i32
        %dma_wait3A_2538 = arith.constant 0 : i32
        %dma_wait3A_2539 = tpu.memref_slice %arg7[%select_n3A_2376, %dma_wait3A_2528, %select_n3A_2392, %dma_wait3A_2537, %dma_wait3A_2538] : memref<200x8x8x8x128xf32, #tpu.memory_space<hbm>> -> memref<1x1x1x8x128xf32, #tpu.memory_space<hbm>>
        %dma_wait3A_2540 = tpu.memref_squeeze %dma_wait3A_2539 : memref<1x1x1x8x128xf32, #tpu.memory_space<hbm>> -> memref<8x128xf32, #tpu.memory_space<hbm>>
        %dma_wait3A_2541 = arith.constant 0 : i32
        %dma_wait3A_2542 = arith.constant 0 : i32
        %dma_wait3A_2543 = tpu.memref_slice %arg12[%dma_wait3A_2526, %dma_wait3A_2527, %dma_wait3A_2541, %dma_wait3A_2542] : memref<2x8x8x129xf32, #tpu.memory_space<vmem>> -> memref<1x1x8x128xf32, #tpu.memory_space<vmem>>
        %dma_wait3A_2544 = tpu.memref_squeeze %dma_wait3A_2543 : memref<1x1x8x128xf32, #tpu.memory_space<vmem>> -> memref<8x128xf32, #tpu.memory_space<vmem>>
        tpu.wait_dma2 semaphore(%arg18 : memref<!tpu.dma_semaphore, #tpu.memory_space<semaphore_mem>>) src(%dma_wait3A_2544 : memref<8x128xf32, #tpu.memory_space<vmem>>) dst(%dma_wait3A_2540 : memref<8x128xf32, #tpu.memory_space<hbm>>)
      } else {
      }
      %parallel_loop3A = arith.constant 0 : i32
      %parallel_loop3A_1814 = arith.constant 128 : i32
      %parallel_loop3A_1815 = arith.constant 1 : i32
      scf.for %parallel_loop3A_2351 = %parallel_loop3A to %parallel_loop3A_1814 step %parallel_loop3A_1815  : i32 {
        %parallel_loop3A_2352 = vector.broadcast %parallel_loop3A_2351 : i32 to vector<16xi32>
        %parallel_loop3A_2353 = arith.constant 0 : i32
        %parallel_loop3A_2354 = arith.constant 0 : i32
        %parallel_loop3A_2355 = arith.index_cast %parallel_loop3A_2353 : i32 to index
        %parallel_loop3A_2356 = arith.index_cast %parallel_loop3A_2354 : i32 to index
        %parallel_loop3A_2357 = arith.index_cast %parallel_loop3A_2351 : i32 to index
        %parallel_loop3A_2358 = arith.constant 0 : index
        %parallel_loop3A_2359 = tpu.vector_load %arg10[%parallel_loop3A_2355, %parallel_loop3A_2356, %parallel_loop3A_2357, %parallel_loop3A_2358] {strides = array<i32>} : memref<2x4x128x32xf32, #tpu.memory_space<vmem>>, vector<16xf32>,
        %parallel_loop3A_2360 = arith.mulf %get3A_5, %parallel_loop3A_2359 : vector<16xf32>
        %parallel_loop3A_2361 = arith.constant 0 : i32
        %parallel_loop3A_2362 = arith.constant 1 : i32
        %parallel_loop3A_2363 = arith.index_cast %parallel_loop3A_2361 : i32 to index
        %parallel_loop3A_2364 = arith.index_cast %parallel_loop3A_2362 : i32 to index
        %parallel_loop3A_2365 = arith.index_cast %parallel_loop3A_2351 : i32 to index
        %parallel_loop3A_2366 = arith.constant 0 : index
        %parallel_loop3A_2367 = tpu.vector_load %arg10[%parallel_loop3A_2363, %parallel_loop3A_2364, %parallel_loop3A_2365, %parallel_loop3A_2366] {strides = array<i32>} : memref<2x4x128x32xf32, #tpu.memory_space<vmem>>, vector<16xf32>,
        %parallel_loop3A_2368 = arith.mulf %get3A_9, %parallel_loop3A_2367 : vector<16xf32>
        %parallel_loop3A_2369 = arith.addf %parallel_loop3A_2360, %parallel_loop3A_2368 : vector<16xf32>
        %parallel_loop3A_2370 = arith.constant 0 : i32
        %parallel_loop3A_2371 = arith.constant 2 : i32
        %parallel_loop3A_2372 = arith.index_cast %parallel_loop3A_2370 : i32 to index
        %parallel_loop3A_2373 = arith.index_cast %parallel_loop3A_2371 : i32 to index
        %parallel_loop3A_2374 = arith.index_cast %parallel_loop3A_2351 : i32 to index
        %parallel_loop3A_2375 = arith.constant 0 : index
        %parallel_loop3A_2376 = tpu.vector_load %arg10[%parallel_loop3A_2372, %parallel_loop3A_2373, %parallel_loop3A_2374, %parallel_loop3A_2375] {strides = array<i32>} : memref<2x4x128x32xf32, #tpu.memory_space<vmem>>, vector<16xf32>,
        %parallel_loop3A_2377 = arith.mulf %get3A_13, %parallel_loop3A_2376 : vector<16xf32>
        %parallel_loop3A_2378 = arith.addf %parallel_loop3A_2369, %parallel_loop3A_2377 : vector<16xf32>
        %parallel_loop3A_2379 = arith.constant 0 : i32
        %parallel_loop3A_2380 = arith.constant 3 : i32
        %parallel_loop3A_2381 = arith.index_cast %parallel_loop3A_2379 : i32 to index
        %parallel_loop3A_2382 = arith.index_cast %parallel_loop3A_2380 : i32 to index
        %parallel_loop3A_2383 = arith.index_cast %parallel_loop3A_2351 : i32 to index
        %parallel_loop3A_2384 = arith.constant 0 : index
        %parallel_loop3A_2385 = tpu.vector_load %arg10[%parallel_loop3A_2381, %parallel_loop3A_2382, %parallel_loop3A_2383, %parallel_loop3A_2384] {strides = array<i32>} : memref<2x4x128x32xf32, #tpu.memory_space<vmem>>, vector<16xf32>,
        %parallel_loop3A_2386 = arith.mulf %get3A_17, %parallel_loop3A_2385 : vector<16xf32>
        %parallel_loop3A_2387 = arith.addf %parallel_loop3A_2378, %parallel_loop3A_2386 : vector<16xf32>
        %parallel_loop3A_2388 = arith.constant 0 : i32
        %parallel_loop3A_2389 = arith.constant 0 : i32
        %parallel_loop3A_2390 = arith.index_cast %parallel_loop3A_2388 : i32 to index
        %parallel_loop3A_2391 = arith.index_cast %parallel_loop3A_2389 : i32 to index
        %parallel_loop3A_2392 = arith.index_cast %parallel_loop3A_2351 : i32 to index
        %parallel_loop3A_2393 = arith.constant 16 : index
        %parallel_loop3A_2394 = tpu.vector_load %arg10[%parallel_loop3A_2390, %parallel_loop3A_2391, %parallel_loop3A_2392, %parallel_loop3A_2393] {strides = array<i32>} : memref<2x4x128x32xf32, #tpu.memory_space<vmem>>, vector<16xf32>,
        %parallel_loop3A_2395 = arith.mulf %get3A_5, %parallel_loop3A_2394 : vector<16xf32>
        %parallel_loop3A_2396 = arith.constant 0 : i32
        %parallel_loop3A_2397 = arith.constant 1 : i32
        %parallel_loop3A_2398 = arith.index_cast %parallel_loop3A_2396 : i32 to index
        %parallel_loop3A_2399 = arith.index_cast %parallel_loop3A_2397 : i32 to index
        %parallel_loop3A_2400 = arith.index_cast %parallel_loop3A_2351 : i32 to index
        %parallel_loop3A_2401 = arith.constant 16 : index
        %parallel_loop3A_2402 = tpu.vector_load %arg10[%parallel_loop3A_2398, %parallel_loop3A_2399, %parallel_loop3A_2400, %parallel_loop3A_2401] {strides = array<i32>} : memref<2x4x128x32xf32, #tpu.memory_space<vmem>>, vector<16xf32>,
        %parallel_loop3A_2403 = arith.mulf %get3A_9, %parallel_loop3A_2402 : vector<16xf32>
        %parallel_loop3A_2404 = arith.addf %parallel_loop3A_2395, %parallel_loop3A_2403 : vector<16xf32>
        %parallel_loop3A_2405 = arith.constant 0 : i32
        %parallel_loop3A_2406 = arith.constant 2 : i32
        %parallel_loop3A_2407 = arith.index_cast %parallel_loop3A_2405 : i32 to index
        %parallel_loop3A_2408 = arith.index_cast %parallel_loop3A_2406 : i32 to index
        %parallel_loop3A_2409 = arith.index_cast %parallel_loop3A_2351 : i32 to index
        %parallel_loop3A_2410 = arith.constant 16 : index
        %parallel_loop3A_2411 = tpu.vector_load %arg10[%parallel_loop3A_2407, %parallel_loop3A_2408, %parallel_loop3A_2409, %parallel_loop3A_2410] {strides = array<i32>} : memref<2x4x128x32xf32, #tpu.memory_space<vmem>>, vector<16xf32>,
        %parallel_loop3A_2412 = arith.mulf %get3A_13, %parallel_loop3A_2411 : vector<16xf32>
        %parallel_loop3A_2413 = arith.addf %parallel_loop3A_2404, %parallel_loop3A_2412 : vector<16xf32>
        %parallel_loop3A_2414 = arith.constant 0 : i32
        %parallel_loop3A_2415 = arith.constant 3 : i32
        %parallel_loop3A_2416 = arith.index_cast %parallel_loop3A_2414 : i32 to index
        %parallel_loop3A_2417 = arith.index_cast %parallel_loop3A_2415 : i32 to index
        %parallel_loop3A_2418 = arith.index_cast %parallel_loop3A_2351 : i32 to index
        %parallel_loop3A_2419 = arith.constant 16 : index
        %parallel_loop3A_2420 = tpu.vector_load %arg10[%parallel_loop3A_2416, %parallel_loop3A_2417, %parallel_loop3A_2418, %parallel_loop3A_2419] {strides = array<i32>} : memref<2x4x128x32xf32, #tpu.memory_space<vmem>>, vector<16xf32>,
        %parallel_loop3A_2421 = arith.mulf %get3A_17, %parallel_loop3A_2420 : vector<16xf32>
        %parallel_loop3A_2422 = arith.addf %parallel_loop3A_2413, %parallel_loop3A_2421 : vector<16xf32>
        %parallel_loop3A_2423 = arith.constant 0 : i32
        %parallel_loop3A_2424 = arith.constant 0 : i32
        %parallel_loop3A_2425 = arith.index_cast %parallel_loop3A_2423 : i32 to index
        %parallel_loop3A_2426 = arith.index_cast %parallel_loop3A_2424 : i32 to index
        %parallel_loop3A_2427 = arith.index_cast %parallel_loop3A_2351 : i32 to index
        %parallel_loop3A_2428 = arith.constant 0 : index
        %parallel_loop3A_2429 = tpu.vector_load %arg11[%parallel_loop3A_2425, %parallel_loop3A_2426, %parallel_loop3A_2427, %parallel_loop3A_2428] {strides = array<i32>} : memref<2x4x128x32xf32, #tpu.memory_space<vmem>>, vector<16xf32>,
        %parallel_loop3A_2430 = arith.mulf %get3A_21, %parallel_loop3A_2429 : vector<16xf32>
        %parallel_loop3A_2431 = arith.constant 0 : i32
        %parallel_loop3A_2432 = arith.constant 1 : i32
        %parallel_loop3A_2433 = arith.index_cast %parallel_loop3A_2431 : i32 to index
        %parallel_loop3A_2434 = arith.index_cast %parallel_loop3A_2432 : i32 to index
        %parallel_loop3A_2435 = arith.index_cast %parallel_loop3A_2351 : i32 to index
        %parallel_loop3A_2436 = arith.constant 0 : index
        %parallel_loop3A_2437 = tpu.vector_load %arg11[%parallel_loop3A_2433, %parallel_loop3A_2434, %parallel_loop3A_2435, %parallel_loop3A_2436] {strides = array<i32>} : memref<2x4x128x32xf32, #tpu.memory_space<vmem>>, vector<16xf32>,
        %parallel_loop3A_2438 = arith.mulf %get3A_25, %parallel_loop3A_2437 : vector<16xf32>
        %parallel_loop3A_2439 = arith.addf %parallel_loop3A_2430, %parallel_loop3A_2438 : vector<16xf32>
        %parallel_loop3A_2440 = arith.constant 0 : i32
        %parallel_loop3A_2441 = arith.constant 2 : i32
        %parallel_loop3A_2442 = arith.index_cast %parallel_loop3A_2440 : i32 to index
        %parallel_loop3A_2443 = arith.index_cast %parallel_loop3A_2441 : i32 to index
        %parallel_loop3A_2444 = arith.index_cast %parallel_loop3A_2351 : i32 to index
        %parallel_loop3A_2445 = arith.constant 0 : index
        %parallel_loop3A_2446 = tpu.vector_load %arg11[%parallel_loop3A_2442, %parallel_loop3A_2443, %parallel_loop3A_2444, %parallel_loop3A_2445] {strides = array<i32>} : memref<2x4x128x32xf32, #tpu.memory_space<vmem>>, vector<16xf32>,
        %parallel_loop3A_2447 = arith.mulf %get3A_29, %parallel_loop3A_2446 : vector<16xf32>
        %parallel_loop3A_2448 = arith.addf %parallel_loop3A_2439, %parallel_loop3A_2447 : vector<16xf32>
        %parallel_loop3A_2449 = arith.constant 0 : i32
        %parallel_loop3A_2450 = arith.constant 3 : i32
        %parallel_loop3A_2451 = arith.index_cast %parallel_loop3A_2449 : i32 to index
        %parallel_loop3A_2452 = arith.index_cast %parallel_loop3A_2450 : i32 to index
        %parallel_loop3A_2453 = arith.index_cast %parallel_loop3A_2351 : i32 to index
        %parallel_loop3A_2454 = arith.constant 0 : index
        %parallel_loop3A_2455 = tpu.vector_load %arg11[%parallel_loop3A_2451, %parallel_loop3A_2452, %parallel_loop3A_2453, %parallel_loop3A_2454] {strides = array<i32>} : memref<2x4x128x32xf32, #tpu.memory_space<vmem>>, vector<16xf32>,
        %parallel_loop3A_2456 = arith.mulf %get3A_33, %parallel_loop3A_2455 : vector<16xf32>
        %parallel_loop3A_2457 = arith.addf %parallel_loop3A_2448, %parallel_loop3A_2456 : vector<16xf32>
        %parallel_loop3A_2458 = arith.constant 0 : i32
        %parallel_loop3A_2459 = arith.constant 0 : i32
        %parallel_loop3A_2460 = arith.index_cast %parallel_loop3A_2458 : i32 to index
        %parallel_loop3A_2461 = arith.index_cast %parallel_loop3A_2459 : i32 to index
        %parallel_loop3A_2462 = arith.index_cast %parallel_loop3A_2351 : i32 to index
        %parallel_loop3A_2463 = arith.constant 16 : index
        %parallel_loop3A_2464 = tpu.vector_load %arg11[%parallel_loop3A_2460, %parallel_loop3A_2461, %parallel_loop3A_2462, %parallel_loop3A_2463] {strides = array<i32>} : memref<2x4x128x32xf32, #tpu.memory_space<vmem>>, vector<16xf32>,
        %parallel_loop3A_2465 = arith.mulf %get3A_21, %parallel_loop3A_2464 : vector<16xf32>
        %parallel_loop3A_2466 = arith.constant 0 : i32
        %parallel_loop3A_2467 = arith.constant 1 : i32
        %parallel_loop3A_2468 = arith.index_cast %parallel_loop3A_2466 : i32 to index
        %parallel_loop3A_2469 = arith.index_cast %parallel_loop3A_2467 : i32 to index
        %parallel_loop3A_2470 = arith.index_cast %parallel_loop3A_2351 : i32 to index
        %parallel_loop3A_2471 = arith.constant 16 : index
        %parallel_loop3A_2472 = tpu.vector_load %arg11[%parallel_loop3A_2468, %parallel_loop3A_2469, %parallel_loop3A_2470, %parallel_loop3A_2471] {strides = array<i32>} : memref<2x4x128x32xf32, #tpu.memory_space<vmem>>, vector<16xf32>,
        %parallel_loop3A_2473 = arith.mulf %get3A_25, %parallel_loop3A_2472 : vector<16xf32>
        %parallel_loop3A_2474 = arith.addf %parallel_loop3A_2465, %parallel_loop3A_2473 : vector<16xf32>
        %parallel_loop3A_2475 = arith.constant 0 : i32
        %parallel_loop3A_2476 = arith.constant 2 : i32
        %parallel_loop3A_2477 = arith.index_cast %parallel_loop3A_2475 : i32 to index
        %parallel_loop3A_2478 = arith.index_cast %parallel_loop3A_2476 : i32 to index
        %parallel_loop3A_2479 = arith.index_cast %parallel_loop3A_2351 : i32 to index
        %parallel_loop3A_2480 = arith.constant 16 : index
        %parallel_loop3A_2481 = tpu.vector_load %arg11[%parallel_loop3A_2477, %parallel_loop3A_2478, %parallel_loop3A_2479, %parallel_loop3A_2480] {strides = array<i32>} : memref<2x4x128x32xf32, #tpu.memory_space<vmem>>, vector<16xf32>,
        %parallel_loop3A_2482 = arith.mulf %get3A_29, %parallel_loop3A_2481 : vector<16xf32>
        %parallel_loop3A_2483 = arith.addf %parallel_loop3A_2474, %parallel_loop3A_2482 : vector<16xf32>
        %parallel_loop3A_2484 = arith.constant 0 : i32
        %parallel_loop3A_2485 = arith.constant 3 : i32
        %parallel_loop3A_2486 = arith.index_cast %parallel_loop3A_2484 : i32 to index
        %parallel_loop3A_2487 = arith.index_cast %parallel_loop3A_2485 : i32 to index
        %parallel_loop3A_2488 = arith.index_cast %parallel_loop3A_2351 : i32 to index
        %parallel_loop3A_2489 = arith.constant 16 : index
        %parallel_loop3A_2490 = tpu.vector_load %arg11[%parallel_loop3A_2486, %parallel_loop3A_2487, %parallel_loop3A_2488, %parallel_loop3A_2489] {strides = array<i32>} : memref<2x4x128x32xf32, #tpu.memory_space<vmem>>, vector<16xf32>,
        %parallel_loop3A_2491 = arith.mulf %get3A_33, %parallel_loop3A_2490 : vector<16xf32>
        %parallel_loop3A_2492 = arith.addf %parallel_loop3A_2483, %parallel_loop3A_2491 : vector<16xf32>
        %parallel_loop3A_2493 = arith.constant 0 : i32
        %parallel_loop3A_2494 = arith.constant 0 : i32
        %parallel_loop3A_2495 = arith.constant 0 : i32
        %parallel_loop3A_2496 = arith.constant 0 : i32
        %parallel_loop3A_2497 = tpu.memref_slice %arg12[%parallel_loop3A_2493, %parallel_loop3A_2494, %parallel_loop3A_2495, %parallel_loop3A_2496] : memref<2x8x8x129xf32, #tpu.memory_space<vmem>> -> memref<1x8x8x129xf32, #tpu.memory_space<vmem>>
        %parallel_loop3A_2498 = tpu.memref_squeeze %parallel_loop3A_2497 : memref<1x8x8x129xf32, #tpu.memory_space<vmem>> -> memref<8x8x129xf32, #tpu.memory_space<vmem>>
        tpu.vector_store_idx %parallel_loop3A_2498[%shift_right_arithmetic3A_38, %and3A_61, %parallel_loop3A_2352], %parallel_loop3A_2387 : memref<8x8x129xf32, #tpu.memory_space<vmem>>[vector<16xi32>, vector<16xi32>, vector<16xi32>], vector<16xf32>,
        %parallel_loop3A_2499 = arith.constant 0 : i32
        %parallel_loop3A_2500 = arith.constant 0 : i32
        %parallel_loop3A_2501 = arith.constant 0 : i32
        %parallel_loop3A_2502 = arith.constant 0 : i32
        %parallel_loop3A_2503 = tpu.memref_slice %arg12[%parallel_loop3A_2499, %parallel_loop3A_2500, %parallel_loop3A_2501, %parallel_loop3A_2502] : memref<2x8x8x129xf32, #tpu.memory_space<vmem>> -> memref<1x8x8x129xf32, #tpu.memory_space<vmem>>
        %parallel_loop3A_2504 = tpu.memref_squeeze %parallel_loop3A_2503 : memref<1x8x8x129xf32, #tpu.memory_space<vmem>> -> memref<8x8x129xf32, #tpu.memory_space<vmem>>
        tpu.vector_store_idx %parallel_loop3A_2504[%shift_right_arithmetic3A_44, %and3A_67, %parallel_loop3A_2352], %parallel_loop3A_2422 : memref<8x8x129xf32, #tpu.memory_space<vmem>>[vector<16xi32>, vector<16xi32>, vector<16xi32>], vector<16xf32>,
        %parallel_loop3A_2505 = arith.constant 0 : i32
        %parallel_loop3A_2506 = arith.constant 0 : i32
        %parallel_loop3A_2507 = arith.constant 0 : i32
        %parallel_loop3A_2508 = arith.constant 0 : i32
        %parallel_loop3A_2509 = tpu.memref_slice %arg12[%parallel_loop3A_2505, %parallel_loop3A_2506, %parallel_loop3A_2507, %parallel_loop3A_2508] : memref<2x8x8x129xf32, #tpu.memory_space<vmem>> -> memref<1x8x8x129xf32, #tpu.memory_space<vmem>>
        %parallel_loop3A_2510 = tpu.memref_squeeze %parallel_loop3A_2509 : memref<1x8x8x129xf32, #tpu.memory_space<vmem>> -> memref<8x8x129xf32, #tpu.memory_space<vmem>>
        tpu.vector_store_idx %parallel_loop3A_2510[%shift_right_arithmetic3A_50, %and3A_73, %parallel_loop3A_2352], %parallel_loop3A_2457 : memref<8x8x129xf32, #tpu.memory_space<vmem>>[vector<16xi32>, vector<16xi32>, vector<16xi32>], vector<16xf32>,
        %parallel_loop3A_2511 = arith.constant 0 : i32
        %parallel_loop3A_2512 = arith.constant 0 : i32
        %parallel_loop3A_2513 = arith.constant 0 : i32
        %parallel_loop3A_2514 = arith.constant 0 : i32
        %parallel_loop3A_2515 = tpu.memref_slice %arg12[%parallel_loop3A_2511, %parallel_loop3A_2512, %parallel_loop3A_2513, %parallel_loop3A_2514] : memref<2x8x8x129xf32, #tpu.memory_space<vmem>> -> memref<1x8x8x129xf32, #tpu.memory_space<vmem>>
        %parallel_loop3A_2516 = tpu.memref_squeeze %parallel_loop3A_2515 : memref<1x8x8x129xf32, #tpu.memory_space<vmem>> -> memref<8x8x129xf32, #tpu.memory_space<vmem>>
        tpu.vector_store_idx %parallel_loop3A_2516[%shift_right_arithmetic3A_56, %and3A_79, %parallel_loop3A_2352], %parallel_loop3A_2492 : memref<8x8x129xf32, #tpu.memory_space<vmem>>[vector<16xi32>, vector<16xi32>, vector<16xi32>], vector<16xf32>,
      } {sc.loop_unroll_factor = 4 : i64, sc.parallel_access}
      %jit3A_1816 = arith.constant 8 : i32
      %div3A_1817 = arith.divsi %add3A_1148, %jit3A_1816 : i32
      %sign3A_1818 = arith.constant 0 : i32
      %sign3A_1819 = arith.cmpi sgt, %add3A_1148, %sign3A_1818 : i32
      %sign3A_1820 = arith.extui %sign3A_1819 : i1 to i32
      %sign3A_1821 = arith.constant 0 : i32
      %sign3A_1822 = arith.cmpi slt, %add3A_1148, %sign3A_1821 : i32
      %sign3A_1823 = arith.extui %sign3A_1822 : i1 to i32
      %sign3A_1824 = arith.subi %sign3A_1820, %sign3A_1823 : i32
      %sign3A_1825 = arith.constant 0 : i32
      %sign3A_1826 = arith.cmpi sgt, %jit3A_1816, %sign3A_1825 : i32
      %sign3A_1827 = arith.extui %sign3A_1826 : i1 to i32
      %sign3A_1828 = arith.constant 0 : i32
      %sign3A_1829 = arith.cmpi slt, %jit3A_1816, %sign3A_1828 : i32
      %sign3A_1830 = arith.extui %sign3A_1829 : i1 to i32
      %sign3A_1831 = arith.subi %sign3A_1827, %sign3A_1830 : i32
      %ne3A_1832 = arith.cmpi ne, %sign3A_1824, %sign3A_1831 : i32
      %rem3A_1833 = arith.remsi %add3A_1148, %jit3A_1816 : i32
      %ne3A_1834 = arith.constant 0 : i32
      %ne3A_1835 = arith.cmpi ne, %rem3A_1833, %ne3A_1834 : i32
      %and3A_1836 = arith.andi %ne3A_1832, %ne3A_1835 : i1
      %sub3A_1837 = arith.constant 1 : i32
      %sub3A_1838 = arith.subi %div3A_1817, %sub3A_1837 : i32
      %select_n3A_1839 = arith.select %and3A_1836, %sub3A_1838, %div3A_1817 : i32
      %jit3A_1840 = arith.constant 8 : i32
      %eq3A_1841 = arith.constant 0 : i32
      %eq3A_1842 = arith.cmpi eq, %jit3A_1840, %eq3A_1841 : i32
      %jit3A_1843 = arith.constant 1 : i32
      %select_n3A_1844 = arith.select %eq3A_1842, %jit3A_1843, %jit3A_1840 : i32
      %rem3A_1845 = arith.remsi %add3A_1148, %select_n3A_1844 : i32
      %ne3A_1846 = arith.constant 0 : i32
      %ne3A_1847 = arith.cmpi ne, %rem3A_1845, %ne3A_1846 : i32
      %lt3A_1848 = arith.constant 0 : i32
      %lt3A_1849 = arith.cmpi slt, %rem3A_1845, %lt3A_1848 : i32
      %lt3A_1850 = arith.constant 0 : i32
      %lt3A_1851 = arith.cmpi slt, %select_n3A_1844, %lt3A_1850 : i32
      %ne3A_1852 = arith.xori %lt3A_1849, %lt3A_1851 : i1
      %and3A_1853 = arith.andi %ne3A_1852, %ne3A_1847 : i1
      %add3A_1854 = arith.addi %rem3A_1845, %select_n3A_1844 : i32
      %select_n3A_1855 = arith.select %and3A_1853, %add3A_1854, %rem3A_1845 : i32
      %dma_start3A_1856 = arith.constant 0 : i32
      %dma_start3A_1857 = arith.constant 0 : i32
      %dma_start3A_1858 = arith.constant 0 : i32
      %dma_start3A_1859 = arith.constant 0 : i32
      %dma_start3A_1860 = arith.constant 0 : i32
      %dma_start3A_1861 = tpu.memref_slice %arg12[%dma_start3A_1856, %dma_start3A_1857, %dma_start3A_1859, %dma_start3A_1860] : memref<2x8x8x129xf32, #tpu.memory_space<vmem>> -> memref<1x1x8x128xf32, #tpu.memory_space<vmem>>
      %dma_start3A_1862 = tpu.memref_squeeze %dma_start3A_1861 : memref<1x1x8x128xf32, #tpu.memory_space<vmem>> -> memref<8x128xf32, #tpu.memory_space<vmem>>
      %dma_start3A_1863 = arith.constant 0 : i32
      %dma_start3A_1864 = arith.constant 0 : i32
      %dma_start3A_1865 = tpu.memref_slice %arg7[%select_n3A_1839, %dma_start3A_1858, %select_n3A_1855, %dma_start3A_1863, %dma_start3A_1864] : memref<200x8x8x8x128xf32, #tpu.memory_space<hbm>> -> memref<1x1x1x8x128xf32, #tpu.memory_space<hbm>>
      %dma_start3A_1866 = tpu.memref_squeeze %dma_start3A_1865 : memref<1x1x1x8x128xf32, #tpu.memory_space<hbm>> -> memref<8x128xf32, #tpu.memory_space<hbm>>
      %dma_start3A_1867 = arith.constant 0 : i32
      %dma_start3A_1868 = arith.constant 0 : i32
      %dma_start3A_1869 = tpu.memref_slice %arg7[%select_n3A_1839, %dma_start3A_1858, %select_n3A_1855, %dma_start3A_1867, %dma_start3A_1868] : memref<200x8x8x8x128xf32, #tpu.memory_space<hbm>> -> memref<1x1x1x8x128xf32, #tpu.memory_space<hbm>>
      %dma_start3A_1870 = tpu.memref_squeeze %dma_start3A_1869 : memref<1x1x1x8x128xf32, #tpu.memory_space<hbm>> -> memref<8x128xf32, #tpu.memory_space<hbm>>
      %dma_start3A_1871 = arith.constant 0 : i32
      %dma_start3A_1872 = arith.constant 0 : i32
      %dma_start3A_1873 = tpu.memref_slice %arg12[%dma_start3A_1856, %dma_start3A_1857, %dma_start3A_1871, %dma_start3A_1872] : memref<2x8x8x129xf32, #tpu.memory_space<vmem>> -> memref<1x1x8x128xf32, #tpu.memory_space<vmem>>
      %dma_start3A_1874 = tpu.memref_squeeze %dma_start3A_1873 : memref<1x1x8x128xf32, #tpu.memory_space<vmem>> -> memref<8x128xf32, #tpu.memory_space<vmem>>
      tpu.enqueue_dma source(%dma_start3A_1874 : memref<8x128xf32, #tpu.memory_space<vmem>>) target(%dma_start3A_1870 : memref<8x128xf32, #tpu.memory_space<hbm>>) target_semaphore(%arg18 : memref<!tpu.dma_semaphore, #tpu.memory_space<semaphore_mem>>)
      %dma_start3A_1875 = arith.constant 0 : i32
      %dma_start3A_1876 = arith.constant 1 : i32
      %dma_start3A_1877 = arith.constant 1 : i32
      %dma_start3A_1878 = arith.constant 0 : i32
      %dma_start3A_1879 = arith.constant 0 : i32
      %dma_start3A_1880 = tpu.memref_slice %arg12[%dma_start3A_1875, %dma_start3A_1876, %dma_start3A_1878, %dma_start3A_1879] : memref<2x8x8x129xf32, #tpu.memory_space<vmem>> -> memref<1x1x8x128xf32, #tpu.memory_space<vmem>>
      %dma_start3A_1881 = tpu.memref_squeeze %dma_start3A_1880 : memref<1x1x8x128xf32, #tpu.memory_space<vmem>> -> memref<8x128xf32, #tpu.memory_space<vmem>>
      %dma_start3A_1882 = arith.constant 0 : i32
      %dma_start3A_1883 = arith.constant 0 : i32
      %dma_start3A_1884 = tpu.memref_slice %arg7[%select_n3A_1839, %dma_start3A_1877, %select_n3A_1855, %dma_start3A_1882, %dma_start3A_1883] : memref<200x8x8x8x128xf32, #tpu.memory_space<hbm>> -> memref<1x1x1x8x128xf32, #tpu.memory_space<hbm>>
      %dma_start3A_1885 = tpu.memref_squeeze %dma_start3A_1884 : memref<1x1x1x8x128xf32, #tpu.memory_space<hbm>> -> memref<8x128xf32, #tpu.memory_space<hbm>>
      %dma_start3A_1886 = arith.constant 0 : i32
      %dma_start3A_1887 = arith.constant 0 : i32
      %dma_start3A_1888 = tpu.memref_slice %arg7[%select_n3A_1839, %dma_start3A_1877, %select_n3A_1855, %dma_start3A_1886, %dma_start3A_1887] : memref<200x8x8x8x128xf32, #tpu.memory_space<hbm>> -> memref<1x1x1x8x128xf32, #tpu.memory_space<hbm>>
      %dma_start3A_1889 = tpu.memref_squeeze %dma_start3A_1888 : memref<1x1x1x8x128xf32, #tpu.memory_space<hbm>> -> memref<8x128xf32, #tpu.memory_space<hbm>>
      %dma_start3A_1890 = arith.constant 0 : i32
      %dma_start3A_1891 = arith.constant 0 : i32
      %dma_start3A_1892 = tpu.memref_slice %arg12[%dma_start3A_1875, %dma_start3A_1876, %dma_start3A_1890, %dma_start3A_1891] : memref<2x8x8x129xf32, #tpu.memory_space<vmem>> -> memref<1x1x8x128xf32, #tpu.memory_space<vmem>>
      %dma_start3A_1893 = tpu.memref_squeeze %dma_start3A_1892 : memref<1x1x8x128xf32, #tpu.memory_space<vmem>> -> memref<8x128xf32, #tpu.memory_space<vmem>>
      tpu.enqueue_dma source(%dma_start3A_1893 : memref<8x128xf32, #tpu.memory_space<vmem>>) target(%dma_start3A_1889 : memref<8x128xf32, #tpu.memory_space<hbm>>) target_semaphore(%arg18 : memref<!tpu.dma_semaphore, #tpu.memory_space<semaphore_mem>>)
      %dma_start3A_1894 = arith.constant 0 : i32
      %dma_start3A_1895 = arith.constant 2 : i32
      %dma_start3A_1896 = arith.constant 2 : i32
      %dma_start3A_1897 = arith.constant 0 : i32
      %dma_start3A_1898 = arith.constant 0 : i32
      %dma_start3A_1899 = tpu.memref_slice %arg12[%dma_start3A_1894, %dma_start3A_1895, %dma_start3A_1897, %dma_start3A_1898] : memref<2x8x8x129xf32, #tpu.memory_space<vmem>> -> memref<1x1x8x128xf32, #tpu.memory_space<vmem>>
      %dma_start3A_1900 = tpu.memref_squeeze %dma_start3A_1899 : memref<1x1x8x128xf32, #tpu.memory_space<vmem>> -> memref<8x128xf32, #tpu.memory_space<vmem>>
      %dma_start3A_1901 = arith.constant 0 : i32
      %dma_start3A_1902 = arith.constant 0 : i32
      %dma_start3A_1903 = tpu.memref_slice %arg7[%select_n3A_1839, %dma_start3A_1896, %select_n3A_1855, %dma_start3A_1901, %dma_start3A_1902] : memref<200x8x8x8x128xf32, #tpu.memory_space<hbm>> -> memref<1x1x1x8x128xf32, #tpu.memory_space<hbm>>
      %dma_start3A_1904 = tpu.memref_squeeze %dma_start3A_1903 : memref<1x1x1x8x128xf32, #tpu.memory_space<hbm>> -> memref<8x128xf32, #tpu.memory_space<hbm>>
      %dma_start3A_1905 = arith.constant 0 : i32
      %dma_start3A_1906 = arith.constant 0 : i32
      %dma_start3A_1907 = tpu.memref_slice %arg7[%select_n3A_1839, %dma_start3A_1896, %select_n3A_1855, %dma_start3A_1905, %dma_start3A_1906] : memref<200x8x8x8x128xf32, #tpu.memory_space<hbm>> -> memref<1x1x1x8x128xf32, #tpu.memory_space<hbm>>
      %dma_start3A_1908 = tpu.memref_squeeze %dma_start3A_1907 : memref<1x1x1x8x128xf32, #tpu.memory_space<hbm>> -> memref<8x128xf32, #tpu.memory_space<hbm>>
      %dma_start3A_1909 = arith.constant 0 : i32
      %dma_start3A_1910 = arith.constant 0 : i32
      %dma_start3A_1911 = tpu.memref_slice %arg12[%dma_start3A_1894, %dma_start3A_1895, %dma_start3A_1909, %dma_start3A_1910] : memref<2x8x8x129xf32, #tpu.memory_space<vmem>> -> memref<1x1x8x128xf32, #tpu.memory_space<vmem>>
      %dma_start3A_1912 = tpu.memref_squeeze %dma_start3A_1911 : memref<1x1x8x128xf32, #tpu.memory_space<vmem>> -> memref<8x128xf32, #tpu.memory_space<vmem>>
      tpu.enqueue_dma source(%dma_start3A_1912 : memref<8x128xf32, #tpu.memory_space<vmem>>) target(%dma_start3A_1908 : memref<8x128xf32, #tpu.memory_space<hbm>>) target_semaphore(%arg18 : memref<!tpu.dma_semaphore, #tpu.memory_space<semaphore_mem>>)
      %dma_start3A_1913 = arith.constant 0 : i32
      %dma_start3A_1914 = arith.constant 3 : i32
      %dma_start3A_1915 = arith.constant 3 : i32
      %dma_start3A_1916 = arith.constant 0 : i32
      %dma_start3A_1917 = arith.constant 0 : i32
      %dma_start3A_1918 = tpu.memref_slice %arg12[%dma_start3A_1913, %dma_start3A_1914, %dma_start3A_1916, %dma_start3A_1917] : memref<2x8x8x129xf32, #tpu.memory_space<vmem>> -> memref<1x1x8x128xf32, #tpu.memory_space<vmem>>
      %dma_start3A_1919 = tpu.memref_squeeze %dma_start3A_1918 : memref<1x1x8x128xf32, #tpu.memory_space<vmem>> -> memref<8x128xf32, #tpu.memory_space<vmem>>
      %dma_start3A_1920 = arith.constant 0 : i32
      %dma_start3A_1921 = arith.constant 0 : i32
      %dma_start3A_1922 = tpu.memref_slice %arg7[%select_n3A_1839, %dma_start3A_1915, %select_n3A_1855, %dma_start3A_1920, %dma_start3A_1921] : memref<200x8x8x8x128xf32, #tpu.memory_space<hbm>> -> memref<1x1x1x8x128xf32, #tpu.memory_space<hbm>>
      %dma_start3A_1923 = tpu.memref_squeeze %dma_start3A_1922 : memref<1x1x1x8x128xf32, #tpu.memory_space<hbm>> -> memref<8x128xf32, #tpu.memory_space<hbm>>
      %dma_start3A_1924 = arith.constant 0 : i32
      %dma_start3A_1925 = arith.constant 0 : i32
      %dma_start3A_1926 = tpu.memref_slice %arg7[%select_n3A_1839, %dma_start3A_1915, %select_n3A_1855, %dma_start3A_1924, %dma_start3A_1925] : memref<200x8x8x8x128xf32, #tpu.memory_space<hbm>> -> memref<1x1x1x8x128xf32, #tpu.memory_space<hbm>>
      %dma_start3A_1927 = tpu.memref_squeeze %dma_start3A_1926 : memref<1x1x1x8x128xf32, #tpu.memory_space<hbm>> -> memref<8x128xf32, #tpu.memory_space<hbm>>
      %dma_start3A_1928 = arith.constant 0 : i32
      %dma_start3A_1929 = arith.constant 0 : i32
      %dma_start3A_1930 = tpu.memref_slice %arg12[%dma_start3A_1913, %dma_start3A_1914, %dma_start3A_1928, %dma_start3A_1929] : memref<2x8x8x129xf32, #tpu.memory_space<vmem>> -> memref<1x1x8x128xf32, #tpu.memory_space<vmem>>
      %dma_start3A_1931 = tpu.memref_squeeze %dma_start3A_1930 : memref<1x1x8x128xf32, #tpu.memory_space<vmem>> -> memref<8x128xf32, #tpu.memory_space<vmem>>
      tpu.enqueue_dma source(%dma_start3A_1931 : memref<8x128xf32, #tpu.memory_space<vmem>>) target(%dma_start3A_1927 : memref<8x128xf32, #tpu.memory_space<hbm>>) target_semaphore(%arg18 : memref<!tpu.dma_semaphore, #tpu.memory_space<semaphore_mem>>)
      %dma_start3A_1932 = arith.constant 0 : i32
      %dma_start3A_1933 = arith.constant 4 : i32
      %dma_start3A_1934 = arith.constant 4 : i32
      %dma_start3A_1935 = arith.constant 0 : i32
      %dma_start3A_1936 = arith.constant 0 : i32
      %dma_start3A_1937 = tpu.memref_slice %arg12[%dma_start3A_1932, %dma_start3A_1933, %dma_start3A_1935, %dma_start3A_1936] : memref<2x8x8x129xf32, #tpu.memory_space<vmem>> -> memref<1x1x8x128xf32, #tpu.memory_space<vmem>>
      %dma_start3A_1938 = tpu.memref_squeeze %dma_start3A_1937 : memref<1x1x8x128xf32, #tpu.memory_space<vmem>> -> memref<8x128xf32, #tpu.memory_space<vmem>>
      %dma_start3A_1939 = arith.constant 0 : i32
      %dma_start3A_1940 = arith.constant 0 : i32
      %dma_start3A_1941 = tpu.memref_slice %arg7[%select_n3A_1839, %dma_start3A_1934, %select_n3A_1855, %dma_start3A_1939, %dma_start3A_1940] : memref<200x8x8x8x128xf32, #tpu.memory_space<hbm>> -> memref<1x1x1x8x128xf32, #tpu.memory_space<hbm>>
      %dma_start3A_1942 = tpu.memref_squeeze %dma_start3A_1941 : memref<1x1x1x8x128xf32, #tpu.memory_space<hbm>> -> memref<8x128xf32, #tpu.memory_space<hbm>>
      %dma_start3A_1943 = arith.constant 0 : i32
      %dma_start3A_1944 = arith.constant 0 : i32
      %dma_start3A_1945 = tpu.memref_slice %arg7[%select_n3A_1839, %dma_start3A_1934, %select_n3A_1855, %dma_start3A_1943, %dma_start3A_1944] : memref<200x8x8x8x128xf32, #tpu.memory_space<hbm>> -> memref<1x1x1x8x128xf32, #tpu.memory_space<hbm>>
      %dma_start3A_1946 = tpu.memref_squeeze %dma_start3A_1945 : memref<1x1x1x8x128xf32, #tpu.memory_space<hbm>> -> memref<8x128xf32, #tpu.memory_space<hbm>>
      %dma_start3A_1947 = arith.constant 0 : i32
      %dma_start3A_1948 = arith.constant 0 : i32
      %dma_start3A_1949 = tpu.memref_slice %arg12[%dma_start3A_1932, %dma_start3A_1933, %dma_start3A_1947, %dma_start3A_1948] : memref<2x8x8x129xf32, #tpu.memory_space<vmem>> -> memref<1x1x8x128xf32, #tpu.memory_space<vmem>>
      %dma_start3A_1950 = tpu.memref_squeeze %dma_start3A_1949 : memref<1x1x8x128xf32, #tpu.memory_space<vmem>> -> memref<8x128xf32, #tpu.memory_space<vmem>>
      tpu.enqueue_dma source(%dma_start3A_1950 : memref<8x128xf32, #tpu.memory_space<vmem>>) target(%dma_start3A_1946 : memref<8x128xf32, #tpu.memory_space<hbm>>) target_semaphore(%arg18 : memref<!tpu.dma_semaphore, #tpu.memory_space<semaphore_mem>>)
      %dma_start3A_1951 = arith.constant 0 : i32
      %dma_start3A_1952 = arith.constant 5 : i32
      %dma_start3A_1953 = arith.constant 5 : i32
      %dma_start3A_1954 = arith.constant 0 : i32
      %dma_start3A_1955 = arith.constant 0 : i32
      %dma_start3A_1956 = tpu.memref_slice %arg12[%dma_start3A_1951, %dma_start3A_1952, %dma_start3A_1954, %dma_start3A_1955] : memref<2x8x8x129xf32, #tpu.memory_space<vmem>> -> memref<1x1x8x128xf32, #tpu.memory_space<vmem>>
      %dma_start3A_1957 = tpu.memref_squeeze %dma_start3A_1956 : memref<1x1x8x128xf32, #tpu.memory_space<vmem>> -> memref<8x128xf32, #tpu.memory_space<vmem>>
      %dma_start3A_1958 = arith.constant 0 : i32
      %dma_start3A_1959 = arith.constant 0 : i32
      %dma_start3A_1960 = tpu.memref_slice %arg7[%select_n3A_1839, %dma_start3A_1953, %select_n3A_1855, %dma_start3A_1958, %dma_start3A_1959] : memref<200x8x8x8x128xf32, #tpu.memory_space<hbm>> -> memref<1x1x1x8x128xf32, #tpu.memory_space<hbm>>
      %dma_start3A_1961 = tpu.memref_squeeze %dma_start3A_1960 : memref<1x1x1x8x128xf32, #tpu.memory_space<hbm>> -> memref<8x128xf32, #tpu.memory_space<hbm>>
      %dma_start3A_1962 = arith.constant 0 : i32
      %dma_start3A_1963 = arith.constant 0 : i32
      %dma_start3A_1964 = tpu.memref_slice %arg7[%select_n3A_1839, %dma_start3A_1953, %select_n3A_1855, %dma_start3A_1962, %dma_start3A_1963] : memref<200x8x8x8x128xf32, #tpu.memory_space<hbm>> -> memref<1x1x1x8x128xf32, #tpu.memory_space<hbm>>
      %dma_start3A_1965 = tpu.memref_squeeze %dma_start3A_1964 : memref<1x1x1x8x128xf32, #tpu.memory_space<hbm>> -> memref<8x128xf32, #tpu.memory_space<hbm>>
      %dma_start3A_1966 = arith.constant 0 : i32
      %dma_start3A_1967 = arith.constant 0 : i32
      %dma_start3A_1968 = tpu.memref_slice %arg12[%dma_start3A_1951, %dma_start3A_1952, %dma_start3A_1966, %dma_start3A_1967] : memref<2x8x8x129xf32, #tpu.memory_space<vmem>> -> memref<1x1x8x128xf32, #tpu.memory_space<vmem>>
      %dma_start3A_1969 = tpu.memref_squeeze %dma_start3A_1968 : memref<1x1x8x128xf32, #tpu.memory_space<vmem>> -> memref<8x128xf32, #tpu.memory_space<vmem>>
      tpu.enqueue_dma source(%dma_start3A_1969 : memref<8x128xf32, #tpu.memory_space<vmem>>) target(%dma_start3A_1965 : memref<8x128xf32, #tpu.memory_space<hbm>>) target_semaphore(%arg18 : memref<!tpu.dma_semaphore, #tpu.memory_space<semaphore_mem>>)
      %dma_start3A_1970 = arith.constant 0 : i32
      %dma_start3A_1971 = arith.constant 6 : i32
      %dma_start3A_1972 = arith.constant 6 : i32
      %dma_start3A_1973 = arith.constant 0 : i32
      %dma_start3A_1974 = arith.constant 0 : i32
      %dma_start3A_1975 = tpu.memref_slice %arg12[%dma_start3A_1970, %dma_start3A_1971, %dma_start3A_1973, %dma_start3A_1974] : memref<2x8x8x129xf32, #tpu.memory_space<vmem>> -> memref<1x1x8x128xf32, #tpu.memory_space<vmem>>
      %dma_start3A_1976 = tpu.memref_squeeze %dma_start3A_1975 : memref<1x1x8x128xf32, #tpu.memory_space<vmem>> -> memref<8x128xf32, #tpu.memory_space<vmem>>
      %dma_start3A_1977 = arith.constant 0 : i32
      %dma_start3A_1978 = arith.constant 0 : i32
      %dma_start3A_1979 = tpu.memref_slice %arg7[%select_n3A_1839, %dma_start3A_1972, %select_n3A_1855, %dma_start3A_1977, %dma_start3A_1978] : memref<200x8x8x8x128xf32, #tpu.memory_space<hbm>> -> memref<1x1x1x8x128xf32, #tpu.memory_space<hbm>>
      %dma_start3A_1980 = tpu.memref_squeeze %dma_start3A_1979 : memref<1x1x1x8x128xf32, #tpu.memory_space<hbm>> -> memref<8x128xf32, #tpu.memory_space<hbm>>
      %dma_start3A_1981 = arith.constant 0 : i32
      %dma_start3A_1982 = arith.constant 0 : i32
      %dma_start3A_1983 = tpu.memref_slice %arg7[%select_n3A_1839, %dma_start3A_1972, %select_n3A_1855, %dma_start3A_1981, %dma_start3A_1982] : memref<200x8x8x8x128xf32, #tpu.memory_space<hbm>> -> memref<1x1x1x8x128xf32, #tpu.memory_space<hbm>>
      %dma_start3A_1984 = tpu.memref_squeeze %dma_start3A_1983 : memref<1x1x1x8x128xf32, #tpu.memory_space<hbm>> -> memref<8x128xf32, #tpu.memory_space<hbm>>
      %dma_start3A_1985 = arith.constant 0 : i32
      %dma_start3A_1986 = arith.constant 0 : i32
      %dma_start3A_1987 = tpu.memref_slice %arg12[%dma_start3A_1970, %dma_start3A_1971, %dma_start3A_1985, %dma_start3A_1986] : memref<2x8x8x129xf32, #tpu.memory_space<vmem>> -> memref<1x1x8x128xf32, #tpu.memory_space<vmem>>
      %dma_start3A_1988 = tpu.memref_squeeze %dma_start3A_1987 : memref<1x1x8x128xf32, #tpu.memory_space<vmem>> -> memref<8x128xf32, #tpu.memory_space<vmem>>
      tpu.enqueue_dma source(%dma_start3A_1988 : memref<8x128xf32, #tpu.memory_space<vmem>>) target(%dma_start3A_1984 : memref<8x128xf32, #tpu.memory_space<hbm>>) target_semaphore(%arg18 : memref<!tpu.dma_semaphore, #tpu.memory_space<semaphore_mem>>)
      %dma_start3A_1989 = arith.constant 0 : i32
      %dma_start3A_1990 = arith.constant 7 : i32
      %dma_start3A_1991 = arith.constant 7 : i32
      %dma_start3A_1992 = arith.constant 0 : i32
      %dma_start3A_1993 = arith.constant 0 : i32
      %dma_start3A_1994 = tpu.memref_slice %arg12[%dma_start3A_1989, %dma_start3A_1990, %dma_start3A_1992, %dma_start3A_1993] : memref<2x8x8x129xf32, #tpu.memory_space<vmem>> -> memref<1x1x8x128xf32, #tpu.memory_space<vmem>>
      %dma_start3A_1995 = tpu.memref_squeeze %dma_start3A_1994 : memref<1x1x8x128xf32, #tpu.memory_space<vmem>> -> memref<8x128xf32, #tpu.memory_space<vmem>>
      %dma_start3A_1996 = arith.constant 0 : i32
      %dma_start3A_1997 = arith.constant 0 : i32
      %dma_start3A_1998 = tpu.memref_slice %arg7[%select_n3A_1839, %dma_start3A_1991, %select_n3A_1855, %dma_start3A_1996, %dma_start3A_1997] : memref<200x8x8x8x128xf32, #tpu.memory_space<hbm>> -> memref<1x1x1x8x128xf32, #tpu.memory_space<hbm>>
      %dma_start3A_1999 = tpu.memref_squeeze %dma_start3A_1998 : memref<1x1x1x8x128xf32, #tpu.memory_space<hbm>> -> memref<8x128xf32, #tpu.memory_space<hbm>>
      %dma_start3A_2000 = arith.constant 0 : i32
      %dma_start3A_2001 = arith.constant 0 : i32
      %dma_start3A_2002 = tpu.memref_slice %arg7[%select_n3A_1839, %dma_start3A_1991, %select_n3A_1855, %dma_start3A_2000, %dma_start3A_2001] : memref<200x8x8x8x128xf32, #tpu.memory_space<hbm>> -> memref<1x1x1x8x128xf32, #tpu.memory_space<hbm>>
      %dma_start3A_2003 = tpu.memref_squeeze %dma_start3A_2002 : memref<1x1x1x8x128xf32, #tpu.memory_space<hbm>> -> memref<8x128xf32, #tpu.memory_space<hbm>>
      %dma_start3A_2004 = arith.constant 0 : i32
      %dma_start3A_2005 = arith.constant 0 : i32
      %dma_start3A_2006 = tpu.memref_slice %arg12[%dma_start3A_1989, %dma_start3A_1990, %dma_start3A_2004, %dma_start3A_2005] : memref<2x8x8x129xf32, #tpu.memory_space<vmem>> -> memref<1x1x8x128xf32, #tpu.memory_space<vmem>>
      %dma_start3A_2007 = tpu.memref_squeeze %dma_start3A_2006 : memref<1x1x8x128xf32, #tpu.memory_space<vmem>> -> memref<8x128xf32, #tpu.memory_space<vmem>>
      tpu.enqueue_dma source(%dma_start3A_2007 : memref<8x128xf32, #tpu.memory_space<vmem>>) target(%dma_start3A_2003 : memref<8x128xf32, #tpu.memory_space<hbm>>) target_semaphore(%arg18 : memref<!tpu.dma_semaphore, #tpu.memory_space<semaphore_mem>>)
      %mul3A_2008 = arith.constant 2 : i32
      %mul3A_2009 = arith.muli %mul3A_2008, %scan3A_1143 : i32
      %add3A_2010 = arith.addi %mul3A_2, %mul3A_2009 : i32
      %add3A_2011 = arith.constant 1 : i32
      %add3A_2012 = arith.addi %add3A_2010, %add3A_2011 : i32
      %dma_wait3A_2013 = arith.constant 1 : i32
      %dma_wait3A_2014 = arith.constant 0 : i32
      %dma_wait3A_2015 = arith.constant 0 : i32
      %dma_wait3A_2016 = arith.constant 0 : i32
      %dma_wait3A_2017 = tpu.memref_slice %arg10[%dma_wait3A_2013, %dma_wait3A_2014, %dma_wait3A_2015, %dma_wait3A_2016] : memref<2x4x128x32xf32, #tpu.memory_space<vmem>> -> memref<1x1x128x32xf32, #tpu.memory_space<vmem>>
      %dma_wait3A_2018 = tpu.memref_squeeze %dma_wait3A_2017 : memref<1x1x128x32xf32, #tpu.memory_space<vmem>> -> memref<128x32xf32, #tpu.memory_space<vmem>>
      %dma_wait3A_2019 = arith.constant 0 : i32
      %dma_wait3A_2020 = arith.constant 0 : i32
      %dma_wait3A_2021 = tpu.memref_slice %arg4[%dma_wait3A_2019, %dma_wait3A_2020] : memref<400000x32xf32, #tpu.memory_space<hbm>> -> memref<128x32xf32, #tpu.memory_space<hbm>>
      %dma_wait3A_2022 = arith.constant 0 : i32
      %dma_wait3A_2023 = arith.constant 0 : i32
      %dma_wait3A_2024 = tpu.memref_slice %arg10[%dma_wait3A_2013, %dma_wait3A_2014, %dma_wait3A_2022, %dma_wait3A_2023] : memref<2x4x128x32xf32, #tpu.memory_space<vmem>> -> memref<1x1x128x32xf32, #tpu.memory_space<vmem>>
      %dma_wait3A_2025 = tpu.memref_squeeze %dma_wait3A_2024 : memref<1x1x128x32xf32, #tpu.memory_space<vmem>> -> memref<128x32xf32, #tpu.memory_space<vmem>>
      %dma_wait3A_2026 = arith.constant 0 : i32
      %dma_wait3A_2027 = arith.constant 0 : i32
      %dma_wait3A_2028 = tpu.memref_slice %arg4[%dma_wait3A_2026, %dma_wait3A_2027] : memref<400000x32xf32, #tpu.memory_space<hbm>> -> memref<128x32xf32, #tpu.memory_space<hbm>>
      tpu.wait_dma2 semaphore(%arg17 : memref<!tpu.dma_semaphore, #tpu.memory_space<semaphore_mem>>) src(%dma_wait3A_2028 : memref<128x32xf32, #tpu.memory_space<hbm>>) dst(%dma_wait3A_2025 : memref<128x32xf32, #tpu.memory_space<vmem>>)
      %dma_wait3A_2029 = arith.constant 1 : i32
      %dma_wait3A_2030 = arith.constant 0 : i32
      %dma_wait3A_2031 = arith.constant 0 : i32
      %dma_wait3A_2032 = arith.constant 0 : i32
      %dma_wait3A_2033 = tpu.memref_slice %arg11[%dma_wait3A_2029, %dma_wait3A_2030, %dma_wait3A_2031, %dma_wait3A_2032] : memref<2x4x128x32xf32, #tpu.memory_space<vmem>> -> memref<1x1x128x32xf32, #tpu.memory_space<vmem>>
      %dma_wait3A_2034 = tpu.memref_squeeze %dma_wait3A_2033 : memref<1x1x128x32xf32, #tpu.memory_space<vmem>> -> memref<128x32xf32, #tpu.memory_space<vmem>>
      %dma_wait3A_2035 = arith.constant 0 : i32
      %dma_wait3A_2036 = arith.constant 0 : i32
      %dma_wait3A_2037 = tpu.memref_slice %arg4[%dma_wait3A_2035, %dma_wait3A_2036] : memref<400000x32xf32, #tpu.memory_space<hbm>> -> memref<128x32xf32, #tpu.memory_space<hbm>>
      %dma_wait3A_2038 = arith.constant 0 : i32
      %dma_wait3A_2039 = arith.constant 0 : i32
      %dma_wait3A_2040 = tpu.memref_slice %arg11[%dma_wait3A_2029, %dma_wait3A_2030, %dma_wait3A_2038, %dma_wait3A_2039] : memref<2x4x128x32xf32, #tpu.memory_space<vmem>> -> memref<1x1x128x32xf32, #tpu.memory_space<vmem>>
      %dma_wait3A_2041 = tpu.memref_squeeze %dma_wait3A_2040 : memref<1x1x128x32xf32, #tpu.memory_space<vmem>> -> memref<128x32xf32, #tpu.memory_space<vmem>>
      %dma_wait3A_2042 = arith.constant 0 : i32
      %dma_wait3A_2043 = arith.constant 0 : i32
      %dma_wait3A_2044 = tpu.memref_slice %arg4[%dma_wait3A_2042, %dma_wait3A_2043] : memref<400000x32xf32, #tpu.memory_space<hbm>> -> memref<128x32xf32, #tpu.memory_space<hbm>>
      tpu.wait_dma2 semaphore(%arg17 : memref<!tpu.dma_semaphore, #tpu.memory_space<semaphore_mem>>) src(%dma_wait3A_2044 : memref<128x32xf32, #tpu.memory_space<hbm>>) dst(%dma_wait3A_2041 : memref<128x32xf32, #tpu.memory_space<vmem>>)
      %dma_wait3A_2045 = arith.constant 1 : i32
      %dma_wait3A_2046 = arith.constant 1 : i32
      %dma_wait3A_2047 = arith.constant 0 : i32
      %dma_wait3A_2048 = arith.constant 0 : i32
      %dma_wait3A_2049 = tpu.memref_slice %arg10[%dma_wait3A_2045, %dma_wait3A_2046, %dma_wait3A_2047, %dma_wait3A_2048] : memref<2x4x128x32xf32, #tpu.memory_space<vmem>> -> memref<1x1x128x32xf32, #tpu.memory_space<vmem>>
      %dma_wait3A_2050 = tpu.memref_squeeze %dma_wait3A_2049 : memref<1x1x128x32xf32, #tpu.memory_space<vmem>> -> memref<128x32xf32, #tpu.memory_space<vmem>>
      %dma_wait3A_2051 = arith.constant 0 : i32
      %dma_wait3A_2052 = arith.constant 0 : i32
      %dma_wait3A_2053 = tpu.memref_slice %arg4[%dma_wait3A_2051, %dma_wait3A_2052] : memref<400000x32xf32, #tpu.memory_space<hbm>> -> memref<128x32xf32, #tpu.memory_space<hbm>>
      %dma_wait3A_2054 = arith.constant 0 : i32
      %dma_wait3A_2055 = arith.constant 0 : i32
      %dma_wait3A_2056 = tpu.memref_slice %arg10[%dma_wait3A_2045, %dma_wait3A_2046, %dma_wait3A_2054, %dma_wait3A_2055] : memref<2x4x128x32xf32, #tpu.memory_space<vmem>> -> memref<1x1x128x32xf32, #tpu.memory_space<vmem>>
      %dma_wait3A_2057 = tpu.memref_squeeze %dma_wait3A_2056 : memref<1x1x128x32xf32, #tpu.memory_space<vmem>> -> memref<128x32xf32, #tpu.memory_space<vmem>>
      %dma_wait3A_2058 = arith.constant 0 : i32
      %dma_wait3A_2059 = arith.constant 0 : i32
      %dma_wait3A_2060 = tpu.memref_slice %arg4[%dma_wait3A_2058, %dma_wait3A_2059] : memref<400000x32xf32, #tpu.memory_space<hbm>> -> memref<128x32xf32, #tpu.memory_space<hbm>>
      tpu.wait_dma2 semaphore(%arg17 : memref<!tpu.dma_semaphore, #tpu.memory_space<semaphore_mem>>) src(%dma_wait3A_2060 : memref<128x32xf32, #tpu.memory_space<hbm>>) dst(%dma_wait3A_2057 : memref<128x32xf32, #tpu.memory_space<vmem>>)
      %dma_wait3A_2061 = arith.constant 1 : i32
      %dma_wait3A_2062 = arith.constant 1 : i32
      %dma_wait3A_2063 = arith.constant 0 : i32
      %dma_wait3A_2064 = arith.constant 0 : i32
      %dma_wait3A_2065 = tpu.memref_slice %arg11[%dma_wait3A_2061, %dma_wait3A_2062, %dma_wait3A_2063, %dma_wait3A_2064] : memref<2x4x128x32xf32, #tpu.memory_space<vmem>> -> memref<1x1x128x32xf32, #tpu.memory_space<vmem>>
      %dma_wait3A_2066 = tpu.memref_squeeze %dma_wait3A_2065 : memref<1x1x128x32xf32, #tpu.memory_space<vmem>> -> memref<128x32xf32, #tpu.memory_space<vmem>>
      %dma_wait3A_2067 = arith.constant 0 : i32
      %dma_wait3A_2068 = arith.constant 0 : i32
      %dma_wait3A_2069 = tpu.memref_slice %arg4[%dma_wait3A_2067, %dma_wait3A_2068] : memref<400000x32xf32, #tpu.memory_space<hbm>> -> memref<128x32xf32, #tpu.memory_space<hbm>>
      %dma_wait3A_2070 = arith.constant 0 : i32
      %dma_wait3A_2071 = arith.constant 0 : i32
      %dma_wait3A_2072 = tpu.memref_slice %arg11[%dma_wait3A_2061, %dma_wait3A_2062, %dma_wait3A_2070, %dma_wait3A_2071] : memref<2x4x128x32xf32, #tpu.memory_space<vmem>> -> memref<1x1x128x32xf32, #tpu.memory_space<vmem>>
      %dma_wait3A_2073 = tpu.memref_squeeze %dma_wait3A_2072 : memref<1x1x128x32xf32, #tpu.memory_space<vmem>> -> memref<128x32xf32, #tpu.memory_space<vmem>>
      %dma_wait3A_2074 = arith.constant 0 : i32
      %dma_wait3A_2075 = arith.constant 0 : i32
      %dma_wait3A_2076 = tpu.memref_slice %arg4[%dma_wait3A_2074, %dma_wait3A_2075] : memref<400000x32xf32, #tpu.memory_space<hbm>> -> memref<128x32xf32, #tpu.memory_space<hbm>>
      tpu.wait_dma2 semaphore(%arg17 : memref<!tpu.dma_semaphore, #tpu.memory_space<semaphore_mem>>) src(%dma_wait3A_2076 : memref<128x32xf32, #tpu.memory_space<hbm>>) dst(%dma_wait3A_2073 : memref<128x32xf32, #tpu.memory_space<vmem>>)
      %dma_wait3A_2077 = arith.constant 1 : i32
      %dma_wait3A_2078 = arith.constant 2 : i32
      %dma_wait3A_2079 = arith.constant 0 : i32
      %dma_wait3A_2080 = arith.constant 0 : i32
      %dma_wait3A_2081 = tpu.memref_slice %arg10[%dma_wait3A_2077, %dma_wait3A_2078, %dma_wait3A_2079, %dma_wait3A_2080] : memref<2x4x128x32xf32, #tpu.memory_space<vmem>> -> memref<1x1x128x32xf32, #tpu.memory_space<vmem>>
      %dma_wait3A_2082 = tpu.memref_squeeze %dma_wait3A_2081 : memref<1x1x128x32xf32, #tpu.memory_space<vmem>> -> memref<128x32xf32, #tpu.memory_space<vmem>>
      %dma_wait3A_2083 = arith.constant 0 : i32
      %dma_wait3A_2084 = arith.constant 0 : i32
      %dma_wait3A_2085 = tpu.memref_slice %arg4[%dma_wait3A_2083, %dma_wait3A_2084] : memref<400000x32xf32, #tpu.memory_space<hbm>> -> memref<128x32xf32, #tpu.memory_space<hbm>>
      %dma_wait3A_2086 = arith.constant 0 : i32
      %dma_wait3A_2087 = arith.constant 0 : i32
      %dma_wait3A_2088 = tpu.memref_slice %arg10[%dma_wait3A_2077, %dma_wait3A_2078, %dma_wait3A_2086, %dma_wait3A_2087] : memref<2x4x128x32xf32, #tpu.memory_space<vmem>> -> memref<1x1x128x32xf32, #tpu.memory_space<vmem>>
      %dma_wait3A_2089 = tpu.memref_squeeze %dma_wait3A_2088 : memref<1x1x128x32xf32, #tpu.memory_space<vmem>> -> memref<128x32xf32, #tpu.memory_space<vmem>>
      %dma_wait3A_2090 = arith.constant 0 : i32
      %dma_wait3A_2091 = arith.constant 0 : i32
      %dma_wait3A_2092 = tpu.memref_slice %arg4[%dma_wait3A_2090, %dma_wait3A_2091] : memref<400000x32xf32, #tpu.memory_space<hbm>> -> memref<128x32xf32, #tpu.memory_space<hbm>>
      tpu.wait_dma2 semaphore(%arg17 : memref<!tpu.dma_semaphore, #tpu.memory_space<semaphore_mem>>) src(%dma_wait3A_2092 : memref<128x32xf32, #tpu.memory_space<hbm>>) dst(%dma_wait3A_2089 : memref<128x32xf32, #tpu.memory_space<vmem>>)
      %dma_wait3A_2093 = arith.constant 1 : i32
      %dma_wait3A_2094 = arith.constant 2 : i32
      %dma_wait3A_2095 = arith.constant 0 : i32
      %dma_wait3A_2096 = arith.constant 0 : i32
      %dma_wait3A_2097 = tpu.memref_slice %arg11[%dma_wait3A_2093, %dma_wait3A_2094, %dma_wait3A_2095, %dma_wait3A_2096] : memref<2x4x128x32xf32, #tpu.memory_space<vmem>> -> memref<1x1x128x32xf32, #tpu.memory_space<vmem>>
      %dma_wait3A_2098 = tpu.memref_squeeze %dma_wait3A_2097 : memref<1x1x128x32xf32, #tpu.memory_space<vmem>> -> memref<128x32xf32, #tpu.memory_space<vmem>>
      %dma_wait3A_2099 = arith.constant 0 : i32
      %dma_wait3A_2100 = arith.constant 0 : i32
      %dma_wait3A_2101 = tpu.memref_slice %arg4[%dma_wait3A_2099, %dma_wait3A_2100] : memref<400000x32xf32, #tpu.memory_space<hbm>> -> memref<128x32xf32, #tpu.memory_space<hbm>>
      %dma_wait3A_2102 = arith.constant 0 : i32
      %dma_wait3A_2103 = arith.constant 0 : i32
      %dma_wait3A_2104 = tpu.memref_slice %arg11[%dma_wait3A_2093, %dma_wait3A_2094, %dma_wait3A_2102, %dma_wait3A_2103] : memref<2x4x128x32xf32, #tpu.memory_space<vmem>> -> memref<1x1x128x32xf32, #tpu.memory_space<vmem>>
      %dma_wait3A_2105 = tpu.memref_squeeze %dma_wait3A_2104 : memref<1x1x128x32xf32, #tpu.memory_space<vmem>> -> memref<128x32xf32, #tpu.memory_space<vmem>>
      %dma_wait3A_2106 = arith.constant 0 : i32
      %dma_wait3A_2107 = arith.constant 0 : i32
      %dma_wait3A_2108 = tpu.memref_slice %arg4[%dma_wait3A_2106, %dma_wait3A_2107] : memref<400000x32xf32, #tpu.memory_space<hbm>> -> memref<128x32xf32, #tpu.memory_space<hbm>>
      tpu.wait_dma2 semaphore(%arg17 : memref<!tpu.dma_semaphore, #tpu.memory_space<semaphore_mem>>) src(%dma_wait3A_2108 : memref<128x32xf32, #tpu.memory_space<hbm>>) dst(%dma_wait3A_2105 : memref<128x32xf32, #tpu.memory_space<vmem>>)
      %dma_wait3A_2109 = arith.constant 1 : i32
      %dma_wait3A_2110 = arith.constant 3 : i32
      %dma_wait3A_2111 = arith.constant 0 : i32
      %dma_wait3A_2112 = arith.constant 0 : i32
      %dma_wait3A_2113 = tpu.memref_slice %arg10[%dma_wait3A_2109, %dma_wait3A_2110, %dma_wait3A_2111, %dma_wait3A_2112] : memref<2x4x128x32xf32, #tpu.memory_space<vmem>> -> memref<1x1x128x32xf32, #tpu.memory_space<vmem>>
      %dma_wait3A_2114 = tpu.memref_squeeze %dma_wait3A_2113 : memref<1x1x128x32xf32, #tpu.memory_space<vmem>> -> memref<128x32xf32, #tpu.memory_space<vmem>>
      %dma_wait3A_2115 = arith.constant 0 : i32
      %dma_wait3A_2116 = arith.constant 0 : i32
      %dma_wait3A_2117 = tpu.memref_slice %arg4[%dma_wait3A_2115, %dma_wait3A_2116] : memref<400000x32xf32, #tpu.memory_space<hbm>> -> memref<128x32xf32, #tpu.memory_space<hbm>>
      %dma_wait3A_2118 = arith.constant 0 : i32
      %dma_wait3A_2119 = arith.constant 0 : i32
      %dma_wait3A_2120 = tpu.memref_slice %arg10[%dma_wait3A_2109, %dma_wait3A_2110, %dma_wait3A_2118, %dma_wait3A_2119] : memref<2x4x128x32xf32, #tpu.memory_space<vmem>> -> memref<1x1x128x32xf32, #tpu.memory_space<vmem>>
      %dma_wait3A_2121 = tpu.memref_squeeze %dma_wait3A_2120 : memref<1x1x128x32xf32, #tpu.memory_space<vmem>> -> memref<128x32xf32, #tpu.memory_space<vmem>>
      %dma_wait3A_2122 = arith.constant 0 : i32
      %dma_wait3A_2123 = arith.constant 0 : i32
      %dma_wait3A_2124 = tpu.memref_slice %arg4[%dma_wait3A_2122, %dma_wait3A_2123] : memref<400000x32xf32, #tpu.memory_space<hbm>> -> memref<128x32xf32, #tpu.memory_space<hbm>>
      tpu.wait_dma2 semaphore(%arg17 : memref<!tpu.dma_semaphore, #tpu.memory_space<semaphore_mem>>) src(%dma_wait3A_2124 : memref<128x32xf32, #tpu.memory_space<hbm>>) dst(%dma_wait3A_2121 : memref<128x32xf32, #tpu.memory_space<vmem>>)
      %dma_wait3A_2125 = arith.constant 1 : i32
      %dma_wait3A_2126 = arith.constant 3 : i32
      %dma_wait3A_2127 = arith.constant 0 : i32
      %dma_wait3A_2128 = arith.constant 0 : i32
      %dma_wait3A_2129 = tpu.memref_slice %arg11[%dma_wait3A_2125, %dma_wait3A_2126, %dma_wait3A_2127, %dma_wait3A_2128] : memref<2x4x128x32xf32, #tpu.memory_space<vmem>> -> memref<1x1x128x32xf32, #tpu.memory_space<vmem>>
      %dma_wait3A_2130 = tpu.memref_squeeze %dma_wait3A_2129 : memref<1x1x128x32xf32, #tpu.memory_space<vmem>> -> memref<128x32xf32, #tpu.memory_space<vmem>>
      %dma_wait3A_2131 = arith.constant 0 : i32
      %dma_wait3A_2132 = arith.constant 0 : i32
      %dma_wait3A_2133 = tpu.memref_slice %arg4[%dma_wait3A_2131, %dma_wait3A_2132] : memref<400000x32xf32, #tpu.memory_space<hbm>> -> memref<128x32xf32, #tpu.memory_space<hbm>>
      %dma_wait3A_2134 = arith.constant 0 : i32
      %dma_wait3A_2135 = arith.constant 0 : i32
      %dma_wait3A_2136 = tpu.memref_slice %arg11[%dma_wait3A_2125, %dma_wait3A_2126, %dma_wait3A_2134, %dma_wait3A_2135] : memref<2x4x128x32xf32, #tpu.memory_space<vmem>> -> memref<1x1x128x32xf32, #tpu.memory_space<vmem>>
      %dma_wait3A_2137 = tpu.memref_squeeze %dma_wait3A_2136 : memref<1x1x128x32xf32, #tpu.memory_space<vmem>> -> memref<128x32xf32, #tpu.memory_space<vmem>>
      %dma_wait3A_2138 = arith.constant 0 : i32
      %dma_wait3A_2139 = arith.constant 0 : i32
      %dma_wait3A_2140 = tpu.memref_slice %arg4[%dma_wait3A_2138, %dma_wait3A_2139] : memref<400000x32xf32, #tpu.memory_space<hbm>> -> memref<128x32xf32, #tpu.memory_space<hbm>>
      tpu.wait_dma2 semaphore(%arg17 : memref<!tpu.dma_semaphore, #tpu.memory_space<semaphore_mem>>) src(%dma_wait3A_2140 : memref<128x32xf32, #tpu.memory_space<hbm>>) dst(%dma_wait3A_2137 : memref<128x32xf32, #tpu.memory_space<vmem>>)
      %lt3A_2141 = arith.constant 24 : i32
      %lt3A_2142 = arith.cmpi slt, %scan3A_1143, %lt3A_2141 : i32
      %convert_element_type3A_2143 = arith.extui %lt3A_2142 : i1 to i32
      %cond3A_2144 = arith.constant 0 : i32
      %cond3A_2145 = arith.cmpi ne, %convert_element_type3A_2143, %cond3A_2144 : i32
      scf.if %cond3A_2145 {
        %add3A_2351 = arith.constant 2 : i32
        %add3A_2352 = arith.addi %add3A_2012, %add3A_2351 : i32
        %jit3A_2353 = arith.constant 8 : i32
        %div3A_2354 = arith.divsi %add3A_2352, %jit3A_2353 : i32
        %sign3A_2355 = arith.constant 0 : i32
        %sign3A_2356 = arith.cmpi sgt, %add3A_2352, %sign3A_2355 : i32
        %sign3A_2357 = arith.extui %sign3A_2356 : i1 to i32
        %sign3A_2358 = arith.constant 0 : i32
        %sign3A_2359 = arith.cmpi slt, %add3A_2352, %sign3A_2358 : i32
        %sign3A_2360 = arith.extui %sign3A_2359 : i1 to i32
        %sign3A_2361 = arith.subi %sign3A_2357, %sign3A_2360 : i32
        %sign3A_2362 = arith.constant 0 : i32
        %sign3A_2363 = arith.cmpi sgt, %jit3A_2353, %sign3A_2362 : i32
        %sign3A_2364 = arith.extui %sign3A_2363 : i1 to i32
        %sign3A_2365 = arith.constant 0 : i32
        %sign3A_2366 = arith.cmpi slt, %jit3A_2353, %sign3A_2365 : i32
        %sign3A_2367 = arith.extui %sign3A_2366 : i1 to i32
        %sign3A_2368 = arith.subi %sign3A_2364, %sign3A_2367 : i32
        %ne3A_2369 = arith.cmpi ne, %sign3A_2361, %sign3A_2368 : i32
        %rem3A_2370 = arith.remsi %add3A_2352, %jit3A_2353 : i32
        %ne3A_2371 = arith.constant 0 : i32
        %ne3A_2372 = arith.cmpi ne, %rem3A_2370, %ne3A_2371 : i32
        %and3A_2373 = arith.andi %ne3A_2369, %ne3A_2372 : i1
        %sub3A_2374 = arith.constant 1 : i32
        %sub3A_2375 = arith.subi %div3A_2354, %sub3A_2374 : i32
        %select_n3A_2376 = arith.select %and3A_2373, %sub3A_2375, %div3A_2354 : i32
        %jit3A_2377 = arith.constant 8 : i32
        %eq3A_2378 = arith.constant 0 : i32
        %eq3A_2379 = arith.cmpi eq, %jit3A_2377, %eq3A_2378 : i32
        %jit3A_2380 = arith.constant 1 : i32
        %select_n3A_2381 = arith.select %eq3A_2379, %jit3A_2380, %jit3A_2377 : i32
        %rem3A_2382 = arith.remsi %add3A_2352, %select_n3A_2381 : i32
        %ne3A_2383 = arith.constant 0 : i32
        %ne3A_2384 = arith.cmpi ne, %rem3A_2382, %ne3A_2383 : i32
        %lt3A_2385 = arith.constant 0 : i32
        %lt3A_2386 = arith.cmpi slt, %rem3A_2382, %lt3A_2385 : i32
        %lt3A_2387 = arith.constant 0 : i32
        %lt3A_2388 = arith.cmpi slt, %select_n3A_2381, %lt3A_2387 : i32
        %ne3A_2389 = arith.xori %lt3A_2386, %lt3A_2388 : i1
        %and3A_2390 = arith.andi %ne3A_2389, %ne3A_2384 : i1
        %add3A_2391 = arith.addi %rem3A_2382, %select_n3A_2381 : i32
        %select_n3A_2392 = arith.select %and3A_2390, %add3A_2391, %rem3A_2382 : i32
        %dma_start3A_2393 = arith.constant 1 : i32
        %dma_start3A_2394 = arith.constant 0 : i32
        %dma_start3A_2395 = arith.constant 0 : i32
        %dma_start3A_2396 = tpu.memref_slice %arg8[%dma_start3A_2393, %dma_start3A_2394, %dma_start3A_2395] : memref<2x4x128xi32, #tpu.memory_space<vmem>> -> memref<1x4x128xi32, #tpu.memory_space<vmem>>
        %dma_start3A_2397 = tpu.memref_squeeze %dma_start3A_2396 : memref<1x4x128xi32, #tpu.memory_space<vmem>> -> memref<4x128xi32, #tpu.memory_space<vmem>>
        %dma_start3A_2398 = arith.constant 0 : i32
        %dma_start3A_2399 = arith.constant 0 : i32
        %dma_start3A_2400 = tpu.memref_slice %arg2[%select_n3A_2376, %select_n3A_2392, %dma_start3A_2398, %dma_start3A_2399] : memref<200x8x4x128xi32, #tpu.memory_space<hbm>> -> memref<1x1x4x128xi32, #tpu.memory_space<hbm>>
        %dma_start3A_2401 = tpu.memref_squeeze %dma_start3A_2400 : memref<1x1x4x128xi32, #tpu.memory_space<hbm>> -> memref<4x128xi32, #tpu.memory_space<hbm>>
        %dma_start3A_2402 = arith.constant 0 : i32
        %dma_start3A_2403 = arith.constant 0 : i32
        %dma_start3A_2404 = tpu.memref_slice %arg8[%dma_start3A_2393, %dma_start3A_2402, %dma_start3A_2403] : memref<2x4x128xi32, #tpu.memory_space<vmem>> -> memref<1x4x128xi32, #tpu.memory_space<vmem>>
        %dma_start3A_2405 = tpu.memref_squeeze %dma_start3A_2404 : memref<1x4x128xi32, #tpu.memory_space<vmem>> -> memref<4x128xi32, #tpu.memory_space<vmem>>
        %dma_start3A_2406 = arith.constant 0 : i32
        %dma_start3A_2407 = arith.constant 0 : i32
        %dma_start3A_2408 = tpu.memref_slice %arg2[%select_n3A_2376, %select_n3A_2392, %dma_start3A_2406, %dma_start3A_2407] : memref<200x8x4x128xi32, #tpu.memory_space<hbm>> -> memref<1x1x4x128xi32, #tpu.memory_space<hbm>>
        %dma_start3A_2409 = tpu.memref_squeeze %dma_start3A_2408 : memref<1x1x4x128xi32, #tpu.memory_space<hbm>> -> memref<4x128xi32, #tpu.memory_space<hbm>>
        tpu.enqueue_dma source(%dma_start3A_2409 : memref<4x128xi32, #tpu.memory_space<hbm>>) target(%dma_start3A_2405 : memref<4x128xi32, #tpu.memory_space<vmem>>) target_semaphore(%arg15 : memref<!tpu.dma_semaphore, #tpu.memory_space<semaphore_mem>>)
        %dma_start3A_2410 = arith.constant 1 : i32
        %dma_start3A_2411 = arith.constant 0 : i32
        %dma_start3A_2412 = arith.constant 0 : i32
        %dma_start3A_2413 = tpu.memref_slice %arg9[%dma_start3A_2410, %dma_start3A_2411, %dma_start3A_2412] : memref<2x4x128xi32, #tpu.memory_space<vmem>> -> memref<1x4x128xi32, #tpu.memory_space<vmem>>
        %dma_start3A_2414 = tpu.memref_squeeze %dma_start3A_2413 : memref<1x4x128xi32, #tpu.memory_space<vmem>> -> memref<4x128xi32, #tpu.memory_space<vmem>>
        %dma_start3A_2415 = arith.constant 0 : i32
        %dma_start3A_2416 = arith.constant 0 : i32
        %dma_start3A_2417 = tpu.memref_slice %arg3[%select_n3A_2376, %select_n3A_2392, %dma_start3A_2415, %dma_start3A_2416] : memref<200x8x4x128xi32, #tpu.memory_space<hbm>> -> memref<1x1x4x128xi32, #tpu.memory_space<hbm>>
        %dma_start3A_2418 = tpu.memref_squeeze %dma_start3A_2417 : memref<1x1x4x128xi32, #tpu.memory_space<hbm>> -> memref<4x128xi32, #tpu.memory_space<hbm>>
        %dma_start3A_2419 = arith.constant 0 : i32
        %dma_start3A_2420 = arith.constant 0 : i32
        %dma_start3A_2421 = tpu.memref_slice %arg9[%dma_start3A_2410, %dma_start3A_2419, %dma_start3A_2420] : memref<2x4x128xi32, #tpu.memory_space<vmem>> -> memref<1x4x128xi32, #tpu.memory_space<vmem>>
        %dma_start3A_2422 = tpu.memref_squeeze %dma_start3A_2421 : memref<1x4x128xi32, #tpu.memory_space<vmem>> -> memref<4x128xi32, #tpu.memory_space<vmem>>
        %dma_start3A_2423 = arith.constant 0 : i32
        %dma_start3A_2424 = arith.constant 0 : i32
        %dma_start3A_2425 = tpu.memref_slice %arg3[%select_n3A_2376, %select_n3A_2392, %dma_start3A_2423, %dma_start3A_2424] : memref<200x8x4x128xi32, #tpu.memory_space<hbm>> -> memref<1x1x4x128xi32, #tpu.memory_space<hbm>>
        %dma_start3A_2426 = tpu.memref_squeeze %dma_start3A_2425 : memref<1x1x4x128xi32, #tpu.memory_space<hbm>> -> memref<4x128xi32, #tpu.memory_space<hbm>>
        tpu.enqueue_dma source(%dma_start3A_2426 : memref<4x128xi32, #tpu.memory_space<hbm>>) target(%dma_start3A_2422 : memref<4x128xi32, #tpu.memory_space<vmem>>) target_semaphore(%arg15 : memref<!tpu.dma_semaphore, #tpu.memory_space<semaphore_mem>>)
      } else {
      }
      %lt3A_2146 = arith.constant 24 : i32
      %lt3A_2147 = arith.cmpi slt, %scan3A_1143, %lt3A_2146 : i32
      %convert_element_type3A_2148 = arith.extui %lt3A_2147 : i1 to i32
      %cond3A_2149 = arith.constant 0 : i32
      %cond3A_2150 = arith.cmpi ne, %convert_element_type3A_2148, %cond3A_2149 : i32
      scf.if %cond3A_2150 {
        %dma_wait3A_2351 = arith.constant 0 : i32
        %dma_wait3A_2352 = arith.constant 0 : i32
        %dma_wait3A_2353 = arith.constant 0 : i32
        %dma_wait3A_2354 = arith.constant 0 : i32
        %dma_wait3A_2355 = arith.constant 0 : i32
        %dma_wait3A_2356 = tpu.memref_slice %arg8[%dma_wait3A_2353, %dma_wait3A_2354, %dma_wait3A_2355] : memref<2x4x128xi32, #tpu.memory_space<vmem>> -> memref<1x4x128xi32, #tpu.memory_space<vmem>>
        %dma_wait3A_2357 = tpu.memref_squeeze %dma_wait3A_2356 : memref<1x4x128xi32, #tpu.memory_space<vmem>> -> memref<4x128xi32, #tpu.memory_space<vmem>>
        %dma_wait3A_2358 = arith.constant 0 : i32
        %dma_wait3A_2359 = arith.constant 0 : i32
        %dma_wait3A_2360 = tpu.memref_slice %arg2[%dma_wait3A_2351, %dma_wait3A_2352, %dma_wait3A_2358, %dma_wait3A_2359] : memref<200x8x4x128xi32, #tpu.memory_space<hbm>> -> memref<1x1x4x128xi32, #tpu.memory_space<hbm>>
        %dma_wait3A_2361 = tpu.memref_squeeze %dma_wait3A_2360 : memref<1x1x4x128xi32, #tpu.memory_space<hbm>> -> memref<4x128xi32, #tpu.memory_space<hbm>>
        %dma_wait3A_2362 = arith.constant 0 : i32
        %dma_wait3A_2363 = arith.constant 0 : i32
        %dma_wait3A_2364 = tpu.memref_slice %arg8[%dma_wait3A_2353, %dma_wait3A_2362, %dma_wait3A_2363] : memref<2x4x128xi32, #tpu.memory_space<vmem>> -> memref<1x4x128xi32, #tpu.memory_space<vmem>>
        %dma_wait3A_2365 = tpu.memref_squeeze %dma_wait3A_2364 : memref<1x4x128xi32, #tpu.memory_space<vmem>> -> memref<4x128xi32, #tpu.memory_space<vmem>>
        %dma_wait3A_2366 = arith.constant 0 : i32
        %dma_wait3A_2367 = arith.constant 0 : i32
        %dma_wait3A_2368 = tpu.memref_slice %arg2[%dma_wait3A_2351, %dma_wait3A_2352, %dma_wait3A_2366, %dma_wait3A_2367] : memref<200x8x4x128xi32, #tpu.memory_space<hbm>> -> memref<1x1x4x128xi32, #tpu.memory_space<hbm>>
        %dma_wait3A_2369 = tpu.memref_squeeze %dma_wait3A_2368 : memref<1x1x4x128xi32, #tpu.memory_space<hbm>> -> memref<4x128xi32, #tpu.memory_space<hbm>>
        tpu.wait_dma2 semaphore(%arg14 : memref<!tpu.dma_semaphore, #tpu.memory_space<semaphore_mem>>) src(%dma_wait3A_2369 : memref<4x128xi32, #tpu.memory_space<hbm>>) dst(%dma_wait3A_2365 : memref<4x128xi32, #tpu.memory_space<vmem>>)
        %dma_wait3A_2370 = arith.constant 0 : i32
        %dma_wait3A_2371 = arith.constant 0 : i32
        %dma_wait3A_2372 = arith.constant 0 : i32
        %dma_wait3A_2373 = arith.constant 0 : i32
        %dma_wait3A_2374 = arith.constant 0 : i32
        %dma_wait3A_2375 = tpu.memref_slice %arg9[%dma_wait3A_2372, %dma_wait3A_2373, %dma_wait3A_2374] : memref<2x4x128xi32, #tpu.memory_space<vmem>> -> memref<1x4x128xi32, #tpu.memory_space<vmem>>
        %dma_wait3A_2376 = tpu.memref_squeeze %dma_wait3A_2375 : memref<1x4x128xi32, #tpu.memory_space<vmem>> -> memref<4x128xi32, #tpu.memory_space<vmem>>
        %dma_wait3A_2377 = arith.constant 0 : i32
        %dma_wait3A_2378 = arith.constant 0 : i32
        %dma_wait3A_2379 = tpu.memref_slice %arg3[%dma_wait3A_2370, %dma_wait3A_2371, %dma_wait3A_2377, %dma_wait3A_2378] : memref<200x8x4x128xi32, #tpu.memory_space<hbm>> -> memref<1x1x4x128xi32, #tpu.memory_space<hbm>>
        %dma_wait3A_2380 = tpu.memref_squeeze %dma_wait3A_2379 : memref<1x1x4x128xi32, #tpu.memory_space<hbm>> -> memref<4x128xi32, #tpu.memory_space<hbm>>
        %dma_wait3A_2381 = arith.constant 0 : i32
        %dma_wait3A_2382 = arith.constant 0 : i32
        %dma_wait3A_2383 = tpu.memref_slice %arg9[%dma_wait3A_2372, %dma_wait3A_2381, %dma_wait3A_2382] : memref<2x4x128xi32, #tpu.memory_space<vmem>> -> memref<1x4x128xi32, #tpu.memory_space<vmem>>
        %dma_wait3A_2384 = tpu.memref_squeeze %dma_wait3A_2383 : memref<1x4x128xi32, #tpu.memory_space<vmem>> -> memref<4x128xi32, #tpu.memory_space<vmem>>
        %dma_wait3A_2385 = arith.constant 0 : i32
        %dma_wait3A_2386 = arith.constant 0 : i32
        %dma_wait3A_2387 = tpu.memref_slice %arg3[%dma_wait3A_2370, %dma_wait3A_2371, %dma_wait3A_2385, %dma_wait3A_2386] : memref<200x8x4x128xi32, #tpu.memory_space<hbm>> -> memref<1x1x4x128xi32, #tpu.memory_space<hbm>>
        %dma_wait3A_2388 = tpu.memref_squeeze %dma_wait3A_2387 : memref<1x1x4x128xi32, #tpu.memory_space<hbm>> -> memref<4x128xi32, #tpu.memory_space<hbm>>
        tpu.wait_dma2 semaphore(%arg14 : memref<!tpu.dma_semaphore, #tpu.memory_space<semaphore_mem>>) src(%dma_wait3A_2388 : memref<4x128xi32, #tpu.memory_space<hbm>>) dst(%dma_wait3A_2384 : memref<4x128xi32, #tpu.memory_space<vmem>>)
        %get3A_2389 = arith.constant 0 : i32
        %get3A_2390 = arith.constant 1 : i32
        %get3A_2391 = arith.index_cast %get3A_2389 : i32 to index
        %get3A_2392 = arith.index_cast %get3A_2390 : i32 to index
        %get3A_2393 = arith.constant 0 : index
        %get3A_2394 = tpu.vector_load %arg8[%get3A_2391, %get3A_2392, %get3A_2393] {strides = array<i32>} : memref<2x4x128xi32, #tpu.memory_space<vmem>>, vector<16xi32>,
        %add3A_2395 = arith.constant 100000 : i32
        %add3A_2396 = vector.broadcast %add3A_2395 : i32 to vector<16xi32>
        %add3A_2397 = arith.addi %get3A_2394, %add3A_2396 : vector<16xi32>
        %swap3A_2398 = arith.constant 0 : i32
        %swap3A_2399 = arith.constant 1 : i32
        %swap3A_2400 = arith.index_cast %swap3A_2398 : i32 to index
        %swap3A_2401 = arith.index_cast %swap3A_2399 : i32 to index
        %swap3A_2402 = arith.constant 0 : index
        %swap3A_2403 = tpu.vector_load %arg8[%swap3A_2400, %swap3A_2401, %swap3A_2402] {strides = array<i32>} : memref<2x4x128xi32, #tpu.memory_space<vmem>>, vector<16xi32>,
        tpu.vector_store %arg8[%swap3A_2400, %swap3A_2401, %swap3A_2402], %add3A_2397 {strides = array<i32>} : memref<2x4x128xi32, #tpu.memory_space<vmem>>, vector<16xi32>,
        %get3A_2404 = arith.constant 0 : i32
        %get3A_2405 = arith.constant 1 : i32
        %get3A_2406 = arith.index_cast %get3A_2404 : i32 to index
        %get3A_2407 = arith.index_cast %get3A_2405 : i32 to index
        %get3A_2408 = arith.constant 16 : index
        %get3A_2409 = tpu.vector_load %arg8[%get3A_2406, %get3A_2407, %get3A_2408] {strides = array<i32>} : memref<2x4x128xi32, #tpu.memory_space<vmem>>, vector<16xi32>,
        %add3A_2410 = arith.constant 100000 : i32
        %add3A_2411 = vector.broadcast %add3A_2410 : i32 to vector<16xi32>
        %add3A_2412 = arith.addi %get3A_2409, %add3A_2411 : vector<16xi32>
        %swap3A_2413 = arith.constant 0 : i32
        %swap3A_2414 = arith.constant 1 : i32
        %swap3A_2415 = arith.index_cast %swap3A_2413 : i32 to index
        %swap3A_2416 = arith.index_cast %swap3A_2414 : i32 to index
        %swap3A_2417 = arith.constant 16 : index
        %swap3A_2418 = tpu.vector_load %arg8[%swap3A_2415, %swap3A_2416, %swap3A_2417] {strides = array<i32>} : memref<2x4x128xi32, #tpu.memory_space<vmem>>, vector<16xi32>,
        tpu.vector_store %arg8[%swap3A_2415, %swap3A_2416, %swap3A_2417], %add3A_2412 {strides = array<i32>} : memref<2x4x128xi32, #tpu.memory_space<vmem>>, vector<16xi32>,
        %get3A_2419 = arith.constant 0 : i32
        %get3A_2420 = arith.constant 1 : i32
        %get3A_2421 = arith.index_cast %get3A_2419 : i32 to index
        %get3A_2422 = arith.index_cast %get3A_2420 : i32 to index
        %get3A_2423 = arith.constant 32 : index
        %get3A_2424 = tpu.vector_load %arg8[%get3A_2421, %get3A_2422, %get3A_2423] {strides = array<i32>} : memref<2x4x128xi32, #tpu.memory_space<vmem>>, vector<16xi32>,
        %add3A_2425 = arith.constant 100000 : i32
        %add3A_2426 = vector.broadcast %add3A_2425 : i32 to vector<16xi32>
        %add3A_2427 = arith.addi %get3A_2424, %add3A_2426 : vector<16xi32>
        %swap3A_2428 = arith.constant 0 : i32
        %swap3A_2429 = arith.constant 1 : i32
        %swap3A_2430 = arith.index_cast %swap3A_2428 : i32 to index
        %swap3A_2431 = arith.index_cast %swap3A_2429 : i32 to index
        %swap3A_2432 = arith.constant 32 : index
        %swap3A_2433 = tpu.vector_load %arg8[%swap3A_2430, %swap3A_2431, %swap3A_2432] {strides = array<i32>} : memref<2x4x128xi32, #tpu.memory_space<vmem>>, vector<16xi32>,
        tpu.vector_store %arg8[%swap3A_2430, %swap3A_2431, %swap3A_2432], %add3A_2427 {strides = array<i32>} : memref<2x4x128xi32, #tpu.memory_space<vmem>>, vector<16xi32>,
        %get3A_2434 = arith.constant 0 : i32
        %get3A_2435 = arith.constant 1 : i32
        %get3A_2436 = arith.index_cast %get3A_2434 : i32 to index
        %get3A_2437 = arith.index_cast %get3A_2435 : i32 to index
        %get3A_2438 = arith.constant 48 : index
        %get3A_2439 = tpu.vector_load %arg8[%get3A_2436, %get3A_2437, %get3A_2438] {strides = array<i32>} : memref<2x4x128xi32, #tpu.memory_space<vmem>>, vector<16xi32>,
        %add3A_2440 = arith.constant 100000 : i32
        %add3A_2441 = vector.broadcast %add3A_2440 : i32 to vector<16xi32>
        %add3A_2442 = arith.addi %get3A_2439, %add3A_2441 : vector<16xi32>
        %swap3A_2443 = arith.constant 0 : i32
        %swap3A_2444 = arith.constant 1 : i32
        %swap3A_2445 = arith.index_cast %swap3A_2443 : i32 to index
        %swap3A_2446 = arith.index_cast %swap3A_2444 : i32 to index
        %swap3A_2447 = arith.constant 48 : index
        %swap3A_2448 = tpu.vector_load %arg8[%swap3A_2445, %swap3A_2446, %swap3A_2447] {strides = array<i32>} : memref<2x4x128xi32, #tpu.memory_space<vmem>>, vector<16xi32>,
        tpu.vector_store %arg8[%swap3A_2445, %swap3A_2446, %swap3A_2447], %add3A_2442 {strides = array<i32>} : memref<2x4x128xi32, #tpu.memory_space<vmem>>, vector<16xi32>,
        %get3A_2449 = arith.constant 0 : i32
        %get3A_2450 = arith.constant 1 : i32
        %get3A_2451 = arith.index_cast %get3A_2449 : i32 to index
        %get3A_2452 = arith.index_cast %get3A_2450 : i32 to index
        %get3A_2453 = arith.constant 64 : index
        %get3A_2454 = tpu.vector_load %arg8[%get3A_2451, %get3A_2452, %get3A_2453] {strides = array<i32>} : memref<2x4x128xi32, #tpu.memory_space<vmem>>, vector<16xi32>,
        %add3A_2455 = arith.constant 100000 : i32
        %add3A_2456 = vector.broadcast %add3A_2455 : i32 to vector<16xi32>
        %add3A_2457 = arith.addi %get3A_2454, %add3A_2456 : vector<16xi32>
        %swap3A_2458 = arith.constant 0 : i32
        %swap3A_2459 = arith.constant 1 : i32
        %swap3A_2460 = arith.index_cast %swap3A_2458 : i32 to index
        %swap3A_2461 = arith.index_cast %swap3A_2459 : i32 to index
        %swap3A_2462 = arith.constant 64 : index
        %swap3A_2463 = tpu.vector_load %arg8[%swap3A_2460, %swap3A_2461, %swap3A_2462] {strides = array<i32>} : memref<2x4x128xi32, #tpu.memory_space<vmem>>, vector<16xi32>,
        tpu.vector_store %arg8[%swap3A_2460, %swap3A_2461, %swap3A_2462], %add3A_2457 {strides = array<i32>} : memref<2x4x128xi32, #tpu.memory_space<vmem>>, vector<16xi32>,
        %get3A_2464 = arith.constant 0 : i32
        %get3A_2465 = arith.constant 1 : i32
        %get3A_2466 = arith.index_cast %get3A_2464 : i32 to index
        %get3A_2467 = arith.index_cast %get3A_2465 : i32 to index
        %get3A_2468 = arith.constant 80 : index
        %get3A_2469 = tpu.vector_load %arg8[%get3A_2466, %get3A_2467, %get3A_2468] {strides = array<i32>} : memref<2x4x128xi32, #tpu.memory_space<vmem>>, vector<16xi32>,
        %add3A_2470 = arith.constant 100000 : i32
        %add3A_2471 = vector.broadcast %add3A_2470 : i32 to vector<16xi32>
        %add3A_2472 = arith.addi %get3A_2469, %add3A_2471 : vector<16xi32>
        %swap3A_2473 = arith.constant 0 : i32
        %swap3A_2474 = arith.constant 1 : i32
        %swap3A_2475 = arith.index_cast %swap3A_2473 : i32 to index
        %swap3A_2476 = arith.index_cast %swap3A_2474 : i32 to index
        %swap3A_2477 = arith.constant 80 : index
        %swap3A_2478 = tpu.vector_load %arg8[%swap3A_2475, %swap3A_2476, %swap3A_2477] {strides = array<i32>} : memref<2x4x128xi32, #tpu.memory_space<vmem>>, vector<16xi32>,
        tpu.vector_store %arg8[%swap3A_2475, %swap3A_2476, %swap3A_2477], %add3A_2472 {strides = array<i32>} : memref<2x4x128xi32, #tpu.memory_space<vmem>>, vector<16xi32>,
        %get3A_2479 = arith.constant 0 : i32
        %get3A_2480 = arith.constant 1 : i32
        %get3A_2481 = arith.index_cast %get3A_2479 : i32 to index
        %get3A_2482 = arith.index_cast %get3A_2480 : i32 to index
        %get3A_2483 = arith.constant 96 : index
        %get3A_2484 = tpu.vector_load %arg8[%get3A_2481, %get3A_2482, %get3A_2483] {strides = array<i32>} : memref<2x4x128xi32, #tpu.memory_space<vmem>>, vector<16xi32>,
        %add3A_2485 = arith.constant 100000 : i32
        %add3A_2486 = vector.broadcast %add3A_2485 : i32 to vector<16xi32>
        %add3A_2487 = arith.addi %get3A_2484, %add3A_2486 : vector<16xi32>
        %swap3A_2488 = arith.constant 0 : i32
        %swap3A_2489 = arith.constant 1 : i32
        %swap3A_2490 = arith.index_cast %swap3A_2488 : i32 to index
        %swap3A_2491 = arith.index_cast %swap3A_2489 : i32 to index
        %swap3A_2492 = arith.constant 96 : index
        %swap3A_2493 = tpu.vector_load %arg8[%swap3A_2490, %swap3A_2491, %swap3A_2492] {strides = array<i32>} : memref<2x4x128xi32, #tpu.memory_space<vmem>>, vector<16xi32>,
        tpu.vector_store %arg8[%swap3A_2490, %swap3A_2491, %swap3A_2492], %add3A_2487 {strides = array<i32>} : memref<2x4x128xi32, #tpu.memory_space<vmem>>, vector<16xi32>,
        %get3A_2494 = arith.constant 0 : i32
        %get3A_2495 = arith.constant 1 : i32
        %get3A_2496 = arith.index_cast %get3A_2494 : i32 to index
        %get3A_2497 = arith.index_cast %get3A_2495 : i32 to index
        %get3A_2498 = arith.constant 112 : index
        %get3A_2499 = tpu.vector_load %arg8[%get3A_2496, %get3A_2497, %get3A_2498] {strides = array<i32>} : memref<2x4x128xi32, #tpu.memory_space<vmem>>, vector<16xi32>,
        %add3A_2500 = arith.constant 100000 : i32
        %add3A_2501 = vector.broadcast %add3A_2500 : i32 to vector<16xi32>
        %add3A_2502 = arith.addi %get3A_2499, %add3A_2501 : vector<16xi32>
        %swap3A_2503 = arith.constant 0 : i32
        %swap3A_2504 = arith.constant 1 : i32
        %swap3A_2505 = arith.index_cast %swap3A_2503 : i32 to index
        %swap3A_2506 = arith.index_cast %swap3A_2504 : i32 to index
        %swap3A_2507 = arith.constant 112 : index
        %swap3A_2508 = tpu.vector_load %arg8[%swap3A_2505, %swap3A_2506, %swap3A_2507] {strides = array<i32>} : memref<2x4x128xi32, #tpu.memory_space<vmem>>, vector<16xi32>,
        tpu.vector_store %arg8[%swap3A_2505, %swap3A_2506, %swap3A_2507], %add3A_2502 {strides = array<i32>} : memref<2x4x128xi32, #tpu.memory_space<vmem>>, vector<16xi32>,
        %get3A_2509 = arith.constant 0 : i32
        %get3A_2510 = arith.constant 2 : i32
        %get3A_2511 = arith.index_cast %get3A_2509 : i32 to index
        %get3A_2512 = arith.index_cast %get3A_2510 : i32 to index
        %get3A_2513 = arith.constant 0 : index
        %get3A_2514 = tpu.vector_load %arg8[%get3A_2511, %get3A_2512, %get3A_2513] {strides = array<i32>} : memref<2x4x128xi32, #tpu.memory_space<vmem>>, vector<16xi32>,
        %add3A_2515 = arith.constant 200000 : i32
        %add3A_2516 = vector.broadcast %add3A_2515 : i32 to vector<16xi32>
        %add3A_2517 = arith.addi %get3A_2514, %add3A_2516 : vector<16xi32>
        %swap3A_2518 = arith.constant 0 : i32
        %swap3A_2519 = arith.constant 2 : i32
        %swap3A_2520 = arith.index_cast %swap3A_2518 : i32 to index
        %swap3A_2521 = arith.index_cast %swap3A_2519 : i32 to index
        %swap3A_2522 = arith.constant 0 : index
        %swap3A_2523 = tpu.vector_load %arg8[%swap3A_2520, %swap3A_2521, %swap3A_2522] {strides = array<i32>} : memref<2x4x128xi32, #tpu.memory_space<vmem>>, vector<16xi32>,
        tpu.vector_store %arg8[%swap3A_2520, %swap3A_2521, %swap3A_2522], %add3A_2517 {strides = array<i32>} : memref<2x4x128xi32, #tpu.memory_space<vmem>>, vector<16xi32>,
        %get3A_2524 = arith.constant 0 : i32
        %get3A_2525 = arith.constant 2 : i32
        %get3A_2526 = arith.index_cast %get3A_2524 : i32 to index
        %get3A_2527 = arith.index_cast %get3A_2525 : i32 to index
        %get3A_2528 = arith.constant 16 : index
        %get3A_2529 = tpu.vector_load %arg8[%get3A_2526, %get3A_2527, %get3A_2528] {strides = array<i32>} : memref<2x4x128xi32, #tpu.memory_space<vmem>>, vector<16xi32>,
        %add3A_2530 = arith.constant 200000 : i32
        %add3A_2531 = vector.broadcast %add3A_2530 : i32 to vector<16xi32>
        %add3A_2532 = arith.addi %get3A_2529, %add3A_2531 : vector<16xi32>
        %swap3A_2533 = arith.constant 0 : i32
        %swap3A_2534 = arith.constant 2 : i32
        %swap3A_2535 = arith.index_cast %swap3A_2533 : i32 to index
        %swap3A_2536 = arith.index_cast %swap3A_2534 : i32 to index
        %swap3A_2537 = arith.constant 16 : index
        %swap3A_2538 = tpu.vector_load %arg8[%swap3A_2535, %swap3A_2536, %swap3A_2537] {strides = array<i32>} : memref<2x4x128xi32, #tpu.memory_space<vmem>>, vector<16xi32>,
        tpu.vector_store %arg8[%swap3A_2535, %swap3A_2536, %swap3A_2537], %add3A_2532 {strides = array<i32>} : memref<2x4x128xi32, #tpu.memory_space<vmem>>, vector<16xi32>,
        %get3A_2539 = arith.constant 0 : i32
        %get3A_2540 = arith.constant 2 : i32
        %get3A_2541 = arith.index_cast %get3A_2539 : i32 to index
        %get3A_2542 = arith.index_cast %get3A_2540 : i32 to index
        %get3A_2543 = arith.constant 32 : index
        %get3A_2544 = tpu.vector_load %arg8[%get3A_2541, %get3A_2542, %get3A_2543] {strides = array<i32>} : memref<2x4x128xi32, #tpu.memory_space<vmem>>, vector<16xi32>,
        %add3A_2545 = arith.constant 200000 : i32
        %add3A_2546 = vector.broadcast %add3A_2545 : i32 to vector<16xi32>
        %add3A_2547 = arith.addi %get3A_2544, %add3A_2546 : vector<16xi32>
        %swap3A_2548 = arith.constant 0 : i32
        %swap3A_2549 = arith.constant 2 : i32
        %swap3A_2550 = arith.index_cast %swap3A_2548 : i32 to index
        %swap3A_2551 = arith.index_cast %swap3A_2549 : i32 to index
        %swap3A_2552 = arith.constant 32 : index
        %swap3A_2553 = tpu.vector_load %arg8[%swap3A_2550, %swap3A_2551, %swap3A_2552] {strides = array<i32>} : memref<2x4x128xi32, #tpu.memory_space<vmem>>, vector<16xi32>,
        tpu.vector_store %arg8[%swap3A_2550, %swap3A_2551, %swap3A_2552], %add3A_2547 {strides = array<i32>} : memref<2x4x128xi32, #tpu.memory_space<vmem>>, vector<16xi32>,
        %get3A_2554 = arith.constant 0 : i32
        %get3A_2555 = arith.constant 2 : i32
        %get3A_2556 = arith.index_cast %get3A_2554 : i32 to index
        %get3A_2557 = arith.index_cast %get3A_2555 : i32 to index
        %get3A_2558 = arith.constant 48 : index
        %get3A_2559 = tpu.vector_load %arg8[%get3A_2556, %get3A_2557, %get3A_2558] {strides = array<i32>} : memref<2x4x128xi32, #tpu.memory_space<vmem>>, vector<16xi32>,
        %add3A_2560 = arith.constant 200000 : i32
        %add3A_2561 = vector.broadcast %add3A_2560 : i32 to vector<16xi32>
        %add3A_2562 = arith.addi %get3A_2559, %add3A_2561 : vector<16xi32>
        %swap3A_2563 = arith.constant 0 : i32
        %swap3A_2564 = arith.constant 2 : i32
        %swap3A_2565 = arith.index_cast %swap3A_2563 : i32 to index
        %swap3A_2566 = arith.index_cast %swap3A_2564 : i32 to index
        %swap3A_2567 = arith.constant 48 : index
        %swap3A_2568 = tpu.vector_load %arg8[%swap3A_2565, %swap3A_2566, %swap3A_2567] {strides = array<i32>} : memref<2x4x128xi32, #tpu.memory_space<vmem>>, vector<16xi32>,
        tpu.vector_store %arg8[%swap3A_2565, %swap3A_2566, %swap3A_2567], %add3A_2562 {strides = array<i32>} : memref<2x4x128xi32, #tpu.memory_space<vmem>>, vector<16xi32>,
        %get3A_2569 = arith.constant 0 : i32
        %get3A_2570 = arith.constant 2 : i32
        %get3A_2571 = arith.index_cast %get3A_2569 : i32 to index
        %get3A_2572 = arith.index_cast %get3A_2570 : i32 to index
        %get3A_2573 = arith.constant 64 : index
        %get3A_2574 = tpu.vector_load %arg8[%get3A_2571, %get3A_2572, %get3A_2573] {strides = array<i32>} : memref<2x4x128xi32, #tpu.memory_space<vmem>>, vector<16xi32>,
        %add3A_2575 = arith.constant 200000 : i32
        %add3A_2576 = vector.broadcast %add3A_2575 : i32 to vector<16xi32>
        %add3A_2577 = arith.addi %get3A_2574, %add3A_2576 : vector<16xi32>
        %swap3A_2578 = arith.constant 0 : i32
        %swap3A_2579 = arith.constant 2 : i32
        %swap3A_2580 = arith.index_cast %swap3A_2578 : i32 to index
        %swap3A_2581 = arith.index_cast %swap3A_2579 : i32 to index
        %swap3A_2582 = arith.constant 64 : index
        %swap3A_2583 = tpu.vector_load %arg8[%swap3A_2580, %swap3A_2581, %swap3A_2582] {strides = array<i32>} : memref<2x4x128xi32, #tpu.memory_space<vmem>>, vector<16xi32>,
        tpu.vector_store %arg8[%swap3A_2580, %swap3A_2581, %swap3A_2582], %add3A_2577 {strides = array<i32>} : memref<2x4x128xi32, #tpu.memory_space<vmem>>, vector<16xi32>,
        %get3A_2584 = arith.constant 0 : i32
        %get3A_2585 = arith.constant 2 : i32
        %get3A_2586 = arith.index_cast %get3A_2584 : i32 to index
        %get3A_2587 = arith.index_cast %get3A_2585 : i32 to index
        %get3A_2588 = arith.constant 80 : index
        %get3A_2589 = tpu.vector_load %arg8[%get3A_2586, %get3A_2587, %get3A_2588] {strides = array<i32>} : memref<2x4x128xi32, #tpu.memory_space<vmem>>, vector<16xi32>,
        %add3A_2590 = arith.constant 200000 : i32
        %add3A_2591 = vector.broadcast %add3A_2590 : i32 to vector<16xi32>
        %add3A_2592 = arith.addi %get3A_2589, %add3A_2591 : vector<16xi32>
        %swap3A_2593 = arith.constant 0 : i32
        %swap3A_2594 = arith.constant 2 : i32
        %swap3A_2595 = arith.index_cast %swap3A_2593 : i32 to index
        %swap3A_2596 = arith.index_cast %swap3A_2594 : i32 to index
        %swap3A_2597 = arith.constant 80 : index
        %swap3A_2598 = tpu.vector_load %arg8[%swap3A_2595, %swap3A_2596, %swap3A_2597] {strides = array<i32>} : memref<2x4x128xi32, #tpu.memory_space<vmem>>, vector<16xi32>,
        tpu.vector_store %arg8[%swap3A_2595, %swap3A_2596, %swap3A_2597], %add3A_2592 {strides = array<i32>} : memref<2x4x128xi32, #tpu.memory_space<vmem>>, vector<16xi32>,
        %get3A_2599 = arith.constant 0 : i32
        %get3A_2600 = arith.constant 2 : i32
        %get3A_2601 = arith.index_cast %get3A_2599 : i32 to index
        %get3A_2602 = arith.index_cast %get3A_2600 : i32 to index
        %get3A_2603 = arith.constant 96 : index
        %get3A_2604 = tpu.vector_load %arg8[%get3A_2601, %get3A_2602, %get3A_2603] {strides = array<i32>} : memref<2x4x128xi32, #tpu.memory_space<vmem>>, vector<16xi32>,
        %add3A_2605 = arith.constant 200000 : i32
        %add3A_2606 = vector.broadcast %add3A_2605 : i32 to vector<16xi32>
        %add3A_2607 = arith.addi %get3A_2604, %add3A_2606 : vector<16xi32>
        %swap3A_2608 = arith.constant 0 : i32
        %swap3A_2609 = arith.constant 2 : i32
        %swap3A_2610 = arith.index_cast %swap3A_2608 : i32 to index
        %swap3A_2611 = arith.index_cast %swap3A_2609 : i32 to index
        %swap3A_2612 = arith.constant 96 : index
        %swap3A_2613 = tpu.vector_load %arg8[%swap3A_2610, %swap3A_2611, %swap3A_2612] {strides = array<i32>} : memref<2x4x128xi32, #tpu.memory_space<vmem>>, vector<16xi32>,
        tpu.vector_store %arg8[%swap3A_2610, %swap3A_2611, %swap3A_2612], %add3A_2607 {strides = array<i32>} : memref<2x4x128xi32, #tpu.memory_space<vmem>>, vector<16xi32>,
        %get3A_2614 = arith.constant 0 : i32
        %get3A_2615 = arith.constant 2 : i32
        %get3A_2616 = arith.index_cast %get3A_2614 : i32 to index
        %get3A_2617 = arith.index_cast %get3A_2615 : i32 to index
        %get3A_2618 = arith.constant 112 : index
        %get3A_2619 = tpu.vector_load %arg8[%get3A_2616, %get3A_2617, %get3A_2618] {strides = array<i32>} : memref<2x4x128xi32, #tpu.memory_space<vmem>>, vector<16xi32>,
        %add3A_2620 = arith.constant 200000 : i32
        %add3A_2621 = vector.broadcast %add3A_2620 : i32 to vector<16xi32>
        %add3A_2622 = arith.addi %get3A_2619, %add3A_2621 : vector<16xi32>
        %swap3A_2623 = arith.constant 0 : i32
        %swap3A_2624 = arith.constant 2 : i32
        %swap3A_2625 = arith.index_cast %swap3A_2623 : i32 to index
        %swap3A_2626 = arith.index_cast %swap3A_2624 : i32 to index
        %swap3A_2627 = arith.constant 112 : index
        %swap3A_2628 = tpu.vector_load %arg8[%swap3A_2625, %swap3A_2626, %swap3A_2627] {strides = array<i32>} : memref<2x4x128xi32, #tpu.memory_space<vmem>>, vector<16xi32>,
        tpu.vector_store %arg8[%swap3A_2625, %swap3A_2626, %swap3A_2627], %add3A_2622 {strides = array<i32>} : memref<2x4x128xi32, #tpu.memory_space<vmem>>, vector<16xi32>,
        %get3A_2629 = arith.constant 0 : i32
        %get3A_2630 = arith.constant 3 : i32
        %get3A_2631 = arith.index_cast %get3A_2629 : i32 to index
        %get3A_2632 = arith.index_cast %get3A_2630 : i32 to index
        %get3A_2633 = arith.constant 0 : index
        %get3A_2634 = tpu.vector_load %arg8[%get3A_2631, %get3A_2632, %get3A_2633] {strides = array<i32>} : memref<2x4x128xi32, #tpu.memory_space<vmem>>, vector<16xi32>,
        %add3A_2635 = arith.constant 300000 : i32
        %add3A_2636 = vector.broadcast %add3A_2635 : i32 to vector<16xi32>
        %add3A_2637 = arith.addi %get3A_2634, %add3A_2636 : vector<16xi32>
        %swap3A_2638 = arith.constant 0 : i32
        %swap3A_2639 = arith.constant 3 : i32
        %swap3A_2640 = arith.index_cast %swap3A_2638 : i32 to index
        %swap3A_2641 = arith.index_cast %swap3A_2639 : i32 to index
        %swap3A_2642 = arith.constant 0 : index
        %swap3A_2643 = tpu.vector_load %arg8[%swap3A_2640, %swap3A_2641, %swap3A_2642] {strides = array<i32>} : memref<2x4x128xi32, #tpu.memory_space<vmem>>, vector<16xi32>,
        tpu.vector_store %arg8[%swap3A_2640, %swap3A_2641, %swap3A_2642], %add3A_2637 {strides = array<i32>} : memref<2x4x128xi32, #tpu.memory_space<vmem>>, vector<16xi32>,
        %get3A_2644 = arith.constant 0 : i32
        %get3A_2645 = arith.constant 3 : i32
        %get3A_2646 = arith.index_cast %get3A_2644 : i32 to index
        %get3A_2647 = arith.index_cast %get3A_2645 : i32 to index
        %get3A_2648 = arith.constant 16 : index
        %get3A_2649 = tpu.vector_load %arg8[%get3A_2646, %get3A_2647, %get3A_2648] {strides = array<i32>} : memref<2x4x128xi32, #tpu.memory_space<vmem>>, vector<16xi32>,
        %add3A_2650 = arith.constant 300000 : i32
        %add3A_2651 = vector.broadcast %add3A_2650 : i32 to vector<16xi32>
        %add3A_2652 = arith.addi %get3A_2649, %add3A_2651 : vector<16xi32>
        %swap3A_2653 = arith.constant 0 : i32
        %swap3A_2654 = arith.constant 3 : i32
        %swap3A_2655 = arith.index_cast %swap3A_2653 : i32 to index
        %swap3A_2656 = arith.index_cast %swap3A_2654 : i32 to index
        %swap3A_2657 = arith.constant 16 : index
        %swap3A_2658 = tpu.vector_load %arg8[%swap3A_2655, %swap3A_2656, %swap3A_2657] {strides = array<i32>} : memref<2x4x128xi32, #tpu.memory_space<vmem>>, vector<16xi32>,
        tpu.vector_store %arg8[%swap3A_2655, %swap3A_2656, %swap3A_2657], %add3A_2652 {strides = array<i32>} : memref<2x4x128xi32, #tpu.memory_space<vmem>>, vector<16xi32>,
        %get3A_2659 = arith.constant 0 : i32
        %get3A_2660 = arith.constant 3 : i32
        %get3A_2661 = arith.index_cast %get3A_2659 : i32 to index
        %get3A_2662 = arith.index_cast %get3A_2660 : i32 to index
        %get3A_2663 = arith.constant 32 : index
        %get3A_2664 = tpu.vector_load %arg8[%get3A_2661, %get3A_2662, %get3A_2663] {strides = array<i32>} : memref<2x4x128xi32, #tpu.memory_space<vmem>>, vector<16xi32>,
        %add3A_2665 = arith.constant 300000 : i32
        %add3A_2666 = vector.broadcast %add3A_2665 : i32 to vector<16xi32>
        %add3A_2667 = arith.addi %get3A_2664, %add3A_2666 : vector<16xi32>
        %swap3A_2668 = arith.constant 0 : i32
        %swap3A_2669 = arith.constant 3 : i32
        %swap3A_2670 = arith.index_cast %swap3A_2668 : i32 to index
        %swap3A_2671 = arith.index_cast %swap3A_2669 : i32 to index
        %swap3A_2672 = arith.constant 32 : index
        %swap3A_2673 = tpu.vector_load %arg8[%swap3A_2670, %swap3A_2671, %swap3A_2672] {strides = array<i32>} : memref<2x4x128xi32, #tpu.memory_space<vmem>>, vector<16xi32>,
        tpu.vector_store %arg8[%swap3A_2670, %swap3A_2671, %swap3A_2672], %add3A_2667 {strides = array<i32>} : memref<2x4x128xi32, #tpu.memory_space<vmem>>, vector<16xi32>,
        %get3A_2674 = arith.constant 0 : i32
        %get3A_2675 = arith.constant 3 : i32
        %get3A_2676 = arith.index_cast %get3A_2674 : i32 to index
        %get3A_2677 = arith.index_cast %get3A_2675 : i32 to index
        %get3A_2678 = arith.constant 48 : index
        %get3A_2679 = tpu.vector_load %arg8[%get3A_2676, %get3A_2677, %get3A_2678] {strides = array<i32>} : memref<2x4x128xi32, #tpu.memory_space<vmem>>, vector<16xi32>,
        %add3A_2680 = arith.constant 300000 : i32
        %add3A_2681 = vector.broadcast %add3A_2680 : i32 to vector<16xi32>
        %add3A_2682 = arith.addi %get3A_2679, %add3A_2681 : vector<16xi32>
        %swap3A_2683 = arith.constant 0 : i32
        %swap3A_2684 = arith.constant 3 : i32
        %swap3A_2685 = arith.index_cast %swap3A_2683 : i32 to index
        %swap3A_2686 = arith.index_cast %swap3A_2684 : i32 to index
        %swap3A_2687 = arith.constant 48 : index
        %swap3A_2688 = tpu.vector_load %arg8[%swap3A_2685, %swap3A_2686, %swap3A_2687] {strides = array<i32>} : memref<2x4x128xi32, #tpu.memory_space<vmem>>, vector<16xi32>,
        tpu.vector_store %arg8[%swap3A_2685, %swap3A_2686, %swap3A_2687], %add3A_2682 {strides = array<i32>} : memref<2x4x128xi32, #tpu.memory_space<vmem>>, vector<16xi32>,
        %get3A_2689 = arith.constant 0 : i32
        %get3A_2690 = arith.constant 3 : i32
        %get3A_2691 = arith.index_cast %get3A_2689 : i32 to index
        %get3A_2692 = arith.index_cast %get3A_2690 : i32 to index
        %get3A_2693 = arith.constant 64 : index
        %get3A_2694 = tpu.vector_load %arg8[%get3A_2691, %get3A_2692, %get3A_2693] {strides = array<i32>} : memref<2x4x128xi32, #tpu.memory_space<vmem>>, vector<16xi32>,
        %add3A_2695 = arith.constant 300000 : i32
        %add3A_2696 = vector.broadcast %add3A_2695 : i32 to vector<16xi32>
        %add3A_2697 = arith.addi %get3A_2694, %add3A_2696 : vector<16xi32>
        %swap3A_2698 = arith.constant 0 : i32
        %swap3A_2699 = arith.constant 3 : i32
        %swap3A_2700 = arith.index_cast %swap3A_2698 : i32 to index
        %swap3A_2701 = arith.index_cast %swap3A_2699 : i32 to index
        %swap3A_2702 = arith.constant 64 : index
        %swap3A_2703 = tpu.vector_load %arg8[%swap3A_2700, %swap3A_2701, %swap3A_2702] {strides = array<i32>} : memref<2x4x128xi32, #tpu.memory_space<vmem>>, vector<16xi32>,
        tpu.vector_store %arg8[%swap3A_2700, %swap3A_2701, %swap3A_2702], %add3A_2697 {strides = array<i32>} : memref<2x4x128xi32, #tpu.memory_space<vmem>>, vector<16xi32>,
        %get3A_2704 = arith.constant 0 : i32
        %get3A_2705 = arith.constant 3 : i32
        %get3A_2706 = arith.index_cast %get3A_2704 : i32 to index
        %get3A_2707 = arith.index_cast %get3A_2705 : i32 to index
        %get3A_2708 = arith.constant 80 : index
        %get3A_2709 = tpu.vector_load %arg8[%get3A_2706, %get3A_2707, %get3A_2708] {strides = array<i32>} : memref<2x4x128xi32, #tpu.memory_space<vmem>>, vector<16xi32>,
        %add3A_2710 = arith.constant 300000 : i32
        %add3A_2711 = vector.broadcast %add3A_2710 : i32 to vector<16xi32>
        %add3A_2712 = arith.addi %get3A_2709, %add3A_2711 : vector<16xi32>
        %swap3A_2713 = arith.constant 0 : i32
        %swap3A_2714 = arith.constant 3 : i32
        %swap3A_2715 = arith.index_cast %swap3A_2713 : i32 to index
        %swap3A_2716 = arith.index_cast %swap3A_2714 : i32 to index
        %swap3A_2717 = arith.constant 80 : index
        %swap3A_2718 = tpu.vector_load %arg8[%swap3A_2715, %swap3A_2716, %swap3A_2717] {strides = array<i32>} : memref<2x4x128xi32, #tpu.memory_space<vmem>>, vector<16xi32>,
        tpu.vector_store %arg8[%swap3A_2715, %swap3A_2716, %swap3A_2717], %add3A_2712 {strides = array<i32>} : memref<2x4x128xi32, #tpu.memory_space<vmem>>, vector<16xi32>,
        %get3A_2719 = arith.constant 0 : i32
        %get3A_2720 = arith.constant 3 : i32
        %get3A_2721 = arith.index_cast %get3A_2719 : i32 to index
        %get3A_2722 = arith.index_cast %get3A_2720 : i32 to index
        %get3A_2723 = arith.constant 96 : index
        %get3A_2724 = tpu.vector_load %arg8[%get3A_2721, %get3A_2722, %get3A_2723] {strides = array<i32>} : memref<2x4x128xi32, #tpu.memory_space<vmem>>, vector<16xi32>,
        %add3A_2725 = arith.constant 300000 : i32
        %add3A_2726 = vector.broadcast %add3A_2725 : i32 to vector<16xi32>
        %add3A_2727 = arith.addi %get3A_2724, %add3A_2726 : vector<16xi32>
        %swap3A_2728 = arith.constant 0 : i32
        %swap3A_2729 = arith.constant 3 : i32
        %swap3A_2730 = arith.index_cast %swap3A_2728 : i32 to index
        %swap3A_2731 = arith.index_cast %swap3A_2729 : i32 to index
        %swap3A_2732 = arith.constant 96 : index
        %swap3A_2733 = tpu.vector_load %arg8[%swap3A_2730, %swap3A_2731, %swap3A_2732] {strides = array<i32>} : memref<2x4x128xi32, #tpu.memory_space<vmem>>, vector<16xi32>,
        tpu.vector_store %arg8[%swap3A_2730, %swap3A_2731, %swap3A_2732], %add3A_2727 {strides = array<i32>} : memref<2x4x128xi32, #tpu.memory_space<vmem>>, vector<16xi32>,
        %get3A_2734 = arith.constant 0 : i32
        %get3A_2735 = arith.constant 3 : i32
        %get3A_2736 = arith.index_cast %get3A_2734 : i32 to index
        %get3A_2737 = arith.index_cast %get3A_2735 : i32 to index
        %get3A_2738 = arith.constant 112 : index
        %get3A_2739 = tpu.vector_load %arg8[%get3A_2736, %get3A_2737, %get3A_2738] {strides = array<i32>} : memref<2x4x128xi32, #tpu.memory_space<vmem>>, vector<16xi32>,
        %add3A_2740 = arith.constant 300000 : i32
        %add3A_2741 = vector.broadcast %add3A_2740 : i32 to vector<16xi32>
        %add3A_2742 = arith.addi %get3A_2739, %add3A_2741 : vector<16xi32>
        %swap3A_2743 = arith.constant 0 : i32
        %swap3A_2744 = arith.constant 3 : i32
        %swap3A_2745 = arith.index_cast %swap3A_2743 : i32 to index
        %swap3A_2746 = arith.index_cast %swap3A_2744 : i32 to index
        %swap3A_2747 = arith.constant 112 : index
        %swap3A_2748 = tpu.vector_load %arg8[%swap3A_2745, %swap3A_2746, %swap3A_2747] {strides = array<i32>} : memref<2x4x128xi32, #tpu.memory_space<vmem>>, vector<16xi32>,
        tpu.vector_store %arg8[%swap3A_2745, %swap3A_2746, %swap3A_2747], %add3A_2742 {strides = array<i32>} : memref<2x4x128xi32, #tpu.memory_space<vmem>>, vector<16xi32>,
        %dma_start3A_2749 = arith.constant 0 : i32
        %dma_start3A_2750 = arith.constant 0 : i32
        %dma_start3A_2751 = arith.constant 0 : i32
        %dma_start3A_2752 = arith.constant 0 : i32
        %dma_start3A_2753 = arith.constant 0 : i32
        %dma_start3A_2754 = arith.constant 0 : i32
        %dma_start3A_2755 = tpu.memref_slice %arg10[%dma_start3A_2751, %dma_start3A_2752, %dma_start3A_2753, %dma_start3A_2754] : memref<2x4x128x32xf32, #tpu.memory_space<vmem>> -> memref<1x1x128x32xf32, #tpu.memory_space<vmem>>
        %dma_start3A_2756 = tpu.memref_squeeze %dma_start3A_2755 : memref<1x1x128x32xf32, #tpu.memory_space<vmem>> -> memref<128x32xf32, #tpu.memory_space<vmem>>
        %dma_start3A_2757 = arith.constant 0 : i32
        %dma_start3A_2758 = tpu.memref_slice %arg8[%dma_start3A_2749, %dma_start3A_2750, %dma_start3A_2757] : memref<2x4x128xi32, #tpu.memory_space<vmem>> -> memref<1x1x128xi32, #tpu.memory_space<vmem>>
        %dma_start3A_2759 = tpu.memref_squeeze %dma_start3A_2758 : memref<1x1x128xi32, #tpu.memory_space<vmem>> -> memref<128xi32, #tpu.memory_space<vmem>>
        %dma_start3A_2760 = arith.constant 0 : i32
        %dma_start3A_2761 = arith.constant 0 : i32
        %dma_start3A_2762 = tpu.memref_slice %arg4[%dma_start3A_2760, %dma_start3A_2761] : memref<400000x32xf32, #tpu.memory_space<hbm>> -> memref<400000x32xf32, #tpu.memory_space<hbm>>
        tpu.enqueue_indirect_dma source(%dma_start3A_2762 : memref<400000x32xf32, #tpu.memory_space<hbm>>) target(%dma_start3A_2756 : memref<128x32xf32, #tpu.memory_space<vmem>>) offsets(%dma_start3A_2759 : memref<128xi32, #tpu.memory_space<vmem>>) semaphore(%arg16 : memref<!tpu.dma_semaphore, #tpu.memory_space<semaphore_mem>>)
        %dma_start3A_2763 = arith.constant 0 : i32
        %dma_start3A_2764 = arith.constant 0 : i32
        %dma_start3A_2765 = arith.constant 0 : i32
        %dma_start3A_2766 = arith.constant 0 : i32
        %dma_start3A_2767 = arith.constant 0 : i32
        %dma_start3A_2768 = arith.constant 0 : i32
        %dma_start3A_2769 = arith.constant 0 : i32
        %dma_start3A_2770 = tpu.memref_slice %arg11[%dma_start3A_2766, %dma_start3A_2767, %dma_start3A_2768, %dma_start3A_2769] : memref<2x4x128x32xf32, #tpu.memory_space<vmem>> -> memref<1x1x128x32xf32, #tpu.memory_space<vmem>>
        %dma_start3A_2771 = tpu.memref_squeeze %dma_start3A_2770 : memref<1x1x128x32xf32, #tpu.memory_space<vmem>> -> memref<128x32xf32, #tpu.memory_space<vmem>>
        %dma_start3A_2772 = arith.constant 0 : i32
        %dma_start3A_2773 = tpu.memref_slice %arg9[%dma_start3A_2764, %dma_start3A_2765, %dma_start3A_2772] : memref<2x4x128xi32, #tpu.memory_space<vmem>> -> memref<1x1x128xi32, #tpu.memory_space<vmem>>
        %dma_start3A_2774 = tpu.memref_squeeze %dma_start3A_2773 : memref<1x1x128xi32, #tpu.memory_space<vmem>> -> memref<128xi32, #tpu.memory_space<vmem>>
        %dma_start3A_2775 = arith.constant 0 : i32
        %dma_start3A_2776 = arith.constant 0 : i32
        %dma_start3A_2777 = tpu.memref_slice %arg5[%dma_start3A_2763, %dma_start3A_2775, %dma_start3A_2776] : memref<4x512x32xf32, #tpu.memory_space<hbm>> -> memref<1x512x32xf32, #tpu.memory_space<hbm>>
        %dma_start3A_2778 = tpu.memref_squeeze %dma_start3A_2777 : memref<1x512x32xf32, #tpu.memory_space<hbm>> -> memref<512x32xf32, #tpu.memory_space<hbm>>
        %dma_start3A_2779 = arith.constant 0 : i32
        %dma_start3A_2780 = arith.constant 0 : i32
        %dma_start3A_2781 = tpu.memref_slice %dma_start3A_2778[%dma_start3A_2779, %dma_start3A_2780] : memref<512x32xf32, #tpu.memory_space<hbm>> -> memref<512x32xf32, #tpu.memory_space<hbm>>
        tpu.enqueue_indirect_dma source(%dma_start3A_2781 : memref<512x32xf32, #tpu.memory_space<hbm>>) target(%dma_start3A_2771 : memref<128x32xf32, #tpu.memory_space<vmem>>) offsets(%dma_start3A_2774 : memref<128xi32, #tpu.memory_space<vmem>>) semaphore(%arg16 : memref<!tpu.dma_semaphore, #tpu.memory_space<semaphore_mem>>)
        %dma_start3A_2782 = arith.constant 0 : i32
        %dma_start3A_2783 = arith.constant 1 : i32
        %dma_start3A_2784 = arith.constant 0 : i32
        %dma_start3A_2785 = arith.constant 1 : i32
        %dma_start3A_2786 = arith.constant 0 : i32
        %dma_start3A_2787 = arith.constant 0 : i32
        %dma_start3A_2788 = tpu.memref_slice %arg10[%dma_start3A_2784, %dma_start3A_2785, %dma_start3A_2786, %dma_start3A_2787] : memref<2x4x128x32xf32, #tpu.memory_space<vmem>> -> memref<1x1x128x32xf32, #tpu.memory_space<vmem>>
        %dma_start3A_2789 = tpu.memref_squeeze %dma_start3A_2788 : memref<1x1x128x32xf32, #tpu.memory_space<vmem>> -> memref<128x32xf32, #tpu.memory_space<vmem>>
        %dma_start3A_2790 = arith.constant 0 : i32
        %dma_start3A_2791 = tpu.memref_slice %arg8[%dma_start3A_2782, %dma_start3A_2783, %dma_start3A_2790] : memref<2x4x128xi32, #tpu.memory_space<vmem>> -> memref<1x1x128xi32, #tpu.memory_space<vmem>>
        %dma_start3A_2792 = tpu.memref_squeeze %dma_start3A_2791 : memref<1x1x128xi32, #tpu.memory_space<vmem>> -> memref<128xi32, #tpu.memory_space<vmem>>
        %dma_start3A_2793 = arith.constant 0 : i32
        %dma_start3A_2794 = arith.constant 0 : i32
        %dma_start3A_2795 = tpu.memref_slice %arg4[%dma_start3A_2793, %dma_start3A_2794] : memref<400000x32xf32, #tpu.memory_space<hbm>> -> memref<400000x32xf32, #tpu.memory_space<hbm>>
        tpu.enqueue_indirect_dma source(%dma_start3A_2795 : memref<400000x32xf32, #tpu.memory_space<hbm>>) target(%dma_start3A_2789 : memref<128x32xf32, #tpu.memory_space<vmem>>) offsets(%dma_start3A_2792 : memref<128xi32, #tpu.memory_space<vmem>>) semaphore(%arg16 : memref<!tpu.dma_semaphore, #tpu.memory_space<semaphore_mem>>)
        %dma_start3A_2796 = arith.constant 1 : i32
        %dma_start3A_2797 = arith.constant 0 : i32
        %dma_start3A_2798 = arith.constant 1 : i32
        %dma_start3A_2799 = arith.constant 0 : i32
        %dma_start3A_2800 = arith.constant 1 : i32
        %dma_start3A_2801 = arith.constant 0 : i32
        %dma_start3A_2802 = arith.constant 0 : i32
        %dma_start3A_2803 = tpu.memref_slice %arg11[%dma_start3A_2799, %dma_start3A_2800, %dma_start3A_2801, %dma_start3A_2802] : memref<2x4x128x32xf32, #tpu.memory_space<vmem>> -> memref<1x1x128x32xf32, #tpu.memory_space<vmem>>
        %dma_start3A_2804 = tpu.memref_squeeze %dma_start3A_2803 : memref<1x1x128x32xf32, #tpu.memory_space<vmem>> -> memref<128x32xf32, #tpu.memory_space<vmem>>
        %dma_start3A_2805 = arith.constant 0 : i32
        %dma_start3A_2806 = tpu.memref_slice %arg9[%dma_start3A_2797, %dma_start3A_2798, %dma_start3A_2805] : memref<2x4x128xi32, #tpu.memory_space<vmem>> -> memref<1x1x128xi32, #tpu.memory_space<vmem>>
        %dma_start3A_2807 = tpu.memref_squeeze %dma_start3A_2806 : memref<1x1x128xi32, #tpu.memory_space<vmem>> -> memref<128xi32, #tpu.memory_space<vmem>>
        %dma_start3A_2808 = arith.constant 0 : i32
        %dma_start3A_2809 = arith.constant 0 : i32
        %dma_start3A_2810 = tpu.memref_slice %arg5[%dma_start3A_2796, %dma_start3A_2808, %dma_start3A_2809] : memref<4x512x32xf32, #tpu.memory_space<hbm>> -> memref<1x512x32xf32, #tpu.memory_space<hbm>>
        %dma_start3A_2811 = tpu.memref_squeeze %dma_start3A_2810 : memref<1x512x32xf32, #tpu.memory_space<hbm>> -> memref<512x32xf32, #tpu.memory_space<hbm>>
        %dma_start3A_2812 = arith.constant 0 : i32
        %dma_start3A_2813 = arith.constant 0 : i32
        %dma_start3A_2814 = tpu.memref_slice %dma_start3A_2811[%dma_start3A_2812, %dma_start3A_2813] : memref<512x32xf32, #tpu.memory_space<hbm>> -> memref<512x32xf32, #tpu.memory_space<hbm>>
        tpu.enqueue_indirect_dma source(%dma_start3A_2814 : memref<512x32xf32, #tpu.memory_space<hbm>>) target(%dma_start3A_2804 : memref<128x32xf32, #tpu.memory_space<vmem>>) offsets(%dma_start3A_2807 : memref<128xi32, #tpu.memory_space<vmem>>) semaphore(%arg16 : memref<!tpu.dma_semaphore, #tpu.memory_space<semaphore_mem>>)
        %dma_start3A_2815 = arith.constant 0 : i32
        %dma_start3A_2816 = arith.constant 2 : i32
        %dma_start3A_2817 = arith.constant 0 : i32
        %dma_start3A_2818 = arith.constant 2 : i32
        %dma_start3A_2819 = arith.constant 0 : i32
        %dma_start3A_2820 = arith.constant 0 : i32
        %dma_start3A_2821 = tpu.memref_slice %arg10[%dma_start3A_2817, %dma_start3A_2818, %dma_start3A_2819, %dma_start3A_2820] : memref<2x4x128x32xf32, #tpu.memory_space<vmem>> -> memref<1x1x128x32xf32, #tpu.memory_space<vmem>>
        %dma_start3A_2822 = tpu.memref_squeeze %dma_start3A_2821 : memref<1x1x128x32xf32, #tpu.memory_space<vmem>> -> memref<128x32xf32, #tpu.memory_space<vmem>>
        %dma_start3A_2823 = arith.constant 0 : i32
        %dma_start3A_2824 = tpu.memref_slice %arg8[%dma_start3A_2815, %dma_start3A_2816, %dma_start3A_2823] : memref<2x4x128xi32, #tpu.memory_space<vmem>> -> memref<1x1x128xi32, #tpu.memory_space<vmem>>
        %dma_start3A_2825 = tpu.memref_squeeze %dma_start3A_2824 : memref<1x1x128xi32, #tpu.memory_space<vmem>> -> memref<128xi32, #tpu.memory_space<vmem>>
        %dma_start3A_2826 = arith.constant 0 : i32
        %dma_start3A_2827 = arith.constant 0 : i32
        %dma_start3A_2828 = tpu.memref_slice %arg4[%dma_start3A_2826, %dma_start3A_2827] : memref<400000x32xf32, #tpu.memory_space<hbm>> -> memref<400000x32xf32, #tpu.memory_space<hbm>>
        tpu.enqueue_indirect_dma source(%dma_start3A_2828 : memref<400000x32xf32, #tpu.memory_space<hbm>>) target(%dma_start3A_2822 : memref<128x32xf32, #tpu.memory_space<vmem>>) offsets(%dma_start3A_2825 : memref<128xi32, #tpu.memory_space<vmem>>) semaphore(%arg16 : memref<!tpu.dma_semaphore, #tpu.memory_space<semaphore_mem>>)
        %dma_start3A_2829 = arith.constant 2 : i32
        %dma_start3A_2830 = arith.constant 0 : i32
        %dma_start3A_2831 = arith.constant 2 : i32
        %dma_start3A_2832 = arith.constant 0 : i32
        %dma_start3A_2833 = arith.constant 2 : i32
        %dma_start3A_2834 = arith.constant 0 : i32
        %dma_start3A_2835 = arith.constant 0 : i32
        %dma_start3A_2836 = tpu.memref_slice %arg11[%dma_start3A_2832, %dma_start3A_2833, %dma_start3A_2834, %dma_start3A_2835] : memref<2x4x128x32xf32, #tpu.memory_space<vmem>> -> memref<1x1x128x32xf32, #tpu.memory_space<vmem>>
        %dma_start3A_2837 = tpu.memref_squeeze %dma_start3A_2836 : memref<1x1x128x32xf32, #tpu.memory_space<vmem>> -> memref<128x32xf32, #tpu.memory_space<vmem>>
        %dma_start3A_2838 = arith.constant 0 : i32
        %dma_start3A_2839 = tpu.memref_slice %arg9[%dma_start3A_2830, %dma_start3A_2831, %dma_start3A_2838] : memref<2x4x128xi32, #tpu.memory_space<vmem>> -> memref<1x1x128xi32, #tpu.memory_space<vmem>>
        %dma_start3A_2840 = tpu.memref_squeeze %dma_start3A_2839 : memref<1x1x128xi32, #tpu.memory_space<vmem>> -> memref<128xi32, #tpu.memory_space<vmem>>
        %dma_start3A_2841 = arith.constant 0 : i32
        %dma_start3A_2842 = arith.constant 0 : i32
        %dma_start3A_2843 = tpu.memref_slice %arg5[%dma_start3A_2829, %dma_start3A_2841, %dma_start3A_2842] : memref<4x512x32xf32, #tpu.memory_space<hbm>> -> memref<1x512x32xf32, #tpu.memory_space<hbm>>
        %dma_start3A_2844 = tpu.memref_squeeze %dma_start3A_2843 : memref<1x512x32xf32, #tpu.memory_space<hbm>> -> memref<512x32xf32, #tpu.memory_space<hbm>>
        %dma_start3A_2845 = arith.constant 0 : i32
        %dma_start3A_2846 = arith.constant 0 : i32
        %dma_start3A_2847 = tpu.memref_slice %dma_start3A_2844[%dma_start3A_2845, %dma_start3A_2846] : memref<512x32xf32, #tpu.memory_space<hbm>> -> memref<512x32xf32, #tpu.memory_space<hbm>>
        tpu.enqueue_indirect_dma source(%dma_start3A_2847 : memref<512x32xf32, #tpu.memory_space<hbm>>) target(%dma_start3A_2837 : memref<128x32xf32, #tpu.memory_space<vmem>>) offsets(%dma_start3A_2840 : memref<128xi32, #tpu.memory_space<vmem>>) semaphore(%arg16 : memref<!tpu.dma_semaphore, #tpu.memory_space<semaphore_mem>>)
        %dma_start3A_2848 = arith.constant 0 : i32
        %dma_start3A_2849 = arith.constant 3 : i32
        %dma_start3A_2850 = arith.constant 0 : i32
        %dma_start3A_2851 = arith.constant 3 : i32
        %dma_start3A_2852 = arith.constant 0 : i32
        %dma_start3A_2853 = arith.constant 0 : i32
        %dma_start3A_2854 = tpu.memref_slice %arg10[%dma_start3A_2850, %dma_start3A_2851, %dma_start3A_2852, %dma_start3A_2853] : memref<2x4x128x32xf32, #tpu.memory_space<vmem>> -> memref<1x1x128x32xf32, #tpu.memory_space<vmem>>
        %dma_start3A_2855 = tpu.memref_squeeze %dma_start3A_2854 : memref<1x1x128x32xf32, #tpu.memory_space<vmem>> -> memref<128x32xf32, #tpu.memory_space<vmem>>
        %dma_start3A_2856 = arith.constant 0 : i32
        %dma_start3A_2857 = tpu.memref_slice %arg8[%dma_start3A_2848, %dma_start3A_2849, %dma_start3A_2856] : memref<2x4x128xi32, #tpu.memory_space<vmem>> -> memref<1x1x128xi32, #tpu.memory_space<vmem>>
        %dma_start3A_2858 = tpu.memref_squeeze %dma_start3A_2857 : memref<1x1x128xi32, #tpu.memory_space<vmem>> -> memref<128xi32, #tpu.memory_space<vmem>>
        %dma_start3A_2859 = arith.constant 0 : i32
        %dma_start3A_2860 = arith.constant 0 : i32
        %dma_start3A_2861 = tpu.memref_slice %arg4[%dma_start3A_2859, %dma_start3A_2860] : memref<400000x32xf32, #tpu.memory_space<hbm>> -> memref<400000x32xf32, #tpu.memory_space<hbm>>
        tpu.enqueue_indirect_dma source(%dma_start3A_2861 : memref<400000x32xf32, #tpu.memory_space<hbm>>) target(%dma_start3A_2855 : memref<128x32xf32, #tpu.memory_space<vmem>>) offsets(%dma_start3A_2858 : memref<128xi32, #tpu.memory_space<vmem>>) semaphore(%arg16 : memref<!tpu.dma_semaphore, #tpu.memory_space<semaphore_mem>>)
        %dma_start3A_2862 = arith.constant 3 : i32
        %dma_start3A_2863 = arith.constant 0 : i32
        %dma_start3A_2864 = arith.constant 3 : i32
        %dma_start3A_2865 = arith.constant 0 : i32
        %dma_start3A_2866 = arith.constant 3 : i32
        %dma_start3A_2867 = arith.constant 0 : i32
        %dma_start3A_2868 = arith.constant 0 : i32
        %dma_start3A_2869 = tpu.memref_slice %arg11[%dma_start3A_2865, %dma_start3A_2866, %dma_start3A_2867, %dma_start3A_2868] : memref<2x4x128x32xf32, #tpu.memory_space<vmem>> -> memref<1x1x128x32xf32, #tpu.memory_space<vmem>>
        %dma_start3A_2870 = tpu.memref_squeeze %dma_start3A_2869 : memref<1x1x128x32xf32, #tpu.memory_space<vmem>> -> memref<128x32xf32, #tpu.memory_space<vmem>>
        %dma_start3A_2871 = arith.constant 0 : i32
        %dma_start3A_2872 = tpu.memref_slice %arg9[%dma_start3A_2863, %dma_start3A_2864, %dma_start3A_2871] : memref<2x4x128xi32, #tpu.memory_space<vmem>> -> memref<1x1x128xi32, #tpu.memory_space<vmem>>
        %dma_start3A_2873 = tpu.memref_squeeze %dma_start3A_2872 : memref<1x1x128xi32, #tpu.memory_space<vmem>> -> memref<128xi32, #tpu.memory_space<vmem>>
        %dma_start3A_2874 = arith.constant 0 : i32
        %dma_start3A_2875 = arith.constant 0 : i32
        %dma_start3A_2876 = tpu.memref_slice %arg5[%dma_start3A_2862, %dma_start3A_2874, %dma_start3A_2875] : memref<4x512x32xf32, #tpu.memory_space<hbm>> -> memref<1x512x32xf32, #tpu.memory_space<hbm>>
        %dma_start3A_2877 = tpu.memref_squeeze %dma_start3A_2876 : memref<1x512x32xf32, #tpu.memory_space<hbm>> -> memref<512x32xf32, #tpu.memory_space<hbm>>
        %dma_start3A_2878 = arith.constant 0 : i32
        %dma_start3A_2879 = arith.constant 0 : i32
        %dma_start3A_2880 = tpu.memref_slice %dma_start3A_2877[%dma_start3A_2878, %dma_start3A_2879] : memref<512x32xf32, #tpu.memory_space<hbm>> -> memref<512x32xf32, #tpu.memory_space<hbm>>
        tpu.enqueue_indirect_dma source(%dma_start3A_2880 : memref<512x32xf32, #tpu.memory_space<hbm>>) target(%dma_start3A_2870 : memref<128x32xf32, #tpu.memory_space<vmem>>) offsets(%dma_start3A_2873 : memref<128xi32, #tpu.memory_space<vmem>>) semaphore(%arg16 : memref<!tpu.dma_semaphore, #tpu.memory_space<semaphore_mem>>)
      } else {
      }
      %gt3A_2151 = arith.constant 0 : i32
      %gt3A_2152 = arith.cmpi sgt, %scan3A_1143, %gt3A_2151 : i32
      %convert_element_type3A_2153 = arith.extui %gt3A_2152 : i1 to i32
      %cond3A_2154 = arith.constant 0 : i32
      %cond3A_2155 = arith.cmpi ne, %convert_element_type3A_2153, %cond3A_2154 : i32
      scf.if %cond3A_2155 {
        %sub3A_2351 = arith.constant 2 : i32
        %sub3A_2352 = arith.subi %add3A_2012, %sub3A_2351 : i32
        %jit3A_2353 = arith.constant 8 : i32
        %div3A_2354 = arith.divsi %sub3A_2352, %jit3A_2353 : i32
        %sign3A_2355 = arith.constant 0 : i32
        %sign3A_2356 = arith.cmpi sgt, %sub3A_2352, %sign3A_2355 : i32
        %sign3A_2357 = arith.extui %sign3A_2356 : i1 to i32
        %sign3A_2358 = arith.constant 0 : i32
        %sign3A_2359 = arith.cmpi slt, %sub3A_2352, %sign3A_2358 : i32
        %sign3A_2360 = arith.extui %sign3A_2359 : i1 to i32
        %sign3A_2361 = arith.subi %sign3A_2357, %sign3A_2360 : i32
        %sign3A_2362 = arith.constant 0 : i32
        %sign3A_2363 = arith.cmpi sgt, %jit3A_2353, %sign3A_2362 : i32
        %sign3A_2364 = arith.extui %sign3A_2363 : i1 to i32
        %sign3A_2365 = arith.constant 0 : i32
        %sign3A_2366 = arith.cmpi slt, %jit3A_2353, %sign3A_2365 : i32
        %sign3A_2367 = arith.extui %sign3A_2366 : i1 to i32
        %sign3A_2368 = arith.subi %sign3A_2364, %sign3A_2367 : i32
        %ne3A_2369 = arith.cmpi ne, %sign3A_2361, %sign3A_2368 : i32
        %rem3A_2370 = arith.remsi %sub3A_2352, %jit3A_2353 : i32
        %ne3A_2371 = arith.constant 0 : i32
        %ne3A_2372 = arith.cmpi ne, %rem3A_2370, %ne3A_2371 : i32
        %and3A_2373 = arith.andi %ne3A_2369, %ne3A_2372 : i1
        %sub3A_2374 = arith.constant 1 : i32
        %sub3A_2375 = arith.subi %div3A_2354, %sub3A_2374 : i32
        %select_n3A_2376 = arith.select %and3A_2373, %sub3A_2375, %div3A_2354 : i32
        %jit3A_2377 = arith.constant 8 : i32
        %eq3A_2378 = arith.constant 0 : i32
        %eq3A_2379 = arith.cmpi eq, %jit3A_2377, %eq3A_2378 : i32
        %jit3A_2380 = arith.constant 1 : i32
        %select_n3A_2381 = arith.select %eq3A_2379, %jit3A_2380, %jit3A_2377 : i32
        %rem3A_2382 = arith.remsi %sub3A_2352, %select_n3A_2381 : i32
        %ne3A_2383 = arith.constant 0 : i32
        %ne3A_2384 = arith.cmpi ne, %rem3A_2382, %ne3A_2383 : i32
        %lt3A_2385 = arith.constant 0 : i32
        %lt3A_2386 = arith.cmpi slt, %rem3A_2382, %lt3A_2385 : i32
        %lt3A_2387 = arith.constant 0 : i32
        %lt3A_2388 = arith.cmpi slt, %select_n3A_2381, %lt3A_2387 : i32
        %ne3A_2389 = arith.xori %lt3A_2386, %lt3A_2388 : i1
        %and3A_2390 = arith.andi %ne3A_2389, %ne3A_2384 : i1
        %add3A_2391 = arith.addi %rem3A_2382, %select_n3A_2381 : i32
        %select_n3A_2392 = arith.select %and3A_2390, %add3A_2391, %rem3A_2382 : i32
        %dma_wait3A_2393 = arith.constant 1 : i32
        %dma_wait3A_2394 = arith.constant 0 : i32
        %dma_wait3A_2395 = arith.constant 0 : i32
        %dma_wait3A_2396 = arith.constant 0 : i32
        %dma_wait3A_2397 = arith.constant 0 : i32
        %dma_wait3A_2398 = tpu.memref_slice %arg12[%dma_wait3A_2393, %dma_wait3A_2394, %dma_wait3A_2396, %dma_wait3A_2397] : memref<2x8x8x129xf32, #tpu.memory_space<vmem>> -> memref<1x1x8x128xf32, #tpu.memory_space<vmem>>
        %dma_wait3A_2399 = tpu.memref_squeeze %dma_wait3A_2398 : memref<1x1x8x128xf32, #tpu.memory_space<vmem>> -> memref<8x128xf32, #tpu.memory_space<vmem>>
        %dma_wait3A_2400 = arith.constant 0 : i32
        %dma_wait3A_2401 = arith.constant 0 : i32
        %dma_wait3A_2402 = tpu.memref_slice %arg7[%select_n3A_2376, %dma_wait3A_2395, %select_n3A_2392, %dma_wait3A_2400, %dma_wait3A_2401] : memref<200x8x8x8x128xf32, #tpu.memory_space<hbm>> -> memref<1x1x1x8x128xf32, #tpu.memory_space<hbm>>
        %dma_wait3A_2403 = tpu.memref_squeeze %dma_wait3A_2402 : memref<1x1x1x8x128xf32, #tpu.memory_space<hbm>> -> memref<8x128xf32, #tpu.memory_space<hbm>>
        %dma_wait3A_2404 = arith.constant 0 : i32
        %dma_wait3A_2405 = arith.constant 0 : i32
        %dma_wait3A_2406 = tpu.memref_slice %arg7[%select_n3A_2376, %dma_wait3A_2395, %select_n3A_2392, %dma_wait3A_2404, %dma_wait3A_2405] : memref<200x8x8x8x128xf32, #tpu.memory_space<hbm>> -> memref<1x1x1x8x128xf32, #tpu.memory_space<hbm>>
        %dma_wait3A_2407 = tpu.memref_squeeze %dma_wait3A_2406 : memref<1x1x1x8x128xf32, #tpu.memory_space<hbm>> -> memref<8x128xf32, #tpu.memory_space<hbm>>
        %dma_wait3A_2408 = arith.constant 0 : i32
        %dma_wait3A_2409 = arith.constant 0 : i32
        %dma_wait3A_2410 = tpu.memref_slice %arg12[%dma_wait3A_2393, %dma_wait3A_2394, %dma_wait3A_2408, %dma_wait3A_2409] : memref<2x8x8x129xf32, #tpu.memory_space<vmem>> -> memref<1x1x8x128xf32, #tpu.memory_space<vmem>>
        %dma_wait3A_2411 = tpu.memref_squeeze %dma_wait3A_2410 : memref<1x1x8x128xf32, #tpu.memory_space<vmem>> -> memref<8x128xf32, #tpu.memory_space<vmem>>
        tpu.wait_dma2 semaphore(%arg19 : memref<!tpu.dma_semaphore, #tpu.memory_space<semaphore_mem>>) src(%dma_wait3A_2411 : memref<8x128xf32, #tpu.memory_space<vmem>>) dst(%dma_wait3A_2407 : memref<8x128xf32, #tpu.memory_space<hbm>>)
        %dma_wait3A_2412 = arith.constant 1 : i32
        %dma_wait3A_2413 = arith.constant 1 : i32
        %dma_wait3A_2414 = arith.constant 1 : i32
        %dma_wait3A_2415 = arith.constant 0 : i32
        %dma_wait3A_2416 = arith.constant 0 : i32
        %dma_wait3A_2417 = tpu.memref_slice %arg12[%dma_wait3A_2412, %dma_wait3A_2413, %dma_wait3A_2415, %dma_wait3A_2416] : memref<2x8x8x129xf32, #tpu.memory_space<vmem>> -> memref<1x1x8x128xf32, #tpu.memory_space<vmem>>
        %dma_wait3A_2418 = tpu.memref_squeeze %dma_wait3A_2417 : memref<1x1x8x128xf32, #tpu.memory_space<vmem>> -> memref<8x128xf32, #tpu.memory_space<vmem>>
        %dma_wait3A_2419 = arith.constant 0 : i32
        %dma_wait3A_2420 = arith.constant 0 : i32
        %dma_wait3A_2421 = tpu.memref_slice %arg7[%select_n3A_2376, %dma_wait3A_2414, %select_n3A_2392, %dma_wait3A_2419, %dma_wait3A_2420] : memref<200x8x8x8x128xf32, #tpu.memory_space<hbm>> -> memref<1x1x1x8x128xf32, #tpu.memory_space<hbm>>
        %dma_wait3A_2422 = tpu.memref_squeeze %dma_wait3A_2421 : memref<1x1x1x8x128xf32, #tpu.memory_space<hbm>> -> memref<8x128xf32, #tpu.memory_space<hbm>>
        %dma_wait3A_2423 = arith.constant 0 : i32
        %dma_wait3A_2424 = arith.constant 0 : i32
        %dma_wait3A_2425 = tpu.memref_slice %arg7[%select_n3A_2376, %dma_wait3A_2414, %select_n3A_2392, %dma_wait3A_2423, %dma_wait3A_2424] : memref<200x8x8x8x128xf32, #tpu.memory_space<hbm>> -> memref<1x1x1x8x128xf32, #tpu.memory_space<hbm>>
        %dma_wait3A_2426 = tpu.memref_squeeze %dma_wait3A_2425 : memref<1x1x1x8x128xf32, #tpu.memory_space<hbm>> -> memref<8x128xf32, #tpu.memory_space<hbm>>
        %dma_wait3A_2427 = arith.constant 0 : i32
        %dma_wait3A_2428 = arith.constant 0 : i32
        %dma_wait3A_2429 = tpu.memref_slice %arg12[%dma_wait3A_2412, %dma_wait3A_2413, %dma_wait3A_2427, %dma_wait3A_2428] : memref<2x8x8x129xf32, #tpu.memory_space<vmem>> -> memref<1x1x8x128xf32, #tpu.memory_space<vmem>>
        %dma_wait3A_2430 = tpu.memref_squeeze %dma_wait3A_2429 : memref<1x1x8x128xf32, #tpu.memory_space<vmem>> -> memref<8x128xf32, #tpu.memory_space<vmem>>
        tpu.wait_dma2 semaphore(%arg19 : memref<!tpu.dma_semaphore, #tpu.memory_space<semaphore_mem>>) src(%dma_wait3A_2430 : memref<8x128xf32, #tpu.memory_space<vmem>>) dst(%dma_wait3A_2426 : memref<8x128xf32, #tpu.memory_space<hbm>>)
        %dma_wait3A_2431 = arith.constant 1 : i32
        %dma_wait3A_2432 = arith.constant 2 : i32
        %dma_wait3A_2433 = arith.constant 2 : i32
        %dma_wait3A_2434 = arith.constant 0 : i32
        %dma_wait3A_2435 = arith.constant 0 : i32
        %dma_wait3A_2436 = tpu.memref_slice %arg12[%dma_wait3A_2431, %dma_wait3A_2432, %dma_wait3A_2434, %dma_wait3A_2435] : memref<2x8x8x129xf32, #tpu.memory_space<vmem>> -> memref<1x1x8x128xf32, #tpu.memory_space<vmem>>
        %dma_wait3A_2437 = tpu.memref_squeeze %dma_wait3A_2436 : memref<1x1x8x128xf32, #tpu.memory_space<vmem>> -> memref<8x128xf32, #tpu.memory_space<vmem>>
        %dma_wait3A_2438 = arith.constant 0 : i32
        %dma_wait3A_2439 = arith.constant 0 : i32
        %dma_wait3A_2440 = tpu.memref_slice %arg7[%select_n3A_2376, %dma_wait3A_2433, %select_n3A_2392, %dma_wait3A_2438, %dma_wait3A_2439] : memref<200x8x8x8x128xf32, #tpu.memory_space<hbm>> -> memref<1x1x1x8x128xf32, #tpu.memory_space<hbm>>
        %dma_wait3A_2441 = tpu.memref_squeeze %dma_wait3A_2440 : memref<1x1x1x8x128xf32, #tpu.memory_space<hbm>> -> memref<8x128xf32, #tpu.memory_space<hbm>>
        %dma_wait3A_2442 = arith.constant 0 : i32
        %dma_wait3A_2443 = arith.constant 0 : i32
        %dma_wait3A_2444 = tpu.memref_slice %arg7[%select_n3A_2376, %dma_wait3A_2433, %select_n3A_2392, %dma_wait3A_2442, %dma_wait3A_2443] : memref<200x8x8x8x128xf32, #tpu.memory_space<hbm>> -> memref<1x1x1x8x128xf32, #tpu.memory_space<hbm>>
        %dma_wait3A_2445 = tpu.memref_squeeze %dma_wait3A_2444 : memref<1x1x1x8x128xf32, #tpu.memory_space<hbm>> -> memref<8x128xf32, #tpu.memory_space<hbm>>
        %dma_wait3A_2446 = arith.constant 0 : i32
        %dma_wait3A_2447 = arith.constant 0 : i32
        %dma_wait3A_2448 = tpu.memref_slice %arg12[%dma_wait3A_2431, %dma_wait3A_2432, %dma_wait3A_2446, %dma_wait3A_2447] : memref<2x8x8x129xf32, #tpu.memory_space<vmem>> -> memref<1x1x8x128xf32, #tpu.memory_space<vmem>>
        %dma_wait3A_2449 = tpu.memref_squeeze %dma_wait3A_2448 : memref<1x1x8x128xf32, #tpu.memory_space<vmem>> -> memref<8x128xf32, #tpu.memory_space<vmem>>
        tpu.wait_dma2 semaphore(%arg19 : memref<!tpu.dma_semaphore, #tpu.memory_space<semaphore_mem>>) src(%dma_wait3A_2449 : memref<8x128xf32, #tpu.memory_space<vmem>>) dst(%dma_wait3A_2445 : memref<8x128xf32, #tpu.memory_space<hbm>>)
        %dma_wait3A_2450 = arith.constant 1 : i32
        %dma_wait3A_2451 = arith.constant 3 : i32
        %dma_wait3A_2452 = arith.constant 3 : i32
        %dma_wait3A_2453 = arith.constant 0 : i32
        %dma_wait3A_2454 = arith.constant 0 : i32
        %dma_wait3A_2455 = tpu.memref_slice %arg12[%dma_wait3A_2450, %dma_wait3A_2451, %dma_wait3A_2453, %dma_wait3A_2454] : memref<2x8x8x129xf32, #tpu.memory_space<vmem>> -> memref<1x1x8x128xf32, #tpu.memory_space<vmem>>
        %dma_wait3A_2456 = tpu.memref_squeeze %dma_wait3A_2455 : memref<1x1x8x128xf32, #tpu.memory_space<vmem>> -> memref<8x128xf32, #tpu.memory_space<vmem>>
        %dma_wait3A_2457 = arith.constant 0 : i32
        %dma_wait3A_2458 = arith.constant 0 : i32
        %dma_wait3A_2459 = tpu.memref_slice %arg7[%select_n3A_2376, %dma_wait3A_2452, %select_n3A_2392, %dma_wait3A_2457, %dma_wait3A_2458] : memref<200x8x8x8x128xf32, #tpu.memory_space<hbm>> -> memref<1x1x1x8x128xf32, #tpu.memory_space<hbm>>
        %dma_wait3A_2460 = tpu.memref_squeeze %dma_wait3A_2459 : memref<1x1x1x8x128xf32, #tpu.memory_space<hbm>> -> memref<8x128xf32, #tpu.memory_space<hbm>>
        %dma_wait3A_2461 = arith.constant 0 : i32
        %dma_wait3A_2462 = arith.constant 0 : i32
        %dma_wait3A_2463 = tpu.memref_slice %arg7[%select_n3A_2376, %dma_wait3A_2452, %select_n3A_2392, %dma_wait3A_2461, %dma_wait3A_2462] : memref<200x8x8x8x128xf32, #tpu.memory_space<hbm>> -> memref<1x1x1x8x128xf32, #tpu.memory_space<hbm>>
        %dma_wait3A_2464 = tpu.memref_squeeze %dma_wait3A_2463 : memref<1x1x1x8x128xf32, #tpu.memory_space<hbm>> -> memref<8x128xf32, #tpu.memory_space<hbm>>
        %dma_wait3A_2465 = arith.constant 0 : i32
        %dma_wait3A_2466 = arith.constant 0 : i32
        %dma_wait3A_2467 = tpu.memref_slice %arg12[%dma_wait3A_2450, %dma_wait3A_2451, %dma_wait3A_2465, %dma_wait3A_2466] : memref<2x8x8x129xf32, #tpu.memory_space<vmem>> -> memref<1x1x8x128xf32, #tpu.memory_space<vmem>>
        %dma_wait3A_2468 = tpu.memref_squeeze %dma_wait3A_2467 : memref<1x1x8x128xf32, #tpu.memory_space<vmem>> -> memref<8x128xf32, #tpu.memory_space<vmem>>
        tpu.wait_dma2 semaphore(%arg19 : memref<!tpu.dma_semaphore, #tpu.memory_space<semaphore_mem>>) src(%dma_wait3A_2468 : memref<8x128xf32, #tpu.memory_space<vmem>>) dst(%dma_wait3A_2464 : memref<8x128xf32, #tpu.memory_space<hbm>>)
        %dma_wait3A_2469 = arith.constant 1 : i32
        %dma_wait3A_2470 = arith.constant 4 : i32
        %dma_wait3A_2471 = arith.constant 4 : i32
        %dma_wait3A_2472 = arith.constant 0 : i32
        %dma_wait3A_2473 = arith.constant 0 : i32
        %dma_wait3A_2474 = tpu.memref_slice %arg12[%dma_wait3A_2469, %dma_wait3A_2470, %dma_wait3A_2472, %dma_wait3A_2473] : memref<2x8x8x129xf32, #tpu.memory_space<vmem>> -> memref<1x1x8x128xf32, #tpu.memory_space<vmem>>
        %dma_wait3A_2475 = tpu.memref_squeeze %dma_wait3A_2474 : memref<1x1x8x128xf32, #tpu.memory_space<vmem>> -> memref<8x128xf32, #tpu.memory_space<vmem>>
        %dma_wait3A_2476 = arith.constant 0 : i32
        %dma_wait3A_2477 = arith.constant 0 : i32
        %dma_wait3A_2478 = tpu.memref_slice %arg7[%select_n3A_2376, %dma_wait3A_2471, %select_n3A_2392, %dma_wait3A_2476, %dma_wait3A_2477] : memref<200x8x8x8x128xf32, #tpu.memory_space<hbm>> -> memref<1x1x1x8x128xf32, #tpu.memory_space<hbm>>
        %dma_wait3A_2479 = tpu.memref_squeeze %dma_wait3A_2478 : memref<1x1x1x8x128xf32, #tpu.memory_space<hbm>> -> memref<8x128xf32, #tpu.memory_space<hbm>>
        %dma_wait3A_2480 = arith.constant 0 : i32
        %dma_wait3A_2481 = arith.constant 0 : i32
        %dma_wait3A_2482 = tpu.memref_slice %arg7[%select_n3A_2376, %dma_wait3A_2471, %select_n3A_2392, %dma_wait3A_2480, %dma_wait3A_2481] : memref<200x8x8x8x128xf32, #tpu.memory_space<hbm>> -> memref<1x1x1x8x128xf32, #tpu.memory_space<hbm>>
        %dma_wait3A_2483 = tpu.memref_squeeze %dma_wait3A_2482 : memref<1x1x1x8x128xf32, #tpu.memory_space<hbm>> -> memref<8x128xf32, #tpu.memory_space<hbm>>
        %dma_wait3A_2484 = arith.constant 0 : i32
        %dma_wait3A_2485 = arith.constant 0 : i32
        %dma_wait3A_2486 = tpu.memref_slice %arg12[%dma_wait3A_2469, %dma_wait3A_2470, %dma_wait3A_2484, %dma_wait3A_2485] : memref<2x8x8x129xf32, #tpu.memory_space<vmem>> -> memref<1x1x8x128xf32, #tpu.memory_space<vmem>>
        %dma_wait3A_2487 = tpu.memref_squeeze %dma_wait3A_2486 : memref<1x1x8x128xf32, #tpu.memory_space<vmem>> -> memref<8x128xf32, #tpu.memory_space<vmem>>
        tpu.wait_dma2 semaphore(%arg19 : memref<!tpu.dma_semaphore, #tpu.memory_space<semaphore_mem>>) src(%dma_wait3A_2487 : memref<8x128xf32, #tpu.memory_space<vmem>>) dst(%dma_wait3A_2483 : memref<8x128xf32, #tpu.memory_space<hbm>>)
        %dma_wait3A_2488 = arith.constant 1 : i32
        %dma_wait3A_2489 = arith.constant 5 : i32
        %dma_wait3A_2490 = arith.constant 5 : i32
        %dma_wait3A_2491 = arith.constant 0 : i32
        %dma_wait3A_2492 = arith.constant 0 : i32
        %dma_wait3A_2493 = tpu.memref_slice %arg12[%dma_wait3A_2488, %dma_wait3A_2489, %dma_wait3A_2491, %dma_wait3A_2492] : memref<2x8x8x129xf32, #tpu.memory_space<vmem>> -> memref<1x1x8x128xf32, #tpu.memory_space<vmem>>
        %dma_wait3A_2494 = tpu.memref_squeeze %dma_wait3A_2493 : memref<1x1x8x128xf32, #tpu.memory_space<vmem>> -> memref<8x128xf32, #tpu.memory_space<vmem>>
        %dma_wait3A_2495 = arith.constant 0 : i32
        %dma_wait3A_2496 = arith.constant 0 : i32
        %dma_wait3A_2497 = tpu.memref_slice %arg7[%select_n3A_2376, %dma_wait3A_2490, %select_n3A_2392, %dma_wait3A_2495, %dma_wait3A_2496] : memref<200x8x8x8x128xf32, #tpu.memory_space<hbm>> -> memref<1x1x1x8x128xf32, #tpu.memory_space<hbm>>
        %dma_wait3A_2498 = tpu.memref_squeeze %dma_wait3A_2497 : memref<1x1x1x8x128xf32, #tpu.memory_space<hbm>> -> memref<8x128xf32, #tpu.memory_space<hbm>>
        %dma_wait3A_2499 = arith.constant 0 : i32
        %dma_wait3A_2500 = arith.constant 0 : i32
        %dma_wait3A_2501 = tpu.memref_slice %arg7[%select_n3A_2376, %dma_wait3A_2490, %select_n3A_2392, %dma_wait3A_2499, %dma_wait3A_2500] : memref<200x8x8x8x128xf32, #tpu.memory_space<hbm>> -> memref<1x1x1x8x128xf32, #tpu.memory_space<hbm>>
        %dma_wait3A_2502 = tpu.memref_squeeze %dma_wait3A_2501 : memref<1x1x1x8x128xf32, #tpu.memory_space<hbm>> -> memref<8x128xf32, #tpu.memory_space<hbm>>
        %dma_wait3A_2503 = arith.constant 0 : i32
        %dma_wait3A_2504 = arith.constant 0 : i32
        %dma_wait3A_2505 = tpu.memref_slice %arg12[%dma_wait3A_2488, %dma_wait3A_2489, %dma_wait3A_2503, %dma_wait3A_2504] : memref<2x8x8x129xf32, #tpu.memory_space<vmem>> -> memref<1x1x8x128xf32, #tpu.memory_space<vmem>>
        %dma_wait3A_2506 = tpu.memref_squeeze %dma_wait3A_2505 : memref<1x1x8x128xf32, #tpu.memory_space<vmem>> -> memref<8x128xf32, #tpu.memory_space<vmem>>
        tpu.wait_dma2 semaphore(%arg19 : memref<!tpu.dma_semaphore, #tpu.memory_space<semaphore_mem>>) src(%dma_wait3A_2506 : memref<8x128xf32, #tpu.memory_space<vmem>>) dst(%dma_wait3A_2502 : memref<8x128xf32, #tpu.memory_space<hbm>>)
        %dma_wait3A_2507 = arith.constant 1 : i32
        %dma_wait3A_2508 = arith.constant 6 : i32
        %dma_wait3A_2509 = arith.constant 6 : i32
        %dma_wait3A_2510 = arith.constant 0 : i32
        %dma_wait3A_2511 = arith.constant 0 : i32
        %dma_wait3A_2512 = tpu.memref_slice %arg12[%dma_wait3A_2507, %dma_wait3A_2508, %dma_wait3A_2510, %dma_wait3A_2511] : memref<2x8x8x129xf32, #tpu.memory_space<vmem>> -> memref<1x1x8x128xf32, #tpu.memory_space<vmem>>
        %dma_wait3A_2513 = tpu.memref_squeeze %dma_wait3A_2512 : memref<1x1x8x128xf32, #tpu.memory_space<vmem>> -> memref<8x128xf32, #tpu.memory_space<vmem>>
        %dma_wait3A_2514 = arith.constant 0 : i32
        %dma_wait3A_2515 = arith.constant 0 : i32
        %dma_wait3A_2516 = tpu.memref_slice %arg7[%select_n3A_2376, %dma_wait3A_2509, %select_n3A_2392, %dma_wait3A_2514, %dma_wait3A_2515] : memref<200x8x8x8x128xf32, #tpu.memory_space<hbm>> -> memref<1x1x1x8x128xf32, #tpu.memory_space<hbm>>
        %dma_wait3A_2517 = tpu.memref_squeeze %dma_wait3A_2516 : memref<1x1x1x8x128xf32, #tpu.memory_space<hbm>> -> memref<8x128xf32, #tpu.memory_space<hbm>>
        %dma_wait3A_2518 = arith.constant 0 : i32
        %dma_wait3A_2519 = arith.constant 0 : i32
        %dma_wait3A_2520 = tpu.memref_slice %arg7[%select_n3A_2376, %dma_wait3A_2509, %select_n3A_2392, %dma_wait3A_2518, %dma_wait3A_2519] : memref<200x8x8x8x128xf32, #tpu.memory_space<hbm>> -> memref<1x1x1x8x128xf32, #tpu.memory_space<hbm>>
        %dma_wait3A_2521 = tpu.memref_squeeze %dma_wait3A_2520 : memref<1x1x1x8x128xf32, #tpu.memory_space<hbm>> -> memref<8x128xf32, #tpu.memory_space<hbm>>
        %dma_wait3A_2522 = arith.constant 0 : i32
        %dma_wait3A_2523 = arith.constant 0 : i32
        %dma_wait3A_2524 = tpu.memref_slice %arg12[%dma_wait3A_2507, %dma_wait3A_2508, %dma_wait3A_2522, %dma_wait3A_2523] : memref<2x8x8x129xf32, #tpu.memory_space<vmem>> -> memref<1x1x8x128xf32, #tpu.memory_space<vmem>>
        %dma_wait3A_2525 = tpu.memref_squeeze %dma_wait3A_2524 : memref<1x1x8x128xf32, #tpu.memory_space<vmem>> -> memref<8x128xf32, #tpu.memory_space<vmem>>
        tpu.wait_dma2 semaphore(%arg19 : memref<!tpu.dma_semaphore, #tpu.memory_space<semaphore_mem>>) src(%dma_wait3A_2525 : memref<8x128xf32, #tpu.memory_space<vmem>>) dst(%dma_wait3A_2521 : memref<8x128xf32, #tpu.memory_space<hbm>>)
        %dma_wait3A_2526 = arith.constant 1 : i32
        %dma_wait3A_2527 = arith.constant 7 : i32
        %dma_wait3A_2528 = arith.constant 7 : i32
        %dma_wait3A_2529 = arith.constant 0 : i32
        %dma_wait3A_2530 = arith.constant 0 : i32
        %dma_wait3A_2531 = tpu.memref_slice %arg12[%dma_wait3A_2526, %dma_wait3A_2527, %dma_wait3A_2529, %dma_wait3A_2530] : memref<2x8x8x129xf32, #tpu.memory_space<vmem>> -> memref<1x1x8x128xf32, #tpu.memory_space<vmem>>
        %dma_wait3A_2532 = tpu.memref_squeeze %dma_wait3A_2531 : memref<1x1x8x128xf32, #tpu.memory_space<vmem>> -> memref<8x128xf32, #tpu.memory_space<vmem>>
        %dma_wait3A_2533 = arith.constant 0 : i32
        %dma_wait3A_2534 = arith.constant 0 : i32
        %dma_wait3A_2535 = tpu.memref_slice %arg7[%select_n3A_2376, %dma_wait3A_2528, %select_n3A_2392, %dma_wait3A_2533, %dma_wait3A_2534] : memref<200x8x8x8x128xf32, #tpu.memory_space<hbm>> -> memref<1x1x1x8x128xf32, #tpu.memory_space<hbm>>
        %dma_wait3A_2536 = tpu.memref_squeeze %dma_wait3A_2535 : memref<1x1x1x8x128xf32, #tpu.memory_space<hbm>> -> memref<8x128xf32, #tpu.memory_space<hbm>>
        %dma_wait3A_2537 = arith.constant 0 : i32
        %dma_wait3A_2538 = arith.constant 0 : i32
        %dma_wait3A_2539 = tpu.memref_slice %arg7[%select_n3A_2376, %dma_wait3A_2528, %select_n3A_2392, %dma_wait3A_2537, %dma_wait3A_2538] : memref<200x8x8x8x128xf32, #tpu.memory_space<hbm>> -> memref<1x1x1x8x128xf32, #tpu.memory_space<hbm>>
        %dma_wait3A_2540 = tpu.memref_squeeze %dma_wait3A_2539 : memref<1x1x1x8x128xf32, #tpu.memory_space<hbm>> -> memref<8x128xf32, #tpu.memory_space<hbm>>
        %dma_wait3A_2541 = arith.constant 0 : i32
        %dma_wait3A_2542 = arith.constant 0 : i32
        %dma_wait3A_2543 = tpu.memref_slice %arg12[%dma_wait3A_2526, %dma_wait3A_2527, %dma_wait3A_2541, %dma_wait3A_2542] : memref<2x8x8x129xf32, #tpu.memory_space<vmem>> -> memref<1x1x8x128xf32, #tpu.memory_space<vmem>>
        %dma_wait3A_2544 = tpu.memref_squeeze %dma_wait3A_2543 : memref<1x1x8x128xf32, #tpu.memory_space<vmem>> -> memref<8x128xf32, #tpu.memory_space<vmem>>
        tpu.wait_dma2 semaphore(%arg19 : memref<!tpu.dma_semaphore, #tpu.memory_space<semaphore_mem>>) src(%dma_wait3A_2544 : memref<8x128xf32, #tpu.memory_space<vmem>>) dst(%dma_wait3A_2540 : memref<8x128xf32, #tpu.memory_space<hbm>>)
      } else {
      }
      %parallel_loop3A_2156 = arith.constant 0 : i32
      %parallel_loop3A_2157 = arith.constant 128 : i32
      %parallel_loop3A_2158 = arith.constant 1 : i32
      scf.for %parallel_loop3A_2351 = %parallel_loop3A_2156 to %parallel_loop3A_2157 step %parallel_loop3A_2158  : i32 {
        %parallel_loop3A_2352 = vector.broadcast %parallel_loop3A_2351 : i32 to vector<16xi32>
        %parallel_loop3A_2353 = arith.constant 1 : i32
        %parallel_loop3A_2354 = arith.constant 0 : i32
        %parallel_loop3A_2355 = arith.index_cast %parallel_loop3A_2353 : i32 to index
        %parallel_loop3A_2356 = arith.index_cast %parallel_loop3A_2354 : i32 to index
        %parallel_loop3A_2357 = arith.index_cast %parallel_loop3A_2351 : i32 to index
        %parallel_loop3A_2358 = arith.constant 0 : index
        %parallel_loop3A_2359 = tpu.vector_load %arg10[%parallel_loop3A_2355, %parallel_loop3A_2356, %parallel_loop3A_2357, %parallel_loop3A_2358] {strides = array<i32>} : memref<2x4x128x32xf32, #tpu.memory_space<vmem>>, vector<16xf32>,
        %parallel_loop3A_2360 = arith.mulf %get3A_5, %parallel_loop3A_2359 : vector<16xf32>
        %parallel_loop3A_2361 = arith.constant 1 : i32
        %parallel_loop3A_2362 = arith.constant 1 : i32
        %parallel_loop3A_2363 = arith.index_cast %parallel_loop3A_2361 : i32 to index
        %parallel_loop3A_2364 = arith.index_cast %parallel_loop3A_2362 : i32 to index
        %parallel_loop3A_2365 = arith.index_cast %parallel_loop3A_2351 : i32 to index
        %parallel_loop3A_2366 = arith.constant 0 : index
        %parallel_loop3A_2367 = tpu.vector_load %arg10[%parallel_loop3A_2363, %parallel_loop3A_2364, %parallel_loop3A_2365, %parallel_loop3A_2366] {strides = array<i32>} : memref<2x4x128x32xf32, #tpu.memory_space<vmem>>, vector<16xf32>,
        %parallel_loop3A_2368 = arith.mulf %get3A_9, %parallel_loop3A_2367 : vector<16xf32>
        %parallel_loop3A_2369 = arith.addf %parallel_loop3A_2360, %parallel_loop3A_2368 : vector<16xf32>
        %parallel_loop3A_2370 = arith.constant 1 : i32
        %parallel_loop3A_2371 = arith.constant 2 : i32
        %parallel_loop3A_2372 = arith.index_cast %parallel_loop3A_2370 : i32 to index
        %parallel_loop3A_2373 = arith.index_cast %parallel_loop3A_2371 : i32 to index
        %parallel_loop3A_2374 = arith.index_cast %parallel_loop3A_2351 : i32 to index
        %parallel_loop3A_2375 = arith.constant 0 : index
        %parallel_loop3A_2376 = tpu.vector_load %arg10[%parallel_loop3A_2372, %parallel_loop3A_2373, %parallel_loop3A_2374, %parallel_loop3A_2375] {strides = array<i32>} : memref<2x4x128x32xf32, #tpu.memory_space<vmem>>, vector<16xf32>,
        %parallel_loop3A_2377 = arith.mulf %get3A_13, %parallel_loop3A_2376 : vector<16xf32>
        %parallel_loop3A_2378 = arith.addf %parallel_loop3A_2369, %parallel_loop3A_2377 : vector<16xf32>
        %parallel_loop3A_2379 = arith.constant 1 : i32
        %parallel_loop3A_2380 = arith.constant 3 : i32
        %parallel_loop3A_2381 = arith.index_cast %parallel_loop3A_2379 : i32 to index
        %parallel_loop3A_2382 = arith.index_cast %parallel_loop3A_2380 : i32 to index
        %parallel_loop3A_2383 = arith.index_cast %parallel_loop3A_2351 : i32 to index
        %parallel_loop3A_2384 = arith.constant 0 : index
        %parallel_loop3A_2385 = tpu.vector_load %arg10[%parallel_loop3A_2381, %parallel_loop3A_2382, %parallel_loop3A_2383, %parallel_loop3A_2384] {strides = array<i32>} : memref<2x4x128x32xf32, #tpu.memory_space<vmem>>, vector<16xf32>,
        %parallel_loop3A_2386 = arith.mulf %get3A_17, %parallel_loop3A_2385 : vector<16xf32>
        %parallel_loop3A_2387 = arith.addf %parallel_loop3A_2378, %parallel_loop3A_2386 : vector<16xf32>
        %parallel_loop3A_2388 = arith.constant 1 : i32
        %parallel_loop3A_2389 = arith.constant 0 : i32
        %parallel_loop3A_2390 = arith.index_cast %parallel_loop3A_2388 : i32 to index
        %parallel_loop3A_2391 = arith.index_cast %parallel_loop3A_2389 : i32 to index
        %parallel_loop3A_2392 = arith.index_cast %parallel_loop3A_2351 : i32 to index
        %parallel_loop3A_2393 = arith.constant 16 : index
        %parallel_loop3A_2394 = tpu.vector_load %arg10[%parallel_loop3A_2390, %parallel_loop3A_2391, %parallel_loop3A_2392, %parallel_loop3A_2393] {strides = array<i32>} : memref<2x4x128x32xf32, #tpu.memory_space<vmem>>, vector<16xf32>,
        %parallel_loop3A_2395 = arith.mulf %get3A_5, %parallel_loop3A_2394 : vector<16xf32>
        %parallel_loop3A_2396 = arith.constant 1 : i32
        %parallel_loop3A_2397 = arith.constant 1 : i32
        %parallel_loop3A_2398 = arith.index_cast %parallel_loop3A_2396 : i32 to index
        %parallel_loop3A_2399 = arith.index_cast %parallel_loop3A_2397 : i32 to index
        %parallel_loop3A_2400 = arith.index_cast %parallel_loop3A_2351 : i32 to index
        %parallel_loop3A_2401 = arith.constant 16 : index
        %parallel_loop3A_2402 = tpu.vector_load %arg10[%parallel_loop3A_2398, %parallel_loop3A_2399, %parallel_loop3A_2400, %parallel_loop3A_2401] {strides = array<i32>} : memref<2x4x128x32xf32, #tpu.memory_space<vmem>>, vector<16xf32>,
        %parallel_loop3A_2403 = arith.mulf %get3A_9, %parallel_loop3A_2402 : vector<16xf32>
        %parallel_loop3A_2404 = arith.addf %parallel_loop3A_2395, %parallel_loop3A_2403 : vector<16xf32>
        %parallel_loop3A_2405 = arith.constant 1 : i32
        %parallel_loop3A_2406 = arith.constant 2 : i32
        %parallel_loop3A_2407 = arith.index_cast %parallel_loop3A_2405 : i32 to index
        %parallel_loop3A_2408 = arith.index_cast %parallel_loop3A_2406 : i32 to index
        %parallel_loop3A_2409 = arith.index_cast %parallel_loop3A_2351 : i32 to index
        %parallel_loop3A_2410 = arith.constant 16 : index
        %parallel_loop3A_2411 = tpu.vector_load %arg10[%parallel_loop3A_2407, %parallel_loop3A_2408, %parallel_loop3A_2409, %parallel_loop3A_2410] {strides = array<i32>} : memref<2x4x128x32xf32, #tpu.memory_space<vmem>>, vector<16xf32>,
        %parallel_loop3A_2412 = arith.mulf %get3A_13, %parallel_loop3A_2411 : vector<16xf32>
        %parallel_loop3A_2413 = arith.addf %parallel_loop3A_2404, %parallel_loop3A_2412 : vector<16xf32>
        %parallel_loop3A_2414 = arith.constant 1 : i32
        %parallel_loop3A_2415 = arith.constant 3 : i32
        %parallel_loop3A_2416 = arith.index_cast %parallel_loop3A_2414 : i32 to index
        %parallel_loop3A_2417 = arith.index_cast %parallel_loop3A_2415 : i32 to index
        %parallel_loop3A_2418 = arith.index_cast %parallel_loop3A_2351 : i32 to index
        %parallel_loop3A_2419 = arith.constant 16 : index
        %parallel_loop3A_2420 = tpu.vector_load %arg10[%parallel_loop3A_2416, %parallel_loop3A_2417, %parallel_loop3A_2418, %parallel_loop3A_2419] {strides = array<i32>} : memref<2x4x128x32xf32, #tpu.memory_space<vmem>>, vector<16xf32>,
        %parallel_loop3A_2421 = arith.mulf %get3A_17, %parallel_loop3A_2420 : vector<16xf32>
        %parallel_loop3A_2422 = arith.addf %parallel_loop3A_2413, %parallel_loop3A_2421 : vector<16xf32>
        %parallel_loop3A_2423 = arith.constant 1 : i32
        %parallel_loop3A_2424 = arith.constant 0 : i32
        %parallel_loop3A_2425 = arith.index_cast %parallel_loop3A_2423 : i32 to index
        %parallel_loop3A_2426 = arith.index_cast %parallel_loop3A_2424 : i32 to index
        %parallel_loop3A_2427 = arith.index_cast %parallel_loop3A_2351 : i32 to index
        %parallel_loop3A_2428 = arith.constant 0 : index
        %parallel_loop3A_2429 = tpu.vector_load %arg11[%parallel_loop3A_2425, %parallel_loop3A_2426, %parallel_loop3A_2427, %parallel_loop3A_2428] {strides = array<i32>} : memref<2x4x128x32xf32, #tpu.memory_space<vmem>>, vector<16xf32>,
        %parallel_loop3A_2430 = arith.mulf %get3A_21, %parallel_loop3A_2429 : vector<16xf32>
        %parallel_loop3A_2431 = arith.constant 1 : i32
        %parallel_loop3A_2432 = arith.constant 1 : i32
        %parallel_loop3A_2433 = arith.index_cast %parallel_loop3A_2431 : i32 to index
        %parallel_loop3A_2434 = arith.index_cast %parallel_loop3A_2432 : i32 to index
        %parallel_loop3A_2435 = arith.index_cast %parallel_loop3A_2351 : i32 to index
        %parallel_loop3A_2436 = arith.constant 0 : index
        %parallel_loop3A_2437 = tpu.vector_load %arg11[%parallel_loop3A_2433, %parallel_loop3A_2434, %parallel_loop3A_2435, %parallel_loop3A_2436] {strides = array<i32>} : memref<2x4x128x32xf32, #tpu.memory_space<vmem>>, vector<16xf32>,
        %parallel_loop3A_2438 = arith.mulf %get3A_25, %parallel_loop3A_2437 : vector<16xf32>
        %parallel_loop3A_2439 = arith.addf %parallel_loop3A_2430, %parallel_loop3A_2438 : vector<16xf32>
        %parallel_loop3A_2440 = arith.constant 1 : i32
        %parallel_loop3A_2441 = arith.constant 2 : i32
        %parallel_loop3A_2442 = arith.index_cast %parallel_loop3A_2440 : i32 to index
        %parallel_loop3A_2443 = arith.index_cast %parallel_loop3A_2441 : i32 to index
        %parallel_loop3A_2444 = arith.index_cast %parallel_loop3A_2351 : i32 to index
        %parallel_loop3A_2445 = arith.constant 0 : index
        %parallel_loop3A_2446 = tpu.vector_load %arg11[%parallel_loop3A_2442, %parallel_loop3A_2443, %parallel_loop3A_2444, %parallel_loop3A_2445] {strides = array<i32>} : memref<2x4x128x32xf32, #tpu.memory_space<vmem>>, vector<16xf32>,
        %parallel_loop3A_2447 = arith.mulf %get3A_29, %parallel_loop3A_2446 : vector<16xf32>
        %parallel_loop3A_2448 = arith.addf %parallel_loop3A_2439, %parallel_loop3A_2447 : vector<16xf32>
        %parallel_loop3A_2449 = arith.constant 1 : i32
        %parallel_loop3A_2450 = arith.constant 3 : i32
        %parallel_loop3A_2451 = arith.index_cast %parallel_loop3A_2449 : i32 to index
        %parallel_loop3A_2452 = arith.index_cast %parallel_loop3A_2450 : i32 to index
        %parallel_loop3A_2453 = arith.index_cast %parallel_loop3A_2351 : i32 to index
        %parallel_loop3A_2454 = arith.constant 0 : index
        %parallel_loop3A_2455 = tpu.vector_load %arg11[%parallel_loop3A_2451, %parallel_loop3A_2452, %parallel_loop3A_2453, %parallel_loop3A_2454] {strides = array<i32>} : memref<2x4x128x32xf32, #tpu.memory_space<vmem>>, vector<16xf32>,
        %parallel_loop3A_2456 = arith.mulf %get3A_33, %parallel_loop3A_2455 : vector<16xf32>
        %parallel_loop3A_2457 = arith.addf %parallel_loop3A_2448, %parallel_loop3A_2456 : vector<16xf32>
        %parallel_loop3A_2458 = arith.constant 1 : i32
        %parallel_loop3A_2459 = arith.constant 0 : i32
        %parallel_loop3A_2460 = arith.index_cast %parallel_loop3A_2458 : i32 to index
        %parallel_loop3A_2461 = arith.index_cast %parallel_loop3A_2459 : i32 to index
        %parallel_loop3A_2462 = arith.index_cast %parallel_loop3A_2351 : i32 to index
        %parallel_loop3A_2463 = arith.constant 16 : index
        %parallel_loop3A_2464 = tpu.vector_load %arg11[%parallel_loop3A_2460, %parallel_loop3A_2461, %parallel_loop3A_2462, %parallel_loop3A_2463] {strides = array<i32>} : memref<2x4x128x32xf32, #tpu.memory_space<vmem>>, vector<16xf32>,
        %parallel_loop3A_2465 = arith.mulf %get3A_21, %parallel_loop3A_2464 : vector<16xf32>
        %parallel_loop3A_2466 = arith.constant 1 : i32
        %parallel_loop3A_2467 = arith.constant 1 : i32
        %parallel_loop3A_2468 = arith.index_cast %parallel_loop3A_2466 : i32 to index
        %parallel_loop3A_2469 = arith.index_cast %parallel_loop3A_2467 : i32 to index
        %parallel_loop3A_2470 = arith.index_cast %parallel_loop3A_2351 : i32 to index
        %parallel_loop3A_2471 = arith.constant 16 : index
        %parallel_loop3A_2472 = tpu.vector_load %arg11[%parallel_loop3A_2468, %parallel_loop3A_2469, %parallel_loop3A_2470, %parallel_loop3A_2471] {strides = array<i32>} : memref<2x4x128x32xf32, #tpu.memory_space<vmem>>, vector<16xf32>,
        %parallel_loop3A_2473 = arith.mulf %get3A_25, %parallel_loop3A_2472 : vector<16xf32>
        %parallel_loop3A_2474 = arith.addf %parallel_loop3A_2465, %parallel_loop3A_2473 : vector<16xf32>
        %parallel_loop3A_2475 = arith.constant 1 : i32
        %parallel_loop3A_2476 = arith.constant 2 : i32
        %parallel_loop3A_2477 = arith.index_cast %parallel_loop3A_2475 : i32 to index
        %parallel_loop3A_2478 = arith.index_cast %parallel_loop3A_2476 : i32 to index
        %parallel_loop3A_2479 = arith.index_cast %parallel_loop3A_2351 : i32 to index
        %parallel_loop3A_2480 = arith.constant 16 : index
        %parallel_loop3A_2481 = tpu.vector_load %arg11[%parallel_loop3A_2477, %parallel_loop3A_2478, %parallel_loop3A_2479, %parallel_loop3A_2480] {strides = array<i32>} : memref<2x4x128x32xf32, #tpu.memory_space<vmem>>, vector<16xf32>,
        %parallel_loop3A_2482 = arith.mulf %get3A_29, %parallel_loop3A_2481 : vector<16xf32>
        %parallel_loop3A_2483 = arith.addf %parallel_loop3A_2474, %parallel_loop3A_2482 : vector<16xf32>
        %parallel_loop3A_2484 = arith.constant 1 : i32
        %parallel_loop3A_2485 = arith.constant 3 : i32
        %parallel_loop3A_2486 = arith.index_cast %parallel_loop3A_2484 : i32 to index
        %parallel_loop3A_2487 = arith.index_cast %parallel_loop3A_2485 : i32 to index
        %parallel_loop3A_2488 = arith.index_cast %parallel_loop3A_2351 : i32 to index
        %parallel_loop3A_2489 = arith.constant 16 : index
        %parallel_loop3A_2490 = tpu.vector_load %arg11[%parallel_loop3A_2486, %parallel_loop3A_2487, %parallel_loop3A_2488, %parallel_loop3A_2489] {strides = array<i32>} : memref<2x4x128x32xf32, #tpu.memory_space<vmem>>, vector<16xf32>,
        %parallel_loop3A_2491 = arith.mulf %get3A_33, %parallel_loop3A_2490 : vector<16xf32>
        %parallel_loop3A_2492 = arith.addf %parallel_loop3A_2483, %parallel_loop3A_2491 : vector<16xf32>
        %parallel_loop3A_2493 = arith.constant 1 : i32
        %parallel_loop3A_2494 = arith.constant 0 : i32
        %parallel_loop3A_2495 = arith.constant 0 : i32
        %parallel_loop3A_2496 = arith.constant 0 : i32
        %parallel_loop3A_2497 = tpu.memref_slice %arg12[%parallel_loop3A_2493, %parallel_loop3A_2494, %parallel_loop3A_2495, %parallel_loop3A_2496] : memref<2x8x8x129xf32, #tpu.memory_space<vmem>> -> memref<1x8x8x129xf32, #tpu.memory_space<vmem>>
        %parallel_loop3A_2498 = tpu.memref_squeeze %parallel_loop3A_2497 : memref<1x8x8x129xf32, #tpu.memory_space<vmem>> -> memref<8x8x129xf32, #tpu.memory_space<vmem>>
        tpu.vector_store_idx %parallel_loop3A_2498[%shift_right_arithmetic3A_38, %and3A_61, %parallel_loop3A_2352], %parallel_loop3A_2387 : memref<8x8x129xf32, #tpu.memory_space<vmem>>[vector<16xi32>, vector<16xi32>, vector<16xi32>], vector<16xf32>,
        %parallel_loop3A_2499 = arith.constant 1 : i32
        %parallel_loop3A_2500 = arith.constant 0 : i32
        %parallel_loop3A_2501 = arith.constant 0 : i32
        %parallel_loop3A_2502 = arith.constant 0 : i32
        %parallel_loop3A_2503 = tpu.memref_slice %arg12[%parallel_loop3A_2499, %parallel_loop3A_2500, %parallel_loop3A_2501, %parallel_loop3A_2502] : memref<2x8x8x129xf32, #tpu.memory_space<vmem>> -> memref<1x8x8x129xf32, #tpu.memory_space<vmem>>
        %parallel_loop3A_2504 = tpu.memref_squeeze %parallel_loop3A_2503 : memref<1x8x8x129xf32, #tpu.memory_space<vmem>> -> memref<8x8x129xf32, #tpu.memory_space<vmem>>
        tpu.vector_store_idx %parallel_loop3A_2504[%shift_right_arithmetic3A_44, %and3A_67, %parallel_loop3A_2352], %parallel_loop3A_2422 : memref<8x8x129xf32, #tpu.memory_space<vmem>>[vector<16xi32>, vector<16xi32>, vector<16xi32>], vector<16xf32>,
        %parallel_loop3A_2505 = arith.constant 1 : i32
        %parallel_loop3A_2506 = arith.constant 0 : i32
        %parallel_loop3A_2507 = arith.constant 0 : i32
        %parallel_loop3A_2508 = arith.constant 0 : i32
        %parallel_loop3A_2509 = tpu.memref_slice %arg12[%parallel_loop3A_2505, %parallel_loop3A_2506, %parallel_loop3A_2507, %parallel_loop3A_2508] : memref<2x8x8x129xf32, #tpu.memory_space<vmem>> -> memref<1x8x8x129xf32, #tpu.memory_space<vmem>>
        %parallel_loop3A_2510 = tpu.memref_squeeze %parallel_loop3A_2509 : memref<1x8x8x129xf32, #tpu.memory_space<vmem>> -> memref<8x8x129xf32, #tpu.memory_space<vmem>>
        tpu.vector_store_idx %parallel_loop3A_2510[%shift_right_arithmetic3A_50, %and3A_73, %parallel_loop3A_2352], %parallel_loop3A_2457 : memref<8x8x129xf32, #tpu.memory_space<vmem>>[vector<16xi32>, vector<16xi32>, vector<16xi32>], vector<16xf32>,
        %parallel_loop3A_2511 = arith.constant 1 : i32
        %parallel_loop3A_2512 = arith.constant 0 : i32
        %parallel_loop3A_2513 = arith.constant 0 : i32
        %parallel_loop3A_2514 = arith.constant 0 : i32
        %parallel_loop3A_2515 = tpu.memref_slice %arg12[%parallel_loop3A_2511, %parallel_loop3A_2512, %parallel_loop3A_2513, %parallel_loop3A_2514] : memref<2x8x8x129xf32, #tpu.memory_space<vmem>> -> memref<1x8x8x129xf32, #tpu.memory_space<vmem>>
        %parallel_loop3A_2516 = tpu.memref_squeeze %parallel_loop3A_2515 : memref<1x8x8x129xf32, #tpu.memory_space<vmem>> -> memref<8x8x129xf32, #tpu.memory_space<vmem>>
        tpu.vector_store_idx %parallel_loop3A_2516[%shift_right_arithmetic3A_56, %and3A_79, %parallel_loop3A_2352], %parallel_loop3A_2492 : memref<8x8x129xf32, #tpu.memory_space<vmem>>[vector<16xi32>, vector<16xi32>, vector<16xi32>], vector<16xf32>,
      } {sc.loop_unroll_factor = 4 : i64, sc.parallel_access}
      %jit3A_2159 = arith.constant 8 : i32
      %div3A_2160 = arith.divsi %add3A_2012, %jit3A_2159 : i32
      %sign3A_2161 = arith.constant 0 : i32
      %sign3A_2162 = arith.cmpi sgt, %add3A_2012, %sign3A_2161 : i32
      %sign3A_2163 = arith.extui %sign3A_2162 : i1 to i32
      %sign3A_2164 = arith.constant 0 : i32
      %sign3A_2165 = arith.cmpi slt, %add3A_2012, %sign3A_2164 : i32
      %sign3A_2166 = arith.extui %sign3A_2165 : i1 to i32
      %sign3A_2167 = arith.subi %sign3A_2163, %sign3A_2166 : i32
      %sign3A_2168 = arith.constant 0 : i32
      %sign3A_2169 = arith.cmpi sgt, %jit3A_2159, %sign3A_2168 : i32
      %sign3A_2170 = arith.extui %sign3A_2169 : i1 to i32
      %sign3A_2171 = arith.constant 0 : i32
      %sign3A_2172 = arith.cmpi slt, %jit3A_2159, %sign3A_2171 : i32
      %sign3A_2173 = arith.extui %sign3A_2172 : i1 to i32
      %sign3A_2174 = arith.subi %sign3A_2170, %sign3A_2173 : i32
      %ne3A_2175 = arith.cmpi ne, %sign3A_2167, %sign3A_2174 : i32
      %rem3A_2176 = arith.remsi %add3A_2012, %jit3A_2159 : i32
      %ne3A_2177 = arith.constant 0 : i32
      %ne3A_2178 = arith.cmpi ne, %rem3A_2176, %ne3A_2177 : i32
      %and3A_2179 = arith.andi %ne3A_2175, %ne3A_2178 : i1
      %sub3A_2180 = arith.constant 1 : i32
      %sub3A_2181 = arith.subi %div3A_2160, %sub3A_2180 : i32
      %select_n3A_2182 = arith.select %and3A_2179, %sub3A_2181, %div3A_2160 : i32
      %jit3A_2183 = arith.constant 8 : i32
      %eq3A_2184 = arith.constant 0 : i32
      %eq3A_2185 = arith.cmpi eq, %jit3A_2183, %eq3A_2184 : i32
      %jit3A_2186 = arith.constant 1 : i32
      %select_n3A_2187 = arith.select %eq3A_2185, %jit3A_2186, %jit3A_2183 : i32
      %rem3A_2188 = arith.remsi %add3A_2012, %select_n3A_2187 : i32
      %ne3A_2189 = arith.constant 0 : i32
      %ne3A_2190 = arith.cmpi ne, %rem3A_2188, %ne3A_2189 : i32
      %lt3A_2191 = arith.constant 0 : i32
      %lt3A_2192 = arith.cmpi slt, %rem3A_2188, %lt3A_2191 : i32
      %lt3A_2193 = arith.constant 0 : i32
      %lt3A_2194 = arith.cmpi slt, %select_n3A_2187, %lt3A_2193 : i32
      %ne3A_2195 = arith.xori %lt3A_2192, %lt3A_2194 : i1
      %and3A_2196 = arith.andi %ne3A_2195, %ne3A_2190 : i1
      %add3A_2197 = arith.addi %rem3A_2188, %select_n3A_2187 : i32
      %select_n3A_2198 = arith.select %and3A_2196, %add3A_2197, %rem3A_2188 : i32
      %dma_start3A_2199 = arith.constant 1 : i32
      %dma_start3A_2200 = arith.constant 0 : i32
      %dma_start3A_2201 = arith.constant 0 : i32
      %dma_start3A_2202 = arith.constant 0 : i32
      %dma_start3A_2203 = arith.constant 0 : i32
      %dma_start3A_2204 = tpu.memref_slice %arg12[%dma_start3A_2199, %dma_start3A_2200, %dma_start3A_2202, %dma_start3A_2203] : memref<2x8x8x129xf32, #tpu.memory_space<vmem>> -> memref<1x1x8x128xf32, #tpu.memory_space<vmem>>
      %dma_start3A_2205 = tpu.memref_squeeze %dma_start3A_2204 : memref<1x1x8x128xf32, #tpu.memory_space<vmem>> -> memref<8x128xf32, #tpu.memory_space<vmem>>
      %dma_start3A_2206 = arith.constant 0 : i32
      %dma_start3A_2207 = arith.constant 0 : i32
      %dma_start3A_2208 = tpu.memref_slice %arg7[%select_n3A_2182, %dma_start3A_2201, %select_n3A_2198, %dma_start3A_2206, %dma_start3A_2207] : memref<200x8x8x8x128xf32, #tpu.memory_space<hbm>> -> memref<1x1x1x8x128xf32, #tpu.memory_space<hbm>>
      %dma_start3A_2209 = tpu.memref_squeeze %dma_start3A_2208 : memref<1x1x1x8x128xf32, #tpu.memory_space<hbm>> -> memref<8x128xf32, #tpu.memory_space<hbm>>
      %dma_start3A_2210 = arith.constant 0 : i32
      %dma_start3A_2211 = arith.constant 0 : i32
      %dma_start3A_2212 = tpu.memref_slice %arg7[%select_n3A_2182, %dma_start3A_2201, %select_n3A_2198, %dma_start3A_2210, %dma_start3A_2211] : memref<200x8x8x8x128xf32, #tpu.memory_space<hbm>> -> memref<1x1x1x8x128xf32, #tpu.memory_space<hbm>>
      %dma_start3A_2213 = tpu.memref_squeeze %dma_start3A_2212 : memref<1x1x1x8x128xf32, #tpu.memory_space<hbm>> -> memref<8x128xf32, #tpu.memory_space<hbm>>
      %dma_start3A_2214 = arith.constant 0 : i32
      %dma_start3A_2215 = arith.constant 0 : i32
      %dma_start3A_2216 = tpu.memref_slice %arg12[%dma_start3A_2199, %dma_start3A_2200, %dma_start3A_2214, %dma_start3A_2215] : memref<2x8x8x129xf32, #tpu.memory_space<vmem>> -> memref<1x1x8x128xf32, #tpu.memory_space<vmem>>
      %dma_start3A_2217 = tpu.memref_squeeze %dma_start3A_2216 : memref<1x1x8x128xf32, #tpu.memory_space<vmem>> -> memref<8x128xf32, #tpu.memory_space<vmem>>
      tpu.enqueue_dma source(%dma_start3A_2217 : memref<8x128xf32, #tpu.memory_space<vmem>>) target(%dma_start3A_2213 : memref<8x128xf32, #tpu.memory_space<hbm>>) target_semaphore(%arg19 : memref<!tpu.dma_semaphore, #tpu.memory_space<semaphore_mem>>)
      %dma_start3A_2218 = arith.constant 1 : i32
      %dma_start3A_2219 = arith.constant 1 : i32
      %dma_start3A_2220 = arith.constant 1 : i32
      %dma_start3A_2221 = arith.constant 0 : i32
      %dma_start3A_2222 = arith.constant 0 : i32
      %dma_start3A_2223 = tpu.memref_slice %arg12[%dma_start3A_2218, %dma_start3A_2219, %dma_start3A_2221, %dma_start3A_2222] : memref<2x8x8x129xf32, #tpu.memory_space<vmem>> -> memref<1x1x8x128xf32, #tpu.memory_space<vmem>>
      %dma_start3A_2224 = tpu.memref_squeeze %dma_start3A_2223 : memref<1x1x8x128xf32, #tpu.memory_space<vmem>> -> memref<8x128xf32, #tpu.memory_space<vmem>>
      %dma_start3A_2225 = arith.constant 0 : i32
      %dma_start3A_2226 = arith.constant 0 : i32
      %dma_start3A_2227 = tpu.memref_slice %arg7[%select_n3A_2182, %dma_start3A_2220, %select_n3A_2198, %dma_start3A_2225, %dma_start3A_2226] : memref<200x8x8x8x128xf32, #tpu.memory_space<hbm>> -> memref<1x1x1x8x128xf32, #tpu.memory_space<hbm>>
      %dma_start3A_2228 = tpu.memref_squeeze %dma_start3A_2227 : memref<1x1x1x8x128xf32, #tpu.memory_space<hbm>> -> memref<8x128xf32, #tpu.memory_space<hbm>>
      %dma_start3A_2229 = arith.constant 0 : i32
      %dma_start3A_2230 = arith.constant 0 : i32
      %dma_start3A_2231 = tpu.memref_slice %arg7[%select_n3A_2182, %dma_start3A_2220, %select_n3A_2198, %dma_start3A_2229, %dma_start3A_2230] : memref<200x8x8x8x128xf32, #tpu.memory_space<hbm>> -> memref<1x1x1x8x128xf32, #tpu.memory_space<hbm>>
      %dma_start3A_2232 = tpu.memref_squeeze %dma_start3A_2231 : memref<1x1x1x8x128xf32, #tpu.memory_space<hbm>> -> memref<8x128xf32, #tpu.memory_space<hbm>>
      %dma_start3A_2233 = arith.constant 0 : i32
      %dma_start3A_2234 = arith.constant 0 : i32
      %dma_start3A_2235 = tpu.memref_slice %arg12[%dma_start3A_2218, %dma_start3A_2219, %dma_start3A_2233, %dma_start3A_2234] : memref<2x8x8x129xf32, #tpu.memory_space<vmem>> -> memref<1x1x8x128xf32, #tpu.memory_space<vmem>>
      %dma_start3A_2236 = tpu.memref_squeeze %dma_start3A_2235 : memref<1x1x8x128xf32, #tpu.memory_space<vmem>> -> memref<8x128xf32, #tpu.memory_space<vmem>>
      tpu.enqueue_dma source(%dma_start3A_2236 : memref<8x128xf32, #tpu.memory_space<vmem>>) target(%dma_start3A_2232 : memref<8x128xf32, #tpu.memory_space<hbm>>) target_semaphore(%arg19 : memref<!tpu.dma_semaphore, #tpu.memory_space<semaphore_mem>>)
      %dma_start3A_2237 = arith.constant 1 : i32
      %dma_start3A_2238 = arith.constant 2 : i32
      %dma_start3A_2239 = arith.constant 2 : i32
      %dma_start3A_2240 = arith.constant 0 : i32
      %dma_start3A_2241 = arith.constant 0 : i32
      %dma_start3A_2242 = tpu.memref_slice %arg12[%dma_start3A_2237, %dma_start3A_2238, %dma_start3A_2240, %dma_start3A_2241] : memref<2x8x8x129xf32, #tpu.memory_space<vmem>> -> memref<1x1x8x128xf32, #tpu.memory_space<vmem>>
      %dma_start3A_2243 = tpu.memref_squeeze %dma_start3A_2242 : memref<1x1x8x128xf32, #tpu.memory_space<vmem>> -> memref<8x128xf32, #tpu.memory_space<vmem>>
      %dma_start3A_2244 = arith.constant 0 : i32
      %dma_start3A_2245 = arith.constant 0 : i32
      %dma_start3A_2246 = tpu.memref_slice %arg7[%select_n3A_2182, %dma_start3A_2239, %select_n3A_2198, %dma_start3A_2244, %dma_start3A_2245] : memref<200x8x8x8x128xf32, #tpu.memory_space<hbm>> -> memref<1x1x1x8x128xf32, #tpu.memory_space<hbm>>
      %dma_start3A_2247 = tpu.memref_squeeze %dma_start3A_2246 : memref<1x1x1x8x128xf32, #tpu.memory_space<hbm>> -> memref<8x128xf32, #tpu.memory_space<hbm>>
      %dma_start3A_2248 = arith.constant 0 : i32
      %dma_start3A_2249 = arith.constant 0 : i32
      %dma_start3A_2250 = tpu.memref_slice %arg7[%select_n3A_2182, %dma_start3A_2239, %select_n3A_2198, %dma_start3A_2248, %dma_start3A_2249] : memref<200x8x8x8x128xf32, #tpu.memory_space<hbm>> -> memref<1x1x1x8x128xf32, #tpu.memory_space<hbm>>
      %dma_start3A_2251 = tpu.memref_squeeze %dma_start3A_2250 : memref<1x1x1x8x128xf32, #tpu.memory_space<hbm>> -> memref<8x128xf32, #tpu.memory_space<hbm>>
      %dma_start3A_2252 = arith.constant 0 : i32
      %dma_start3A_2253 = arith.constant 0 : i32
      %dma_start3A_2254 = tpu.memref_slice %arg12[%dma_start3A_2237, %dma_start3A_2238, %dma_start3A_2252, %dma_start3A_2253] : memref<2x8x8x129xf32, #tpu.memory_space<vmem>> -> memref<1x1x8x128xf32, #tpu.memory_space<vmem>>
      %dma_start3A_2255 = tpu.memref_squeeze %dma_start3A_2254 : memref<1x1x8x128xf32, #tpu.memory_space<vmem>> -> memref<8x128xf32, #tpu.memory_space<vmem>>
      tpu.enqueue_dma source(%dma_start3A_2255 : memref<8x128xf32, #tpu.memory_space<vmem>>) target(%dma_start3A_2251 : memref<8x128xf32, #tpu.memory_space<hbm>>) target_semaphore(%arg19 : memref<!tpu.dma_semaphore, #tpu.memory_space<semaphore_mem>>)
      %dma_start3A_2256 = arith.constant 1 : i32
      %dma_start3A_2257 = arith.constant 3 : i32
      %dma_start3A_2258 = arith.constant 3 : i32
      %dma_start3A_2259 = arith.constant 0 : i32
      %dma_start3A_2260 = arith.constant 0 : i32
      %dma_start3A_2261 = tpu.memref_slice %arg12[%dma_start3A_2256, %dma_start3A_2257, %dma_start3A_2259, %dma_start3A_2260] : memref<2x8x8x129xf32, #tpu.memory_space<vmem>> -> memref<1x1x8x128xf32, #tpu.memory_space<vmem>>
      %dma_start3A_2262 = tpu.memref_squeeze %dma_start3A_2261 : memref<1x1x8x128xf32, #tpu.memory_space<vmem>> -> memref<8x128xf32, #tpu.memory_space<vmem>>
      %dma_start3A_2263 = arith.constant 0 : i32
      %dma_start3A_2264 = arith.constant 0 : i32
      %dma_start3A_2265 = tpu.memref_slice %arg7[%select_n3A_2182, %dma_start3A_2258, %select_n3A_2198, %dma_start3A_2263, %dma_start3A_2264] : memref<200x8x8x8x128xf32, #tpu.memory_space<hbm>> -> memref<1x1x1x8x128xf32, #tpu.memory_space<hbm>>
      %dma_start3A_2266 = tpu.memref_squeeze %dma_start3A_2265 : memref<1x1x1x8x128xf32, #tpu.memory_space<hbm>> -> memref<8x128xf32, #tpu.memory_space<hbm>>
      %dma_start3A_2267 = arith.constant 0 : i32
      %dma_start3A_2268 = arith.constant 0 : i32
      %dma_start3A_2269 = tpu.memref_slice %arg7[%select_n3A_2182, %dma_start3A_2258, %select_n3A_2198, %dma_start3A_2267, %dma_start3A_2268] : memref<200x8x8x8x128xf32, #tpu.memory_space<hbm>> -> memref<1x1x1x8x128xf32, #tpu.memory_space<hbm>>
      %dma_start3A_2270 = tpu.memref_squeeze %dma_start3A_2269 : memref<1x1x1x8x128xf32, #tpu.memory_space<hbm>> -> memref<8x128xf32, #tpu.memory_space<hbm>>
      %dma_start3A_2271 = arith.constant 0 : i32
      %dma_start3A_2272 = arith.constant 0 : i32
      %dma_start3A_2273 = tpu.memref_slice %arg12[%dma_start3A_2256, %dma_start3A_2257, %dma_start3A_2271, %dma_start3A_2272] : memref<2x8x8x129xf32, #tpu.memory_space<vmem>> -> memref<1x1x8x128xf32, #tpu.memory_space<vmem>>
      %dma_start3A_2274 = tpu.memref_squeeze %dma_start3A_2273 : memref<1x1x8x128xf32, #tpu.memory_space<vmem>> -> memref<8x128xf32, #tpu.memory_space<vmem>>
      tpu.enqueue_dma source(%dma_start3A_2274 : memref<8x128xf32, #tpu.memory_space<vmem>>) target(%dma_start3A_2270 : memref<8x128xf32, #tpu.memory_space<hbm>>) target_semaphore(%arg19 : memref<!tpu.dma_semaphore, #tpu.memory_space<semaphore_mem>>)
      %dma_start3A_2275 = arith.constant 1 : i32
      %dma_start3A_2276 = arith.constant 4 : i32
      %dma_start3A_2277 = arith.constant 4 : i32
      %dma_start3A_2278 = arith.constant 0 : i32
      %dma_start3A_2279 = arith.constant 0 : i32
      %dma_start3A_2280 = tpu.memref_slice %arg12[%dma_start3A_2275, %dma_start3A_2276, %dma_start3A_2278, %dma_start3A_2279] : memref<2x8x8x129xf32, #tpu.memory_space<vmem>> -> memref<1x1x8x128xf32, #tpu.memory_space<vmem>>
      %dma_start3A_2281 = tpu.memref_squeeze %dma_start3A_2280 : memref<1x1x8x128xf32, #tpu.memory_space<vmem>> -> memref<8x128xf32, #tpu.memory_space<vmem>>
      %dma_start3A_2282 = arith.constant 0 : i32
      %dma_start3A_2283 = arith.constant 0 : i32
      %dma_start3A_2284 = tpu.memref_slice %arg7[%select_n3A_2182, %dma_start3A_2277, %select_n3A_2198, %dma_start3A_2282, %dma_start3A_2283] : memref<200x8x8x8x128xf32, #tpu.memory_space<hbm>> -> memref<1x1x1x8x128xf32, #tpu.memory_space<hbm>>
      %dma_start3A_2285 = tpu.memref_squeeze %dma_start3A_2284 : memref<1x1x1x8x128xf32, #tpu.memory_space<hbm>> -> memref<8x128xf32, #tpu.memory_space<hbm>>
      %dma_start3A_2286 = arith.constant 0 : i32
      %dma_start3A_2287 = arith.constant 0 : i32
      %dma_start3A_2288 = tpu.memref_slice %arg7[%select_n3A_2182, %dma_start3A_2277, %select_n3A_2198, %dma_start3A_2286, %dma_start3A_2287] : memref<200x8x8x8x128xf32, #tpu.memory_space<hbm>> -> memref<1x1x1x8x128xf32, #tpu.memory_space<hbm>>
      %dma_start3A_2289 = tpu.memref_squeeze %dma_start3A_2288 : memref<1x1x1x8x128xf32, #tpu.memory_space<hbm>> -> memref<8x128xf32, #tpu.memory_space<hbm>>
      %dma_start3A_2290 = arith.constant 0 : i32
      %dma_start3A_2291 = arith.constant 0 : i32
      %dma_start3A_2292 = tpu.memref_slice %arg12[%dma_start3A_2275, %dma_start3A_2276, %dma_start3A_2290, %dma_start3A_2291] : memref<2x8x8x129xf32, #tpu.memory_space<vmem>> -> memref<1x1x8x128xf32, #tpu.memory_space<vmem>>
      %dma_start3A_2293 = tpu.memref_squeeze %dma_start3A_2292 : memref<1x1x8x128xf32, #tpu.memory_space<vmem>> -> memref<8x128xf32, #tpu.memory_space<vmem>>
      tpu.enqueue_dma source(%dma_start3A_2293 : memref<8x128xf32, #tpu.memory_space<vmem>>) target(%dma_start3A_2289 : memref<8x128xf32, #tpu.memory_space<hbm>>) target_semaphore(%arg19 : memref<!tpu.dma_semaphore, #tpu.memory_space<semaphore_mem>>)
      %dma_start3A_2294 = arith.constant 1 : i32
      %dma_start3A_2295 = arith.constant 5 : i32
      %dma_start3A_2296 = arith.constant 5 : i32
      %dma_start3A_2297 = arith.constant 0 : i32
      %dma_start3A_2298 = arith.constant 0 : i32
      %dma_start3A_2299 = tpu.memref_slice %arg12[%dma_start3A_2294, %dma_start3A_2295, %dma_start3A_2297, %dma_start3A_2298] : memref<2x8x8x129xf32, #tpu.memory_space<vmem>> -> memref<1x1x8x128xf32, #tpu.memory_space<vmem>>
      %dma_start3A_2300 = tpu.memref_squeeze %dma_start3A_2299 : memref<1x1x8x128xf32, #tpu.memory_space<vmem>> -> memref<8x128xf32, #tpu.memory_space<vmem>>
      %dma_start3A_2301 = arith.constant 0 : i32
      %dma_start3A_2302 = arith.constant 0 : i32
      %dma_start3A_2303 = tpu.memref_slice %arg7[%select_n3A_2182, %dma_start3A_2296, %select_n3A_2198, %dma_start3A_2301, %dma_start3A_2302] : memref<200x8x8x8x128xf32, #tpu.memory_space<hbm>> -> memref<1x1x1x8x128xf32, #tpu.memory_space<hbm>>
      %dma_start3A_2304 = tpu.memref_squeeze %dma_start3A_2303 : memref<1x1x1x8x128xf32, #tpu.memory_space<hbm>> -> memref<8x128xf32, #tpu.memory_space<hbm>>
      %dma_start3A_2305 = arith.constant 0 : i32
      %dma_start3A_2306 = arith.constant 0 : i32
      %dma_start3A_2307 = tpu.memref_slice %arg7[%select_n3A_2182, %dma_start3A_2296, %select_n3A_2198, %dma_start3A_2305, %dma_start3A_2306] : memref<200x8x8x8x128xf32, #tpu.memory_space<hbm>> -> memref<1x1x1x8x128xf32, #tpu.memory_space<hbm>>
      %dma_start3A_2308 = tpu.memref_squeeze %dma_start3A_2307 : memref<1x1x1x8x128xf32, #tpu.memory_space<hbm>> -> memref<8x128xf32, #tpu.memory_space<hbm>>
      %dma_start3A_2309 = arith.constant 0 : i32
      %dma_start3A_2310 = arith.constant 0 : i32
      %dma_start3A_2311 = tpu.memref_slice %arg12[%dma_start3A_2294, %dma_start3A_2295, %dma_start3A_2309, %dma_start3A_2310] : memref<2x8x8x129xf32, #tpu.memory_space<vmem>> -> memref<1x1x8x128xf32, #tpu.memory_space<vmem>>
      %dma_start3A_2312 = tpu.memref_squeeze %dma_start3A_2311 : memref<1x1x8x128xf32, #tpu.memory_space<vmem>> -> memref<8x128xf32, #tpu.memory_space<vmem>>
      tpu.enqueue_dma source(%dma_start3A_2312 : memref<8x128xf32, #tpu.memory_space<vmem>>) target(%dma_start3A_2308 : memref<8x128xf32, #tpu.memory_space<hbm>>) target_semaphore(%arg19 : memref<!tpu.dma_semaphore, #tpu.memory_space<semaphore_mem>>)
      %dma_start3A_2313 = arith.constant 1 : i32
      %dma_start3A_2314 = arith.constant 6 : i32
      %dma_start3A_2315 = arith.constant 6 : i32
      %dma_start3A_2316 = arith.constant 0 : i32
      %dma_start3A_2317 = arith.constant 0 : i32
      %dma_start3A_2318 = tpu.memref_slice %arg12[%dma_start3A_2313, %dma_start3A_2314, %dma_start3A_2316, %dma_start3A_2317] : memref<2x8x8x129xf32, #tpu.memory_space<vmem>> -> memref<1x1x8x128xf32, #tpu.memory_space<vmem>>
      %dma_start3A_2319 = tpu.memref_squeeze %dma_start3A_2318 : memref<1x1x8x128xf32, #tpu.memory_space<vmem>> -> memref<8x128xf32, #tpu.memory_space<vmem>>
      %dma_start3A_2320 = arith.constant 0 : i32
      %dma_start3A_2321 = arith.constant 0 : i32
      %dma_start3A_2322 = tpu.memref_slice %arg7[%select_n3A_2182, %dma_start3A_2315, %select_n3A_2198, %dma_start3A_2320, %dma_start3A_2321] : memref<200x8x8x8x128xf32, #tpu.memory_space<hbm>> -> memref<1x1x1x8x128xf32, #tpu.memory_space<hbm>>
      %dma_start3A_2323 = tpu.memref_squeeze %dma_start3A_2322 : memref<1x1x1x8x128xf32, #tpu.memory_space<hbm>> -> memref<8x128xf32, #tpu.memory_space<hbm>>
      %dma_start3A_2324 = arith.constant 0 : i32
      %dma_start3A_2325 = arith.constant 0 : i32
      %dma_start3A_2326 = tpu.memref_slice %arg7[%select_n3A_2182, %dma_start3A_2315, %select_n3A_2198, %dma_start3A_2324, %dma_start3A_2325] : memref<200x8x8x8x128xf32, #tpu.memory_space<hbm>> -> memref<1x1x1x8x128xf32, #tpu.memory_space<hbm>>
      %dma_start3A_2327 = tpu.memref_squeeze %dma_start3A_2326 : memref<1x1x1x8x128xf32, #tpu.memory_space<hbm>> -> memref<8x128xf32, #tpu.memory_space<hbm>>
      %dma_start3A_2328 = arith.constant 0 : i32
      %dma_start3A_2329 = arith.constant 0 : i32
      %dma_start3A_2330 = tpu.memref_slice %arg12[%dma_start3A_2313, %dma_start3A_2314, %dma_start3A_2328, %dma_start3A_2329] : memref<2x8x8x129xf32, #tpu.memory_space<vmem>> -> memref<1x1x8x128xf32, #tpu.memory_space<vmem>>
      %dma_start3A_2331 = tpu.memref_squeeze %dma_start3A_2330 : memref<1x1x8x128xf32, #tpu.memory_space<vmem>> -> memref<8x128xf32, #tpu.memory_space<vmem>>
      tpu.enqueue_dma source(%dma_start3A_2331 : memref<8x128xf32, #tpu.memory_space<vmem>>) target(%dma_start3A_2327 : memref<8x128xf32, #tpu.memory_space<hbm>>) target_semaphore(%arg19 : memref<!tpu.dma_semaphore, #tpu.memory_space<semaphore_mem>>)
      %dma_start3A_2332 = arith.constant 1 : i32
      %dma_start3A_2333 = arith.constant 7 : i32
      %dma_start3A_2334 = arith.constant 7 : i32
      %dma_start3A_2335 = arith.constant 0 : i32
      %dma_start3A_2336 = arith.constant 0 : i32
      %dma_start3A_2337 = tpu.memref_slice %arg12[%dma_start3A_2332, %dma_start3A_2333, %dma_start3A_2335, %dma_start3A_2336] : memref<2x8x8x129xf32, #tpu.memory_space<vmem>> -> memref<1x1x8x128xf32, #tpu.memory_space<vmem>>
      %dma_start3A_2338 = tpu.memref_squeeze %dma_start3A_2337 : memref<1x1x8x128xf32, #tpu.memory_space<vmem>> -> memref<8x128xf32, #tpu.memory_space<vmem>>
      %dma_start3A_2339 = arith.constant 0 : i32
      %dma_start3A_2340 = arith.constant 0 : i32
      %dma_start3A_2341 = tpu.memref_slice %arg7[%select_n3A_2182, %dma_start3A_2334, %select_n3A_2198, %dma_start3A_2339, %dma_start3A_2340] : memref<200x8x8x8x128xf32, #tpu.memory_space<hbm>> -> memref<1x1x1x8x128xf32, #tpu.memory_space<hbm>>
      %dma_start3A_2342 = tpu.memref_squeeze %dma_start3A_2341 : memref<1x1x1x8x128xf32, #tpu.memory_space<hbm>> -> memref<8x128xf32, #tpu.memory_space<hbm>>
      %dma_start3A_2343 = arith.constant 0 : i32
      %dma_start3A_2344 = arith.constant 0 : i32
      %dma_start3A_2345 = tpu.memref_slice %arg7[%select_n3A_2182, %dma_start3A_2334, %select_n3A_2198, %dma_start3A_2343, %dma_start3A_2344] : memref<200x8x8x8x128xf32, #tpu.memory_space<hbm>> -> memref<1x1x1x8x128xf32, #tpu.memory_space<hbm>>
      %dma_start3A_2346 = tpu.memref_squeeze %dma_start3A_2345 : memref<1x1x1x8x128xf32, #tpu.memory_space<hbm>> -> memref<8x128xf32, #tpu.memory_space<hbm>>
      %dma_start3A_2347 = arith.constant 0 : i32
      %dma_start3A_2348 = arith.constant 0 : i32
      %dma_start3A_2349 = tpu.memref_slice %arg12[%dma_start3A_2332, %dma_start3A_2333, %dma_start3A_2347, %dma_start3A_2348] : memref<2x8x8x129xf32, #tpu.memory_space<vmem>> -> memref<1x1x8x128xf32, #tpu.memory_space<vmem>>
      %dma_start3A_2350 = tpu.memref_squeeze %dma_start3A_2349 : memref<1x1x8x128xf32, #tpu.memory_space<vmem>> -> memref<8x128xf32, #tpu.memory_space<vmem>>
      tpu.enqueue_dma source(%dma_start3A_2350 : memref<8x128xf32, #tpu.memory_space<vmem>>) target(%dma_start3A_2346 : memref<8x128xf32, #tpu.memory_space<hbm>>) target_semaphore(%arg19 : memref<!tpu.dma_semaphore, #tpu.memory_space<semaphore_mem>>)
    }
    %scan3A_752 = arith.constant 25 : i32
    %add3A_753 = arith.constant 50 : i32
    %add3A_754 = arith.addi %mul3A_2, %add3A_753 : i32
    %sub3A_755 = arith.constant 2 : i32
    %sub3A_756 = arith.subi %add3A_754, %sub3A_755 : i32
    %jit3A_757 = arith.constant 8 : i32
    %div3A_758 = arith.divsi %sub3A_756, %jit3A_757 : i32
    %sign3A_759 = arith.constant 0 : i32
    %sign3A_760 = arith.cmpi sgt, %sub3A_756, %sign3A_759 : i32
    %sign3A_761 = arith.extui %sign3A_760 : i1 to i32
    %sign3A_762 = arith.constant 0 : i32
    %sign3A_763 = arith.cmpi slt, %sub3A_756, %sign3A_762 : i32
    %sign3A_764 = arith.extui %sign3A_763 : i1 to i32
    %sign3A_765 = arith.subi %sign3A_761, %sign3A_764 : i32
    %sign3A_766 = arith.constant 0 : i32
    %sign3A_767 = arith.cmpi sgt, %jit3A_757, %sign3A_766 : i32
    %sign3A_768 = arith.extui %sign3A_767 : i1 to i32
    %sign3A_769 = arith.constant 0 : i32
    %sign3A_770 = arith.cmpi slt, %jit3A_757, %sign3A_769 : i32
    %sign3A_771 = arith.extui %sign3A_770 : i1 to i32
    %sign3A_772 = arith.subi %sign3A_768, %sign3A_771 : i32
    %ne3A_773 = arith.cmpi ne, %sign3A_765, %sign3A_772 : i32
    %rem3A_774 = arith.remsi %sub3A_756, %jit3A_757 : i32
    %ne3A_775 = arith.constant 0 : i32
    %ne3A_776 = arith.cmpi ne, %rem3A_774, %ne3A_775 : i32
    %and3A_777 = arith.andi %ne3A_773, %ne3A_776 : i1
    %sub3A_778 = arith.constant 1 : i32
    %sub3A_779 = arith.subi %div3A_758, %sub3A_778 : i32
    %select_n3A_780 = arith.select %and3A_777, %sub3A_779, %div3A_758 : i32
    %jit3A_781 = arith.constant 8 : i32
    %eq3A_782 = arith.constant 0 : i32
    %eq3A_783 = arith.cmpi eq, %jit3A_781, %eq3A_782 : i32
    %jit3A_784 = arith.constant 1 : i32
    %select_n3A_785 = arith.select %eq3A_783, %jit3A_784, %jit3A_781 : i32
    %rem3A_786 = arith.remsi %sub3A_756, %select_n3A_785 : i32
    %ne3A_787 = arith.constant 0 : i32
    %ne3A_788 = arith.cmpi ne, %rem3A_786, %ne3A_787 : i32
    %lt3A_789 = arith.constant 0 : i32
    %lt3A_790 = arith.cmpi slt, %rem3A_786, %lt3A_789 : i32
    %lt3A_791 = arith.constant 0 : i32
    %lt3A_792 = arith.cmpi slt, %select_n3A_785, %lt3A_791 : i32
    %ne3A_793 = arith.xori %lt3A_790, %lt3A_792 : i1
    %and3A_794 = arith.andi %ne3A_793, %ne3A_788 : i1
    %add3A_795 = arith.addi %rem3A_786, %select_n3A_785 : i32
    %select_n3A_796 = arith.select %and3A_794, %add3A_795, %rem3A_786 : i32
    %dma_wait3A_797 = arith.constant 0 : i32
    %dma_wait3A_798 = arith.constant 0 : i32
    %dma_wait3A_799 = arith.constant 0 : i32
    %dma_wait3A_800 = arith.constant 0 : i32
    %dma_wait3A_801 = arith.constant 0 : i32
    %dma_wait3A_802 = tpu.memref_slice %arg12[%dma_wait3A_797, %dma_wait3A_798, %dma_wait3A_800, %dma_wait3A_801] : memref<2x8x8x129xf32, #tpu.memory_space<vmem>> -> memref<1x1x8x128xf32, #tpu.memory_space<vmem>>
    %dma_wait3A_803 = tpu.memref_squeeze %dma_wait3A_802 : memref<1x1x8x128xf32, #tpu.memory_space<vmem>> -> memref<8x128xf32, #tpu.memory_space<vmem>>
    %dma_wait3A_804 = arith.constant 0 : i32
    %dma_wait3A_805 = arith.constant 0 : i32
    %dma_wait3A_806 = tpu.memref_slice %arg7[%select_n3A_780, %dma_wait3A_799, %select_n3A_796, %dma_wait3A_804, %dma_wait3A_805] : memref<200x8x8x8x128xf32, #tpu.memory_space<hbm>> -> memref<1x1x1x8x128xf32, #tpu.memory_space<hbm>>
    %dma_wait3A_807 = tpu.memref_squeeze %dma_wait3A_806 : memref<1x1x1x8x128xf32, #tpu.memory_space<hbm>> -> memref<8x128xf32, #tpu.memory_space<hbm>>
    %dma_wait3A_808 = arith.constant 0 : i32
    %dma_wait3A_809 = arith.constant 0 : i32
    %dma_wait3A_810 = tpu.memref_slice %arg7[%select_n3A_780, %dma_wait3A_799, %select_n3A_796, %dma_wait3A_808, %dma_wait3A_809] : memref<200x8x8x8x128xf32, #tpu.memory_space<hbm>> -> memref<1x1x1x8x128xf32, #tpu.memory_space<hbm>>
    %dma_wait3A_811 = tpu.memref_squeeze %dma_wait3A_810 : memref<1x1x1x8x128xf32, #tpu.memory_space<hbm>> -> memref<8x128xf32, #tpu.memory_space<hbm>>
    %dma_wait3A_812 = arith.constant 0 : i32
    %dma_wait3A_813 = arith.constant 0 : i32
    %dma_wait3A_814 = tpu.memref_slice %arg12[%dma_wait3A_797, %dma_wait3A_798, %dma_wait3A_812, %dma_wait3A_813] : memref<2x8x8x129xf32, #tpu.memory_space<vmem>> -> memref<1x1x8x128xf32, #tpu.memory_space<vmem>>
    %dma_wait3A_815 = tpu.memref_squeeze %dma_wait3A_814 : memref<1x1x8x128xf32, #tpu.memory_space<vmem>> -> memref<8x128xf32, #tpu.memory_space<vmem>>
    tpu.wait_dma2 semaphore(%arg18 : memref<!tpu.dma_semaphore, #tpu.memory_space<semaphore_mem>>) src(%dma_wait3A_815 : memref<8x128xf32, #tpu.memory_space<vmem>>) dst(%dma_wait3A_811 : memref<8x128xf32, #tpu.memory_space<hbm>>)
    %dma_wait3A_816 = arith.constant 0 : i32
    %dma_wait3A_817 = arith.constant 1 : i32
    %dma_wait3A_818 = arith.constant 1 : i32
    %dma_wait3A_819 = arith.constant 0 : i32
    %dma_wait3A_820 = arith.constant 0 : i32
    %dma_wait3A_821 = tpu.memref_slice %arg12[%dma_wait3A_816, %dma_wait3A_817, %dma_wait3A_819, %dma_wait3A_820] : memref<2x8x8x129xf32, #tpu.memory_space<vmem>> -> memref<1x1x8x128xf32, #tpu.memory_space<vmem>>
    %dma_wait3A_822 = tpu.memref_squeeze %dma_wait3A_821 : memref<1x1x8x128xf32, #tpu.memory_space<vmem>> -> memref<8x128xf32, #tpu.memory_space<vmem>>
    %dma_wait3A_823 = arith.constant 0 : i32
    %dma_wait3A_824 = arith.constant 0 : i32
    %dma_wait3A_825 = tpu.memref_slice %arg7[%select_n3A_780, %dma_wait3A_818, %select_n3A_796, %dma_wait3A_823, %dma_wait3A_824] : memref<200x8x8x8x128xf32, #tpu.memory_space<hbm>> -> memref<1x1x1x8x128xf32, #tpu.memory_space<hbm>>
    %dma_wait3A_826 = tpu.memref_squeeze %dma_wait3A_825 : memref<1x1x1x8x128xf32, #tpu.memory_space<hbm>> -> memref<8x128xf32, #tpu.memory_space<hbm>>
    %dma_wait3A_827 = arith.constant 0 : i32
    %dma_wait3A_828 = arith.constant 0 : i32
    %dma_wait3A_829 = tpu.memref_slice %arg7[%select_n3A_780, %dma_wait3A_818, %select_n3A_796, %dma_wait3A_827, %dma_wait3A_828] : memref<200x8x8x8x128xf32, #tpu.memory_space<hbm>> -> memref<1x1x1x8x128xf32, #tpu.memory_space<hbm>>
    %dma_wait3A_830 = tpu.memref_squeeze %dma_wait3A_829 : memref<1x1x1x8x128xf32, #tpu.memory_space<hbm>> -> memref<8x128xf32, #tpu.memory_space<hbm>>
    %dma_wait3A_831 = arith.constant 0 : i32
    %dma_wait3A_832 = arith.constant 0 : i32
    %dma_wait3A_833 = tpu.memref_slice %arg12[%dma_wait3A_816, %dma_wait3A_817, %dma_wait3A_831, %dma_wait3A_832] : memref<2x8x8x129xf32, #tpu.memory_space<vmem>> -> memref<1x1x8x128xf32, #tpu.memory_space<vmem>>
    %dma_wait3A_834 = tpu.memref_squeeze %dma_wait3A_833 : memref<1x1x8x128xf32, #tpu.memory_space<vmem>> -> memref<8x128xf32, #tpu.memory_space<vmem>>
    tpu.wait_dma2 semaphore(%arg18 : memref<!tpu.dma_semaphore, #tpu.memory_space<semaphore_mem>>) src(%dma_wait3A_834 : memref<8x128xf32, #tpu.memory_space<vmem>>) dst(%dma_wait3A_830 : memref<8x128xf32, #tpu.memory_space<hbm>>)
    %dma_wait3A_835 = arith.constant 0 : i32
    %dma_wait3A_836 = arith.constant 2 : i32
    %dma_wait3A_837 = arith.constant 2 : i32
    %dma_wait3A_838 = arith.constant 0 : i32
    %dma_wait3A_839 = arith.constant 0 : i32
    %dma_wait3A_840 = tpu.memref_slice %arg12[%dma_wait3A_835, %dma_wait3A_836, %dma_wait3A_838, %dma_wait3A_839] : memref<2x8x8x129xf32, #tpu.memory_space<vmem>> -> memref<1x1x8x128xf32, #tpu.memory_space<vmem>>
    %dma_wait3A_841 = tpu.memref_squeeze %dma_wait3A_840 : memref<1x1x8x128xf32, #tpu.memory_space<vmem>> -> memref<8x128xf32, #tpu.memory_space<vmem>>
    %dma_wait3A_842 = arith.constant 0 : i32
    %dma_wait3A_843 = arith.constant 0 : i32
    %dma_wait3A_844 = tpu.memref_slice %arg7[%select_n3A_780, %dma_wait3A_837, %select_n3A_796, %dma_wait3A_842, %dma_wait3A_843] : memref<200x8x8x8x128xf32, #tpu.memory_space<hbm>> -> memref<1x1x1x8x128xf32, #tpu.memory_space<hbm>>
    %dma_wait3A_845 = tpu.memref_squeeze %dma_wait3A_844 : memref<1x1x1x8x128xf32, #tpu.memory_space<hbm>> -> memref<8x128xf32, #tpu.memory_space<hbm>>
    %dma_wait3A_846 = arith.constant 0 : i32
    %dma_wait3A_847 = arith.constant 0 : i32
    %dma_wait3A_848 = tpu.memref_slice %arg7[%select_n3A_780, %dma_wait3A_837, %select_n3A_796, %dma_wait3A_846, %dma_wait3A_847] : memref<200x8x8x8x128xf32, #tpu.memory_space<hbm>> -> memref<1x1x1x8x128xf32, #tpu.memory_space<hbm>>
    %dma_wait3A_849 = tpu.memref_squeeze %dma_wait3A_848 : memref<1x1x1x8x128xf32, #tpu.memory_space<hbm>> -> memref<8x128xf32, #tpu.memory_space<hbm>>
    %dma_wait3A_850 = arith.constant 0 : i32
    %dma_wait3A_851 = arith.constant 0 : i32
    %dma_wait3A_852 = tpu.memref_slice %arg12[%dma_wait3A_835, %dma_wait3A_836, %dma_wait3A_850, %dma_wait3A_851] : memref<2x8x8x129xf32, #tpu.memory_space<vmem>> -> memref<1x1x8x128xf32, #tpu.memory_space<vmem>>
    %dma_wait3A_853 = tpu.memref_squeeze %dma_wait3A_852 : memref<1x1x8x128xf32, #tpu.memory_space<vmem>> -> memref<8x128xf32, #tpu.memory_space<vmem>>
    tpu.wait_dma2 semaphore(%arg18 : memref<!tpu.dma_semaphore, #tpu.memory_space<semaphore_mem>>) src(%dma_wait3A_853 : memref<8x128xf32, #tpu.memory_space<vmem>>) dst(%dma_wait3A_849 : memref<8x128xf32, #tpu.memory_space<hbm>>)
    %dma_wait3A_854 = arith.constant 0 : i32
    %dma_wait3A_855 = arith.constant 3 : i32
    %dma_wait3A_856 = arith.constant 3 : i32
    %dma_wait3A_857 = arith.constant 0 : i32
    %dma_wait3A_858 = arith.constant 0 : i32
    %dma_wait3A_859 = tpu.memref_slice %arg12[%dma_wait3A_854, %dma_wait3A_855, %dma_wait3A_857, %dma_wait3A_858] : memref<2x8x8x129xf32, #tpu.memory_space<vmem>> -> memref<1x1x8x128xf32, #tpu.memory_space<vmem>>
    %dma_wait3A_860 = tpu.memref_squeeze %dma_wait3A_859 : memref<1x1x8x128xf32, #tpu.memory_space<vmem>> -> memref<8x128xf32, #tpu.memory_space<vmem>>
    %dma_wait3A_861 = arith.constant 0 : i32
    %dma_wait3A_862 = arith.constant 0 : i32
    %dma_wait3A_863 = tpu.memref_slice %arg7[%select_n3A_780, %dma_wait3A_856, %select_n3A_796, %dma_wait3A_861, %dma_wait3A_862] : memref<200x8x8x8x128xf32, #tpu.memory_space<hbm>> -> memref<1x1x1x8x128xf32, #tpu.memory_space<hbm>>
    %dma_wait3A_864 = tpu.memref_squeeze %dma_wait3A_863 : memref<1x1x1x8x128xf32, #tpu.memory_space<hbm>> -> memref<8x128xf32, #tpu.memory_space<hbm>>
    %dma_wait3A_865 = arith.constant 0 : i32
    %dma_wait3A_866 = arith.constant 0 : i32
    %dma_wait3A_867 = tpu.memref_slice %arg7[%select_n3A_780, %dma_wait3A_856, %select_n3A_796, %dma_wait3A_865, %dma_wait3A_866] : memref<200x8x8x8x128xf32, #tpu.memory_space<hbm>> -> memref<1x1x1x8x128xf32, #tpu.memory_space<hbm>>
    %dma_wait3A_868 = tpu.memref_squeeze %dma_wait3A_867 : memref<1x1x1x8x128xf32, #tpu.memory_space<hbm>> -> memref<8x128xf32, #tpu.memory_space<hbm>>
    %dma_wait3A_869 = arith.constant 0 : i32
    %dma_wait3A_870 = arith.constant 0 : i32
    %dma_wait3A_871 = tpu.memref_slice %arg12[%dma_wait3A_854, %dma_wait3A_855, %dma_wait3A_869, %dma_wait3A_870] : memref<2x8x8x129xf32, #tpu.memory_space<vmem>> -> memref<1x1x8x128xf32, #tpu.memory_space<vmem>>
    %dma_wait3A_872 = tpu.memref_squeeze %dma_wait3A_871 : memref<1x1x8x128xf32, #tpu.memory_space<vmem>> -> memref<8x128xf32, #tpu.memory_space<vmem>>
    tpu.wait_dma2 semaphore(%arg18 : memref<!tpu.dma_semaphore, #tpu.memory_space<semaphore_mem>>) src(%dma_wait3A_872 : memref<8x128xf32, #tpu.memory_space<vmem>>) dst(%dma_wait3A_868 : memref<8x128xf32, #tpu.memory_space<hbm>>)
    %dma_wait3A_873 = arith.constant 0 : i32
    %dma_wait3A_874 = arith.constant 4 : i32
    %dma_wait3A_875 = arith.constant 4 : i32
    %dma_wait3A_876 = arith.constant 0 : i32
    %dma_wait3A_877 = arith.constant 0 : i32
    %dma_wait3A_878 = tpu.memref_slice %arg12[%dma_wait3A_873, %dma_wait3A_874, %dma_wait3A_876, %dma_wait3A_877] : memref<2x8x8x129xf32, #tpu.memory_space<vmem>> -> memref<1x1x8x128xf32, #tpu.memory_space<vmem>>
    %dma_wait3A_879 = tpu.memref_squeeze %dma_wait3A_878 : memref<1x1x8x128xf32, #tpu.memory_space<vmem>> -> memref<8x128xf32, #tpu.memory_space<vmem>>
    %dma_wait3A_880 = arith.constant 0 : i32
    %dma_wait3A_881 = arith.constant 0 : i32
    %dma_wait3A_882 = tpu.memref_slice %arg7[%select_n3A_780, %dma_wait3A_875, %select_n3A_796, %dma_wait3A_880, %dma_wait3A_881] : memref<200x8x8x8x128xf32, #tpu.memory_space<hbm>> -> memref<1x1x1x8x128xf32, #tpu.memory_space<hbm>>
    %dma_wait3A_883 = tpu.memref_squeeze %dma_wait3A_882 : memref<1x1x1x8x128xf32, #tpu.memory_space<hbm>> -> memref<8x128xf32, #tpu.memory_space<hbm>>
    %dma_wait3A_884 = arith.constant 0 : i32
    %dma_wait3A_885 = arith.constant 0 : i32
    %dma_wait3A_886 = tpu.memref_slice %arg7[%select_n3A_780, %dma_wait3A_875, %select_n3A_796, %dma_wait3A_884, %dma_wait3A_885] : memref<200x8x8x8x128xf32, #tpu.memory_space<hbm>> -> memref<1x1x1x8x128xf32, #tpu.memory_space<hbm>>
    %dma_wait3A_887 = tpu.memref_squeeze %dma_wait3A_886 : memref<1x1x1x8x128xf32, #tpu.memory_space<hbm>> -> memref<8x128xf32, #tpu.memory_space<hbm>>
    %dma_wait3A_888 = arith.constant 0 : i32
    %dma_wait3A_889 = arith.constant 0 : i32
    %dma_wait3A_890 = tpu.memref_slice %arg12[%dma_wait3A_873, %dma_wait3A_874, %dma_wait3A_888, %dma_wait3A_889] : memref<2x8x8x129xf32, #tpu.memory_space<vmem>> -> memref<1x1x8x128xf32, #tpu.memory_space<vmem>>
    %dma_wait3A_891 = tpu.memref_squeeze %dma_wait3A_890 : memref<1x1x8x128xf32, #tpu.memory_space<vmem>> -> memref<8x128xf32, #tpu.memory_space<vmem>>
    tpu.wait_dma2 semaphore(%arg18 : memref<!tpu.dma_semaphore, #tpu.memory_space<semaphore_mem>>) src(%dma_wait3A_891 : memref<8x128xf32, #tpu.memory_space<vmem>>) dst(%dma_wait3A_887 : memref<8x128xf32, #tpu.memory_space<hbm>>)
    %dma_wait3A_892 = arith.constant 0 : i32
    %dma_wait3A_893 = arith.constant 5 : i32
    %dma_wait3A_894 = arith.constant 5 : i32
    %dma_wait3A_895 = arith.constant 0 : i32
    %dma_wait3A_896 = arith.constant 0 : i32
    %dma_wait3A_897 = tpu.memref_slice %arg12[%dma_wait3A_892, %dma_wait3A_893, %dma_wait3A_895, %dma_wait3A_896] : memref<2x8x8x129xf32, #tpu.memory_space<vmem>> -> memref<1x1x8x128xf32, #tpu.memory_space<vmem>>
    %dma_wait3A_898 = tpu.memref_squeeze %dma_wait3A_897 : memref<1x1x8x128xf32, #tpu.memory_space<vmem>> -> memref<8x128xf32, #tpu.memory_space<vmem>>
    %dma_wait3A_899 = arith.constant 0 : i32
    %dma_wait3A_900 = arith.constant 0 : i32
    %dma_wait3A_901 = tpu.memref_slice %arg7[%select_n3A_780, %dma_wait3A_894, %select_n3A_796, %dma_wait3A_899, %dma_wait3A_900] : memref<200x8x8x8x128xf32, #tpu.memory_space<hbm>> -> memref<1x1x1x8x128xf32, #tpu.memory_space<hbm>>
    %dma_wait3A_902 = tpu.memref_squeeze %dma_wait3A_901 : memref<1x1x1x8x128xf32, #tpu.memory_space<hbm>> -> memref<8x128xf32, #tpu.memory_space<hbm>>
    %dma_wait3A_903 = arith.constant 0 : i32
    %dma_wait3A_904 = arith.constant 0 : i32
    %dma_wait3A_905 = tpu.memref_slice %arg7[%select_n3A_780, %dma_wait3A_894, %select_n3A_796, %dma_wait3A_903, %dma_wait3A_904] : memref<200x8x8x8x128xf32, #tpu.memory_space<hbm>> -> memref<1x1x1x8x128xf32, #tpu.memory_space<hbm>>
    %dma_wait3A_906 = tpu.memref_squeeze %dma_wait3A_905 : memref<1x1x1x8x128xf32, #tpu.memory_space<hbm>> -> memref<8x128xf32, #tpu.memory_space<hbm>>
    %dma_wait3A_907 = arith.constant 0 : i32
    %dma_wait3A_908 = arith.constant 0 : i32
    %dma_wait3A_909 = tpu.memref_slice %arg12[%dma_wait3A_892, %dma_wait3A_893, %dma_wait3A_907, %dma_wait3A_908] : memref<2x8x8x129xf32, #tpu.memory_space<vmem>> -> memref<1x1x8x128xf32, #tpu.memory_space<vmem>>
    %dma_wait3A_910 = tpu.memref_squeeze %dma_wait3A_909 : memref<1x1x8x128xf32, #tpu.memory_space<vmem>> -> memref<8x128xf32, #tpu.memory_space<vmem>>
    tpu.wait_dma2 semaphore(%arg18 : memref<!tpu.dma_semaphore, #tpu.memory_space<semaphore_mem>>) src(%dma_wait3A_910 : memref<8x128xf32, #tpu.memory_space<vmem>>) dst(%dma_wait3A_906 : memref<8x128xf32, #tpu.memory_space<hbm>>)
    %dma_wait3A_911 = arith.constant 0 : i32
    %dma_wait3A_912 = arith.constant 6 : i32
    %dma_wait3A_913 = arith.constant 6 : i32
    %dma_wait3A_914 = arith.constant 0 : i32
    %dma_wait3A_915 = arith.constant 0 : i32
    %dma_wait3A_916 = tpu.memref_slice %arg12[%dma_wait3A_911, %dma_wait3A_912, %dma_wait3A_914, %dma_wait3A_915] : memref<2x8x8x129xf32, #tpu.memory_space<vmem>> -> memref<1x1x8x128xf32, #tpu.memory_space<vmem>>
    %dma_wait3A_917 = tpu.memref_squeeze %dma_wait3A_916 : memref<1x1x8x128xf32, #tpu.memory_space<vmem>> -> memref<8x128xf32, #tpu.memory_space<vmem>>
    %dma_wait3A_918 = arith.constant 0 : i32
    %dma_wait3A_919 = arith.constant 0 : i32
    %dma_wait3A_920 = tpu.memref_slice %arg7[%select_n3A_780, %dma_wait3A_913, %select_n3A_796, %dma_wait3A_918, %dma_wait3A_919] : memref<200x8x8x8x128xf32, #tpu.memory_space<hbm>> -> memref<1x1x1x8x128xf32, #tpu.memory_space<hbm>>
    %dma_wait3A_921 = tpu.memref_squeeze %dma_wait3A_920 : memref<1x1x1x8x128xf32, #tpu.memory_space<hbm>> -> memref<8x128xf32, #tpu.memory_space<hbm>>
    %dma_wait3A_922 = arith.constant 0 : i32
    %dma_wait3A_923 = arith.constant 0 : i32
    %dma_wait3A_924 = tpu.memref_slice %arg7[%select_n3A_780, %dma_wait3A_913, %select_n3A_796, %dma_wait3A_922, %dma_wait3A_923] : memref<200x8x8x8x128xf32, #tpu.memory_space<hbm>> -> memref<1x1x1x8x128xf32, #tpu.memory_space<hbm>>
    %dma_wait3A_925 = tpu.memref_squeeze %dma_wait3A_924 : memref<1x1x1x8x128xf32, #tpu.memory_space<hbm>> -> memref<8x128xf32, #tpu.memory_space<hbm>>
    %dma_wait3A_926 = arith.constant 0 : i32
    %dma_wait3A_927 = arith.constant 0 : i32
    %dma_wait3A_928 = tpu.memref_slice %arg12[%dma_wait3A_911, %dma_wait3A_912, %dma_wait3A_926, %dma_wait3A_927] : memref<2x8x8x129xf32, #tpu.memory_space<vmem>> -> memref<1x1x8x128xf32, #tpu.memory_space<vmem>>
    %dma_wait3A_929 = tpu.memref_squeeze %dma_wait3A_928 : memref<1x1x8x128xf32, #tpu.memory_space<vmem>> -> memref<8x128xf32, #tpu.memory_space<vmem>>
    tpu.wait_dma2 semaphore(%arg18 : memref<!tpu.dma_semaphore, #tpu.memory_space<semaphore_mem>>) src(%dma_wait3A_929 : memref<8x128xf32, #tpu.memory_space<vmem>>) dst(%dma_wait3A_925 : memref<8x128xf32, #tpu.memory_space<hbm>>)
    %dma_wait3A_930 = arith.constant 0 : i32
    %dma_wait3A_931 = arith.constant 7 : i32
    %dma_wait3A_932 = arith.constant 7 : i32
    %dma_wait3A_933 = arith.constant 0 : i32
    %dma_wait3A_934 = arith.constant 0 : i32
    %dma_wait3A_935 = tpu.memref_slice %arg12[%dma_wait3A_930, %dma_wait3A_931, %dma_wait3A_933, %dma_wait3A_934] : memref<2x8x8x129xf32, #tpu.memory_space<vmem>> -> memref<1x1x8x128xf32, #tpu.memory_space<vmem>>
    %dma_wait3A_936 = tpu.memref_squeeze %dma_wait3A_935 : memref<1x1x8x128xf32, #tpu.memory_space<vmem>> -> memref<8x128xf32, #tpu.memory_space<vmem>>
    %dma_wait3A_937 = arith.constant 0 : i32
    %dma_wait3A_938 = arith.constant 0 : i32
    %dma_wait3A_939 = tpu.memref_slice %arg7[%select_n3A_780, %dma_wait3A_932, %select_n3A_796, %dma_wait3A_937, %dma_wait3A_938] : memref<200x8x8x8x128xf32, #tpu.memory_space<hbm>> -> memref<1x1x1x8x128xf32, #tpu.memory_space<hbm>>
    %dma_wait3A_940 = tpu.memref_squeeze %dma_wait3A_939 : memref<1x1x1x8x128xf32, #tpu.memory_space<hbm>> -> memref<8x128xf32, #tpu.memory_space<hbm>>
    %dma_wait3A_941 = arith.constant 0 : i32
    %dma_wait3A_942 = arith.constant 0 : i32
    %dma_wait3A_943 = tpu.memref_slice %arg7[%select_n3A_780, %dma_wait3A_932, %select_n3A_796, %dma_wait3A_941, %dma_wait3A_942] : memref<200x8x8x8x128xf32, #tpu.memory_space<hbm>> -> memref<1x1x1x8x128xf32, #tpu.memory_space<hbm>>
    %dma_wait3A_944 = tpu.memref_squeeze %dma_wait3A_943 : memref<1x1x1x8x128xf32, #tpu.memory_space<hbm>> -> memref<8x128xf32, #tpu.memory_space<hbm>>
    %dma_wait3A_945 = arith.constant 0 : i32
    %dma_wait3A_946 = arith.constant 0 : i32
    %dma_wait3A_947 = tpu.memref_slice %arg12[%dma_wait3A_930, %dma_wait3A_931, %dma_wait3A_945, %dma_wait3A_946] : memref<2x8x8x129xf32, #tpu.memory_space<vmem>> -> memref<1x1x8x128xf32, #tpu.memory_space<vmem>>
    %dma_wait3A_948 = tpu.memref_squeeze %dma_wait3A_947 : memref<1x1x8x128xf32, #tpu.memory_space<vmem>> -> memref<8x128xf32, #tpu.memory_space<vmem>>
    tpu.wait_dma2 semaphore(%arg18 : memref<!tpu.dma_semaphore, #tpu.memory_space<semaphore_mem>>) src(%dma_wait3A_948 : memref<8x128xf32, #tpu.memory_space<vmem>>) dst(%dma_wait3A_944 : memref<8x128xf32, #tpu.memory_space<hbm>>)
    %add3A_949 = arith.constant 1 : i32
    %add3A_950 = arith.addi %sub3A_756, %add3A_949 : i32
    %jit3A_951 = arith.constant 8 : i32
    %div3A_952 = arith.divsi %add3A_950, %jit3A_951 : i32
    %sign3A_953 = arith.constant 0 : i32
    %sign3A_954 = arith.cmpi sgt, %add3A_950, %sign3A_953 : i32
    %sign3A_955 = arith.extui %sign3A_954 : i1 to i32
    %sign3A_956 = arith.constant 0 : i32
    %sign3A_957 = arith.cmpi slt, %add3A_950, %sign3A_956 : i32
    %sign3A_958 = arith.extui %sign3A_957 : i1 to i32
    %sign3A_959 = arith.subi %sign3A_955, %sign3A_958 : i32
    %sign3A_960 = arith.constant 0 : i32
    %sign3A_961 = arith.cmpi sgt, %jit3A_951, %sign3A_960 : i32
    %sign3A_962 = arith.extui %sign3A_961 : i1 to i32
    %sign3A_963 = arith.constant 0 : i32
    %sign3A_964 = arith.cmpi slt, %jit3A_951, %sign3A_963 : i32
    %sign3A_965 = arith.extui %sign3A_964 : i1 to i32
    %sign3A_966 = arith.subi %sign3A_962, %sign3A_965 : i32
    %ne3A_967 = arith.cmpi ne, %sign3A_959, %sign3A_966 : i32
    %rem3A_968 = arith.remsi %add3A_950, %jit3A_951 : i32
    %ne3A_969 = arith.constant 0 : i32
    %ne3A_970 = arith.cmpi ne, %rem3A_968, %ne3A_969 : i32
    %and3A_971 = arith.andi %ne3A_967, %ne3A_970 : i1
    %sub3A_972 = arith.constant 1 : i32
    %sub3A_973 = arith.subi %div3A_952, %sub3A_972 : i32
    %select_n3A_974 = arith.select %and3A_971, %sub3A_973, %div3A_952 : i32
    %jit3A_975 = arith.constant 8 : i32
    %eq3A_976 = arith.constant 0 : i32
    %eq3A_977 = arith.cmpi eq, %jit3A_975, %eq3A_976 : i32
    %jit3A_978 = arith.constant 1 : i32
    %select_n3A_979 = arith.select %eq3A_977, %jit3A_978, %jit3A_975 : i32
    %rem3A_980 = arith.remsi %add3A_950, %select_n3A_979 : i32
    %ne3A_981 = arith.constant 0 : i32
    %ne3A_982 = arith.cmpi ne, %rem3A_980, %ne3A_981 : i32
    %lt3A_983 = arith.constant 0 : i32
    %lt3A_984 = arith.cmpi slt, %rem3A_980, %lt3A_983 : i32
    %lt3A_985 = arith.constant 0 : i32
    %lt3A_986 = arith.cmpi slt, %select_n3A_979, %lt3A_985 : i32
    %ne3A_987 = arith.xori %lt3A_984, %lt3A_986 : i1
    %and3A_988 = arith.andi %ne3A_987, %ne3A_982 : i1
    %add3A_989 = arith.addi %rem3A_980, %select_n3A_979 : i32
    %select_n3A_990 = arith.select %and3A_988, %add3A_989, %rem3A_980 : i32
    %dma_wait3A_991 = arith.constant 1 : i32
    %dma_wait3A_992 = arith.constant 0 : i32
    %dma_wait3A_993 = arith.constant 0 : i32
    %dma_wait3A_994 = arith.constant 0 : i32
    %dma_wait3A_995 = arith.constant 0 : i32
    %dma_wait3A_996 = tpu.memref_slice %arg12[%dma_wait3A_991, %dma_wait3A_992, %dma_wait3A_994, %dma_wait3A_995] : memref<2x8x8x129xf32, #tpu.memory_space<vmem>> -> memref<1x1x8x128xf32, #tpu.memory_space<vmem>>
    %dma_wait3A_997 = tpu.memref_squeeze %dma_wait3A_996 : memref<1x1x8x128xf32, #tpu.memory_space<vmem>> -> memref<8x128xf32, #tpu.memory_space<vmem>>
    %dma_wait3A_998 = arith.constant 0 : i32
    %dma_wait3A_999 = arith.constant 0 : i32
    %dma_wait3A_1000 = tpu.memref_slice %arg7[%select_n3A_974, %dma_wait3A_993, %select_n3A_990, %dma_wait3A_998, %dma_wait3A_999] : memref<200x8x8x8x128xf32, #tpu.memory_space<hbm>> -> memref<1x1x1x8x128xf32, #tpu.memory_space<hbm>>
    %dma_wait3A_1001 = tpu.memref_squeeze %dma_wait3A_1000 : memref<1x1x1x8x128xf32, #tpu.memory_space<hbm>> -> memref<8x128xf32, #tpu.memory_space<hbm>>
    %dma_wait3A_1002 = arith.constant 0 : i32
    %dma_wait3A_1003 = arith.constant 0 : i32
    %dma_wait3A_1004 = tpu.memref_slice %arg7[%select_n3A_974, %dma_wait3A_993, %select_n3A_990, %dma_wait3A_1002, %dma_wait3A_1003] : memref<200x8x8x8x128xf32, #tpu.memory_space<hbm>> -> memref<1x1x1x8x128xf32, #tpu.memory_space<hbm>>
    %dma_wait3A_1005 = tpu.memref_squeeze %dma_wait3A_1004 : memref<1x1x1x8x128xf32, #tpu.memory_space<hbm>> -> memref<8x128xf32, #tpu.memory_space<hbm>>
    %dma_wait3A_1006 = arith.constant 0 : i32
    %dma_wait3A_1007 = arith.constant 0 : i32
    %dma_wait3A_1008 = tpu.memref_slice %arg12[%dma_wait3A_991, %dma_wait3A_992, %dma_wait3A_1006, %dma_wait3A_1007] : memref<2x8x8x129xf32, #tpu.memory_space<vmem>> -> memref<1x1x8x128xf32, #tpu.memory_space<vmem>>
    %dma_wait3A_1009 = tpu.memref_squeeze %dma_wait3A_1008 : memref<1x1x8x128xf32, #tpu.memory_space<vmem>> -> memref<8x128xf32, #tpu.memory_space<vmem>>
    tpu.wait_dma2 semaphore(%arg19 : memref<!tpu.dma_semaphore, #tpu.memory_space<semaphore_mem>>) src(%dma_wait3A_1009 : memref<8x128xf32, #tpu.memory_space<vmem>>) dst(%dma_wait3A_1005 : memref<8x128xf32, #tpu.memory_space<hbm>>)
    %dma_wait3A_1010 = arith.constant 1 : i32
    %dma_wait3A_1011 = arith.constant 1 : i32
    %dma_wait3A_1012 = arith.constant 1 : i32
    %dma_wait3A_1013 = arith.constant 0 : i32
    %dma_wait3A_1014 = arith.constant 0 : i32
    %dma_wait3A_1015 = tpu.memref_slice %arg12[%dma_wait3A_1010, %dma_wait3A_1011, %dma_wait3A_1013, %dma_wait3A_1014] : memref<2x8x8x129xf32, #tpu.memory_space<vmem>> -> memref<1x1x8x128xf32, #tpu.memory_space<vmem>>
    %dma_wait3A_1016 = tpu.memref_squeeze %dma_wait3A_1015 : memref<1x1x8x128xf32, #tpu.memory_space<vmem>> -> memref<8x128xf32, #tpu.memory_space<vmem>>
    %dma_wait3A_1017 = arith.constant 0 : i32
    %dma_wait3A_1018 = arith.constant 0 : i32
    %dma_wait3A_1019 = tpu.memref_slice %arg7[%select_n3A_974, %dma_wait3A_1012, %select_n3A_990, %dma_wait3A_1017, %dma_wait3A_1018] : memref<200x8x8x8x128xf32, #tpu.memory_space<hbm>> -> memref<1x1x1x8x128xf32, #tpu.memory_space<hbm>>
    %dma_wait3A_1020 = tpu.memref_squeeze %dma_wait3A_1019 : memref<1x1x1x8x128xf32, #tpu.memory_space<hbm>> -> memref<8x128xf32, #tpu.memory_space<hbm>>
    %dma_wait3A_1021 = arith.constant 0 : i32
    %dma_wait3A_1022 = arith.constant 0 : i32
    %dma_wait3A_1023 = tpu.memref_slice %arg7[%select_n3A_974, %dma_wait3A_1012, %select_n3A_990, %dma_wait3A_1021, %dma_wait3A_1022] : memref<200x8x8x8x128xf32, #tpu.memory_space<hbm>> -> memref<1x1x1x8x128xf32, #tpu.memory_space<hbm>>
    %dma_wait3A_1024 = tpu.memref_squeeze %dma_wait3A_1023 : memref<1x1x1x8x128xf32, #tpu.memory_space<hbm>> -> memref<8x128xf32, #tpu.memory_space<hbm>>
    %dma_wait3A_1025 = arith.constant 0 : i32
    %dma_wait3A_1026 = arith.constant 0 : i32
    %dma_wait3A_1027 = tpu.memref_slice %arg12[%dma_wait3A_1010, %dma_wait3A_1011, %dma_wait3A_1025, %dma_wait3A_1026] : memref<2x8x8x129xf32, #tpu.memory_space<vmem>> -> memref<1x1x8x128xf32, #tpu.memory_space<vmem>>
    %dma_wait3A_1028 = tpu.memref_squeeze %dma_wait3A_1027 : memref<1x1x8x128xf32, #tpu.memory_space<vmem>> -> memref<8x128xf32, #tpu.memory_space<vmem>>
    tpu.wait_dma2 semaphore(%arg19 : memref<!tpu.dma_semaphore, #tpu.memory_space<semaphore_mem>>) src(%dma_wait3A_1028 : memref<8x128xf32, #tpu.memory_space<vmem>>) dst(%dma_wait3A_1024 : memref<8x128xf32, #tpu.memory_space<hbm>>)
    %dma_wait3A_1029 = arith.constant 1 : i32
    %dma_wait3A_1030 = arith.constant 2 : i32
    %dma_wait3A_1031 = arith.constant 2 : i32
    %dma_wait3A_1032 = arith.constant 0 : i32
    %dma_wait3A_1033 = arith.constant 0 : i32
    %dma_wait3A_1034 = tpu.memref_slice %arg12[%dma_wait3A_1029, %dma_wait3A_1030, %dma_wait3A_1032, %dma_wait3A_1033] : memref<2x8x8x129xf32, #tpu.memory_space<vmem>> -> memref<1x1x8x128xf32, #tpu.memory_space<vmem>>
    %dma_wait3A_1035 = tpu.memref_squeeze %dma_wait3A_1034 : memref<1x1x8x128xf32, #tpu.memory_space<vmem>> -> memref<8x128xf32, #tpu.memory_space<vmem>>
    %dma_wait3A_1036 = arith.constant 0 : i32
    %dma_wait3A_1037 = arith.constant 0 : i32
    %dma_wait3A_1038 = tpu.memref_slice %arg7[%select_n3A_974, %dma_wait3A_1031, %select_n3A_990, %dma_wait3A_1036, %dma_wait3A_1037] : memref<200x8x8x8x128xf32, #tpu.memory_space<hbm>> -> memref<1x1x1x8x128xf32, #tpu.memory_space<hbm>>
    %dma_wait3A_1039 = tpu.memref_squeeze %dma_wait3A_1038 : memref<1x1x1x8x128xf32, #tpu.memory_space<hbm>> -> memref<8x128xf32, #tpu.memory_space<hbm>>
    %dma_wait3A_1040 = arith.constant 0 : i32
    %dma_wait3A_1041 = arith.constant 0 : i32
    %dma_wait3A_1042 = tpu.memref_slice %arg7[%select_n3A_974, %dma_wait3A_1031, %select_n3A_990, %dma_wait3A_1040, %dma_wait3A_1041] : memref<200x8x8x8x128xf32, #tpu.memory_space<hbm>> -> memref<1x1x1x8x128xf32, #tpu.memory_space<hbm>>
    %dma_wait3A_1043 = tpu.memref_squeeze %dma_wait3A_1042 : memref<1x1x1x8x128xf32, #tpu.memory_space<hbm>> -> memref<8x128xf32, #tpu.memory_space<hbm>>
    %dma_wait3A_1044 = arith.constant 0 : i32
    %dma_wait3A_1045 = arith.constant 0 : i32
    %dma_wait3A_1046 = tpu.memref_slice %arg12[%dma_wait3A_1029, %dma_wait3A_1030, %dma_wait3A_1044, %dma_wait3A_1045] : memref<2x8x8x129xf32, #tpu.memory_space<vmem>> -> memref<1x1x8x128xf32, #tpu.memory_space<vmem>>
    %dma_wait3A_1047 = tpu.memref_squeeze %dma_wait3A_1046 : memref<1x1x8x128xf32, #tpu.memory_space<vmem>> -> memref<8x128xf32, #tpu.memory_space<vmem>>
    tpu.wait_dma2 semaphore(%arg19 : memref<!tpu.dma_semaphore, #tpu.memory_space<semaphore_mem>>) src(%dma_wait3A_1047 : memref<8x128xf32, #tpu.memory_space<vmem>>) dst(%dma_wait3A_1043 : memref<8x128xf32, #tpu.memory_space<hbm>>)
    %dma_wait3A_1048 = arith.constant 1 : i32
    %dma_wait3A_1049 = arith.constant 3 : i32
    %dma_wait3A_1050 = arith.constant 3 : i32
    %dma_wait3A_1051 = arith.constant 0 : i32
    %dma_wait3A_1052 = arith.constant 0 : i32
    %dma_wait3A_1053 = tpu.memref_slice %arg12[%dma_wait3A_1048, %dma_wait3A_1049, %dma_wait3A_1051, %dma_wait3A_1052] : memref<2x8x8x129xf32, #tpu.memory_space<vmem>> -> memref<1x1x8x128xf32, #tpu.memory_space<vmem>>
    %dma_wait3A_1054 = tpu.memref_squeeze %dma_wait3A_1053 : memref<1x1x8x128xf32, #tpu.memory_space<vmem>> -> memref<8x128xf32, #tpu.memory_space<vmem>>
    %dma_wait3A_1055 = arith.constant 0 : i32
    %dma_wait3A_1056 = arith.constant 0 : i32
    %dma_wait3A_1057 = tpu.memref_slice %arg7[%select_n3A_974, %dma_wait3A_1050, %select_n3A_990, %dma_wait3A_1055, %dma_wait3A_1056] : memref<200x8x8x8x128xf32, #tpu.memory_space<hbm>> -> memref<1x1x1x8x128xf32, #tpu.memory_space<hbm>>
    %dma_wait3A_1058 = tpu.memref_squeeze %dma_wait3A_1057 : memref<1x1x1x8x128xf32, #tpu.memory_space<hbm>> -> memref<8x128xf32, #tpu.memory_space<hbm>>
    %dma_wait3A_1059 = arith.constant 0 : i32
    %dma_wait3A_1060 = arith.constant 0 : i32
    %dma_wait3A_1061 = tpu.memref_slice %arg7[%select_n3A_974, %dma_wait3A_1050, %select_n3A_990, %dma_wait3A_1059, %dma_wait3A_1060] : memref<200x8x8x8x128xf32, #tpu.memory_space<hbm>> -> memref<1x1x1x8x128xf32, #tpu.memory_space<hbm>>
    %dma_wait3A_1062 = tpu.memref_squeeze %dma_wait3A_1061 : memref<1x1x1x8x128xf32, #tpu.memory_space<hbm>> -> memref<8x128xf32, #tpu.memory_space<hbm>>
    %dma_wait3A_1063 = arith.constant 0 : i32
    %dma_wait3A_1064 = arith.constant 0 : i32
    %dma_wait3A_1065 = tpu.memref_slice %arg12[%dma_wait3A_1048, %dma_wait3A_1049, %dma_wait3A_1063, %dma_wait3A_1064] : memref<2x8x8x129xf32, #tpu.memory_space<vmem>> -> memref<1x1x8x128xf32, #tpu.memory_space<vmem>>
    %dma_wait3A_1066 = tpu.memref_squeeze %dma_wait3A_1065 : memref<1x1x8x128xf32, #tpu.memory_space<vmem>> -> memref<8x128xf32, #tpu.memory_space<vmem>>
    tpu.wait_dma2 semaphore(%arg19 : memref<!tpu.dma_semaphore, #tpu.memory_space<semaphore_mem>>) src(%dma_wait3A_1066 : memref<8x128xf32, #tpu.memory_space<vmem>>) dst(%dma_wait3A_1062 : memref<8x128xf32, #tpu.memory_space<hbm>>)
    %dma_wait3A_1067 = arith.constant 1 : i32
    %dma_wait3A_1068 = arith.constant 4 : i32
    %dma_wait3A_1069 = arith.constant 4 : i32
    %dma_wait3A_1070 = arith.constant 0 : i32
    %dma_wait3A_1071 = arith.constant 0 : i32
    %dma_wait3A_1072 = tpu.memref_slice %arg12[%dma_wait3A_1067, %dma_wait3A_1068, %dma_wait3A_1070, %dma_wait3A_1071] : memref<2x8x8x129xf32, #tpu.memory_space<vmem>> -> memref<1x1x8x128xf32, #tpu.memory_space<vmem>>
    %dma_wait3A_1073 = tpu.memref_squeeze %dma_wait3A_1072 : memref<1x1x8x128xf32, #tpu.memory_space<vmem>> -> memref<8x128xf32, #tpu.memory_space<vmem>>
    %dma_wait3A_1074 = arith.constant 0 : i32
    %dma_wait3A_1075 = arith.constant 0 : i32
    %dma_wait3A_1076 = tpu.memref_slice %arg7[%select_n3A_974, %dma_wait3A_1069, %select_n3A_990, %dma_wait3A_1074, %dma_wait3A_1075] : memref<200x8x8x8x128xf32, #tpu.memory_space<hbm>> -> memref<1x1x1x8x128xf32, #tpu.memory_space<hbm>>
    %dma_wait3A_1077 = tpu.memref_squeeze %dma_wait3A_1076 : memref<1x1x1x8x128xf32, #tpu.memory_space<hbm>> -> memref<8x128xf32, #tpu.memory_space<hbm>>
    %dma_wait3A_1078 = arith.constant 0 : i32
    %dma_wait3A_1079 = arith.constant 0 : i32
    %dma_wait3A_1080 = tpu.memref_slice %arg7[%select_n3A_974, %dma_wait3A_1069, %select_n3A_990, %dma_wait3A_1078, %dma_wait3A_1079] : memref<200x8x8x8x128xf32, #tpu.memory_space<hbm>> -> memref<1x1x1x8x128xf32, #tpu.memory_space<hbm>>
    %dma_wait3A_1081 = tpu.memref_squeeze %dma_wait3A_1080 : memref<1x1x1x8x128xf32, #tpu.memory_space<hbm>> -> memref<8x128xf32, #tpu.memory_space<hbm>>
    %dma_wait3A_1082 = arith.constant 0 : i32
    %dma_wait3A_1083 = arith.constant 0 : i32
    %dma_wait3A_1084 = tpu.memref_slice %arg12[%dma_wait3A_1067, %dma_wait3A_1068, %dma_wait3A_1082, %dma_wait3A_1083] : memref<2x8x8x129xf32, #tpu.memory_space<vmem>> -> memref<1x1x8x128xf32, #tpu.memory_space<vmem>>
    %dma_wait3A_1085 = tpu.memref_squeeze %dma_wait3A_1084 : memref<1x1x8x128xf32, #tpu.memory_space<vmem>> -> memref<8x128xf32, #tpu.memory_space<vmem>>
    tpu.wait_dma2 semaphore(%arg19 : memref<!tpu.dma_semaphore, #tpu.memory_space<semaphore_mem>>) src(%dma_wait3A_1085 : memref<8x128xf32, #tpu.memory_space<vmem>>) dst(%dma_wait3A_1081 : memref<8x128xf32, #tpu.memory_space<hbm>>)
    %dma_wait3A_1086 = arith.constant 1 : i32
    %dma_wait3A_1087 = arith.constant 5 : i32
    %dma_wait3A_1088 = arith.constant 5 : i32
    %dma_wait3A_1089 = arith.constant 0 : i32
    %dma_wait3A_1090 = arith.constant 0 : i32
    %dma_wait3A_1091 = tpu.memref_slice %arg12[%dma_wait3A_1086, %dma_wait3A_1087, %dma_wait3A_1089, %dma_wait3A_1090] : memref<2x8x8x129xf32, #tpu.memory_space<vmem>> -> memref<1x1x8x128xf32, #tpu.memory_space<vmem>>
    %dma_wait3A_1092 = tpu.memref_squeeze %dma_wait3A_1091 : memref<1x1x8x128xf32, #tpu.memory_space<vmem>> -> memref<8x128xf32, #tpu.memory_space<vmem>>
    %dma_wait3A_1093 = arith.constant 0 : i32
    %dma_wait3A_1094 = arith.constant 0 : i32
    %dma_wait3A_1095 = tpu.memref_slice %arg7[%select_n3A_974, %dma_wait3A_1088, %select_n3A_990, %dma_wait3A_1093, %dma_wait3A_1094] : memref<200x8x8x8x128xf32, #tpu.memory_space<hbm>> -> memref<1x1x1x8x128xf32, #tpu.memory_space<hbm>>
    %dma_wait3A_1096 = tpu.memref_squeeze %dma_wait3A_1095 : memref<1x1x1x8x128xf32, #tpu.memory_space<hbm>> -> memref<8x128xf32, #tpu.memory_space<hbm>>
    %dma_wait3A_1097 = arith.constant 0 : i32
    %dma_wait3A_1098 = arith.constant 0 : i32
    %dma_wait3A_1099 = tpu.memref_slice %arg7[%select_n3A_974, %dma_wait3A_1088, %select_n3A_990, %dma_wait3A_1097, %dma_wait3A_1098] : memref<200x8x8x8x128xf32, #tpu.memory_space<hbm>> -> memref<1x1x1x8x128xf32, #tpu.memory_space<hbm>>
    %dma_wait3A_1100 = tpu.memref_squeeze %dma_wait3A_1099 : memref<1x1x1x8x128xf32, #tpu.memory_space<hbm>> -> memref<8x128xf32, #tpu.memory_space<hbm>>
    %dma_wait3A_1101 = arith.constant 0 : i32
    %dma_wait3A_1102 = arith.constant 0 : i32
    %dma_wait3A_1103 = tpu.memref_slice %arg12[%dma_wait3A_1086, %dma_wait3A_1087, %dma_wait3A_1101, %dma_wait3A_1102] : memref<2x8x8x129xf32, #tpu.memory_space<vmem>> -> memref<1x1x8x128xf32, #tpu.memory_space<vmem>>
    %dma_wait3A_1104 = tpu.memref_squeeze %dma_wait3A_1103 : memref<1x1x8x128xf32, #tpu.memory_space<vmem>> -> memref<8x128xf32, #tpu.memory_space<vmem>>
    tpu.wait_dma2 semaphore(%arg19 : memref<!tpu.dma_semaphore, #tpu.memory_space<semaphore_mem>>) src(%dma_wait3A_1104 : memref<8x128xf32, #tpu.memory_space<vmem>>) dst(%dma_wait3A_1100 : memref<8x128xf32, #tpu.memory_space<hbm>>)
    %dma_wait3A_1105 = arith.constant 1 : i32
    %dma_wait3A_1106 = arith.constant 6 : i32
    %dma_wait3A_1107 = arith.constant 6 : i32
    %dma_wait3A_1108 = arith.constant 0 : i32
    %dma_wait3A_1109 = arith.constant 0 : i32
    %dma_wait3A_1110 = tpu.memref_slice %arg12[%dma_wait3A_1105, %dma_wait3A_1106, %dma_wait3A_1108, %dma_wait3A_1109] : memref<2x8x8x129xf32, #tpu.memory_space<vmem>> -> memref<1x1x8x128xf32, #tpu.memory_space<vmem>>
    %dma_wait3A_1111 = tpu.memref_squeeze %dma_wait3A_1110 : memref<1x1x8x128xf32, #tpu.memory_space<vmem>> -> memref<8x128xf32, #tpu.memory_space<vmem>>
    %dma_wait3A_1112 = arith.constant 0 : i32
    %dma_wait3A_1113 = arith.constant 0 : i32
    %dma_wait3A_1114 = tpu.memref_slice %arg7[%select_n3A_974, %dma_wait3A_1107, %select_n3A_990, %dma_wait3A_1112, %dma_wait3A_1113] : memref<200x8x8x8x128xf32, #tpu.memory_space<hbm>> -> memref<1x1x1x8x128xf32, #tpu.memory_space<hbm>>
    %dma_wait3A_1115 = tpu.memref_squeeze %dma_wait3A_1114 : memref<1x1x1x8x128xf32, #tpu.memory_space<hbm>> -> memref<8x128xf32, #tpu.memory_space<hbm>>
    %dma_wait3A_1116 = arith.constant 0 : i32
    %dma_wait3A_1117 = arith.constant 0 : i32
    %dma_wait3A_1118 = tpu.memref_slice %arg7[%select_n3A_974, %dma_wait3A_1107, %select_n3A_990, %dma_wait3A_1116, %dma_wait3A_1117] : memref<200x8x8x8x128xf32, #tpu.memory_space<hbm>> -> memref<1x1x1x8x128xf32, #tpu.memory_space<hbm>>
    %dma_wait3A_1119 = tpu.memref_squeeze %dma_wait3A_1118 : memref<1x1x1x8x128xf32, #tpu.memory_space<hbm>> -> memref<8x128xf32, #tpu.memory_space<hbm>>
    %dma_wait3A_1120 = arith.constant 0 : i32
    %dma_wait3A_1121 = arith.constant 0 : i32
    %dma_wait3A_1122 = tpu.memref_slice %arg12[%dma_wait3A_1105, %dma_wait3A_1106, %dma_wait3A_1120, %dma_wait3A_1121] : memref<2x8x8x129xf32, #tpu.memory_space<vmem>> -> memref<1x1x8x128xf32, #tpu.memory_space<vmem>>
    %dma_wait3A_1123 = tpu.memref_squeeze %dma_wait3A_1122 : memref<1x1x8x128xf32, #tpu.memory_space<vmem>> -> memref<8x128xf32, #tpu.memory_space<vmem>>
    tpu.wait_dma2 semaphore(%arg19 : memref<!tpu.dma_semaphore, #tpu.memory_space<semaphore_mem>>) src(%dma_wait3A_1123 : memref<8x128xf32, #tpu.memory_space<vmem>>) dst(%dma_wait3A_1119 : memref<8x128xf32, #tpu.memory_space<hbm>>)
    %dma_wait3A_1124 = arith.constant 1 : i32
    %dma_wait3A_1125 = arith.constant 7 : i32
    %dma_wait3A_1126 = arith.constant 7 : i32
    %dma_wait3A_1127 = arith.constant 0 : i32
    %dma_wait3A_1128 = arith.constant 0 : i32
    %dma_wait3A_1129 = tpu.memref_slice %arg12[%dma_wait3A_1124, %dma_wait3A_1125, %dma_wait3A_1127, %dma_wait3A_1128] : memref<2x8x8x129xf32, #tpu.memory_space<vmem>> -> memref<1x1x8x128xf32, #tpu.memory_space<vmem>>
    %dma_wait3A_1130 = tpu.memref_squeeze %dma_wait3A_1129 : memref<1x1x8x128xf32, #tpu.memory_space<vmem>> -> memref<8x128xf32, #tpu.memory_space<vmem>>
    %dma_wait3A_1131 = arith.constant 0 : i32
    %dma_wait3A_1132 = arith.constant 0 : i32
    %dma_wait3A_1133 = tpu.memref_slice %arg7[%select_n3A_974, %dma_wait3A_1126, %select_n3A_990, %dma_wait3A_1131, %dma_wait3A_1132] : memref<200x8x8x8x128xf32, #tpu.memory_space<hbm>> -> memref<1x1x1x8x128xf32, #tpu.memory_space<hbm>>
    %dma_wait3A_1134 = tpu.memref_squeeze %dma_wait3A_1133 : memref<1x1x1x8x128xf32, #tpu.memory_space<hbm>> -> memref<8x128xf32, #tpu.memory_space<hbm>>
    %dma_wait3A_1135 = arith.constant 0 : i32
    %dma_wait3A_1136 = arith.constant 0 : i32
    %dma_wait3A_1137 = tpu.memref_slice %arg7[%select_n3A_974, %dma_wait3A_1126, %select_n3A_990, %dma_wait3A_1135, %dma_wait3A_1136] : memref<200x8x8x8x128xf32, #tpu.memory_space<hbm>> -> memref<1x1x1x8x128xf32, #tpu.memory_space<hbm>>
    %dma_wait3A_1138 = tpu.memref_squeeze %dma_wait3A_1137 : memref<1x1x1x8x128xf32, #tpu.memory_space<hbm>> -> memref<8x128xf32, #tpu.memory_space<hbm>>
    %dma_wait3A_1139 = arith.constant 0 : i32
    %dma_wait3A_1140 = arith.constant 0 : i32
    %dma_wait3A_1141 = tpu.memref_slice %arg12[%dma_wait3A_1124, %dma_wait3A_1125, %dma_wait3A_1139, %dma_wait3A_1140] : memref<2x8x8x129xf32, #tpu.memory_space<vmem>> -> memref<1x1x8x128xf32, #tpu.memory_space<vmem>>
    %dma_wait3A_1142 = tpu.memref_squeeze %dma_wait3A_1141 : memref<1x1x8x128xf32, #tpu.memory_space<vmem>> -> memref<8x128xf32, #tpu.memory_space<vmem>>
    tpu.wait_dma2 semaphore(%arg19 : memref<!tpu.dma_semaphore, #tpu.memory_space<semaphore_mem>>) src(%dma_wait3A_1142 : memref<8x128xf32, #tpu.memory_space<vmem>>) dst(%dma_wait3A_1138 : memref<8x128xf32, #tpu.memory_space<hbm>>)
    return
  }
}

</mosaic_0001>

<sc_bundles>
// kernel: kernel.3.cloned.1.call-start
scs
__scs_entry_jumppad:
0x0: {  	(pc) =	sbr.rel $0x88, $3  }
0x1: {  	(tag) =	ssettag $0x0;
	lr =	simm.s32 $0x1  }
0x2: {  	[smem:$0x3F9B] =	sst lr;
	_ =	strace $0xD0000000  }
0x3: {  	_ = 	snop  }
0x4: {  	_ = 	snop  }
0x5: {  	_ = 	snop  }
0x6: {  	_ = 	snop  }
0x7: {  	_ = 	snop  }
__scs_overlays_trampoline_lowered:
0x8: {  	[smem:$0x3FAA] =	sst s0  }
0x9: {  	[smem:$0x3FAB] =	sst s1  }
0xa: {  	[smem:$0x3FAC] =	sst s2  }
0xb: {  	[smem:$0x3FAD] =	sst s3  }
0xc: {  	[smem:$0x3FAE] =	sst s4  }
0xd: {  	[smem:$0x3FAF] =	sst s5  }
0xe: {  	[smem:$0x3FB0] =	sst s6  }
0xf: {  	[smem:$0x3FB1] =	sst s7  }
0x10: {  	[smem:$0x3FB2] =	sst s8  }
0x11: {  	[smem:$0x3FB3] =	sst s9;
	s0 =	simm.s32 @!p0 $0x0  }
0x12: {  	s1 =	sld [smem:$0x3F99];
	s0 =	simm.s32 @p0 $0x1  }
0x13: {  	[smem:$0x3FB4] =	sst s0;
	s0 =	simm.s32 @!p1 $0x0  }
0x14: {  	s2 =	sld [smem:$0x3F98];
	s0 =	simm.s32 @p1 $0x1  }
0x15: {  	[smem:$0x3FB5] =	sst s0;
	s0 =	simm.s32 @!p2 $0x0  }
0x16: {  	s3 =	sld [smem:$0x3FDB];
	s0 =	simm.s32 @p2 $0x1  }
0x17: {  	s4 =	simm.s32 $0x1BF5;
	[smem:$0x3FB7] =	sst s0  }
0x18: {  	s0 =	sld [smem:$0x3F9A];
	_ =	swait.ge [sflag:s4], $0x0  }
0x19: {  	s7 =	sld [smem:$0x3F9B]  }
0x1a: {  	s8 =	sadd.s32 $0xFFFFE003, lr  }
0x1b: {  	s9 =	sadd.s32 $0xFFFFFEF7, lr;
	s5 =	simm.s32 $0xFFFFFFFF;
	p2 =	slt.u32 s8, $0xFFFFF086  }
0x1c: {  	p1 =	slt.u32 s9, $0xF7A;
	s5 =	simm.s32 @!p2 $0x0  }
0x1d: {  	s5 =	simm.s32 @p1 $0x1;
	p0 =	seq.s32 s7, s2  }
0x1e: {  	s7 =	smul.u32 @!p0 $0xF7A, s2;
	p2 =	seq.s32 @!p0 s5, $0x0  }
0x1f: {  	s9 =	smul.u32 $0xF7A, s1;
	s8 =	simm.s32 @!p0 $0x1BF5;
	p2 =	por !p2, p0  }
0x20: {  	[sflag:s8] =	ssyncset.s32 @!p0 $0xFFFFF086;
	s6 =	sadd.s32 @!p0 s3, s7;
	s7 =	simm.s32 @!p0 $0x108  }
0x21: {  	s3 =	sadd.s32 s3, s9;
	s6 =	sadd.s32 @!p0 $0x88, s6;
	s7 =	simm.s32 @p2 $0x1082  }
0x22: {  	[simem:s7], [sflag:s8] =	dma.local @!p0 [hbm:s6], $0xF7A  }
0x23: {  	s9 =	sor.u32 $0xD0000000, s2;
	s6 =	simm.s32 $0x108;
	_ =	swait.ge @!p0 [sflag:s8], $0x0  }
0x24: {  	s3 =	sadd.s32 $0x88, s3;
	s6 =	simm.s32 @!p1 $0x1082;
	[sflag:s4] =	ssyncset.s32 $0xFFFFF086  }
0x25: {  	[simem:s6], [sflag:s4] =	dma.local [hbm:s3], $0xF7A  }
0x26: {  	[smem:$0x3F9B] =	sst s1;
	(tag) =	ssettag s2;
	_ =	strace s9  }
0x27: {  	s1 =	sld [smem:$0x3FAB]  }
0x28: {  	s2 =	sld [smem:$0x3FAC]  }
0x29: {  	s4 =	sld [smem:$0x3FAE]  }
0x2a: {  	p0 =	seq.s32 s5, $0x0;
	s5 =	sld [smem:$0x3FAF]  }
0x2b: {  	s6 =	sld [smem:$0x3FB0]  }
0x2c: {  	s7 =	sld [smem:$0x3FB1]  }
0x2d: {  	s3 =	simm.s32 $0x108;
	s8 =	sld [smem:$0x3FB2]  }
0x2e: {  	s3 =	simm.s32 @!p0 $0x1082;
	s9 =	sld [smem:$0x3FB3]  }
0x2f: {  	lr =	sadd.s32 s0, s3;
	s0 =	sld [smem:$0x3FAA]  }
0x30: {  	s3 =	sld [smem:$0x3FAD]  }
0x31: {  	[smem:$0x3FB6] =	sst s10  }
0x32: {  	s10 =	sld [smem:$0x3FB4];
	_ =	sdelay $0x3  }
0x33: {  	p0 =	seq.s32 s10, $0x1;
	s10 =	sld [smem:$0x3FB6];
	_ =	sdelay $0x3  }
0x34: {  	[smem:$0x3FB6] =	sst s10  }
0x35: {  	s10 =	sld [smem:$0x3FB5];
	_ =	sdelay $0x3  }
0x36: {  	p1 =	seq.s32 s10, $0x1;
	s10 =	sld [smem:$0x3FB6];
	_ =	sdelay $0x3  }
0x37: {  	[smem:$0x3FB6] =	sst s10  }
0x38: {  	s10 =	sld [smem:$0x3FB7]  }
0x39: {  	_ = 	snop;
	(pc) =	sbr.ind lr, $3  }
0x3a: {  	_ = 	snop  }
0x3b: {  	_ = 	snop  }
0x3c: {  	p2 =	seq.s32 s10, $0x1;
	s10 =	sld [smem:$0x3FB6]  }
0x3d: {  	_ =	shalt  }
0x3e: {  	_ =	shalt  }
0x3f: {  	_ =	shalt  }
0x40: {  	_ =	shalt  }
0x41: {  	_ =	shalt  }
0x42: {  	_ =	shalt  }
0x43: {  	_ =	shalt  }
0x44: {  	_ =	shalt  }
0x45: {  	_ =	shalt  }
0x46: {  	_ =	shalt  }
0x47: {  	_ =	shalt  }
0x48: {  	_ =	shalt  }
0x49: {  	_ =	shalt  }
0x4a: {  	_ =	shalt  }
0x4b: {  	_ =	shalt  }
0x4c: {  	_ =	shalt  }
0x4d: {  	_ =	shalt  }
0x4e: {  	_ =	shalt  }
0x4f: {  	_ =	shalt  }
0x50: {  	_ =	shalt  }
0x51: {  	_ =	shalt  }
0x52: {  	_ =	shalt  }
0x53: {  	_ =	shalt  }
0x54: {  	_ =	shalt  }
0x55: {  	_ =	shalt  }
0x56: {  	_ =	shalt  }
0x57: {  	_ =	shalt  }
0x58: {  	_ =	shalt  }
0x59: {  	_ =	shalt  }
0x5a: {  	_ =	shalt  }
0x5b: {  	_ =	shalt  }
0x5c: {  	_ =	shalt  }
0x5d: {  	_ =	shalt  }
0x5e: {  	_ =	shalt  }
0x5f: {  	_ =	shalt  }
0x60: {  	_ =	shalt  }
0x61: {  	_ =	shalt  }
0x62: {  	_ =	shalt  }
0x63: {  	_ =	shalt  }
0x64: {  	_ =	shalt  }
0x65: {  	_ =	shalt  }
0x66: {  	_ =	shalt  }
0x67: {  	_ =	shalt  }
0x68: {  	_ =	shalt  }
0x69: {  	_ =	shalt  }
0x6a: {  	_ =	shalt  }
0x6b: {  	_ =	shalt  }
0x6c: {  	_ =	shalt  }
0x6d: {  	_ =	shalt  }
0x6e: {  	_ =	shalt  }
0x6f: {  	_ =	shalt  }
0x70: {  	_ =	shalt  }
0x71: {  	_ =	shalt  }
0x72: {  	_ =	shalt  }
0x73: {  	_ =	shalt  }
0x74: {  	_ =	shalt  }
0x75: {  	_ =	shalt  }
0x76: {  	_ =	shalt  }
0x77: {  	_ =	shalt  }
0x78: {  	_ =	shalt  }
0x79: {  	_ =	shalt  }
0x7a: {  	_ =	shalt  }
0x7b: {  	_ =	shalt  }
0x7c: {  	_ =	shalt  }
0x7d: {  	_ =	shalt  }
0x7e: {  	_ =	shalt  }
0x7f: {  	_ =	shalt  }
0x80: {  	_ =	shalt  }
0x81: {  	_ =	shalt  }
0x82: {  	_ =	shalt  }
0x83: {  	_ =	shalt  }
0x84: {  	_ =	shalt  }
0x85: {  	_ =	shalt  }
0x86: {  	_ =	shalt  }
0x87: {  	_ =	shalt  }
.Lfunc_end0:
.L_simem_size_0:
called_computation_lowered:
.L_overlay_start_0:
0x88: {  	s2 =	sld [smem:$0x3FD9]  }
0x89: {  	s3 =	sld [smem:$0x3FFE];
	_ =	sdelay $0x1  }
0x8a: {  	s1 =	srdreg.scid  }
0x8b: {  	s0 =	sand.u32 $0x1, s1  }
0x8c: {  	s17 =	sshll.u32 s0, $0xA;
	s2 =	sadd.s32 s3, s2  }
0x8d: {  	s2 =	sadd.s32 s2, s17  }
0x8e: {  	[smem:$0x3FC2] =	sst s2  }
0x8f: {  	_ = 	snop  }
0x90: {  	s2 =	sld [smem:$0x3FC9]  }
0x91: {  	s18 =	sld [smem:$0x3FC8]  }
0x92: {  	s4 =	sld [smem:$0x3FD0];
	(tm) =	ssettm $0x1  }
0x93: {  	s5 =	sld [smem:$0x3FFB];
	_ =	sdelay $0x3  }
0x94: {  	_ =	strace s5  }
0x95: {  	s5 =	sld [smem:$0x3FFC];
	_ =	sdelay $0x3  }
0x96: {  	_ =	strace s5  }
0x97: {  	s5 =	sld [smem:$0x3FFD];
	_ =	sdelay $0x3  }
0x98: {  	_ =	strace s5  }
0x99: {  	_ =	strace $0x8FFFFFFF  }
0x9a: {  	s19 =	sld [smem:$0x3FDB];
	_ =	sdelay $0x1  }
0x9b: {  	s6 =	simm.s32 $_scs_section_size  }
0x9c: {  	s7 =	simm.s32 $_size__tile_overlayer_lowered;
	s8 =	simm.s32 $_tile_overlayer_lowered  }
0x9d: {  	s22 =	simm.s32 $0x1BFF;
	s21 =	sshll.u32 s8, $0x1;
	s5 =	sadd.s32 s6, s19  }
0x9e: {  	s9 =	simm.s32 $0x0;
	s20 =	sshll.u32 s7, $0x1;
	s7 =	sadd.s32 s21, s5  }
0x9f: {  	[timem:s9], [sflag:s22] =	dma.local [hbm:s7], s20  }
0xa0: {  	_ =	swait.ge [sflag:s22], s20  }
0xa1: {  	s6 =	ssub.s32 $0x0, s20;
	[sflag:s22] =	ssyncset.done $0x0  }
0xa2: {  	[sflag:s22] =	ssyncadd.s32 s6;
	_ =	sdelay $0x1  }
0xa3: {  	s23 =	simm.s32 $0x1B8B  }
0xa4: {  	_ =	swait.ge [sflag:s23], $0x1  }
0xa5: {  	[sflag:s23] =	ssyncset.done $0x0  }
0xa6: {  	s25 =	simm.s32 $0x1B8E;
	s24 =	sld [smem:$0x3FFE];
	[sflag:s23] =	ssyncadd.s32 $0xFFFFFFFF  }
0xa7: {  	s26 =	simm.s32 $execute0_lowered;
	[smem:$0x3FD2] =	sst s25  }
0xa8: {  	s7 =	sshll.u32 s26, $0x1;
	_ =	strace $0x80000046;
	[dreg:$0x1] =	wrdreg $0xFFFFFFFF  }
0xa9: {  	s28 =	simm.s32 $_size_execute0_lowered;
	s5 =	sadd.s32 s5, s7;
	[dreg:$0x0] =	wrdreg $0x0  }
0xaa: {  	s7 =	sshll.u32 s28, $0x1;
	[dreg:$0x2] =	wrdreg s5  }
0xab: {  	[dreg:$0x3] =	wrdreg s7  }
0xac: {  	[dreg:$0x4] =	wrdreg $0xC0  }
0xad: {  	_ =	task [dreg:s9], $0x5FFFF  }
0xae: {  	[dreg:$0x1] =	wrdreg $0xFFFFFFFF  }
0xaf: {  	[dreg:$0x0] =	wrdreg $0x60  }
0xb0: {  	[dreg:$0x2] =	wrdreg s2  }
0xb1: {  	[dreg:$0x3] =	wrdreg s18  }
0xb2: {  	[dreg:$0x4] =	wrdreg s24  }
0xb3: {  	[dreg:$0x5] =	wrdreg s4  }
0xb4: {  	[dreg:$0x6] =	wrdreg $0x9  }
0xb5: {  	_ =	task.clear_ibuf [dreg:s9], $0x7FFFF;
	_ =	strace $0x90000046  }
0xb6: {  	s29 =	simm.s32 $0x9;
	_ =	strace $0x80000048  }
0xb7: {  	_ =	swait.ge [sflag:s29], $0x1  }
0xb8: {  	[sflag:s29] =	ssyncadd.s32 $0xFFFFFFFF  }
0xb9: {  	_ =	strace $0x90000048  }
0xba: {  	_ =	sfence  }
0xbb: {  	s30 =	sld [smem:$0x0];
	_ =	sdelay $0x2  }
0xbc: {  	s31 =	sshll.u32 s1, $0xD;
	s1 =	sshrl.u32 s1, $0x2  }
0xbd: {  	s3 =	sand.u32 $0x4000, s31;
	s1 =	sadd.s32 s1, s30  }
0xbe: {  	s0 =	sor.u32 s3, s0;
	s1 =	sshll.u32 s1, $0x11  }
0xbf: {  	s0 =	sor.u32 s1, s0  }
0xc0: {  	s0 =	sadd.s32 $0x8F2B, s0  }
0xc1: {  	[sflag:s0] =	ssyncadd.remote.s32 $0x1  }
0xc2: {  	_ =	sfence.sel $0xFFFF  }
0xc3: {  	[dreg:$0x0] =	wrdreg $0xFFFFFFFF;
	(pc) =	sbr.abs _section_cstart, $3  }
0xc4: {  	[dreg:$0x1] =	wrdreg $0xFFFFFFFF  }
0xc5: {  	_ =	task.clear_ibuf [dreg:s9], $0x2FFFF;
	_ =	strace $0x9FFFFFFF  }
0xc6: {  	(tm) =	ssettm $0x7FFFFFFF  }
0xc7: {  	_ =	shalt  }
tec
execute0_lowered:
.L_overlay_start_1:
0x0: {  	(tag) =	ssettag $0x1  }
0x1: {  	s12 =	rddreg [dreg:$0x0]  }
0x2: {  	s2 =	rddreg [dreg:$0x1]  }
0x3: {  	s0 =	rddreg [dreg:$0x2];
	s3 =	srdreg.scid  }
0x4: {  	s1 =	stileid.u32;
	s13 =	rddreg [dreg:$0x3];
	s5 =	simm.s32 $0x0  }
0x5: {  	s29 =	simm.s32 $0x12A00;
	s3 =	sand.u32 $0x1, s3;
	s6 =	sshll.u32 s1, $0x1  }
0x6: {  	[smem:$0x7FF] =	sst s5;
	s21 =	sadd.s32 $0x2A00, s0;
	s4 =	smov.u32 s2  }
0x7: {  	s14 =	sadd.s32 $0x1200, s0;
	s15 =	sadd.s32 $0x1A00, s0;
	s16 =	sadd.s32 $0x2200, s0  }
0x8: {  	s17 =	sadd.s32 $0x400, s13;
	s18 =	sadd.s32 $0x800, s13;
	s19 =	sadd.s32 $0xC00, s13  }
0x9: {  	s20 =	sadd.s32 $0x1000, s13;
	s8 =	sor.u32 s3, s6;
	_ =	strace $0x80000047  }
0xa: {  	s6 =	sadd.s32 $0x61B200, s0;
	s3 =	ssub.s32 $0x2, s3;
	[dreg:$0x5] =	wrdreg s21  }
0xb: {  	s21 =	sadd.s32 $0x1400, s13;
	s7 =	smul.u32 $0x6400, s8;
	s9 =	sshll.u32 s8, $0xA  }
0xc: {  	s22 =	sshrl.u32 s3, $0x1;
	s23 =	smul.u32 $0x32, s8;
	s9 =	sand.u32 $0xC00, s9  }
0xd: {  	s3 =	ssub.s32 s3, s22;
	s22 =	sadd.s32 $0x1800, s13;
	s10 =	sand.u32 $0xFF000, s7  }
0xe: {  	s7 =	sadd.s32 $0xA00, s0;
	[dreg:$0x6] =	wrdreg s23;
	s23 =	sadd.s32 $0x1C00, s13  }
0xf: {  	s31 =	smax.u32 s3, $0x1;
	s3 =	simm.s32 $0x80;
	s9 =	sor.u32 s9, s10  }
0x10: {  	s0 =	simm.s32 $0x2;
	[dreg:$0xb] =	wrdreg s31;
	s11 =	sshrl.u32 s9, $0x3  }
0x11: {  	s9 =	smov.u32 s13;
	s13 =	simm.s32 $0x10800;
	s25 =	sadd.s32 s12, s11  }
0x12: {  	v0 =	vlaneseq.u32;
	s24 =	sor.u32 $0x40, s11;
	s26 =	sadd.s32 s2, s11;
	[dreg:$0x7] =	wrdreg s25  }
0x13: {  	v0 =	vmul.u32 $0x88, v0;
	[dreg:$0x8] =	wrdreg s26;
	s28 =	sadd.s32 s12, s24;
	s30 =	sadd.s32 s2, s24  }
0x14: {  	s25 =	simm.s32 $0x3;
	s26 =	simm.s32 $0x4;
	[dreg:$0x9] =	wrdreg s28  }
0x15: {  	v1 =	vadd.s32 $0x880, v0;
	v2 =	vadd.s32 $0x1100, v0;
	v3 =	vadd.s32 $0x1980, v0;
	s24 =	simm.s32 $0x6;
	s2 =	simm.s32 $0x0;
	[dreg:$0xa] =	wrdreg s30  }
.LBB2_1:
0x16: {  	[dreg:$0xc] =	wrdreg s2  }
0x17: {  	s1 =	rddreg [dreg:$0x5];
	s8 =	simm.s32 $0x14C00;
	s10 =	simm.s32 $0x7  }
0x18: {  	[tilespmem:s8], [sflag:$0x7] =	stream.linear.gather [hbm4b:s1+s5], $0x80, $0x38;
	[tilespmem:$0x14C80] =	vst v63  }
0x19: {  	_ =	swait.ge [sflag:s10], $0x80  }
0x1a: {  	[sflag:s10] =	ssyncset.done $0x0  }
0x1b: {  	[sflag:s10] =	ssyncadd.s32 $0xFFFFFF80  }
0x1c: {  	v4 =	vld [tilespmem:$0x14C00]  }
0x1d: {  	v5 =	vld [tilespmem:$0x14C10]  }
0x1e: {  	v6 =	vld [tilespmem:$0x14C20]  }
0x1f: {  	v7 =	vld [tilespmem:$0x14C30]  }
0x20: {  	v8 =	vld [tilespmem:$0x14C40]  }
0x21: {  	v9 =	vld [tilespmem:$0x14C50]  }
0x22: {  	s11 =	rddreg [dreg:$0x7];
	v10 =	vld [tilespmem:$0x14C60]  }
0x23: {  	v11 =	vld [tilespmem:$0x14C70];
	[tilespmem:s5], [sflag:$0x1] =	stream.linear.gather [hbm4b:s11+s5], $0x200, $0x38  }
0x24: {  	s2 =	simm.s32 $0x400;
	s28 =	rddreg [dreg:$0x8]  }
0x25: {  	[tilespmem:s2], [sflag:$0x1] =	stream.linear.gather [hbm4b:s28+s5], $0x200, $0x38;
	[tilespmem:$0x14C80] =	vst v63  }
0x26: {  	s8 =	simm.s32 $0x200;
	s30 =	rddreg [dreg:$0x9]  }
0x27: {  	[tilespmem:s8], [sflag:$0x2] =	stream.linear.gather [hbm4b:s30+s5], $0x200, $0x38;
	[tilespmem:$0x14C80] =	vst v63  }
0x28: {  	s10 =	simm.s32 $0x600;
	s11 =	simm.s32 $0x1;
	s8 =	rddreg [dreg:$0xa]  }
0x29: {  	[tilespmem:s10], [sflag:$0x2] =	stream.linear.gather [hbm4b:s8+s5], $0x200, $0x38;
	[tilespmem:$0x14C80] =	vst v63  }
0x2a: {  	_ =	swait.ge [sflag:s11], $0x200  }
0x2b: {  	[sflag:s11] =	ssyncset.done $0x0  }
0x2c: {  	[sflag:s11] =	ssyncadd.s32 $0xFFFFFE00  }
0x2d: {  	_ =	swait.ge [sflag:s11], $0x200  }
0x2e: {  	[sflag:s11] =	ssyncset.done $0x0  }
0x2f: {  	[sflag:s11] =	ssyncadd.s32 $0xFFFFFE00  }
0x30: {  	v12 =	vld [tilespmem:$0x80]  }
0x31: {  	v13 =	vld [tilespmem:$0x90]  }
0x32: {  	v14 =	vld [tilespmem:$0xA0]  }
0x33: {  	v15 =	vld [tilespmem:$0xB0]  }
0x34: {  	v16 =	vld [tilespmem:$0xC0]  }
0x35: {  	v17 =	vld [tilespmem:$0xD0];
	v12 =	vadd.s32 $0x186A0, v12  }
0x36: {  	v24 =	vld [tilespmem:$0xE0];
	v23 =	vadd.s32 $0x186A0, v13;
	[tilespmem:$0x80] =	vst v12  }
0x37: {  	v26 =	vld [tilespmem:$0xF0];
	v25 =	vadd.s32 $0x186A0, v14;
	[tilespmem:$0x90] =	vst v23  }
0x38: {  	v28 =	vld [tilespmem:$0x100];
	v27 =	vadd.s32 $0x186A0, v15;
	[tilespmem:$0xA0] =	vst v25  }
0x39: {  	v30 =	vld [tilespmem:$0x110];
	v29 =	vadd.s32 $0x186A0, v16;
	[tilespmem:$0xB0] =	vst v27  }
0x3a: {  	v32 =	vld [tilespmem:$0x120];
	v31 =	vadd.s32 $0x186A0, v17;
	[tilespmem:$0xC0] =	vst v29  }
0x3b: {  	v34 =	vld [tilespmem:$0x130];
	v33 =	vadd.s32 $0x186A0, v24;
	[tilespmem:$0xD0] =	vst v31  }
0x3c: {  	v36 =	vld [tilespmem:$0x140];
	v35 =	vadd.s32 $0x186A0, v26;
	[tilespmem:$0xE0] =	vst v33  }
0x3d: {  	v38 =	vld [tilespmem:$0x150];
	v37 =	vadd.s32 $0x30D40, v28;
	[tilespmem:$0xF0] =	vst v35  }
0x3e: {  	v40 =	vld [tilespmem:$0x160];
	v39 =	vadd.s32 $0x30D40, v30;
	[tilespmem:$0x100] =	vst v37  }
0x3f: {  	v42 =	vld [tilespmem:$0x170];
	v41 =	vadd.s32 $0x30D40, v32;
	[tilespmem:$0x110] =	vst v39  }
0x40: {  	v44 =	vld [tilespmem:$0x180];
	v43 =	vadd.s32 $0x30D40, v34;
	[tilespmem:$0x120] =	vst v41  }
0x41: {  	v46 =	vld [tilespmem:$0x190];
	v45 =	vadd.s32 $0x30D40, v36;
	[tilespmem:$0x130] =	vst v43  }
0x42: {  	v48 =	vld [tilespmem:$0x1A0];
	v47 =	vadd.s32 $0x30D40, v38;
	[tilespmem:$0x140] =	vst v45  }
0x43: {  	v50 =	vld [tilespmem:$0x1B0];
	v49 =	vadd.s32 $0x30D40, v40;
	[tilespmem:$0x150] =	vst v47  }
0x44: {  	v52 =	vld [tilespmem:$0x1C0];
	v51 =	vadd.s32 $0x30D40, v42;
	[tilespmem:$0x160] =	vst v49  }
0x45: {  	v54 =	vld [tilespmem:$0x1D0];
	v53 =	vadd.s32 $0x493E0, v44;
	[tilespmem:$0x170] =	vst v51  }
0x46: {  	v56 =	vld [tilespmem:$0x1E0];
	v55 =	vadd.s32 $0x493E0, v46;
	[tilespmem:$0x180] =	vst v53  }
0x47: {  	v58 =	vld [tilespmem:$0x1F0];
	v57 =	vadd.s32 $0x493E0, v48;
	[tilespmem:$0x190] =	vst v55  }
0x48: {  	v59 =	vadd.s32 $0x493E0, v50;
	[tilespmem:$0x1A0] =	vst v57  }
0x49: {  	v60 =	vadd.s32 $0x493E0, v52;
	[tilespmem:$0x1B0] =	vst v59  }
0x4a: {  	v61 =	vadd.s32 $0x493E0, v54;
	[tilespmem:$0x1C0] =	vst v60  }
0x4b: {  	v62 =	vadd.s32 $0x493E0, v56;
	[tilespmem:$0x1D0] =	vst v61  }
0x4c: {  	v63 =	vadd.s32 $0x493E0, v58;
	[tilespmem:$0x1E0] =	vst v62  }
0x4d: {  	s28 =	simm.s32 $0x800;
	[tilespmem:$0x1F0] =	vst v63  }
0x4e: {  	[tilespmem:s28], [sflag:$0x3] =	stream.indirect.gather [hbm4b:s6+s3], $0x20, s5, s3, $0xb8;
	[tilespmem:$0x14C80] =	vst v63  }
0x4f: {  	s30 =	simm.s32 $0x8800  }
0x50: {  	[tilespmem:s30], [sflag:$0x3] =	stream.indirect.gather [hbm4b:s7+s3], $0x20, s2, s3, $0xb8;
	[tilespmem:$0x14C80] =	vst v63  }
0x51: {  	s8 =	simm.s32 $0x1800  }
0x52: {  	[tilespmem:s8], [sflag:$0x3] =	stream.indirect.gather [hbm4b:s6+s3], $0x20, s3, s3, $0xb8;
	[tilespmem:$0x14C80] =	vst v63  }
0x53: {  	s10 =	simm.s32 $0x480;
	s11 =	simm.s32 $0x9800  }
0x54: {  	[tilespmem:s11], [sflag:$0x3] =	stream.indirect.gather [hbm4b:s14+s3], $0x20, s10, s3, $0xb8;
	[tilespmem:$0x14C80] =	vst v63  }
0x55: {  	s28 =	simm.s32 $0x100;
	s30 =	simm.s32 $0x2800  }
0x56: {  	[tilespmem:s30], [sflag:$0x3] =	stream.indirect.gather [hbm4b:s6+s3], $0x20, s28, s3, $0xb8;
	[tilespmem:$0x14C80] =	vst v63  }
0x57: {  	s2 =	simm.s32 $0x500;
	s8 =	simm.s32 $0xA800  }
0x58: {  	[tilespmem:s8], [sflag:$0x3] =	stream.indirect.gather [hbm4b:s15+s3], $0x20, s2, s3, $0xb8;
	[tilespmem:$0x14C80] =	vst v63  }
0x59: {  	s10 =	simm.s32 $0x180;
	s11 =	simm.s32 $0x3800  }
0x5a: {  	[tilespmem:s11], [sflag:$0x3] =	stream.indirect.gather [hbm4b:s6+s3], $0x20, s10, s3, $0xb8;
	[tilespmem:$0x14C80] =	vst v63  }
0x5b: {  	s31 =	simm.s32 $0x0;
	s28 =	simm.s32 $0x580;
	s30 =	simm.s32 $0xB800  }
0x5c: {  	[tilespmem:s30], [sflag:$0x3] =	stream.indirect.gather [hbm4b:s16+s3], $0x20, s28, s3, $0xb8;
	[tilespmem:$0x14C80] =	vst v63  }
.LBB2_2:
0x5d: {  	_ =	swait.ge [sflag:s25], $0x1000  }
0x5e: {  	[sflag:s25] =	ssyncset.done $0x0  }
0x5f: {  	[sflag:s25] =	ssyncadd.s32 $0xFFFFF000  }
0x60: {  	_ =	swait.ge [sflag:s25], $0x1000  }
0x61: {  	[sflag:s25] =	ssyncset.done $0x0  }
0x62: {  	[sflag:s25] =	ssyncadd.s32 $0xFFFFF000  }
0x63: {  	_ =	swait.ge [sflag:s25], $0x1000  }
0x64: {  	[sflag:s25] =	ssyncset.done $0x0  }
0x65: {  	[sflag:s25] =	ssyncadd.s32 $0xFFFFF000  }
0x66: {  	_ =	swait.ge [sflag:s25], $0x1000  }
0x67: {  	[sflag:s25] =	ssyncset.done $0x0  }
0x68: {  	[sflag:s25] =	ssyncadd.s32 $0xFFFFF000  }
0x69: {  	_ =	swait.ge [sflag:s25], $0x1000  }
0x6a: {  	[sflag:s25] =	ssyncset.done $0x0  }
0x6b: {  	[sflag:s25] =	ssyncadd.s32 $0xFFFFF000  }
0x6c: {  	_ =	swait.ge [sflag:s25], $0x1000  }
0x6d: {  	[sflag:s25] =	ssyncset.done $0x0  }
0x6e: {  	[sflag:s25] =	ssyncadd.s32 $0xFFFFF000  }
0x6f: {  	_ =	swait.ge [sflag:s25], $0x1000  }
0x70: {  	s8 =	sshll.u32 s31, $0x1;
	[sflag:s25] =	ssyncset.done $0x0;
	s1 =	rddreg [dreg:$0x6]  }
0x71: {  	p0 =	seq.s32 s31, $0x18;
	s30 =	sadd.s32 s1, s8;
	[sflag:s25] =	ssyncadd.s32 $0xFFFFF000  }
0x72: {  	_ =	swait.ge [sflag:s25], $0x1000;
	s28 =	sshll.u32 @!p0 s30, $0x6  }
0x73: {  	[sflag:s25] =	ssyncset.done $0x0;
	s8 =	sadd.s32 @!p0 $0x80, s28  }
0x74: {  	s11 =	simm.s32 @!p0 $0x0;
	[sflag:s25] =	ssyncadd.s32 $0xFFFFF000;
	s10 =	sadd.s32 @!p0 s12, s8  }
0x75: {  	[tilespmem:s11], [sflag:$0x1] =	stream.linear.gather @!p0 [hbm4b:s10+s11], $0x200, $0x38;
	[tilespmem:$0x14C80] =	vst v63  }
0x76: {  	s8 =	sadd.s32 @!p0 s4, s8;
	s10 =	simm.s32 @!p0 $0x400  }
0x77: {  	[tilespmem:s10], [sflag:$0x1] =	stream.linear.gather @!p0 [hbm4b:s8+s11], $0x200, $0x38;
	[tilespmem:$0x14C80] =	vst v63  }
0x78: {  	_ =	swait.ge [sflag:s0], $0x200  }
0x79: {  	[sflag:s0] =	ssyncset.done $0x0  }
0x7a: {  	[sflag:s0] =	ssyncadd.s32 $0xFFFFFE00  }
0x7b: {  	_ =	swait.ge [sflag:s0], $0x200  }
0x7c: {  	[sflag:s0] =	ssyncset.done $0x0  }
0x7d: {  	[sflag:s0] =	ssyncadd.s32 $0xFFFFFE00  }
0x7e: {  	v12 =	vld [tilespmem:$0x280]  }
0x7f: {  	v13 =	vld [tilespmem:$0x290]  }
0x80: {  	v14 =	vld [tilespmem:$0x2A0]  }
0x81: {  	v15 =	vld [tilespmem:$0x2B0]  }
0x82: {  	v16 =	vld [tilespmem:$0x2C0]  }
0x83: {  	v17 =	vld [tilespmem:$0x2D0];
	v12 =	vadd.s32 $0x186A0, v12  }
0x84: {  	[tilespmem:$0x280] =	vst v12;
	v12 =	vadd.s32 $0x186A0, v13;
	v13 =	vld [tilespmem:$0x2E0]  }
0x85: {  	[tilespmem:$0x290] =	vst v12;
	v12 =	vadd.s32 $0x186A0, v14;
	v14 =	vld [tilespmem:$0x2F0]  }
0x86: {  	[tilespmem:$0x2A0] =	vst v12;
	v12 =	vadd.s32 $0x186A0, v15;
	v15 =	vld [tilespmem:$0x300]  }
0x87: {  	[tilespmem:$0x2B0] =	vst v12;
	v12 =	vadd.s32 $0x186A0, v16;
	v16 =	vld [tilespmem:$0x310]  }
0x88: {  	[tilespmem:$0x2C0] =	vst v12;
	v12 =	vadd.s32 $0x186A0, v17;
	v17 =	vld [tilespmem:$0x320]  }
0x89: {  	[tilespmem:$0x2D0] =	vst v12;
	v12 =	vadd.s32 $0x186A0, v13;
	v13 =	vld [tilespmem:$0x330]  }
0x8a: {  	[tilespmem:$0x2E0] =	vst v12;
	v12 =	vadd.s32 $0x186A0, v14;
	v14 =	vld [tilespmem:$0x340]  }
0x8b: {  	[tilespmem:$0x2F0] =	vst v12;
	v12 =	vadd.s32 $0x30D40, v15;
	v15 =	vld [tilespmem:$0x350]  }
0x8c: {  	[tilespmem:$0x300] =	vst v12;
	v12 =	vadd.s32 $0x30D40, v16;
	v16 =	vld [tilespmem:$0x360]  }
0x8d: {  	[tilespmem:$0x310] =	vst v12;
	v12 =	vadd.s32 $0x30D40, v17;
	v17 =	vld [tilespmem:$0x370]  }
0x8e: {  	[tilespmem:$0x320] =	vst v12;
	v12 =	vadd.s32 $0x30D40, v13;
	v13 =	vld [tilespmem:$0x380]  }
0x8f: {  	[tilespmem:$0x330] =	vst v12;
	v12 =	vadd.s32 $0x30D40, v14;
	v14 =	vld [tilespmem:$0x390]  }
0x90: {  	[tilespmem:$0x340] =	vst v12;
	v12 =	vadd.s32 $0x30D40, v15;
	v15 =	vld [tilespmem:$0x3A0]  }
0x91: {  	[tilespmem:$0x350] =	vst v12;
	v12 =	vadd.s32 $0x30D40, v16;
	v16 =	vld [tilespmem:$0x3B0]  }
0x92: {  	[tilespmem:$0x360] =	vst v12;
	v12 =	vadd.s32 $0x30D40, v17;
	v17 =	vld [tilespmem:$0x3C0]  }
0x93: {  	[tilespmem:$0x370] =	vst v12;
	v12 =	vadd.s32 $0x493E0, v13;
	v13 =	vld [tilespmem:$0x3D0]  }
0x94: {  	[tilespmem:$0x380] =	vst v12;
	v12 =	vadd.s32 $0x493E0, v14;
	v14 =	vld [tilespmem:$0x3E0]  }
0x95: {  	[tilespmem:$0x390] =	vst v12;
	v12 =	vadd.s32 $0x493E0, v15;
	v15 =	vld [tilespmem:$0x3F0]  }
0x96: {  	[tilespmem:$0x3A0] =	vst v12;
	v12 =	vadd.s32 $0x493E0, v16  }
0x97: {  	[tilespmem:$0x3B0] =	vst v12;
	v12 =	vadd.s32 $0x493E0, v17  }
0x98: {  	[tilespmem:$0x3C0] =	vst v12;
	v12 =	vadd.s32 $0x493E0, v13  }
0x99: {  	[tilespmem:$0x3D0] =	vst v12;
	v12 =	vadd.s32 $0x493E0, v14  }
0x9a: {  	[tilespmem:$0x3E0] =	vst v12;
	v12 =	vadd.s32 $0x493E0, v15  }
0x9b: {  	s2 =	smov.u32 s12;
	s12 =	simm.s32 $0x4800;
	s11 =	simm.s32 $0x200;
	[tilespmem:$0x3F0] =	vst v12  }
0x9c: {  	[tilespmem:s12], [sflag:$0x4] =	stream.indirect.gather [hbm4b:s6+s3], $0x20, s11, s3, $0xb8;
	[tilespmem:$0x14C80] =	vst v63  }
0x9d: {  	s8 =	simm.s32 $0x600;
	s10 =	simm.s32 $0xC800  }
0x9e: {  	[tilespmem:s10], [sflag:$0x4] =	stream.indirect.gather [hbm4b:s7+s3], $0x20, s8, s3, $0xb8;
	[tilespmem:$0x14C80] =	vst v63  }
0x9f: {  	s11 =	simm.s32 $0x280;
	s12 =	simm.s32 $0x5800  }
0xa0: {  	[tilespmem:s12], [sflag:$0x4] =	stream.indirect.gather [hbm4b:s6+s3], $0x20, s11, s3, $0xb8;
	[tilespmem:$0x14C80] =	vst v63  }
0xa1: {  	s8 =	simm.s32 $0x680;
	s10 =	simm.s32 $0xD800  }
0xa2: {  	[tilespmem:s10], [sflag:$0x4] =	stream.indirect.gather [hbm4b:s14+s3], $0x20, s8, s3, $0xb8;
	[tilespmem:$0x14C80] =	vst v63  }
0xa3: {  	s11 =	simm.s32 $0x300;
	s12 =	simm.s32 $0x6800  }
0xa4: {  	[tilespmem:s12], [sflag:$0x4] =	stream.indirect.gather [hbm4b:s6+s3], $0x20, s11, s3, $0xb8;
	[tilespmem:$0x14C80] =	vst v63  }
0xa5: {  	s8 =	simm.s32 $0x700;
	s10 =	simm.s32 $0xE800  }
0xa6: {  	[tilespmem:s10], [sflag:$0x4] =	stream.indirect.gather [hbm4b:s15+s3], $0x20, s8, s3, $0xb8;
	[tilespmem:$0x14C80] =	vst v63  }
0xa7: {  	p1 =	seq.s32 s31, $0x0;
	s11 =	simm.s32 $0x380;
	s12 =	simm.s32 $0x7800  }
0xa8: {  	[tilespmem:s12], [sflag:$0x4] =	stream.indirect.gather [hbm4b:s6+s3], $0x20, s11, s3, $0xb8;
	[tilespmem:$0x14C80] =	vst v63  }
0xa9: {  	s10 =	simm.s32 $0x780;
	s8 =	simm.s32 @!p1 $0x5;
	s11 =	simm.s32 $0xF800  }
0xaa: {  	[tilespmem:s11], [sflag:$0x4] =	stream.indirect.gather [hbm4b:s16+s3], $0x20, s10, s3, $0xb8;
	[tilespmem:$0x14C80] =	vst v63  }
0xab: {  	_ =	swait.ge @!p1 [sflag:s8], $0x400  }
0xac: {  	[sflag:s8] =	ssyncset.done @!p1 $0x0  }
0xad: {  	[sflag:s8] =	ssyncadd.s32 @!p1 $0xFFFFFC00  }
0xae: {  	_ =	swait.ge @!p1 [sflag:s8], $0x400  }
0xaf: {  	[sflag:s8] =	ssyncset.done @!p1 $0x0  }
0xb0: {  	[sflag:s8] =	ssyncadd.s32 @!p1 $0xFFFFFC00  }
0xb1: {  	_ =	swait.ge @!p1 [sflag:s8], $0x400  }
0xb2: {  	[sflag:s8] =	ssyncset.done @!p1 $0x0  }
0xb3: {  	[sflag:s8] =	ssyncadd.s32 @!p1 $0xFFFFFC00  }
0xb4: {  	_ =	swait.ge @!p1 [sflag:s8], $0x400  }
0xb5: {  	[sflag:s8] =	ssyncset.done @!p1 $0x0  }
0xb6: {  	[sflag:s8] =	ssyncadd.s32 @!p1 $0xFFFFFC00  }
0xb7: {  	_ =	swait.ge @!p1 [sflag:s8], $0x400  }
0xb8: {  	[sflag:s8] =	ssyncset.done @!p1 $0x0  }
0xb9: {  	[sflag:s8] =	ssyncadd.s32 @!p1 $0xFFFFFC00  }
0xba: {  	_ =	swait.ge @!p1 [sflag:s8], $0x400  }
0xbb: {  	[sflag:s8] =	ssyncset.done @!p1 $0x0  }
0xbc: {  	[sflag:s8] =	ssyncadd.s32 @!p1 $0xFFFFFC00  }
0xbd: {  	_ =	swait.ge @!p1 [sflag:s8], $0x400  }
0xbe: {  	[sflag:s8] =	ssyncset.done @!p1 $0x0  }
0xbf: {  	[sflag:s8] =	ssyncadd.s32 @!p1 $0xFFFFFC00  }
0xc0: {  	_ =	swait.ge @!p1 [sflag:s8], $0x400  }
0xc1: {  	[sflag:s8] =	ssyncset.done @!p1 $0x0  }
0xc2: {  	s10 =	simm.s32 $0x2800;
	[sflag:s8] =	ssyncadd.s32 @!p1 $0xFFFFFC00  }
0xc3: {  	v12 =	vld [tilespmem:s10+$0x1060]  }
0xc4: {  	v14 =	vld [tilespmem:s10+$0x1070]  }
0xc5: {  	v16 =	vld [tilespmem:s10+$0x60]  }
0xc6: {  	v18 =	vld [tilespmem:s10+$0x70]  }
0xc7: {  	v17 =	vld [tilespmem:s10+$0xFFFFE060]  }
0xc8: {  	v20 =	vld [tilespmem:s10+$0xFFFFF060]  }
0xc9: {  	v19 =	vld [tilespmem:s10+$0xFFFFE070]  }
0xca: {  	s8 =	simm.s32 $0xA800;
	v23 =	vld [tilespmem:s10+$0xFFFFF070]  }
0xcb: {  	s12 =	simm.s32 $0x3;
	v22 =	vld [tilespmem:s8+$0xFFFFE060]  }
0xcc: {  	v13 =	vmov s12;
	v24 =	vld [tilespmem:s8+$0xFFFFF060]  }
0xcd: {  	v13 =	vand.u32 $0x7F, v13;
	v21 =	vld [tilespmem:s8+$0xFFFFE070]  }
0xce: {  	s12 =	simm.s32 $0x4;
	s11 =	simm.s32 $0x0;
	v25 =	vld [tilespmem:s8+$0xFFFFF070];
	v15 =	vmul.f32 v12, v7;
	v14 =	vmul.f32 v14, v7;
	v12 =	vadd.s32 v0, v13  }
.LBB2_3:
0xcf: {  	p1 =	slt.u32 s12, $0x7C;
	v16 =	vmul.f32 v16, v6;
	v18 =	vmul.f32 v18, v6;
	v26 =	vld [tilespmem:s8+$0x60];
	v27 =	vadd.s32 v1, v13  }
0xd0: {  	v17 =	vmul.f32 v17, v4;
	v20 =	vmul.f32 v20, v5;
	v29 =	vadd.s32 v2, v13;
	v28 =	vld [tilespmem:s8+$0x70]  }
0xd1: {  	v19 =	vmul.f32 v19, v4;
	v23 =	vmul.f32 v23, v5;
	v13 =	vadd.s32 v3, v13;
	v30 =	vld [tilespmem:s8+$0x1060]  }
0xd2: {  	v17 =	vadd.f32 v20, v17;
	v20 =	vmul.f32 v22, v8;
	v22 =	vmul.f32 v24, v9;
	v24 =	vld [tilespmem:s8+$0x1070]  }
0xd3: {  	v19 =	vadd.f32 v23, v19;
	v21 =	vmul.f32 v21, v8;
	v31 =	vld [tilespmem:s10+$0xFFFFE000];
	v23 =	vmul.f32 v25, v9  }
0xd4: {  	v16 =	vadd.f32 v16, v17;
	v17 =	vadd.f32 v22, v20;
	v25 =	vld [tilespmem:s10+$0xFFFFF000];
	v20 =	vmul.f32 v26, v10  }
0xd5: {  	v18 =	vadd.f32 v18, v19;
	v22 =	vld [tilespmem:s10+$0xFFFFE010];
	v19 =	vadd.f32 v23, v21;
	v21 =	vmul.f32 v28, v10  }
0xd6: {  	v15 =	vadd.f32 v15, v16;
	v23 =	vld [tilespmem:s10+$0xFFFFF010];
	v16 =	vadd.f32 v20, v17;
	v17 =	vmul.f32 v30, v11  }
0xd7: {  	v14 =	vadd.f32 v14, v18;
	v20 =	vld [tilespmem:s8+$0xFFFFE000];
	v18 =	vadd.f32 v21, v19;
	v19 =	vmul.f32 v24, v11  }
0xd8: {  	v21 =	vmul.f32 v31, v4;
	v24 =	vld [tilespmem:s8+$0xFFFFF000];
	v16 =	vadd.f32 v17, v16;
	[tilespmem:v12+s13+$0x0] =	vst.idx.msk $0xffff, v15  }
0xd9: {  	v12 =	vmul.f32 v25, v5;
	v15 =	vld [tilespmem:s8+$0xFFFFE010];
	v17 =	vadd.f32 v19, v18;
	[tilespmem:v27+s13+$0x0] =	vst.idx.msk $0xffff, v14  }
0xda: {  	v14 =	vmul.f32 v22, v4;
	v18 =	vld [tilespmem:s8+$0xFFFFF010];
	[tilespmem:v29+s13+$0x0] =	vst.idx.msk $0xffff, v16  }
0xdb: {  	v12 =	vadd.f32 v12, v21;
	v16 =	vmul.f32 v23, v5;
	v19 =	vld [tilespmem:s10+$0xFFFFE020];
	[tilespmem:v13+s13+$0x0] =	vst.idx.msk $0xffff, v17  }
0xdc: {  	v13 =	vmul.f32 v20, v8;
	v17 =	vld [tilespmem:s10+$0xFFFFF020]  }
0xdd: {  	v14 =	vadd.f32 v16, v14;
	v16 =	vmul.f32 v24, v9;
	v20 =	vld [tilespmem:s10+$0xFFFFE030]  }
0xde: {  	v15 =	vmul.f32 v15, v8;
	v21 =	vld [tilespmem:s10+$0xFFFFF030]  }
0xdf: {  	v13 =	vadd.f32 v16, v13;
	v16 =	vmul.f32 v18, v9;
	v18 =	vld [tilespmem:s8+$0xFFFFE020]  }
0xe0: {  	v19 =	vmul.f32 v19, v4;
	v22 =	vld [tilespmem:s8+$0xFFFFF020]  }
0xe1: {  	v15 =	vadd.f32 v16, v15;
	v16 =	vmul.f32 v17, v5;
	v17 =	vld [tilespmem:s8+$0xFFFFE030]  }
0xe2: {  	v20 =	vmul.f32 v20, v4;
	v23 =	vld [tilespmem:s8+$0xFFFFF030]  }
0xe3: {  	v16 =	vadd.f32 v16, v19;
	v19 =	vmul.f32 v21, v5;
	v21 =	vld [tilespmem:s10+$0xFFFFE040]  }
0xe4: {  	v18 =	vmul.f32 v18, v8;
	v24 =	vld [tilespmem:s10+$0xFFFFF040]  }
0xe5: {  	v19 =	vadd.f32 v19, v20;
	v20 =	vmul.f32 v22, v9;
	v22 =	vld [tilespmem:s10+$0xFFFFE050]  }
0xe6: {  	v17 =	vmul.f32 v17, v8;
	v25 =	vld [tilespmem:s10+$0xFFFFF050]  }
0xe7: {  	v18 =	vadd.f32 v20, v18;
	v20 =	vmul.f32 v23, v9;
	v23 =	vld [tilespmem:s8+$0xFFFFE040]  }
0xe8: {  	v21 =	vmul.f32 v21, v4;
	v26 =	vld [tilespmem:s8+$0xFFFFF040]  }
0xe9: {  	v17 =	vadd.f32 v20, v17;
	v20 =	vmul.f32 v24, v5;
	v24 =	vld [tilespmem:s8+$0xFFFFE050]  }
0xea: {  	v22 =	vmul.f32 v22, v4;
	v27 =	vld [tilespmem:s8+$0xFFFFF050]  }
0xeb: {  	v28 =	vld [tilespmem:s10+$0x0];
	v20 =	vadd.f32 v20, v21;
	v21 =	vmul.f32 v25, v5  }
0xec: {  	v25 =	vld [tilespmem:s10+$0x10];
	v23 =	vmul.f32 v23, v8  }
0xed: {  	v29 =	vld [tilespmem:s8+$0x0];
	v21 =	vadd.f32 v21, v22;
	v22 =	vmul.f32 v26, v9  }
0xee: {  	v26 =	vld [tilespmem:s8+$0x10];
	v24 =	vmul.f32 v24, v8  }
0xef: {  	s1 =	sadd.s32 $0x1, s11;
	v30 =	vmov s11;
	v31 =	vld [tilespmem:s10+$0x20];
	v22 =	vadd.f32 v22, v23;
	v23 =	vmul.f32 v27, v9  }
0xf0: {  	v27 =	vmul.f32 v28, v6;
	v28 =	vand.u32 $0x7C, v30;
	v30 =	vmov s1;
	v32 =	vld [tilespmem:s10+$0x30];
	s1 =	sadd.s32 $0x2, s11;
	s11 =	smov.u32 s12  }
0xf1: {  	v25 =	vmul.f32 v25, v6;
	v33 =	vld [tilespmem:s8+$0x20];
	v34 =	vmov s1;
	v23 =	vadd.f32 v23, v24  }
0xf2: {  	v12 =	vadd.f32 v27, v12;
	v24 =	vmul.f32 v29, v10;
	v27 =	vadd.s32 v0, v28;
	v29 =	vld [tilespmem:s8+$0x30]  }
0xf3: {  	v14 =	vadd.f32 v25, v14;
	v25 =	vmul.f32 v26, v10;
	v26 =	vadd.s32 v1, v28;
	v35 =	vld [tilespmem:s10+$0x40]  }
0xf4: {  	v13 =	vadd.f32 v24, v13;
	v24 =	vadd.s32 v2, v28;
	v31 =	vmul.f32 v31, v6;
	v36 =	vld [tilespmem:s10+$0x50]  }
0xf5: {  	v15 =	vadd.f32 v25, v15;
	v25 =	vadd.s32 v3, v28;
	v28 =	vmul.f32 v32, v6;
	v32 =	vld [tilespmem:s8+$0x40]  }
0xf6: {  	v30 =	vand.u32 $0x7D, v30;
	v16 =	vadd.f32 v31, v16;
	v31 =	vmul.f32 v33, v10;
	v33 =	vld [tilespmem:s8+$0x50]  }
0xf7: {  	v37 =	vld [tilespmem:s10+$0x1000];
	v19 =	vadd.f32 v28, v19;
	v28 =	vmul.f32 v29, v10;
	v29 =	vand.u32 $0x7E, v34  }
0xf8: {  	v34 =	vld [tilespmem:s10+$0x1010];
	v18 =	vadd.f32 v31, v18;
	v31 =	vadd.s32 v0, v30;
	v35 =	vmul.f32 v35, v6  }
0xf9: {  	v38 =	vld [tilespmem:s8+$0x1000];
	v17 =	vadd.f32 v28, v17;
	v28 =	vadd.s32 v1, v30;
	v36 =	vmul.f32 v36, v6  }
0xfa: {  	v40 =	vadd.s32 v2, v30;
	v39 =	vld [tilespmem:s8+$0x1010];
	v20 =	vadd.f32 v35, v20;
	v32 =	vmul.f32 v32, v10  }
0xfb: {  	v30 =	vadd.s32 v3, v30;
	v35 =	vld [tilespmem:s10+$0x1020];
	v21 =	vadd.f32 v36, v21;
	v33 =	vmul.f32 v33, v10  }
0xfc: {  	v36 =	vmul.f32 v37, v7;
	v37 =	vld [tilespmem:s10+$0x1030];
	v22 =	vadd.f32 v32, v22;
	v32 =	vadd.s32 v0, v29  }
0xfd: {  	v34 =	vmul.f32 v34, v7;
	v41 =	vld [tilespmem:s8+$0x1020];
	v23 =	vadd.f32 v33, v23;
	v33 =	vadd.s32 v1, v29  }
0xfe: {  	v42 =	vadd.s32 v2, v29;
	v12 =	vadd.f32 v36, v12;
	v36 =	vmul.f32 v38, v11;
	v38 =	vld [tilespmem:s8+$0x1030]  }
0xff: {  	v29 =	vadd.s32 v3, v29;
	v14 =	vadd.f32 v34, v14;
	v34 =	vmul.f32 v39, v11;
	v39 =	vld [tilespmem:s10+$0x1040]  }
0x100: {  	v13 =	vadd.f32 v36, v13;
	[tilespmem:v27+s13+$0x0] =	vst.idx.msk $0xffff, v12;
	v12 =	vmul.f32 v35, v7;
	v27 =	vld [tilespmem:s10+$0x1050]  }
0x101: {  	v15 =	vadd.f32 v34, v15;
	[tilespmem:v26+s13+$0x0] =	vst.idx.msk $0xffff, v14;
	v14 =	vmul.f32 v37, v7;
	v26 =	vld [tilespmem:s8+$0x1040]  }
0x102: {  	s10 =	sadd.s32 $0x80, s10;
	[tilespmem:v24+s13+$0x0] =	vst.idx.msk $0xffff, v13;
	v12 =	vadd.f32 v12, v16;
	v13 =	vmul.f32 v41, v11;
	v24 =	vld [tilespmem:s8+$0x1050]  }
0x103: {  	v34 =	vld [tilespmem:s10+$0x1060];
	[tilespmem:v25+s13+$0x0] =	vst.idx.msk $0xffff, v15;
	v14 =	vadd.f32 v14, v19;
	v15 =	vmul.f32 v38, v11  }
0x104: {  	v25 =	vld [tilespmem:s10+$0x1070];
	v13 =	vadd.f32 v13, v18;
	[tilespmem:v31+s13+$0x0] =	vst.idx.msk $0xffff, v12;
	v12 =	vmul.f32 v39, v7  }
0x105: {  	v16 =	vld [tilespmem:s10+$0x60];
	v15 =	vadd.f32 v15, v17;
	[tilespmem:v28+s13+$0x0] =	vst.idx.msk $0xffff, v14;
	v14 =	vmul.f32 v27, v7  }
0x106: {  	v18 =	vld [tilespmem:s10+$0x70];
	[tilespmem:v40+s13+$0x0] =	vst.idx.msk $0xffff, v13;
	v12 =	vadd.f32 v12, v20;
	v13 =	vmul.f32 v26, v11  }
0x107: {  	v17 =	vld [tilespmem:s10+$0xFFFFE060];
	[tilespmem:v30+s13+$0x0] =	vst.idx.msk $0xffff, v15;
	v14 =	vadd.f32 v14, v21;
	v15 =	vmul.f32 v24, v11  }
0x108: {  	v20 =	vld [tilespmem:s10+$0xFFFFF060];
	v13 =	vadd.f32 v13, v22;
	[tilespmem:v32+s13+$0x0] =	vst.idx.msk $0xffff, v12  }
0x109: {  	v19 =	vld [tilespmem:s10+$0xFFFFE070];
	v12 =	vadd.f32 v15, v23;
	[tilespmem:v33+s13+$0x0] =	vst.idx.msk $0xffff, v14  }
.Ltmp0:
0x10a: {  	s8 =	sadd.s32 $0x80, s8;
	v23 =	vld [tilespmem:s10+$0xFFFFF070];
	[tilespmem:v42+s13+$0x0] =	vst.idx.msk $0xffff, v13;
	(pc) =	sbr.rel @p1 .LBB2_3-.Ltmp0, $4  }
0x10b: {  	s1 =	sadd.s32 $0x3, s12;
	v22 =	vld [tilespmem:s8+$0xFFFFE060];
	[tilespmem:v29+s13+$0x0] =	vst.idx.msk $0xffff, v12  }
0x10c: {  	v12 =	vmov s1;
	v24 =	vld [tilespmem:s8+$0xFFFFF060]  }
0x10d: {  	v13 =	vand.u32 $0x7F, v12;
	v21 =	vld [tilespmem:s8+$0xFFFFE070]  }
0x10e: {  	s12 =	sadd.s32 $0x4, s12;
	v15 =	vmul.f32 v34, v7;
	v14 =	vmul.f32 v25, v7;
	v12 =	vadd.s32 v0, v13;
	v25 =	vld [tilespmem:s8+$0xFFFFF070]  }
0x10f: {  	v26 =	vld [tilespmem:s8+$0x60]  }
0x110: {  	v27 =	vld [tilespmem:s8+$0x70]  }
0x111: {  	v28 =	vld [tilespmem:s8+$0x1060]  }
0x112: {  	v29 =	vld [tilespmem:s8+$0x1070]  }
0x113: {  	v30 =	vld [tilespmem:s10+$0xFFFFE000]  }
0x114: {  	v31 =	vld [tilespmem:s10+$0xFFFFF000]  }
0x115: {  	v32 =	vld [tilespmem:s10+$0xFFFFE010]  }
0x116: {  	v33 =	vld [tilespmem:s10+$0xFFFFF010]  }
0x117: {  	v35 =	vld [tilespmem:s8+$0xFFFFF000]  }
0x118: {  	v36 =	vld [tilespmem:s8+$0xFFFFE010]  }
0x119: {  	v37 =	vld [tilespmem:s8+$0xFFFFF010]  }
0x11a: {  	v39 =	vld [tilespmem:s10+$0xFFFFE020]  }
0x11b: {  	v16 =	vmul.f32 v16, v6;
	v18 =	vmul.f32 v18, v6;
	v41 =	vld [tilespmem:s10+$0xFFFFF020]  }
0x11c: {  	v17 =	vmul.f32 v17, v4;
	v20 =	vmul.f32 v20, v5;
	v48 =	vld [tilespmem:s10+$0xFFFFE030]  }
0x11d: {  	v19 =	vmul.f32 v19, v4;
	v23 =	vmul.f32 v23, v5;
	v49 =	vld [tilespmem:s10+$0xFFFFF030]  }
0x11e: {  	v52 =	vld [tilespmem:s10+$0xFFFFE040];
	v17 =	vadd.f32 v20, v17;
	v20 =	vmul.f32 v22, v8;
	v22 =	vmul.f32 v24, v9  }
0x11f: {  	v54 =	vld [tilespmem:s10+$0xFFFFF040];
	v19 =	vadd.f32 v23, v19;
	v21 =	vmul.f32 v21, v8;
	v23 =	vmul.f32 v25, v9  }
0x120: {  	v59 =	vld [tilespmem:s10+$0xFFFFF050];
	v16 =	vadd.f32 v16, v17;
	v17 =	vadd.f32 v22, v20;
	v20 =	vmul.f32 v26, v10  }
0x121: {  	v62 =	vld [tilespmem:s8+$0xFFFFE040];
	v51 =	vmul.f32 v31, v5;
	v53 =	vmul.f32 v33, v5  }
0x122: {  	v42 =	vld [tilespmem:s8+$0xFFFFF050];
	v55 =	vmul.f32 v35, v9;
	v57 =	vmul.f32 v36, v8  }
0x123: {  	v34 =	vld [tilespmem:s8+$0xFFFFE000];
	v40 =	vadd.s32 v1, v13;
	v58 =	vmul.f32 v37, v9;
	v60 =	vmul.f32 v39, v4  }
0x124: {  	v50 =	vld [tilespmem:s8+$0xFFFFF030];
	v18 =	vadd.f32 v18, v19;
	v61 =	vmul.f32 v41, v5;
	v24 =	vmul.f32 v48, v4  }
0x125: {  	v63 =	vld [tilespmem:s8+$0xFFFFF040];
	v26 =	vadd.s32 v2, v13;
	v25 =	vmul.f32 v49, v5;
	v43 =	vmul.f32 v52, v4  }
0x126: {  	v45 =	vld [tilespmem:s10+$0x0];
	v44 =	vmul.f32 v54, v5;
	v46 =	vmul.f32 v59, v5;
	v13 =	vadd.s32 v3, v13  }
0x127: {  	v47 =	vld [tilespmem:s10+$0x10];
	v49 =	vmul.f32 v62, v8;
	v36 =	vmul.f32 v42, v9;
	v19 =	vadd.f32 v23, v21  }
0x128: {  	v22 =	vld [tilespmem:s8+$0xFFFFE020];
	v23 =	vmul.f32 v27, v10;
	v15 =	vadd.f32 v15, v16;
	v14 =	vadd.f32 v14, v18  }
0x129: {  	v41 =	vld [tilespmem:s8+$0xFFFFE050];
	v18 =	vmul.f32 v29, v11;
	v27 =	vmul.f32 v50, v9;
	v16 =	vadd.f32 v20, v17  }
0x12a: {  	v52 =	vld [tilespmem:s10+$0x20];
	v20 =	vmul.f32 v28, v11;
	v28 =	vadd.f32 v58, v57;
	v24 =	vadd.f32 v25, v24  }
0x12b: {  	v54 =	vld [tilespmem:s10+$0x30];
	v25 =	vadd.f32 v44, v43;
	v19 =	vadd.f32 v23, v19;
	v23 =	vmul.f32 v30, v4  }
0x12c: {  	v59 =	vld [tilespmem:s10+$0x50];
	v30 =	vadd.f32 v61, v60;
	[tilespmem:v12+s13+$0x0] =	vst.idx.msk $0xffff, v15;
	v15 =	vmul.f32 v45, v6  }
0x12d: {  	s1 =	sadd.s32 $0x1, s11;
	v21 =	vld [tilespmem:s8+$0xFFFFF020];
	v16 =	vadd.f32 v20, v16;
	v20 =	vmul.f32 v32, v4;
	v22 =	vmul.f32 v22, v8  }
0x12e: {  	v56 =	vld [tilespmem:s10+$0xFFFFE050];
	v38 =	vmov s1;
	v32 =	vmul.f32 v63, v9;
	[tilespmem:v40+s13+$0x0] =	vst.idx.msk $0xffff, v14;
	v14 =	vmul.f32 v47, v6  }
0x12f: {  	v17 =	vld [tilespmem:s8+$0xFFFFE030];
	v63 =	vand.u32 $0x7D, v38;
	v18 =	vadd.f32 v18, v19;
	v19 =	vmul.f32 v34, v8  }
0x130: {  	v48 =	vld [tilespmem:s8+$0x0];
	v23 =	vadd.f32 v51, v23;
	v34 =	vmul.f32 v41, v8;
	v39 =	vmul.f32 v52, v6  }
0x131: {  	v57 =	vld [tilespmem:s8+$0x30];
	v51 =	vmov s11;
	v60 =	vmul.f32 v54, v6;
	v52 =	vmul.f32 v59, v6  }
0x132: {  	v58 =	vld [tilespmem:s10+$0x40];
	v54 =	vadd.s32 v2, v63;
	v20 =	vadd.f32 v53, v20;
	v21 =	vmul.f32 v21, v9  }
0x133: {  	v44 =	vld [tilespmem:s8+$0x50];
	v12 =	vadd.f32 v32, v49;
	v53 =	vand.u32 $0x7C, v51;
	[tilespmem:v26+s13+$0x0] =	vst.idx.msk $0xffff, v16;
	v51 =	vadd.s32 v1, v63  }
0x134: {  	v50 =	vld [tilespmem:s8+$0x10];
	v19 =	vadd.f32 v55, v19;
	v17 =	vmul.f32 v17, v8;
	v34 =	vadd.f32 v36, v34  }
0x135: {  	v61 =	vld [tilespmem:s8+$0x40];
	v15 =	vadd.f32 v15, v23;
	v23 =	vmul.f32 v48, v10;
	v33 =	vadd.s32 v1, v53  }
0x136: {  	v16 =	vadd.f32 v39, v30;
	[tilespmem:v13+s13+$0x0] =	vst.idx.msk $0xffff, v18;
	v18 =	vadd.f32 v60, v24  }
0x137: {  	v47 =	vld [tilespmem:s10+$0x1010];
	v45 =	vmul.f32 v57, v10;
	v48 =	vadd.s32 v0, v63;
	v49 =	vmul.f32 v58, v6  }
0x138: {  	s12 =	sadd.s32 $0x2, s11;
	v30 =	vadd.s32 v3, v63;
	v32 =	vmul.f32 v44, v10;
	v21 =	vadd.f32 v21, v22  }
0x139: {  	v55 =	vld [tilespmem:s8+$0x20];
	v22 =	vmul.f32 v56, v4;
	v56 =	vmov s12;
	v14 =	vadd.f32 v14, v20  }
0x13a: {  	v13 =	vld [tilespmem:s10+$0x1000];
	v20 =	vmul.f32 v50, v10;
	v31 =	vmul.f32 v61, v10;
	v17 =	vadd.f32 v27, v17  }
0x13b: {  	v27 =	vadd.s32 v0, v53;
	v19 =	vadd.f32 v23, v19;
	v23 =	vadd.s32 v2, v53  }
0x13c: {  	v50 =	vld [tilespmem:s8+$0x1000];
	v25 =	vadd.f32 v49, v25;
	v35 =	vmul.f32 v47, v7;
	v32 =	vadd.f32 v32, v34  }
0x13d: {  	v22 =	vadd.f32 v46, v22;
	v20 =	vadd.f32 v20, v28;
	v28 =	vadd.s32 v3, v53;
	v53 =	vld [tilespmem:s8+$0x1010]  }
0x13e: {  	v46 =	vand.u32 $0x7E, v56;
	v12 =	vadd.f32 v31, v12;
	v62 =	vmul.f32 v55, v10;
	v55 =	vld [tilespmem:s10+$0x1020]  }
0x13f: {  	v56 =	vld [tilespmem:s10+$0x1030];
	v17 =	vadd.f32 v45, v17;
	v57 =	vadd.s32 v0, v46;
	v13 =	vmul.f32 v13, v7  }
0x140: {  	v58 =	vld [tilespmem:s8+$0x1020];
	v59 =	vadd.s32 v1, v46;
	v42 =	vadd.s32 v2, v46;
	v14 =	vadd.f32 v35, v14  }
0x141: {  	v60 =	vld [tilespmem:s8+$0x1030];
	v29 =	vadd.s32 v3, v46;
	v13 =	vadd.f32 v13, v15;
	v15 =	vmul.f32 v50, v11  }
0x142: {  	v22 =	vadd.f32 v52, v22;
	v21 =	vadd.f32 v62, v21;
	v62 =	vld [tilespmem:s10+$0x1040];
	v61 =	vmul.f32 v53, v11  }
0x143: {  	v15 =	vadd.f32 v15, v19;
	[tilespmem:v27+s13+$0x0] =	vst.idx.msk $0xffff, v13;
	v19 =	vld [tilespmem:s10+$0x1050];
	v13 =	vmul.f32 v55, v7  }
0x144: {  	v63 =	vld [tilespmem:s8+$0x1040];
	v20 =	vadd.f32 v61, v20;
	[tilespmem:v33+s13+$0x0] =	vst.idx.msk $0xffff, v14;
	v14 =	vmul.f32 v56, v7  }
0x145: {  	[tilespmem:v23+s13+$0x0] =	vst.idx.msk $0xffff, v15;
	v15 =	vmul.f32 v58, v11;
	v13 =	vadd.f32 v13, v16;
	v16 =	vld [tilespmem:s8+$0x1050]  }
0x146: {  	[tilespmem:v28+s13+$0x0] =	vst.idx.msk $0xffff, v20;
	v14 =	vadd.f32 v14, v18;
	v18 =	vmul.f32 v60, v11  }
0x147: {  	v15 =	vadd.f32 v15, v21;
	[tilespmem:v48+s13+$0x0] =	vst.idx.msk $0xffff, v13;
	v13 =	vmul.f32 v62, v7  }
0x148: {  	v17 =	vadd.f32 v18, v17;
	[tilespmem:v51+s13+$0x0] =	vst.idx.msk $0xffff, v14;
	v14 =	vmul.f32 v19, v7  }
0x149: {  	[tilespmem:v54+s13+$0x0] =	vst.idx.msk $0xffff, v15;
	v13 =	vadd.f32 v13, v25;
	v15 =	vmul.f32 v63, v11  }
0x14a: {  	s10 =	sshll.u32 s30, $0xA;
	s8 =	sshll.u32 s30, $0xD;
	[tilespmem:v30+s13+$0x0] =	vst.idx.msk $0xffff, v17;
	v14 =	vadd.f32 v14, v22;
	v16 =	vmul.f32 v16, v11  }
0x14b: {  	s1 =	sand.u32 $0x7FFF0000, s8;
	s8 =	sand.u32 $0x1800, s10;
	v12 =	vadd.f32 v15, v12;
	[tilespmem:v57+s13+$0x0] =	vst.idx.msk $0xffff, v13  }
0x14c: {  	s1 =	sor.u32 s8, s1;
	v13 =	vadd.f32 v16, v32;
	[tilespmem:v59+s13+$0x0] =	vst.idx.msk $0xffff, v14  }
0x14d: {  	s30 =	sshrl.u32 s1, $0x3;
	[tilespmem:v42+s13+$0x0] =	vst.idx.msk $0xffff, v12  }
0x14e: {  	s1 =	sadd.s32 s9, s30;
	[tilespmem:v29+s13+$0x0] =	vst.idx.msk $0xffff, v13  }
0x14f: {  	[hbm4b:s1+s5] =	stream.linear.scatter [tilespmem:s13], [sflag:$0x5], $0x80, $0x38;
	[tilespmem:$0x14C80] =	vst v63  }
0x150: {  	s12 =	simm.s32 $0x10888;
	s11 =	sadd.s32 $0x10, s1  }
0x151: {  	[hbm4b:s11+s5] =	stream.linear.scatter [tilespmem:s12], [sflag:$0x5], $0x80, $0x38;
	[tilespmem:$0x14C80] =	vst v63  }
0x152: {  	s11 =	sadd.s32 $0x20, s1;
	s12 =	simm.s32 $0x10910  }
0x153: {  	[hbm4b:s11+s5] =	stream.linear.scatter [tilespmem:s12], [sflag:$0x5], $0x80, $0x38;
	[tilespmem:$0x14C80] =	vst v63  }
0x154: {  	s11 =	sadd.s32 $0x30, s1;
	s12 =	simm.s32 $0x10998  }
0x155: {  	[hbm4b:s11+s5] =	stream.linear.scatter [tilespmem:s12], [sflag:$0x5], $0x80, $0x38;
	[tilespmem:$0x14C80] =	vst v63  }
0x156: {  	s11 =	sadd.s32 $0x40, s1;
	s12 =	simm.s32 $0x10A20  }
0x157: {  	[hbm4b:s11+s5] =	stream.linear.scatter [tilespmem:s12], [sflag:$0x5], $0x80, $0x38;
	[tilespmem:$0x14C80] =	vst v63  }
0x158: {  	s11 =	sadd.s32 $0x50, s1;
	s12 =	simm.s32 $0x10AA8  }
0x159: {  	[hbm4b:s11+s5] =	stream.linear.scatter [tilespmem:s12], [sflag:$0x5], $0x80, $0x38;
	[tilespmem:$0x14C80] =	vst v63  }
0x15a: {  	s10 =	sadd.s32 $0x60, s1;
	s11 =	simm.s32 $0x10B30  }
0x15b: {  	[hbm4b:s10+s5] =	stream.linear.scatter [tilespmem:s11], [sflag:$0x5], $0x80, $0x38;
	[tilespmem:$0x14C80] =	vst v63  }
0x15c: {  	s1 =	sadd.s32 $0x70, s1;
	s12 =	simm.s32 $0x10BB8  }
0x15d: {  	[hbm4b:s1+s5] =	stream.linear.scatter [tilespmem:s12], [sflag:$0x5], $0x80, $0x38;
	[tilespmem:$0x14C80] =	vst v63  }
0x15e: {  	s10 =	simm.s32 $0x10C40;
	s1 =	sadd.s32 s30, s17  }
0x15f: {  	[hbm4b:s1+s5] =	stream.linear.scatter [tilespmem:s10], [sflag:$0x5], $0x80, $0x38;
	[tilespmem:$0x14C80] =	vst v63  }
0x160: {  	s12 =	simm.s32 $0x10CC8;
	s11 =	sadd.s32 $0x10, s1  }
0x161: {  	[hbm4b:s11+s5] =	stream.linear.scatter [tilespmem:s12], [sflag:$0x5], $0x80, $0x38;
	[tilespmem:$0x14C80] =	vst v63  }
0x162: {  	s11 =	sadd.s32 $0x20, s1;
	s12 =	simm.s32 $0x10D50  }
0x163: {  	[hbm4b:s11+s5] =	stream.linear.scatter [tilespmem:s12], [sflag:$0x5], $0x80, $0x38;
	[tilespmem:$0x14C80] =	vst v63  }
0x164: {  	s11 =	sadd.s32 $0x30, s1;
	s12 =	simm.s32 $0x10DD8  }
0x165: {  	[hbm4b:s11+s5] =	stream.linear.scatter [tilespmem:s12], [sflag:$0x5], $0x80, $0x38;
	[tilespmem:$0x14C80] =	vst v63  }
0x166: {  	s11 =	sadd.s32 $0x40, s1;
	s12 =	simm.s32 $0x10E60  }
0x167: {  	[hbm4b:s11+s5] =	stream.linear.scatter [tilespmem:s12], [sflag:$0x5], $0x80, $0x38;
	[tilespmem:$0x14C80] =	vst v63  }
0x168: {  	s11 =	sadd.s32 $0x50, s1;
	s12 =	simm.s32 $0x10EE8  }
0x169: {  	[hbm4b:s11+s5] =	stream.linear.scatter [tilespmem:s12], [sflag:$0x5], $0x80, $0x38;
	[tilespmem:$0x14C80] =	vst v63  }
0x16a: {  	s10 =	sadd.s32 $0x60, s1;
	s11 =	simm.s32 $0x10F70  }
0x16b: {  	[hbm4b:s10+s5] =	stream.linear.scatter [tilespmem:s11], [sflag:$0x5], $0x80, $0x38;
	[tilespmem:$0x14C80] =	vst v63  }
0x16c: {  	s1 =	sadd.s32 $0x70, s1;
	s12 =	simm.s32 $0x10FF8  }
0x16d: {  	[hbm4b:s1+s5] =	stream.linear.scatter [tilespmem:s12], [sflag:$0x5], $0x80, $0x38;
	[tilespmem:$0x14C80] =	vst v63  }
0x16e: {  	s10 =	simm.s32 $0x11080;
	s1 =	sadd.s32 s30, s18  }
0x16f: {  	[hbm4b:s1+s5] =	stream.linear.scatter [tilespmem:s10], [sflag:$0x5], $0x80, $0x38;
	[tilespmem:$0x14C80] =	vst v63  }
0x170: {  	s12 =	simm.s32 $0x11108;
	s11 =	sadd.s32 $0x10, s1  }
0x171: {  	[hbm4b:s11+s5] =	stream.linear.scatter [tilespmem:s12], [sflag:$0x5], $0x80, $0x38;
	[tilespmem:$0x14C80] =	vst v63  }
0x172: {  	s11 =	sadd.s32 $0x20, s1;
	s12 =	simm.s32 $0x11190  }
0x173: {  	[hbm4b:s11+s5] =	stream.linear.scatter [tilespmem:s12], [sflag:$0x5], $0x80, $0x38;
	[tilespmem:$0x14C80] =	vst v63  }
0x174: {  	s11 =	sadd.s32 $0x30, s1;
	s12 =	simm.s32 $0x11218  }
0x175: {  	[hbm4b:s11+s5] =	stream.linear.scatter [tilespmem:s12], [sflag:$0x5], $0x80, $0x38;
	[tilespmem:$0x14C80] =	vst v63  }
0x176: {  	s11 =	sadd.s32 $0x40, s1;
	s12 =	simm.s32 $0x112A0  }
0x177: {  	[hbm4b:s11+s5] =	stream.linear.scatter [tilespmem:s12], [sflag:$0x5], $0x80, $0x38;
	[tilespmem:$0x14C80] =	vst v63  }
0x178: {  	s11 =	sadd.s32 $0x50, s1;
	s12 =	simm.s32 $0x11328  }
0x179: {  	[hbm4b:s11+s5] =	stream.linear.scatter [tilespmem:s12], [sflag:$0x5], $0x80, $0x38;
	[tilespmem:$0x14C80] =	vst v63  }
0x17a: {  	s10 =	sadd.s32 $0x60, s1;
	s11 =	simm.s32 $0x113B0  }
0x17b: {  	[hbm4b:s10+s5] =	stream.linear.scatter [tilespmem:s11], [sflag:$0x5], $0x80, $0x38;
	[tilespmem:$0x14C80] =	vst v63  }
0x17c: {  	s1 =	sadd.s32 $0x70, s1;
	s12 =	simm.s32 $0x11438  }
0x17d: {  	[hbm4b:s1+s5] =	stream.linear.scatter [tilespmem:s12], [sflag:$0x5], $0x80, $0x38;
	[tilespmem:$0x14C80] =	vst v63  }
0x17e: {  	s10 =	simm.s32 $0x114C0;
	s1 =	sadd.s32 s30, s19  }
0x17f: {  	[hbm4b:s1+s5] =	stream.linear.scatter [tilespmem:s10], [sflag:$0x5], $0x80, $0x38;
	[tilespmem:$0x14C80] =	vst v63  }
0x180: {  	s12 =	simm.s32 $0x11548;
	s11 =	sadd.s32 $0x10, s1  }
0x181: {  	[hbm4b:s11+s5] =	stream.linear.scatter [tilespmem:s12], [sflag:$0x5], $0x80, $0x38;
	[tilespmem:$0x14C80] =	vst v63  }
0x182: {  	s11 =	sadd.s32 $0x20, s1;
	s12 =	simm.s32 $0x115D0  }
0x183: {  	[hbm4b:s11+s5] =	stream.linear.scatter [tilespmem:s12], [sflag:$0x5], $0x80, $0x38;
	[tilespmem:$0x14C80] =	vst v63  }
0x184: {  	s11 =	sadd.s32 $0x30, s1;
	s12 =	simm.s32 $0x11658  }
0x185: {  	[hbm4b:s11+s5] =	stream.linear.scatter [tilespmem:s12], [sflag:$0x5], $0x80, $0x38;
	[tilespmem:$0x14C80] =	vst v63  }
0x186: {  	s11 =	sadd.s32 $0x40, s1;
	s12 =	simm.s32 $0x116E0  }
0x187: {  	[hbm4b:s11+s5] =	stream.linear.scatter [tilespmem:s12], [sflag:$0x5], $0x80, $0x38;
	[tilespmem:$0x14C80] =	vst v63  }
0x188: {  	s11 =	sadd.s32 $0x50, s1;
	s12 =	simm.s32 $0x11768  }
0x189: {  	[hbm4b:s11+s5] =	stream.linear.scatter [tilespmem:s12], [sflag:$0x5], $0x80, $0x38;
	[tilespmem:$0x14C80] =	vst v63  }
0x18a: {  	s10 =	sadd.s32 $0x60, s1;
	s11 =	simm.s32 $0x117F0  }
0x18b: {  	[hbm4b:s10+s5] =	stream.linear.scatter [tilespmem:s11], [sflag:$0x5], $0x80, $0x38;
	[tilespmem:$0x14C80] =	vst v63  }
0x18c: {  	s1 =	sadd.s32 $0x70, s1;
	s12 =	simm.s32 $0x11878  }
0x18d: {  	[hbm4b:s1+s5] =	stream.linear.scatter [tilespmem:s12], [sflag:$0x5], $0x80, $0x38;
	[tilespmem:$0x14C80] =	vst v63  }
0x18e: {  	s10 =	simm.s32 $0x11900;
	s1 =	sadd.s32 s30, s20  }
0x18f: {  	[hbm4b:s1+s5] =	stream.linear.scatter [tilespmem:s10], [sflag:$0x5], $0x80, $0x38;
	[tilespmem:$0x14C80] =	vst v63  }
0x190: {  	s12 =	simm.s32 $0x11988;
	s11 =	sadd.s32 $0x10, s1  }
0x191: {  	[hbm4b:s11+s5] =	stream.linear.scatter [tilespmem:s12], [sflag:$0x5], $0x80, $0x38;
	[tilespmem:$0x14C80] =	vst v63  }
0x192: {  	s11 =	sadd.s32 $0x20, s1;
	s12 =	simm.s32 $0x11A10  }
0x193: {  	[hbm4b:s11+s5] =	stream.linear.scatter [tilespmem:s12], [sflag:$0x5], $0x80, $0x38;
	[tilespmem:$0x14C80] =	vst v63  }
0x194: {  	s11 =	sadd.s32 $0x30, s1;
	s12 =	simm.s32 $0x11A98  }
0x195: {  	[hbm4b:s11+s5] =	stream.linear.scatter [tilespmem:s12], [sflag:$0x5], $0x80, $0x38;
	[tilespmem:$0x14C80] =	vst v63  }
0x196: {  	s11 =	sadd.s32 $0x40, s1;
	s12 =	simm.s32 $0x11B20  }
0x197: {  	[hbm4b:s11+s5] =	stream.linear.scatter [tilespmem:s12], [sflag:$0x5], $0x80, $0x38;
	[tilespmem:$0x14C80] =	vst v63  }
0x198: {  	s11 =	sadd.s32 $0x50, s1;
	s12 =	simm.s32 $0x11BA8  }
0x199: {  	[hbm4b:s11+s5] =	stream.linear.scatter [tilespmem:s12], [sflag:$0x5], $0x80, $0x38;
	[tilespmem:$0x14C80] =	vst v63  }
0x19a: {  	s10 =	sadd.s32 $0x60, s1;
	s11 =	simm.s32 $0x11C30  }
0x19b: {  	[hbm4b:s10+s5] =	stream.linear.scatter [tilespmem:s11], [sflag:$0x5], $0x80, $0x38;
	[tilespmem:$0x14C80] =	vst v63  }
0x19c: {  	s1 =	sadd.s32 $0x70, s1;
	s12 =	simm.s32 $0x11CB8  }
0x19d: {  	[hbm4b:s1+s5] =	stream.linear.scatter [tilespmem:s12], [sflag:$0x5], $0x80, $0x38;
	[tilespmem:$0x14C80] =	vst v63  }
0x19e: {  	s10 =	simm.s32 $0x11D40;
	s1 =	sadd.s32 s30, s21  }
0x19f: {  	[hbm4b:s1+s5] =	stream.linear.scatter [tilespmem:s10], [sflag:$0x5], $0x80, $0x38;
	[tilespmem:$0x14C80] =	vst v63  }
0x1a0: {  	s12 =	simm.s32 $0x11DC8;
	s11 =	sadd.s32 $0x10, s1  }
0x1a1: {  	[hbm4b:s11+s5] =	stream.linear.scatter [tilespmem:s12], [sflag:$0x5], $0x80, $0x38;
	[tilespmem:$0x14C80] =	vst v63  }
0x1a2: {  	s11 =	sadd.s32 $0x20, s1;
	s12 =	simm.s32 $0x11E50  }
0x1a3: {  	[hbm4b:s11+s5] =	stream.linear.scatter [tilespmem:s12], [sflag:$0x5], $0x80, $0x38;
	[tilespmem:$0x14C80] =	vst v63  }
0x1a4: {  	s11 =	sadd.s32 $0x30, s1;
	s12 =	simm.s32 $0x11ED8  }
0x1a5: {  	[hbm4b:s11+s5] =	stream.linear.scatter [tilespmem:s12], [sflag:$0x5], $0x80, $0x38;
	[tilespmem:$0x14C80] =	vst v63  }
0x1a6: {  	s11 =	sadd.s32 $0x40, s1;
	s12 =	simm.s32 $0x11F60  }
0x1a7: {  	[hbm4b:s11+s5] =	stream.linear.scatter [tilespmem:s12], [sflag:$0x5], $0x80, $0x38;
	[tilespmem:$0x14C80] =	vst v63  }
0x1a8: {  	s11 =	sadd.s32 $0x50, s1;
	s12 =	simm.s32 $0x11FE8  }
0x1a9: {  	[hbm4b:s11+s5] =	stream.linear.scatter [tilespmem:s12], [sflag:$0x5], $0x80, $0x38;
	[tilespmem:$0x14C80] =	vst v63  }
0x1aa: {  	s10 =	sadd.s32 $0x60, s1;
	s11 =	simm.s32 $0x12070  }
0x1ab: {  	[hbm4b:s10+s5] =	stream.linear.scatter [tilespmem:s11], [sflag:$0x5], $0x80, $0x38;
	[tilespmem:$0x14C80] =	vst v63  }
0x1ac: {  	s1 =	sadd.s32 $0x70, s1;
	s12 =	simm.s32 $0x120F8  }
0x1ad: {  	[hbm4b:s1+s5] =	stream.linear.scatter [tilespmem:s12], [sflag:$0x5], $0x80, $0x38;
	[tilespmem:$0x14C80] =	vst v63  }
0x1ae: {  	s10 =	simm.s32 $0x12180;
	s1 =	sadd.s32 s30, s22  }
0x1af: {  	[hbm4b:s1+s5] =	stream.linear.scatter [tilespmem:s10], [sflag:$0x5], $0x80, $0x38;
	[tilespmem:$0x14C80] =	vst v63  }
0x1b0: {  	s12 =	simm.s32 $0x12208;
	s11 =	sadd.s32 $0x10, s1  }
0x1b1: {  	[hbm4b:s11+s5] =	stream.linear.scatter [tilespmem:s12], [sflag:$0x5], $0x80, $0x38;
	[tilespmem:$0x14C80] =	vst v63  }
0x1b2: {  	s11 =	sadd.s32 $0x20, s1;
	s12 =	simm.s32 $0x12290  }
0x1b3: {  	[hbm4b:s11+s5] =	stream.linear.scatter [tilespmem:s12], [sflag:$0x5], $0x80, $0x38;
	[tilespmem:$0x14C80] =	vst v63  }
0x1b4: {  	s11 =	sadd.s32 $0x30, s1;
	s12 =	simm.s32 $0x12318  }
0x1b5: {  	[hbm4b:s11+s5] =	stream.linear.scatter [tilespmem:s12], [sflag:$0x5], $0x80, $0x38;
	[tilespmem:$0x14C80] =	vst v63  }
0x1b6: {  	s11 =	sadd.s32 $0x40, s1;
	s12 =	simm.s32 $0x123A0  }
0x1b7: {  	[hbm4b:s11+s5] =	stream.linear.scatter [tilespmem:s12], [sflag:$0x5], $0x80, $0x38;
	[tilespmem:$0x14C80] =	vst v63  }
0x1b8: {  	s11 =	sadd.s32 $0x50, s1;
	s12 =	simm.s32 $0x12428  }
0x1b9: {  	[hbm4b:s11+s5] =	stream.linear.scatter [tilespmem:s12], [sflag:$0x5], $0x80, $0x38;
	[tilespmem:$0x14C80] =	vst v63  }
0x1ba: {  	s10 =	sadd.s32 $0x60, s1;
	s11 =	simm.s32 $0x124B0  }
0x1bb: {  	[hbm4b:s10+s5] =	stream.linear.scatter [tilespmem:s11], [sflag:$0x5], $0x80, $0x38;
	[tilespmem:$0x14C80] =	vst v63  }
0x1bc: {  	s1 =	sadd.s32 $0x70, s1;
	s12 =	simm.s32 $0x12538  }
0x1bd: {  	[hbm4b:s1+s5] =	stream.linear.scatter [tilespmem:s12], [sflag:$0x5], $0x80, $0x38;
	[tilespmem:$0x14C80] =	vst v63  }
0x1be: {  	s10 =	simm.s32 $0x125C0;
	s1 =	sadd.s32 s30, s23  }
0x1bf: {  	[hbm4b:s1+s5] =	stream.linear.scatter [tilespmem:s10], [sflag:$0x5], $0x80, $0x38;
	[tilespmem:$0x14C80] =	vst v63  }
0x1c0: {  	s12 =	simm.s32 $0x12648;
	s11 =	sadd.s32 $0x10, s1  }
0x1c1: {  	[hbm4b:s11+s5] =	stream.linear.scatter [tilespmem:s12], [sflag:$0x5], $0x80, $0x38;
	[tilespmem:$0x14C80] =	vst v63  }
0x1c2: {  	s11 =	sadd.s32 $0x20, s1;
	s12 =	simm.s32 $0x126D0  }
0x1c3: {  	[hbm4b:s11+s5] =	stream.linear.scatter [tilespmem:s12], [sflag:$0x5], $0x80, $0x38;
	[tilespmem:$0x14C80] =	vst v63  }
0x1c4: {  	s11 =	sadd.s32 $0x30, s1;
	s12 =	simm.s32 $0x12758  }
0x1c5: {  	[hbm4b:s11+s5] =	stream.linear.scatter [tilespmem:s12], [sflag:$0x5], $0x80, $0x38;
	[tilespmem:$0x14C80] =	vst v63  }
0x1c6: {  	s11 =	sadd.s32 $0x40, s1;
	s12 =	simm.s32 $0x127E0  }
0x1c7: {  	[hbm4b:s11+s5] =	stream.linear.scatter [tilespmem:s12], [sflag:$0x5], $0x80, $0x38;
	[tilespmem:$0x14C80] =	vst v63  }
0x1c8: {  	s11 =	sadd.s32 $0x50, s1;
	s12 =	simm.s32 $0x12868  }
0x1c9: {  	[hbm4b:s11+s5] =	stream.linear.scatter [tilespmem:s12], [sflag:$0x5], $0x80, $0x38;
	[tilespmem:$0x14C80] =	vst v63  }
0x1ca: {  	s11 =	sadd.s32 $0x60, s1;
	s12 =	simm.s32 $0x128F0  }
0x1cb: {  	[hbm4b:s11+s5] =	stream.linear.scatter [tilespmem:s12], [sflag:$0x5], $0x80, $0x38;
	[tilespmem:$0x14C80] =	vst v63  }
0x1cc: {  	s10 =	simm.s32 $0x12978;
	s1 =	sadd.s32 $0x70, s1  }
0x1cd: {  	[hbm4b:s1+s5] =	stream.linear.scatter [tilespmem:s10], [sflag:$0x5], $0x80, $0x38;
	[tilespmem:$0x14C80] =	vst v63  }
0x1ce: {  	_ =	swait.ge [sflag:s26], $0x1000  }
0x1cf: {  	[sflag:s26] =	ssyncset.done $0x0  }
0x1d0: {  	[sflag:s26] =	ssyncadd.s32 $0xFFFFF000  }
0x1d1: {  	_ =	swait.ge [sflag:s26], $0x1000  }
0x1d2: {  	[sflag:s26] =	ssyncset.done $0x0  }
0x1d3: {  	[sflag:s26] =	ssyncadd.s32 $0xFFFFF000  }
0x1d4: {  	_ =	swait.ge [sflag:s26], $0x1000  }
0x1d5: {  	[sflag:s26] =	ssyncset.done $0x0  }
0x1d6: {  	[sflag:s26] =	ssyncadd.s32 $0xFFFFF000  }
0x1d7: {  	_ =	swait.ge [sflag:s26], $0x1000  }
0x1d8: {  	[sflag:s26] =	ssyncset.done $0x0  }
0x1d9: {  	[sflag:s26] =	ssyncadd.s32 $0xFFFFF000  }
0x1da: {  	_ =	swait.ge [sflag:s26], $0x1000  }
0x1db: {  	[sflag:s26] =	ssyncset.done $0x0  }
0x1dc: {  	[sflag:s26] =	ssyncadd.s32 $0xFFFFF000  }
0x1dd: {  	_ =	swait.ge [sflag:s26], $0x1000  }
0x1de: {  	[sflag:s26] =	ssyncset.done $0x0  }
0x1df: {  	[sflag:s26] =	ssyncadd.s32 $0xFFFFF000  }
0x1e0: {  	_ =	swait.ge [sflag:s26], $0x1000  }
0x1e1: {  	[sflag:s26] =	ssyncset.done $0x0  }
0x1e2: {  	[sflag:s26] =	ssyncadd.s32 $0xFFFFF000  }
0x1e3: {  	_ =	swait.ge [sflag:s26], $0x1000  }
0x1e4: {  	s8 =	simm.s32 @!p0 $0x0;
	s1 =	sadd.s32 @!p0 $0xC0, s28;
	[sflag:s26] =	ssyncset.done $0x0  }
0x1e5: {  	s11 =	simm.s32 @!p0 $0x200;
	s10 =	sadd.s32 @!p0 s2, s1;
	[sflag:s26] =	ssyncadd.s32 $0xFFFFF000  }
0x1e6: {  	[tilespmem:s11], [sflag:$0x2] =	stream.linear.gather @!p0 [hbm4b:s10+s8], $0x200, $0x38;
	[tilespmem:$0x14C80] =	vst v63  }
0x1e7: {  	s1 =	sadd.s32 @!p0 s4, s1;
	s10 =	simm.s32 @!p0 $0x600  }
0x1e8: {  	[tilespmem:s10], [sflag:$0x2] =	stream.linear.gather @!p0 [hbm4b:s1+s8], $0x200, $0x38;
	[tilespmem:$0x14C80] =	vst v63  }
0x1e9: {  	s1 =	simm.s32 @!p0 $0x1  }
0x1ea: {  	_ =	swait.ge @!p0 [sflag:s1], $0x200  }
0x1eb: {  	[sflag:s1] =	ssyncset.done @!p0 $0x0  }
0x1ec: {  	[sflag:s1] =	ssyncadd.s32 @!p0 $0xFFFFFE00  }
0x1ed: {  	_ =	swait.ge @!p0 [sflag:s1], $0x200  }
0x1ee: {  	[sflag:s1] =	ssyncset.done @!p0 $0x0  }
0x1ef: {  	[sflag:s1] =	ssyncadd.s32 @!p0 $0xFFFFFE00  }
0x1f0: {  	v12 =	vld @!p0 [tilespmem:$0x80]  }
0x1f1: {  	v13 =	vld @!p0 [tilespmem:$0x90]  }
0x1f2: {  	v14 =	vld @!p0 [tilespmem:$0xA0]  }
0x1f3: {  	v15 =	vld @!p0 [tilespmem:$0xB0]  }
0x1f4: {  	v16 =	vld @!p0 [tilespmem:$0xC0]  }
0x1f5: {  	v17 =	vld @!p0 [tilespmem:$0xD0];
	v12 =	vadd.s32 @!p0 $0x186A0, v12  }
0x1f6: {  	[tilespmem:$0x80] =	vst @!p0 v12;
	v12 =	vadd.s32 @!p0 $0x186A0, v13;
	v13 =	vld @!p0 [tilespmem:$0xE0]  }
0x1f7: {  	[tilespmem:$0x90] =	vst @!p0 v12;
	v12 =	vadd.s32 @!p0 $0x186A0, v14;
	v14 =	vld @!p0 [tilespmem:$0xF0]  }
0x1f8: {  	[tilespmem:$0xA0] =	vst @!p0 v12;
	v12 =	vadd.s32 @!p0 $0x186A0, v15;
	v15 =	vld @!p0 [tilespmem:$0x100]  }
0x1f9: {  	[tilespmem:$0xB0] =	vst @!p0 v12;
	v12 =	vadd.s32 @!p0 $0x186A0, v16;
	v16 =	vld @!p0 [tilespmem:$0x110]  }
0x1fa: {  	[tilespmem:$0xC0] =	vst @!p0 v12;
	v12 =	vadd.s32 @!p0 $0x186A0, v17;
	v17 =	vld @!p0 [tilespmem:$0x120]  }
0x1fb: {  	[tilespmem:$0xD0] =	vst @!p0 v12;
	v12 =	vadd.s32 @!p0 $0x186A0, v13;
	v13 =	vld @!p0 [tilespmem:$0x130]  }
0x1fc: {  	[tilespmem:$0xE0] =	vst @!p0 v12;
	v12 =	vadd.s32 @!p0 $0x186A0, v14;
	v14 =	vld @!p0 [tilespmem:$0x140]  }
0x1fd: {  	[tilespmem:$0xF0] =	vst @!p0 v12;
	v12 =	vadd.s32 @!p0 $0x30D40, v15;
	v15 =	vld @!p0 [tilespmem:$0x150]  }
0x1fe: {  	[tilespmem:$0x100] =	vst @!p0 v12;
	v12 =	vadd.s32 @!p0 $0x30D40, v16;
	v16 =	vld @!p0 [tilespmem:$0x160]  }
0x1ff: {  	[tilespmem:$0x110] =	vst @!p0 v12;
	v12 =	vadd.s32 @!p0 $0x30D40, v17;
	v17 =	vld @!p0 [tilespmem:$0x170]  }
0x200: {  	[tilespmem:$0x120] =	vst @!p0 v12;
	v12 =	vadd.s32 @!p0 $0x30D40, v13;
	v13 =	vld @!p0 [tilespmem:$0x180]  }
0x201: {  	[tilespmem:$0x130] =	vst @!p0 v12;
	v12 =	vadd.s32 @!p0 $0x30D40, v14;
	v14 =	vld @!p0 [tilespmem:$0x190]  }
0x202: {  	[tilespmem:$0x140] =	vst @!p0 v12;
	v12 =	vadd.s32 @!p0 $0x30D40, v15;
	v15 =	vld @!p0 [tilespmem:$0x1A0]  }
0x203: {  	[tilespmem:$0x150] =	vst @!p0 v12;
	v12 =	vadd.s32 @!p0 $0x30D40, v16;
	v16 =	vld @!p0 [tilespmem:$0x1B0]  }
0x204: {  	[tilespmem:$0x160] =	vst @!p0 v12;
	v12 =	vadd.s32 @!p0 $0x30D40, v17;
	v17 =	vld @!p0 [tilespmem:$0x1C0]  }
0x205: {  	[tilespmem:$0x170] =	vst @!p0 v12;
	v12 =	vadd.s32 @!p0 $0x493E0, v13;
	v13 =	vld @!p0 [tilespmem:$0x1D0]  }
0x206: {  	[tilespmem:$0x180] =	vst @!p0 v12;
	v12 =	vadd.s32 @!p0 $0x493E0, v14;
	v14 =	vld @!p0 [tilespmem:$0x1E0]  }
0x207: {  	[tilespmem:$0x190] =	vst @!p0 v12;
	v12 =	vadd.s32 @!p0 $0x493E0, v15;
	v15 =	vld @!p0 [tilespmem:$0x1F0]  }
0x208: {  	[tilespmem:$0x1A0] =	vst @!p0 v12;
	v12 =	vadd.s32 @!p0 $0x493E0, v16  }
0x209: {  	[tilespmem:$0x1B0] =	vst @!p0 v12;
	v12 =	vadd.s32 @!p0 $0x493E0, v17  }
0x20a: {  	[tilespmem:$0x1C0] =	vst @!p0 v12;
	v12 =	vadd.s32 @!p0 $0x493E0, v13  }
0x20b: {  	[tilespmem:$0x1D0] =	vst @!p0 v12;
	v12 =	vadd.s32 @!p0 $0x493E0, v14  }
0x20c: {  	[tilespmem:$0x1E0] =	vst @!p0 v12;
	v12 =	vadd.s32 @!p0 $0x493E0, v15  }
0x20d: {  	s10 =	simm.s32 @!p0 $0x800;
	s1 =	simm.s32 @!p0 $0x80;
	[tilespmem:$0x1F0] =	vst @!p0 v12  }
0x20e: {  	[tilespmem:s10], [sflag:$0x3] =	stream.indirect.gather @!p0 [hbm4b:s6+s1], $0x20, s8, s1, $0xb8;
	[tilespmem:$0x14C80] =	vst v63  }
0x20f: {  	s8 =	simm.s32 @!p0 $0x400;
	s10 =	simm.s32 @!p0 $0x8800  }
0x210: {  	[tilespmem:s10], [sflag:$0x3] =	stream.indirect.gather @!p0 [hbm4b:s7+s1], $0x20, s8, s1, $0xb8;
	[tilespmem:$0x14C80] =	vst v63  }
0x211: {  	s8 =	simm.s32 @!p0 $0x1800  }
0x212: {  	[tilespmem:s8], [sflag:$0x3] =	stream.indirect.gather @!p0 [hbm4b:s6+s1], $0x20, s1, s1, $0xb8;
	[tilespmem:$0x14C80] =	vst v63  }
0x213: {  	s10 =	simm.s32 @!p0 $0x9800;
	s8 =	simm.s32 @!p0 $0x480  }
0x214: {  	[tilespmem:s10], [sflag:$0x3] =	stream.indirect.gather @!p0 [hbm4b:s14+s1], $0x20, s8, s1, $0xb8;
	[tilespmem:$0x14C80] =	vst v63  }
0x215: {  	s8 =	simm.s32 @!p0 $0x100;
	s10 =	simm.s32 @!p0 $0x2800  }
0x216: {  	[tilespmem:s10], [sflag:$0x3] =	stream.indirect.gather @!p0 [hbm4b:s6+s1], $0x20, s8, s1, $0xb8;
	[tilespmem:$0x14C80] =	vst v63  }
0x217: {  	s8 =	simm.s32 @!p0 $0x500;
	s10 =	simm.s32 @!p0 $0xA800  }
0x218: {  	[tilespmem:s10], [sflag:$0x3] =	stream.indirect.gather @!p0 [hbm4b:s15+s1], $0x20, s8, s1, $0xb8;
	[tilespmem:$0x14C80] =	vst v63  }
0x219: {  	s8 =	simm.s32 @!p0 $0x180;
	s10 =	simm.s32 @!p0 $0x3800  }
0x21a: {  	[tilespmem:s10], [sflag:$0x3] =	stream.indirect.gather @!p0 [hbm4b:s6+s1], $0x20, s8, s1, $0xb8;
	[tilespmem:$0x14C80] =	vst v63  }
0x21b: {  	p1 =	seq.s32 @!p0 s31, $0x0;
	s8 =	simm.s32 @!p0 $0x580;
	s10 =	simm.s32 @!p0 $0xB800  }
0x21c: {  	[tilespmem:s10], [sflag:$0x3] =	stream.indirect.gather @!p0 [hbm4b:s16+s1], $0x20, s8, s1, $0xb8;
	[tilespmem:$0x14C80] =	vst v63  }
0x21d: {  	p0 =	por p0, !p1  }
0x21e: {  	_ =	swait.ge @p0 [sflag:s24], $0x400  }
0x21f: {  	[sflag:s24] =	ssyncset.done @p0 $0x0  }
0x220: {  	[sflag:s24] =	ssyncadd.s32 @p0 $0xFFFFFC00  }
0x221: {  	_ =	swait.ge @p0 [sflag:s24], $0x400  }
0x222: {  	[sflag:s24] =	ssyncset.done @p0 $0x0  }
0x223: {  	[sflag:s24] =	ssyncadd.s32 @p0 $0xFFFFFC00  }
0x224: {  	_ =	swait.ge @p0 [sflag:s24], $0x400  }
0x225: {  	[sflag:s24] =	ssyncset.done @p0 $0x0  }
0x226: {  	[sflag:s24] =	ssyncadd.s32 @p0 $0xFFFFFC00  }
0x227: {  	_ =	swait.ge @p0 [sflag:s24], $0x400  }
0x228: {  	[sflag:s24] =	ssyncset.done @p0 $0x0  }
0x229: {  	[sflag:s24] =	ssyncadd.s32 @p0 $0xFFFFFC00  }
0x22a: {  	_ =	swait.ge @p0 [sflag:s24], $0x400  }
0x22b: {  	[sflag:s24] =	ssyncset.done @p0 $0x0  }
0x22c: {  	[sflag:s24] =	ssyncadd.s32 @p0 $0xFFFFFC00  }
0x22d: {  	_ =	swait.ge @p0 [sflag:s24], $0x400  }
0x22e: {  	[sflag:s24] =	ssyncset.done @p0 $0x0  }
0x22f: {  	[sflag:s24] =	ssyncadd.s32 @p0 $0xFFFFFC00  }
0x230: {  	_ =	swait.ge @p0 [sflag:s24], $0x400  }
0x231: {  	[sflag:s24] =	ssyncset.done @p0 $0x0  }
0x232: {  	[sflag:s24] =	ssyncadd.s32 @p0 $0xFFFFFC00  }
0x233: {  	_ =	swait.ge @p0 [sflag:s24], $0x400  }
0x234: {  	[sflag:s24] =	ssyncset.done @p0 $0x0  }
0x235: {  	s28 =	simm.s32 $0x0;
	[sflag:s24] =	ssyncadd.s32 @p0 $0xFFFFFC00  }
0x236: {  	v13 =	vld [tilespmem:s28+$0x7860]  }
0x237: {  	v15 =	vld [tilespmem:s28+$0x7870]  }
0x238: {  	v14 =	vld [tilespmem:s28+$0x6860]  }
0x239: {  	v17 =	vld [tilespmem:s28+$0x6870]  }
0x23a: {  	v16 =	vld [tilespmem:s28+$0x4860]  }
0x23b: {  	v21 =	vld [tilespmem:s28+$0x5860]  }
0x23c: {  	v18 =	vld [tilespmem:s28+$0x4870]  }
0x23d: {  	v22 =	vld [tilespmem:s28+$0x5870]  }
0x23e: {  	s11 =	simm.s32 $0x3;
	v19 =	vld [tilespmem:s28+$0xC860]  }
0x23f: {  	s12 =	smov.u32 s2;
	v12 =	vmov s11;
	v23 =	vld [tilespmem:s28+$0xD860]  }
0x240: {  	s11 =	simm.s32 $0x0;
	v12 =	vand.u32 $0x7F, v12;
	s8 =	simm.s32 $0x0;
	s10 =	simm.s32 $0x4;
	v20 =	vld [tilespmem:s28+$0xC870]  }
.LBB2_5:
0x241: {  	p0 =	slt.u32 s10, $0x7C;
	v13 =	vmul.f32 v13, v7;
	v15 =	vmul.f32 v15, v7;
	v24 =	vld [tilespmem:s28+$0xD870];
	v25 =	vadd.s32 v0, v12  }
0x242: {  	v14 =	vmul.f32 v14, v6;
	v17 =	vmul.f32 v17, v6;
	v27 =	vadd.s32 v1, v12;
	v26 =	vld [tilespmem:s28+$0xE860]  }
0x243: {  	v16 =	vmul.f32 v16, v4;
	v21 =	vmul.f32 v21, v5;
	v29 =	vadd.s32 v2, v12;
	v28 =	vld [tilespmem:s28+$0xE870]  }
0x244: {  	v18 =	vmul.f32 v18, v4;
	v12 =	vadd.s32 v3, v12;
	v22 =	vmul.f32 v22, v5;
	v30 =	vld [tilespmem:s28+$0xF860]  }
0x245: {  	v16 =	vadd.f32 v21, v16;
	v19 =	vmul.f32 v19, v8;
	v21 =	vmul.f32 v23, v9;
	v23 =	vld [tilespmem:s28+$0xF870]  }
0x246: {  	v18 =	vadd.f32 v22, v18;
	v20 =	vmul.f32 v20, v8;
	v31 =	vld [tilespmem:s28+$0x4800];
	v22 =	vmul.f32 v24, v9  }
0x247: {  	v14 =	vadd.f32 v14, v16;
	v16 =	vadd.f32 v21, v19;
	v24 =	vld [tilespmem:s28+$0x5800];
	v19 =	vmul.f32 v26, v10  }
0x248: {  	v17 =	vadd.f32 v17, v18;
	v21 =	vld [tilespmem:s28+$0x4810];
	v18 =	vadd.f32 v22, v20;
	v20 =	vmul.f32 v28, v10  }
0x249: {  	v13 =	vadd.f32 v13, v14;
	v22 =	vld [tilespmem:s28+$0x5810];
	v14 =	vadd.f32 v19, v16;
	v16 =	vmul.f32 v30, v11  }
0x24a: {  	v15 =	vadd.f32 v15, v17;
	v19 =	vld [tilespmem:s28+$0xC800];
	v17 =	vadd.f32 v20, v18;
	v18 =	vmul.f32 v23, v11  }
0x24b: {  	v20 =	vmul.f32 v31, v4;
	v23 =	vld [tilespmem:s28+$0xD800];
	v14 =	vadd.f32 v16, v14;
	[tilespmem:v25+s29+$0x0] =	vst.idx.msk $0xffff, v13  }
0x24c: {  	v13 =	vmul.f32 v24, v5;
	v16 =	vld [tilespmem:s28+$0xC810];
	v17 =	vadd.f32 v18, v17;
	[tilespmem:v27+s29+$0x0] =	vst.idx.msk $0xffff, v15  }
0x24d: {  	v15 =	vmul.f32 v21, v4;
	v18 =	vld [tilespmem:s28+$0xD810];
	[tilespmem:v29+s29+$0x0] =	vst.idx.msk $0xffff, v14  }
0x24e: {  	v13 =	vadd.f32 v13, v20;
	v14 =	vmul.f32 v22, v5;
	v20 =	vld [tilespmem:s28+$0x4820];
	[tilespmem:v12+s29+$0x0] =	vst.idx.msk $0xffff, v17  }
0x24f: {  	v12 =	vmul.f32 v19, v8;
	v17 =	vld [tilespmem:s28+$0x5820]  }
0x250: {  	v14 =	vadd.f32 v14, v15;
	v15 =	vmul.f32 v23, v9;
	v19 =	vld [tilespmem:s28+$0x4830]  }
0x251: {  	v16 =	vmul.f32 v16, v8;
	v21 =	vld [tilespmem:s28+$0x5830]  }
0x252: {  	v12 =	vadd.f32 v15, v12;
	v15 =	vmul.f32 v18, v9;
	v18 =	vld [tilespmem:s28+$0xC820]  }
0x253: {  	v20 =	vmul.f32 v20, v4;
	v22 =	vld [tilespmem:s28+$0xD820]  }
0x254: {  	v15 =	vadd.f32 v15, v16;
	v16 =	vmul.f32 v17, v5;
	v17 =	vld [tilespmem:s28+$0xC830]  }
0x255: {  	v19 =	vmul.f32 v19, v4;
	v23 =	vld [tilespmem:s28+$0xD830]  }
0x256: {  	v16 =	vadd.f32 v16, v20;
	v20 =	vmul.f32 v21, v5;
	v21 =	vld [tilespmem:s28+$0x4840]  }
0x257: {  	v18 =	vmul.f32 v18, v8;
	v24 =	vld [tilespmem:s28+$0x5840]  }
0x258: {  	v19 =	vadd.f32 v20, v19;
	v20 =	vmul.f32 v22, v9;
	v22 =	vld [tilespmem:s28+$0x4850]  }
0x259: {  	v17 =	vmul.f32 v17, v8;
	v25 =	vld [tilespmem:s28+$0x5850]  }
0x25a: {  	v18 =	vadd.f32 v20, v18;
	v20 =	vmul.f32 v23, v9;
	v23 =	vld [tilespmem:s28+$0xC840]  }
0x25b: {  	v21 =	vmul.f32 v21, v4;
	v26 =	vld [tilespmem:s28+$0xD840]  }
0x25c: {  	v17 =	vadd.f32 v20, v17;
	v20 =	vmul.f32 v24, v5;
	v24 =	vld [tilespmem:s28+$0xC850]  }
0x25d: {  	v22 =	vmul.f32 v22, v4;
	v27 =	vld [tilespmem:s28+$0xD850]  }
0x25e: {  	v28 =	vld [tilespmem:s28+$0x6800];
	v20 =	vadd.f32 v20, v21;
	v21 =	vmul.f32 v25, v5  }
0x25f: {  	v25 =	vld [tilespmem:s28+$0x6810];
	v23 =	vmul.f32 v23, v8  }
0x260: {  	v29 =	vld [tilespmem:s28+$0xE800];
	v21 =	vadd.f32 v21, v22;
	v22 =	vmul.f32 v26, v9  }
0x261: {  	v26 =	vld [tilespmem:s28+$0xE810];
	v24 =	vmul.f32 v24, v8  }
0x262: {  	s1 =	sadd.s32 $0x1, s8;
	v30 =	vmov s8;
	v31 =	vld [tilespmem:s28+$0x6820];
	v22 =	vadd.f32 v22, v23;
	v23 =	vmul.f32 v27, v9  }
0x263: {  	v27 =	vmul.f32 v28, v6;
	v28 =	vand.u32 $0x7C, v30;
	v30 =	vmov s1;
	v32 =	vld [tilespmem:s28+$0x6830];
	s1 =	sadd.s32 $0x2, s8;
	s8 =	smov.u32 s10  }
0x264: {  	v25 =	vmul.f32 v25, v6;
	v33 =	vld [tilespmem:s28+$0xE820];
	v34 =	vmov s1;
	v23 =	vadd.f32 v23, v24  }
0x265: {  	v13 =	vadd.f32 v27, v13;
	v24 =	vmul.f32 v29, v10;
	v27 =	vadd.s32 v0, v28;
	v29 =	vld [tilespmem:s28+$0xE830]  }
0x266: {  	v14 =	vadd.f32 v25, v14;
	v25 =	vmul.f32 v26, v10;
	v26 =	vadd.s32 v1, v28;
	v35 =	vld [tilespmem:s28+$0x6840]  }
0x267: {  	v12 =	vadd.f32 v24, v12;
	v24 =	vadd.s32 v2, v28;
	v31 =	vmul.f32 v31, v6;
	v36 =	vld [tilespmem:s28+$0x6850]  }
0x268: {  	v15 =	vadd.f32 v25, v15;
	v25 =	vadd.s32 v3, v28;
	v28 =	vmul.f32 v32, v6;
	v32 =	vld [tilespmem:s28+$0xE840]  }
0x269: {  	v30 =	vand.u32 $0x7D, v30;
	v16 =	vadd.f32 v31, v16;
	v31 =	vmul.f32 v33, v10;
	v33 =	vld [tilespmem:s28+$0xE850]  }
0x26a: {  	v37 =	vld [tilespmem:s28+$0x7800];
	v19 =	vadd.f32 v28, v19;
	v28 =	vmul.f32 v29, v10;
	v29 =	vand.u32 $0x7E, v34  }
0x26b: {  	v34 =	vld [tilespmem:s28+$0x7810];
	v18 =	vadd.f32 v31, v18;
	v31 =	vadd.s32 v0, v30;
	v35 =	vmul.f32 v35, v6  }
0x26c: {  	v38 =	vld [tilespmem:s28+$0xF800];
	v17 =	vadd.f32 v28, v17;
	v28 =	vadd.s32 v1, v30;
	v36 =	vmul.f32 v36, v6  }
0x26d: {  	v40 =	vadd.s32 v2, v30;
	v39 =	vld [tilespmem:s28+$0xF810];
	v20 =	vadd.f32 v35, v20;
	v32 =	vmul.f32 v32, v10  }
0x26e: {  	v30 =	vadd.s32 v3, v30;
	v35 =	vld [tilespmem:s28+$0x7820];
	v21 =	vadd.f32 v36, v21;
	v33 =	vmul.f32 v33, v10  }
0x26f: {  	v36 =	vmul.f32 v37, v7;
	v37 =	vld [tilespmem:s28+$0x7830];
	v22 =	vadd.f32 v32, v22;
	v32 =	vadd.s32 v0, v29  }
0x270: {  	v34 =	vmul.f32 v34, v7;
	v41 =	vld [tilespmem:s28+$0xF820];
	v23 =	vadd.f32 v33, v23;
	v33 =	vadd.s32 v1, v29  }
0x271: {  	v42 =	vadd.s32 v2, v29;
	v13 =	vadd.f32 v36, v13;
	v36 =	vmul.f32 v38, v11;
	v38 =	vld [tilespmem:s28+$0xF830]  }
0x272: {  	v29 =	vadd.s32 v3, v29;
	v14 =	vadd.f32 v34, v14;
	v34 =	vmul.f32 v39, v11;
	v39 =	vld [tilespmem:s28+$0x7840]  }
0x273: {  	v12 =	vadd.f32 v36, v12;
	[tilespmem:v27+s29+$0x0] =	vst.idx.msk $0xffff, v13;
	v13 =	vmul.f32 v35, v7;
	v27 =	vld [tilespmem:s28+$0x7850]  }
0x274: {  	s11 =	sadd.s32 $0x200, s11;
	v15 =	vadd.f32 v34, v15;
	[tilespmem:v26+s29+$0x0] =	vst.idx.msk $0xffff, v14;
	v14 =	vmul.f32 v37, v7;
	v26 =	vld [tilespmem:s28+$0xF840]  }
0x275: {  	[tilespmem:v24+s29+$0x0] =	vst.idx.msk $0xffff, v12;
	v12 =	vadd.f32 v13, v16;
	v16 =	vmul.f32 v41, v11;
	v24 =	vld [tilespmem:s28+$0xF850];
	s28 =	sshra.s32 s11, $0x2  }
0x276: {  	v13 =	vld [tilespmem:s28+$0x7860];
	[tilespmem:v25+s29+$0x0] =	vst.idx.msk $0xffff, v15;
	v19 =	vadd.f32 v14, v19;
	v25 =	vmul.f32 v38, v11  }
0x277: {  	v15 =	vld [tilespmem:s28+$0x7870];
	v16 =	vadd.f32 v16, v18;
	[tilespmem:v31+s29+$0x0] =	vst.idx.msk $0xffff, v12;
	v12 =	vmul.f32 v39, v7  }
0x278: {  	v14 =	vld [tilespmem:s28+$0x6860];
	v18 =	vadd.f32 v25, v17;
	[tilespmem:v28+s29+$0x0] =	vst.idx.msk $0xffff, v19;
	v19 =	vmul.f32 v27, v7  }
0x279: {  	v17 =	vld [tilespmem:s28+$0x6870];
	[tilespmem:v40+s29+$0x0] =	vst.idx.msk $0xffff, v16;
	v12 =	vadd.f32 v12, v20;
	v20 =	vmul.f32 v26, v11  }
0x27a: {  	v16 =	vld [tilespmem:s28+$0x4860];
	[tilespmem:v30+s29+$0x0] =	vst.idx.msk $0xffff, v18;
	v19 =	vadd.f32 v19, v21;
	v24 =	vmul.f32 v24, v11  }
0x27b: {  	v21 =	vld [tilespmem:s28+$0x5860];
	v20 =	vadd.f32 v20, v22;
	[tilespmem:v32+s29+$0x0] =	vst.idx.msk $0xffff, v12  }
.Ltmp1:
0x27c: {  	v18 =	vld [tilespmem:s28+$0x4870];
	v12 =	vadd.f32 v24, v23;
	[tilespmem:v33+s29+$0x0] =	vst.idx.msk $0xffff, v19;
	(pc) =	sbr.rel @p0 .LBB2_5-.Ltmp1, $4  }
0x27d: {  	v22 =	vld [tilespmem:s28+$0x5870];
	[tilespmem:v42+s29+$0x0] =	vst.idx.msk $0xffff, v20  }
0x27e: {  	s1 =	sadd.s32 $0x3, s10;
	v19 =	vld [tilespmem:s28+$0xC860];
	[tilespmem:v29+s29+$0x0] =	vst.idx.msk $0xffff, v12  }
0x27f: {  	v12 =	vmov s1;
	v23 =	vld [tilespmem:s28+$0xD860]  }
0x280: {  	s10 =	sadd.s32 $0x4, s10;
	v12 =	vand.u32 $0x7F, v12;
	v20 =	vld [tilespmem:s28+$0xC870]  }
0x281: {  	v24 =	vld [tilespmem:s28+$0xD870]  }
0x282: {  	v25 =	vld [tilespmem:s28+$0xE860]  }
0x283: {  	v26 =	vld [tilespmem:s28+$0xE870]  }
0x284: {  	v27 =	vld [tilespmem:s28+$0xF860]  }
0x285: {  	v28 =	vld [tilespmem:s28+$0xF870]  }
0x286: {  	v29 =	vld [tilespmem:s28+$0x4800]  }
0x287: {  	v30 =	vld [tilespmem:s28+$0x5800]  }
0x288: {  	v31 =	vld [tilespmem:s28+$0x4810]  }
0x289: {  	v32 =	vld [tilespmem:s28+$0x5810]  }
0x28a: {  	v33 =	vld [tilespmem:s28+$0xC800]  }
0x28b: {  	v34 =	vld [tilespmem:s28+$0xD800]  }
0x28c: {  	v13 =	vmul.f32 v13, v7;
	v15 =	vmul.f32 v15, v7;
	v35 =	vld [tilespmem:s28+$0xC810]  }
0x28d: {  	v14 =	vmul.f32 v14, v6;
	v17 =	vmul.f32 v17, v6;
	v37 =	vld [tilespmem:s28+$0xD810]  }
0x28e: {  	v16 =	vmul.f32 v16, v4;
	v21 =	vmul.f32 v21, v5;
	v39 =	vld [tilespmem:s28+$0x4820]  }
0x28f: {  	v18 =	vmul.f32 v18, v4;
	v41 =	vld [tilespmem:s28+$0x5820];
	v22 =	vmul.f32 v22, v5  }
0x290: {  	v38 =	vadd.s32 v0, v12;
	v47 =	vld [tilespmem:s28+$0xC830];
	v19 =	vmul.f32 v19, v8;
	v62 =	vmul.f32 v23, v9  }
0x291: {  	s1 =	sadd.s32 $0x1, s8;
	v40 =	vadd.s32 v1, v12;
	v50 =	vld [tilespmem:s28+$0xD830];
	v20 =	vmul.f32 v20, v8;
	v63 =	vmul.f32 v24, v9  }
0x292: {  	v53 =	vld [tilespmem:s28+$0x4840];
	v36 =	vmov s1;
	v43 =	vmul.f32 v25, v10;
	v45 =	vmul.f32 v26, v10  }
0x293: {  	v56 =	vld [tilespmem:s28+$0x5840];
	v16 =	vadd.f32 v21, v16;
	v48 =	vmul.f32 v27, v11;
	v49 =	vmul.f32 v28, v11  }
0x294: {  	v59 =	vld [tilespmem:s28+$0x4850];
	v18 =	vadd.f32 v22, v18;
	v51 =	vmul.f32 v29, v4;
	v52 =	vmul.f32 v30, v5  }
0x295: {  	v21 =	vld [tilespmem:s28+$0xC820];
	v14 =	vadd.f32 v14, v16;
	v54 =	vmul.f32 v31, v4;
	v55 =	vmul.f32 v32, v5  }
0x296: {  	v23 =	vld [tilespmem:s28+$0x4830];
	v42 =	vadd.f32 v62, v19;
	v57 =	vmul.f32 v33, v8;
	v58 =	vmul.f32 v34, v9  }
0x297: {  	v24 =	vld [tilespmem:s28+$0x5830];
	v25 =	vadd.s32 v2, v12;
	v60 =	vmul.f32 v35, v8;
	v61 =	vmul.f32 v37, v9  }
0x298: {  	v17 =	vadd.f32 v17, v18;
	v62 =	vld [tilespmem:s28+$0x5850];
	v16 =	vmul.f32 v47, v8;
	v26 =	vmul.f32 v50, v9  }
0x299: {  	v47 =	vmul.f32 v53, v4;
	v53 =	vld [tilespmem:s28+$0xE800];
	v13 =	vadd.f32 v13, v14;
	v44 =	vadd.f32 v63, v20  }
0x29a: {  	v50 =	vmul.f32 v59, v4;
	v20 =	vld [tilespmem:s28+$0xD820];
	v46 =	vadd.f32 v43, v42;
	v15 =	vadd.f32 v15, v17  }
0x29b: {  	v12 =	vadd.s32 v3, v12;
	v22 =	vadd.f32 v52, v51;
	v19 =	vadd.f32 v55, v54;
	v43 =	vld [tilespmem:s28+$0xC840]  }
0x29c: {  	v63 =	vmul.f32 v39, v4;
	v42 =	vmul.f32 v41, v5;
	v27 =	vadd.f32 v61, v60;
	v52 =	vld [tilespmem:s28+$0x6810]  }
0x29d: {  	v21 =	vmul.f32 v21, v8;
	v16 =	vadd.f32 v26, v16;
	v55 =	vld [tilespmem:s28+$0xE810];
	v18 =	vadd.f32 v45, v44  }
0x29e: {  	s11 =	sadd.s32 $0x2, s8;
	v60 =	vld [tilespmem:s28+$0x6830];
	v23 =	vmul.f32 v23, v4;
	v14 =	vadd.f32 v48, v46;
	v29 =	vadd.f32 v42, v63  }
0x29f: {  	[tilespmem:v38+s29+$0x0] =	vst.idx.msk $0xffff, v13;
	v44 =	vld [tilespmem:s28+$0xD840];
	v48 =	vmul.f32 v56, v5;
	v56 =	vmov s8;
	v63 =	vmov s11  }
0x2a0: {  	v45 =	vld [tilespmem:s28+$0xC850];
	[tilespmem:v40+s29+$0x0] =	vst.idx.msk $0xffff, v15;
	v24 =	vmul.f32 v24, v5;
	v51 =	vmul.f32 v62, v5;
	v59 =	vand.u32 $0x7C, v56  }
0x2a1: {  	v46 =	vld [tilespmem:s28+$0xD850];
	v26 =	vmul.f32 v53, v10;
	v17 =	vadd.f32 v49, v18;
	v18 =	vadd.f32 v58, v57  }
0x2a2: {  	v62 =	vld [tilespmem:s28+$0xE820];
	v28 =	vadd.s32 v0, v59;
	v32 =	vadd.s32 v1, v59;
	v20 =	vmul.f32 v20, v9  }
0x2a3: {  	v53 =	vld [tilespmem:s28+$0x7800];
	v23 =	vadd.f32 v24, v23;
	v24 =	vadd.f32 v48, v47;
	v54 =	vmul.f32 v43, v8  }
0x2a4: {  	v56 =	vld [tilespmem:s28+$0x7810];
	v61 =	vmul.f32 v52, v6;
	v48 =	vmul.f32 v60, v6;
	v18 =	vadd.f32 v26, v18  }
0x2a5: {  	v49 =	vld [tilespmem:s28+$0x6800];
	v26 =	vadd.s32 v2, v59;
	v20 =	vadd.f32 v20, v21;
	v31 =	vmul.f32 v44, v9  }
0x2a6: {  	v57 =	vld [tilespmem:s28+$0x6820];
	v21 =	vadd.f32 v51, v50;
	v33 =	vmul.f32 v45, v8;
	v35 =	vmul.f32 v46, v9  }
0x2a7: {  	[tilespmem:v25+s29+$0x0] =	vst.idx.msk $0xffff, v14;
	v47 =	vld [tilespmem:s28+$0x6850];
	v15 =	vadd.f32 v61, v19;
	v45 =	vmul.f32 v55, v10;
	v51 =	vand.u32 $0x7D, v36  }
0x2a8: {  	v52 =	vld [tilespmem:s28+$0xE850];
	[tilespmem:v12+s29+$0x0] =	vst.idx.msk $0xffff, v17;
	v17 =	vadd.f32 v48, v23;
	v55 =	vand.u32 $0x7E, v63;
	v50 =	vmul.f32 v62, v10  }
0x2a9: {  	v60 =	vld [tilespmem:s28+$0xF810];
	v25 =	vadd.s32 v0, v51;
	v23 =	vadd.s32 v1, v51;
	v61 =	vadd.s32 v2, v51  }
0x2aa: {  	v44 =	vld [tilespmem:s28+$0xE830];
	v12 =	vmul.f32 v53, v7;
	v42 =	vadd.s32 v2, v55;
	v30 =	vadd.s32 v3, v55  }
0x2ab: {  	v46 =	vld [tilespmem:s28+$0x6840];
	v13 =	vadd.f32 v31, v54;
	v58 =	vmul.f32 v49, v6;
	v33 =	vadd.f32 v35, v33  }
0x2ac: {  	v63 =	vld [tilespmem:s28+$0x7830];
	v39 =	vmul.f32 v57, v6;
	v19 =	vadd.f32 v45, v27;
	v27 =	vadd.s32 v3, v59  }
0x2ad: {  	v62 =	vld [tilespmem:s28+$0x7820];
	v45 =	vadd.s32 v0, v55;
	v35 =	vmul.f32 v56, v7;
	v20 =	vadd.f32 v50, v20  }
0x2ae: {  	v49 =	vld [tilespmem:s28+$0xE840];
	v59 =	vmul.f32 v47, v6;
	v34 =	vmul.f32 v52, v10;
	v47 =	vadd.s32 v1, v55  }
0x2af: {  	v50 =	vmul.f32 v60, v11;
	v22 =	vadd.f32 v58, v22;
	v14 =	vadd.f32 v39, v29;
	v58 =	vld [tilespmem:s28+$0xF800]  }
0x2b0: {  	v29 =	vadd.s32 v3, v51;
	v15 =	vadd.f32 v35, v15;
	v51 =	vld [tilespmem:s28+$0x7840];
	v54 =	vmul.f32 v44, v10  }
0x2b1: {  	v57 =	vmul.f32 v46, v6;
	v21 =	vadd.f32 v59, v21;
	v46 =	vld [tilespmem:s28+$0xF820];
	v33 =	vadd.f32 v34, v33  }
0x2b2: {  	v12 =	vadd.f32 v12, v22;
	v52 =	vmul.f32 v62, v7;
	v16 =	vadd.f32 v54, v16  }
0x2b3: {  	v53 =	vld [tilespmem:s28+$0x7850];
	v24 =	vadd.f32 v57, v24;
	v31 =	vmul.f32 v49, v10;
	v54 =	vmul.f32 v63, v7  }
0x2b4: {  	v49 =	vld [tilespmem:s28+$0xF830];
	[tilespmem:v28+s29+$0x0] =	vst.idx.msk $0xffff, v12;
	v12 =	vadd.f32 v52, v14;
	v48 =	vmul.f32 v58, v11  }
0x2b5: {  	v55 =	vld [tilespmem:s28+$0xF840];
	[tilespmem:v32+s29+$0x0] =	vst.idx.msk $0xffff, v15;
	v15 =	vadd.f32 v54, v17;
	v59 =	vmul.f32 v51, v7  }
0x2b6: {  	v57 =	vld [tilespmem:s28+$0xF850];
	v56 =	vmul.f32 v46, v11;
	[tilespmem:v25+s29+$0x0] =	vst.idx.msk $0xffff, v12;
	v18 =	vadd.f32 v48, v18  }
0x2b7: {  	v19 =	vadd.f32 v50, v19;
	[tilespmem:v23+s29+$0x0] =	vst.idx.msk $0xffff, v15;
	v12 =	vadd.f32 v59, v24  }
0x2b8: {  	v60 =	vmul.f32 v53, v7;
	v14 =	vadd.f32 v56, v20;
	[tilespmem:v26+s29+$0x0] =	vst.idx.msk $0xffff, v18  }
0x2b9: {  	v13 =	vadd.f32 v31, v13;
	v58 =	vmul.f32 v49, v11;
	[tilespmem:v45+s29+$0x0] =	vst.idx.msk $0xffff, v12  }
0x2ba: {  	v15 =	vadd.f32 v60, v21;
	[tilespmem:v61+s29+$0x0] =	vst.idx.msk $0xffff, v14;
	v61 =	vmul.f32 v55, v11  }
0x2bb: {  	v62 =	vmul.f32 v57, v11;
	[tilespmem:v27+s29+$0x0] =	vst.idx.msk $0xffff, v19;
	v16 =	vadd.f32 v58, v16  }
0x2bc: {  	[tilespmem:v47+s29+$0x0] =	vst.idx.msk $0xffff, v15;
	v13 =	vadd.f32 v61, v13  }
0x2bd: {  	v63 =	vadd.f32 v62, v33;
	[tilespmem:v29+s29+$0x0] =	vst.idx.msk $0xffff, v16  }
0x2be: {  	s8 =	sor.u32 $0x80, s30;
	[tilespmem:v42+s29+$0x0] =	vst.idx.msk $0xffff, v13  }
0x2bf: {  	s1 =	sadd.s32 s9, s8;
	[tilespmem:v30+s29+$0x0] =	vst.idx.msk $0xffff, v63  }
0x2c0: {  	[hbm4b:s1+s5] =	stream.linear.scatter [tilespmem:s29], [sflag:$0x6], $0x80, $0x38;
	[tilespmem:$0x14C80] =	vst v63  }
0x2c1: {  	s2 =	simm.s32 $0x12A88;
	s10 =	sadd.s32 $0x10, s1  }
0x2c2: {  	[hbm4b:s10+s5] =	stream.linear.scatter [tilespmem:s2], [sflag:$0x6], $0x80, $0x38;
	[tilespmem:$0x14C80] =	vst v63  }
0x2c3: {  	s11 =	simm.s32 $0x12B10;
	s2 =	sadd.s32 $0x20, s1  }
0x2c4: {  	[hbm4b:s2+s5] =	stream.linear.scatter [tilespmem:s11], [sflag:$0x6], $0x80, $0x38;
	[tilespmem:$0x14C80] =	vst v63  }
0x2c5: {  	s30 =	simm.s32 $0x12B98;
	s28 =	sadd.s32 $0x30, s1  }
0x2c6: {  	[hbm4b:s28+s5] =	stream.linear.scatter [tilespmem:s30], [sflag:$0x6], $0x80, $0x38;
	[tilespmem:$0x14C80] =	vst v63  }
0x2c7: {  	s2 =	sadd.s32 $0x40, s1;
	s11 =	simm.s32 $0x12C20  }
0x2c8: {  	[hbm4b:s2+s5] =	stream.linear.scatter [tilespmem:s11], [sflag:$0x6], $0x80, $0x38;
	[tilespmem:$0x14C80] =	vst v63  }
0x2c9: {  	s28 =	sadd.s32 $0x50, s1;
	s30 =	simm.s32 $0x12CA8  }
0x2ca: {  	[hbm4b:s28+s5] =	stream.linear.scatter [tilespmem:s30], [sflag:$0x6], $0x80, $0x38;
	[tilespmem:$0x14C80] =	vst v63  }
0x2cb: {  	s2 =	sadd.s32 $0x60, s1;
	s11 =	simm.s32 $0x12D30  }
0x2cc: {  	[hbm4b:s2+s5] =	stream.linear.scatter [tilespmem:s11], [sflag:$0x6], $0x80, $0x38;
	[tilespmem:$0x14C80] =	vst v63  }
0x2cd: {  	s1 =	sadd.s32 $0x70, s1;
	s28 =	simm.s32 $0x12DB8  }
0x2ce: {  	[hbm4b:s1+s5] =	stream.linear.scatter [tilespmem:s28], [sflag:$0x6], $0x80, $0x38;
	[tilespmem:$0x14C80] =	vst v63  }
0x2cf: {  	s30 =	simm.s32 $0x12E40;
	s1 =	sadd.s32 s8, s17  }
0x2d0: {  	[hbm4b:s1+s5] =	stream.linear.scatter [tilespmem:s30], [sflag:$0x6], $0x80, $0x38;
	[tilespmem:$0x14C80] =	vst v63  }
0x2d1: {  	s11 =	simm.s32 $0x12EC8;
	s2 =	sadd.s32 $0x10, s1  }
0x2d2: {  	[hbm4b:s2+s5] =	stream.linear.scatter [tilespmem:s11], [sflag:$0x6], $0x80, $0x38;
	[tilespmem:$0x14C80] =	vst v63  }
0x2d3: {  	s28 =	sadd.s32 $0x20, s1;
	s30 =	simm.s32 $0x12F50  }
0x2d4: {  	[hbm4b:s28+s5] =	stream.linear.scatter [tilespmem:s30], [sflag:$0x6], $0x80, $0x38;
	[tilespmem:$0x14C80] =	vst v63  }
0x2d5: {  	s2 =	sadd.s32 $0x30, s1;
	s11 =	simm.s32 $0x12FD8  }
0x2d6: {  	[hbm4b:s2+s5] =	stream.linear.scatter [tilespmem:s11], [sflag:$0x6], $0x80, $0x38;
	[tilespmem:$0x14C80] =	vst v63  }
0x2d7: {  	s28 =	sadd.s32 $0x40, s1;
	s30 =	simm.s32 $0x13060  }
0x2d8: {  	[hbm4b:s28+s5] =	stream.linear.scatter [tilespmem:s30], [sflag:$0x6], $0x80, $0x38;
	[tilespmem:$0x14C80] =	vst v63  }
0x2d9: {  	s2 =	sadd.s32 $0x50, s1;
	s11 =	simm.s32 $0x130E8  }
0x2da: {  	[hbm4b:s2+s5] =	stream.linear.scatter [tilespmem:s11], [sflag:$0x6], $0x80, $0x38;
	[tilespmem:$0x14C80] =	vst v63  }
0x2db: {  	s28 =	sadd.s32 $0x60, s1;
	s30 =	simm.s32 $0x13170  }
0x2dc: {  	[hbm4b:s28+s5] =	stream.linear.scatter [tilespmem:s30], [sflag:$0x6], $0x80, $0x38;
	[tilespmem:$0x14C80] =	vst v63  }
0x2dd: {  	s10 =	simm.s32 $0x131F8;
	s1 =	sadd.s32 $0x70, s1  }
0x2de: {  	[hbm4b:s1+s5] =	stream.linear.scatter [tilespmem:s10], [sflag:$0x6], $0x80, $0x38;
	[tilespmem:$0x14C80] =	vst v63  }
0x2df: {  	s11 =	simm.s32 $0x13280;
	s1 =	sadd.s32 s8, s18  }
0x2e0: {  	[hbm4b:s1+s5] =	stream.linear.scatter [tilespmem:s11], [sflag:$0x6], $0x80, $0x38;
	[tilespmem:$0x14C80] =	vst v63  }
0x2e1: {  	s30 =	simm.s32 $0x13308;
	s28 =	sadd.s32 $0x10, s1  }
0x2e2: {  	[hbm4b:s28+s5] =	stream.linear.scatter [tilespmem:s30], [sflag:$0x6], $0x80, $0x38;
	[tilespmem:$0x14C80] =	vst v63  }
0x2e3: {  	s2 =	sadd.s32 $0x20, s1;
	s11 =	simm.s32 $0x13390  }
0x2e4: {  	[hbm4b:s2+s5] =	stream.linear.scatter [tilespmem:s11], [sflag:$0x6], $0x80, $0x38;
	[tilespmem:$0x14C80] =	vst v63  }
0x2e5: {  	s28 =	sadd.s32 $0x30, s1;
	s30 =	simm.s32 $0x13418  }
0x2e6: {  	[hbm4b:s28+s5] =	stream.linear.scatter [tilespmem:s30], [sflag:$0x6], $0x80, $0x38;
	[tilespmem:$0x14C80] =	vst v63  }
0x2e7: {  	s2 =	sadd.s32 $0x40, s1;
	s11 =	simm.s32 $0x134A0  }
0x2e8: {  	[hbm4b:s2+s5] =	stream.linear.scatter [tilespmem:s11], [sflag:$0x6], $0x80, $0x38;
	[tilespmem:$0x14C80] =	vst v63  }
0x2e9: {  	s28 =	sadd.s32 $0x50, s1;
	s30 =	simm.s32 $0x13528  }
0x2ea: {  	[hbm4b:s28+s5] =	stream.linear.scatter [tilespmem:s30], [sflag:$0x6], $0x80, $0x38;
	[tilespmem:$0x14C80] =	vst v63  }
0x2eb: {  	s2 =	sadd.s32 $0x60, s1;
	s11 =	simm.s32 $0x135B0  }
0x2ec: {  	[hbm4b:s2+s5] =	stream.linear.scatter [tilespmem:s11], [sflag:$0x6], $0x80, $0x38;
	[tilespmem:$0x14C80] =	vst v63  }
0x2ed: {  	s1 =	sadd.s32 $0x70, s1;
	s28 =	simm.s32 $0x13638  }
0x2ee: {  	[hbm4b:s1+s5] =	stream.linear.scatter [tilespmem:s28], [sflag:$0x6], $0x80, $0x38;
	[tilespmem:$0x14C80] =	vst v63  }
0x2ef: {  	s30 =	simm.s32 $0x136C0;
	s1 =	sadd.s32 s8, s19  }
0x2f0: {  	[hbm4b:s1+s5] =	stream.linear.scatter [tilespmem:s30], [sflag:$0x6], $0x80, $0x38;
	[tilespmem:$0x14C80] =	vst v63  }
0x2f1: {  	s11 =	simm.s32 $0x13748;
	s2 =	sadd.s32 $0x10, s1  }
0x2f2: {  	[hbm4b:s2+s5] =	stream.linear.scatter [tilespmem:s11], [sflag:$0x6], $0x80, $0x38;
	[tilespmem:$0x14C80] =	vst v63  }
0x2f3: {  	s28 =	sadd.s32 $0x20, s1;
	s30 =	simm.s32 $0x137D0  }
0x2f4: {  	[hbm4b:s28+s5] =	stream.linear.scatter [tilespmem:s30], [sflag:$0x6], $0x80, $0x38;
	[tilespmem:$0x14C80] =	vst v63  }
0x2f5: {  	s2 =	sadd.s32 $0x30, s1;
	s11 =	simm.s32 $0x13858  }
0x2f6: {  	[hbm4b:s2+s5] =	stream.linear.scatter [tilespmem:s11], [sflag:$0x6], $0x80, $0x38;
	[tilespmem:$0x14C80] =	vst v63  }
0x2f7: {  	s28 =	sadd.s32 $0x40, s1;
	s30 =	simm.s32 $0x138E0  }
0x2f8: {  	[hbm4b:s28+s5] =	stream.linear.scatter [tilespmem:s30], [sflag:$0x6], $0x80, $0x38;
	[tilespmem:$0x14C80] =	vst v63  }
0x2f9: {  	s2 =	sadd.s32 $0x50, s1;
	s11 =	simm.s32 $0x13968  }
0x2fa: {  	[hbm4b:s2+s5] =	stream.linear.scatter [tilespmem:s11], [sflag:$0x6], $0x80, $0x38;
	[tilespmem:$0x14C80] =	vst v63  }
0x2fb: {  	s28 =	sadd.s32 $0x60, s1;
	s30 =	simm.s32 $0x139F0  }
0x2fc: {  	[hbm4b:s28+s5] =	stream.linear.scatter [tilespmem:s30], [sflag:$0x6], $0x80, $0x38;
	[tilespmem:$0x14C80] =	vst v63  }
0x2fd: {  	s10 =	simm.s32 $0x13A78;
	s1 =	sadd.s32 $0x70, s1  }
0x2fe: {  	[hbm4b:s1+s5] =	stream.linear.scatter [tilespmem:s10], [sflag:$0x6], $0x80, $0x38;
	[tilespmem:$0x14C80] =	vst v63  }
0x2ff: {  	s11 =	simm.s32 $0x13B00;
	s1 =	sadd.s32 s8, s20  }
0x300: {  	[hbm4b:s1+s5] =	stream.linear.scatter [tilespmem:s11], [sflag:$0x6], $0x80, $0x38;
	[tilespmem:$0x14C80] =	vst v63  }
0x301: {  	s30 =	simm.s32 $0x13B88;
	s28 =	sadd.s32 $0x10, s1  }
0x302: {  	[hbm4b:s28+s5] =	stream.linear.scatter [tilespmem:s30], [sflag:$0x6], $0x80, $0x38;
	[tilespmem:$0x14C80] =	vst v63  }
0x303: {  	s2 =	sadd.s32 $0x20, s1;
	s11 =	simm.s32 $0x13C10  }
0x304: {  	[hbm4b:s2+s5] =	stream.linear.scatter [tilespmem:s11], [sflag:$0x6], $0x80, $0x38;
	[tilespmem:$0x14C80] =	vst v63  }
0x305: {  	s28 =	sadd.s32 $0x30, s1;
	s30 =	simm.s32 $0x13C98  }
0x306: {  	[hbm4b:s28+s5] =	stream.linear.scatter [tilespmem:s30], [sflag:$0x6], $0x80, $0x38;
	[tilespmem:$0x14C80] =	vst v63  }
0x307: {  	s2 =	sadd.s32 $0x40, s1;
	s11 =	simm.s32 $0x13D20  }
0x308: {  	[hbm4b:s2+s5] =	stream.linear.scatter [tilespmem:s11], [sflag:$0x6], $0x80, $0x38;
	[tilespmem:$0x14C80] =	vst v63  }
0x309: {  	s28 =	sadd.s32 $0x50, s1;
	s30 =	simm.s32 $0x13DA8  }
0x30a: {  	[hbm4b:s28+s5] =	stream.linear.scatter [tilespmem:s30], [sflag:$0x6], $0x80, $0x38;
	[tilespmem:$0x14C80] =	vst v63  }
0x30b: {  	s2 =	sadd.s32 $0x60, s1;
	s11 =	simm.s32 $0x13E30  }
0x30c: {  	[hbm4b:s2+s5] =	stream.linear.scatter [tilespmem:s11], [sflag:$0x6], $0x80, $0x38;
	[tilespmem:$0x14C80] =	vst v63  }
0x30d: {  	s1 =	sadd.s32 $0x70, s1;
	s28 =	simm.s32 $0x13EB8  }
0x30e: {  	[hbm4b:s1+s5] =	stream.linear.scatter [tilespmem:s28], [sflag:$0x6], $0x80, $0x38;
	[tilespmem:$0x14C80] =	vst v63  }
0x30f: {  	s30 =	simm.s32 $0x13F40;
	s1 =	sadd.s32 s8, s21  }
0x310: {  	[hbm4b:s1+s5] =	stream.linear.scatter [tilespmem:s30], [sflag:$0x6], $0x80, $0x38;
	[tilespmem:$0x14C80] =	vst v63  }
0x311: {  	s11 =	simm.s32 $0x13FC8;
	s2 =	sadd.s32 $0x10, s1  }
0x312: {  	[hbm4b:s2+s5] =	stream.linear.scatter [tilespmem:s11], [sflag:$0x6], $0x80, $0x38;
	[tilespmem:$0x14C80] =	vst v63  }
0x313: {  	s28 =	sadd.s32 $0x20, s1;
	s30 =	simm.s32 $0x14050  }
0x314: {  	[hbm4b:s28+s5] =	stream.linear.scatter [tilespmem:s30], [sflag:$0x6], $0x80, $0x38;
	[tilespmem:$0x14C80] =	vst v63  }
0x315: {  	s2 =	sadd.s32 $0x30, s1;
	s11 =	simm.s32 $0x140D8  }
0x316: {  	[hbm4b:s2+s5] =	stream.linear.scatter [tilespmem:s11], [sflag:$0x6], $0x80, $0x38;
	[tilespmem:$0x14C80] =	vst v63  }
0x317: {  	s28 =	sadd.s32 $0x40, s1;
	s30 =	simm.s32 $0x14160  }
0x318: {  	[hbm4b:s28+s5] =	stream.linear.scatter [tilespmem:s30], [sflag:$0x6], $0x80, $0x38;
	[tilespmem:$0x14C80] =	vst v63  }
0x319: {  	s2 =	sadd.s32 $0x50, s1;
	s11 =	simm.s32 $0x141E8  }
0x31a: {  	[hbm4b:s2+s5] =	stream.linear.scatter [tilespmem:s11], [sflag:$0x6], $0x80, $0x38;
	[tilespmem:$0x14C80] =	vst v63  }
0x31b: {  	s28 =	sadd.s32 $0x60, s1;
	s30 =	simm.s32 $0x14270  }
0x31c: {  	[hbm4b:s28+s5] =	stream.linear.scatter [tilespmem:s30], [sflag:$0x6], $0x80, $0x38;
	[tilespmem:$0x14C80] =	vst v63  }
0x31d: {  	s10 =	simm.s32 $0x142F8;
	s1 =	sadd.s32 $0x70, s1  }
0x31e: {  	[hbm4b:s1+s5] =	stream.linear.scatter [tilespmem:s10], [sflag:$0x6], $0x80, $0x38;
	[tilespmem:$0x14C80] =	vst v63  }
0x31f: {  	s11 =	simm.s32 $0x14380;
	s1 =	sadd.s32 s8, s22  }
0x320: {  	[hbm4b:s1+s5] =	stream.linear.scatter [tilespmem:s11], [sflag:$0x6], $0x80, $0x38;
	[tilespmem:$0x14C80] =	vst v63  }
0x321: {  	s30 =	simm.s32 $0x14408;
	s28 =	sadd.s32 $0x10, s1  }
0x322: {  	[hbm4b:s28+s5] =	stream.linear.scatter [tilespmem:s30], [sflag:$0x6], $0x80, $0x38;
	[tilespmem:$0x14C80] =	vst v63  }
0x323: {  	s2 =	sadd.s32 $0x20, s1;
	s11 =	simm.s32 $0x14490  }
0x324: {  	[hbm4b:s2+s5] =	stream.linear.scatter [tilespmem:s11], [sflag:$0x6], $0x80, $0x38;
	[tilespmem:$0x14C80] =	vst v63  }
0x325: {  	s28 =	sadd.s32 $0x30, s1;
	s30 =	simm.s32 $0x14518  }
0x326: {  	[hbm4b:s28+s5] =	stream.linear.scatter [tilespmem:s30], [sflag:$0x6], $0x80, $0x38;
	[tilespmem:$0x14C80] =	vst v63  }
0x327: {  	s2 =	sadd.s32 $0x40, s1;
	s11 =	simm.s32 $0x145A0  }
0x328: {  	[hbm4b:s2+s5] =	stream.linear.scatter [tilespmem:s11], [sflag:$0x6], $0x80, $0x38;
	[tilespmem:$0x14C80] =	vst v63  }
0x329: {  	s28 =	sadd.s32 $0x50, s1;
	s30 =	simm.s32 $0x14628  }
0x32a: {  	[hbm4b:s28+s5] =	stream.linear.scatter [tilespmem:s30], [sflag:$0x6], $0x80, $0x38;
	[tilespmem:$0x14C80] =	vst v63  }
0x32b: {  	s11 =	sadd.s32 $0x60, s1;
	s28 =	simm.s32 $0x146B0  }
0x32c: {  	[hbm4b:s11+s5] =	stream.linear.scatter [tilespmem:s28], [sflag:$0x6], $0x80, $0x38;
	[tilespmem:$0x14C80] =	vst v63  }
0x32d: {  	s1 =	sadd.s32 $0x70, s1;
	s30 =	simm.s32 $0x14738  }
0x32e: {  	[hbm4b:s1+s5] =	stream.linear.scatter [tilespmem:s30], [sflag:$0x6], $0x80, $0x38;
	[tilespmem:$0x14C80] =	vst v63  }
0x32f: {  	s10 =	simm.s32 $0x147C0;
	s1 =	sadd.s32 s8, s23  }
0x330: {  	[hbm4b:s1+s5] =	stream.linear.scatter [tilespmem:s10], [sflag:$0x6], $0x80, $0x38;
	[tilespmem:$0x14C80] =	vst v63  }
0x331: {  	s11 =	simm.s32 $0x14848;
	s8 =	sadd.s32 $0x10, s1  }
0x332: {  	[hbm4b:s8+s5] =	stream.linear.scatter [tilespmem:s11], [sflag:$0x6], $0x80, $0x38;
	[tilespmem:$0x14C80] =	vst v63  }
0x333: {  	s30 =	simm.s32 $0x148D0;
	s28 =	sadd.s32 $0x20, s1  }
0x334: {  	[hbm4b:s28+s5] =	stream.linear.scatter [tilespmem:s30], [sflag:$0x6], $0x80, $0x38;
	[tilespmem:$0x14C80] =	vst v63  }
0x335: {  	s10 =	sadd.s32 $0x30, s1;
	s11 =	simm.s32 $0x14958  }
0x336: {  	[hbm4b:s10+s5] =	stream.linear.scatter [tilespmem:s11], [sflag:$0x6], $0x80, $0x38;
	[tilespmem:$0x14C80] =	vst v63  }
0x337: {  	s31 =	sadd.s32 $0x1, s31;
	s28 =	sadd.s32 $0x40, s1;
	s30 =	simm.s32 $0x149E0  }
0x338: {  	[hbm4b:s28+s5] =	stream.linear.scatter [tilespmem:s30], [sflag:$0x6], $0x80, $0x38;
	[tilespmem:$0x14C80] =	vst v63  }
0x339: {  	p0 =	sne.s32 s31, $0x19;
	s2 =	sadd.s32 $0x50, s1;
	s10 =	simm.s32 $0x14A68  }
0x33a: {  	[hbm4b:s2+s5] =	stream.linear.scatter [tilespmem:s10], [sflag:$0x6], $0x80, $0x38;
	[tilespmem:$0x14C80] =	vst v63  }
.Ltmp2:
0x33b: {  	_ = 	snop;
	(pc) =	sbr.rel @p0 .LBB2_2-.Ltmp2, $4  }
0x33c: {  	s11 =	sadd.s32 $0x60, s1;
	s28 =	simm.s32 $0x14AF0  }
0x33d: {  	[hbm4b:s11+s5] =	stream.linear.scatter [tilespmem:s28], [sflag:$0x6], $0x80, $0x38;
	[tilespmem:$0x14C80] =	vst v63  }
0x33e: {  	s1 =	sadd.s32 $0x70, s1;
	s30 =	simm.s32 $0x14B78  }
0x33f: {  	[hbm4b:s1+s5] =	stream.linear.scatter [tilespmem:s30], [sflag:$0x6], $0x80, $0x38;
	[tilespmem:$0x14C80] =	vst v63  }
0x340: {  	s1 =	simm.s32 $0x5  }
0x341: {  	_ =	swait.ge [sflag:s1], $0x400  }
0x342: {  	[sflag:s1] =	ssyncset.done $0x0  }
0x343: {  	[sflag:s1] =	ssyncadd.s32 $0xFFFFFC00  }
0x344: {  	_ =	swait.ge [sflag:s1], $0x400  }
0x345: {  	[sflag:s1] =	ssyncset.done $0x0  }
0x346: {  	[sflag:s1] =	ssyncadd.s32 $0xFFFFFC00  }
0x347: {  	_ =	swait.ge [sflag:s1], $0x400  }
0x348: {  	[sflag:s1] =	ssyncset.done $0x0  }
0x349: {  	[sflag:s1] =	ssyncadd.s32 $0xFFFFFC00  }
0x34a: {  	_ =	swait.ge [sflag:s1], $0x400  }
0x34b: {  	[sflag:s1] =	ssyncset.done $0x0  }
0x34c: {  	[sflag:s1] =	ssyncadd.s32 $0xFFFFFC00  }
0x34d: {  	_ =	swait.ge [sflag:s1], $0x400  }
0x34e: {  	[sflag:s1] =	ssyncset.done $0x0  }
0x34f: {  	[sflag:s1] =	ssyncadd.s32 $0xFFFFFC00  }
0x350: {  	_ =	swait.ge [sflag:s1], $0x400  }
0x351: {  	[sflag:s1] =	ssyncset.done $0x0  }
0x352: {  	[sflag:s1] =	ssyncadd.s32 $0xFFFFFC00  }
0x353: {  	_ =	swait.ge [sflag:s1], $0x400  }
0x354: {  	[sflag:s1] =	ssyncset.done $0x0  }
0x355: {  	[sflag:s1] =	ssyncadd.s32 $0xFFFFFC00  }
0x356: {  	_ =	swait.ge [sflag:s1], $0x400  }
0x357: {  	[sflag:s1] =	ssyncset.done $0x0  }
0x358: {  	[sflag:s1] =	ssyncadd.s32 $0xFFFFFC00  }
0x359: {  	_ =	swait.ge [sflag:s24], $0x400  }
0x35a: {  	[sflag:s24] =	ssyncset.done $0x0  }
0x35b: {  	[sflag:s24] =	ssyncadd.s32 $0xFFFFFC00  }
0x35c: {  	_ =	swait.ge [sflag:s24], $0x400  }
0x35d: {  	[sflag:s24] =	ssyncset.done $0x0  }
0x35e: {  	[sflag:s24] =	ssyncadd.s32 $0xFFFFFC00  }
0x35f: {  	_ =	swait.ge [sflag:s24], $0x400  }
0x360: {  	[sflag:s24] =	ssyncset.done $0x0  }
0x361: {  	[sflag:s24] =	ssyncadd.s32 $0xFFFFFC00  }
0x362: {  	_ =	swait.ge [sflag:s24], $0x400  }
0x363: {  	[sflag:s24] =	ssyncset.done $0x0  }
0x364: {  	[sflag:s24] =	ssyncadd.s32 $0xFFFFFC00  }
0x365: {  	_ =	swait.ge [sflag:s24], $0x400  }
0x366: {  	[sflag:s24] =	ssyncset.done $0x0  }
0x367: {  	[sflag:s24] =	ssyncadd.s32 $0xFFFFFC00  }
0x368: {  	_ =	swait.ge [sflag:s24], $0x400  }
0x369: {  	[sflag:s24] =	ssyncset.done $0x0  }
0x36a: {  	[sflag:s24] =	ssyncadd.s32 $0xFFFFFC00  }
0x36b: {  	_ =	swait.ge [sflag:s24], $0x400  }
0x36c: {  	[sflag:s24] =	ssyncset.done $0x0  }
0x36d: {  	[sflag:s24] =	ssyncadd.s32 $0xFFFFFC00  }
0x36e: {  	_ =	swait.ge [sflag:s24], $0x400  }
0x36f: {  	s2 =	rddreg [dreg:$0xc]  }
0x370: {  	s31 =	rddreg [dreg:$0xb];
	s2 =	sadd.s32 $0x1, s2  }
0x371: {  	p0 =	sne.s32 s2, s31  }
.Ltmp3:
0x372: {  	_ = 	snop;
	(pc) =	sbr.rel @p0 .LBB2_1-.Ltmp3, $3  }
0x373: {  	_ =	sdelay $0x1  }
0x374: {  	[sflag:s24] =	ssyncset.done $0x0  }
0x375: {  	[sflag:s24] =	ssyncadd.s32 $0xFFFFFC00  }
0x376: {  	_ =	sfence.sel $0x180000  }
0x377: {  	[bflag:$0x0] =	sbarrier.arrive $0xFFFF  }
0x378: {  	_ =	strace $0x90000047  }
0x379: {  	s0 =	stileid.u32;
	[bflag:$0x2] =	sbarrier.arrive $0xFFFF  }
0x37a: {  	p0 =	sne.s32 s0, $0x0;
	s0 =	rddreg [dreg:$0x4]  }
0x37b: {  	s0 =	sadd.s32 @!p0 $0x100000, s0  }
0x37c: {  	[sflag:s0] =	ssyncadd.tile.s32 @!p0 $0x1;
	_ =	shalt  }
.Lfunc_end2:
_tile_overlayer_lowered:
.L_overlay_start_2:
0x37d: {  	(tag) =	ssettag $0x2  }
0x37e: {  	s0 =	rddreg [dreg:$0x0];
	s2 =	stileid.u32  }
0x37f: {  	s1 =	rddreg [dreg:$0x1];
	p0 =	sne.s32 s2, $0x0  }
0x380: {  	s3 =	rddreg [dreg:$0x2];
	[bflag:$0x3] =	sbarrier.arrive $0xFFFF;
	s2 =	simm.s32 @!p0 $0x1C07  }
0x381: {  	[timem:s3], [sflag:s2] =	dma.local @!p0 [hbm:s0], s1  }
0x382: {  	s0 =	simm.s32 @!p0 $0x7  }
0x383: {  	_ =	swait.ge @!p0 [sflag:s0], s1  }
0x384: {  	s1 =	ssub.s32 @!p0 $0x0, s1;
	[sflag:s0] =	ssyncset.done @!p0 $0x0  }
0x385: {  	[sflag:s0] =	ssyncadd.s32 @!p0 s1  }
0x386: {  	[bflag:$0x3] =	sbarrier.arrive $0xFFFF  }
0x387: {  	_ =	shalt  }

</sc_bundles>
